<compile_context>
chip_gen: v7x
topology: tpu7x:2x2x1
jax: 0.10.2.dev20260603
libtpu: 0.0.44.dev20260713+nightly
codegen_flags: <defaults>
</compile_context>

<pallas_src>
import functools

import jax
import jax.numpy as jnp
from jax import lax
from jax.experimental import pallas as pl
from jax.experimental.pallas import tpu as pltpu
from jax.experimental.pallas import tpu_sc as plsc

_NC = 2
_NS = 16
_CH = 128
_K = 8


def _seg_sum_partials(h, ei4, zeros, np_):
    n, d = h.shape
    nch = ei4.shape[2]
    rpt = np_ // _NS

    mesh = plsc.VectorSubcoreMesh(core_axis_name="c", subcore_axis_name="s")

    @functools.partial(
        pl.kernel,
        mesh=mesh,
        compiler_params=pltpu.CompilerParams(use_tc_tiling_on_sc=False),
        out_type=jax.ShapeDtypeStruct((_NC * np_, d), jnp.float32),
        scratch_types=[
            pltpu.VMEM((nch, _CH), jnp.int32),
            pltpu.VMEM((nch, _CH), jnp.int32),
            pltpu.VMEM((_K, _CH, d), jnp.float32),
            pltpu.VMEM_SHARED((np_, d), jnp.float32),
            pltpu.SemaphoreType.DMA((_K,)),
            pltpu.SemaphoreType.DMA((_K,)),
        ],
    )
    def body(h_hbm, ei_hbm, z_hbm, out_hbm, sidx, didx, rows, acc,
             gsem, ssem):
        cid = lax.axis_index("c")
        sid = lax.axis_index("s")
        wid = sid * _NC + cid

        pltpu.sync_copy(ei_hbm.at[0, wid], sidx)
        pltpu.sync_copy(ei_hbm.at[1, wid], didx)

        def fire_gather(j, b):
            return pltpu.async_copy(h_hbm.at[sidx.at[j]], rows.at[b],
                                    gsem.at[b])

        def wait_gather(j, b):
            pltpu.make_async_copy(h_hbm.at[sidx.at[j]], rows.at[b],
                                  gsem.at[b]).wait()

        def fire_scatter(j, b):
            return pltpu.async_copy(rows.at[b], acc.at[didx.at[j]],
                                    ssem.at[b], add=True)

        def wait_scatter(j, b):
            pltpu.make_async_copy(rows.at[b], acc.at[didx.at[j]],
                                  ssem.at[b]).wait()

        for b in range(_K - 1):
            fire_gather(b, b)

        pltpu.sync_copy(z_hbm.at[pl.ds(sid * rpt, rpt)],
                        acc.at[pl.ds(sid * rpt, rpt)])
        plsc.subcore_barrier()

        def group(m, carry):
            for b in range(_K):
                j = m * _K + b
                jj = j + _K - 1
                prev = (b - 1) % _K
                wait_gather(j, b)
                fire_scatter(j, b)

                @pl.when(jnp.logical_and(jj >= _K, jj < nch))
                def _():
                    wait_scatter(j - 1, prev)

                @pl.when(jnp.logical_and(jj >= _K - 1, jj < nch))
                def _():
                    fire_gather(jj, prev)
            return carry

        lax.fori_loop(0, nch // _K, group, 0)
        for i in range(_K):
            wait_scatter(nch - _K + i, i)
        plsc.subcore_barrier()
        pltpu.sync_copy(acc.at[pl.ds(sid * rpt, rpt)],
                        out_hbm.at[pl.ds(cid * np_ + sid * rpt, rpt)])

    return body(h, ei4, zeros)


_DOT = dict(preferred_element_type=jnp.float32)


def _enc(x, w, b, np_):
    n, d_in = x.shape
    d_h = w.shape[1]
    npr = np_ // 2
    br = npr // 4
    nb = 4

    def body(xt_ref, xb_ref, w_ref, b_ref, o_ref):
        i = pl.program_id(0)
        row = i * br + jax.lax.broadcasted_iota(jnp.int32, (br, 1), 0)
        ot = jnp.maximum(
            jnp.dot(xt_ref[...], w_ref[...], **_DOT) + b_ref[...], 0.0)
        ob = jnp.maximum(
            jnp.dot(xb_ref[...], w_ref[...], **_DOT) + b_ref[...], 0.0)
        ob = jnp.where(row < n - npr, ob, 0.0)
        o_ref[...] = jax.lax.concatenate([ot, ob], 1)

    return pl.pallas_call(
        body,
        grid=(nb,),
        in_specs=[
            pl.BlockSpec((br, d_in), lambda i: (i, 0)),
            pl.BlockSpec((br, d_in), lambda i: (i + nb, 0)),
            pl.BlockSpec((d_in, d_h), lambda i: (0, 0)),
            pl.BlockSpec((1, d_h), lambda i: (0, 0)),
        ],
        out_specs=pl.BlockSpec((br, 2 * d_h), lambda i: (i, 0)),
        out_shape=jax.ShapeDtypeStruct((npr, 2 * d_h), jnp.float32),
    )(x, x, w, b.reshape(1, d_h))


def _bd(w):
    z = jnp.zeros_like(w)
    return jnp.concatenate([jnp.concatenate([w, z], axis=1),
                            jnp.concatenate([z, w], axis=1)], axis=0)


def _mlp_gate(p, h, s, w1, b1, w2, b2, gw, gb, n, dec_w=None, dec_b=None):
    npr, d2 = s.shape
    d = d2 // 2
    final = dec_w is not None
    br = npr // 4

    def body(p_ref, h_ref, s_ref, w1_ref, b1_ref, w2_ref, b2_ref, gw_ref,
             gb_ref, *rest):
        z = (p_ref[0] + p_ref[1]) + h_ref[...]
        t = jnp.maximum(jnp.dot(z, w1_ref[...], **_DOT) + b1_ref[...], 0.0)
        conv = jnp.dot(t, w2_ref[...], **_DOT) + b2_ref[...]
        s_v = s_ref[...]
        a_halves = []
        for lo, hi in ((0, d), (d, d2)):
            cat = jax.lax.concatenate([s_v[:, lo:hi], conv[:, lo:hi]], 1)
            gl = jnp.dot(cat, gw_ref[...], **_DOT) + gb_ref[...]
            a_halves.append(jnp.broadcast_to(jax.nn.sigmoid(gl), (br, d)))
        a = jax.lax.concatenate(a_halves, 1)
        ns = a * s_v + (1.0 - a) * conv
        if final:
            dw_ref, db_ref, o_ref = rest
            o_ref[0] = jnp.dot(ns[:, :d], dw_ref[...], **_DOT) + db_ref[...]
            o_ref[1] = jnp.dot(ns[:, d:], dw_ref[...], **_DOT) + db_ref[...]
        else:
            i = pl.program_id(0)
            row = i * br + jax.lax.broadcasted_iota(jnp.int32, (br, 1), 0)
            o1_ref, o2_ref = rest
            o1_ref[...] = ns
            cb = jnp.where(row < n - npr, conv[:, d:], 0.0)
            o2_ref[...] = jax.lax.concatenate([conv[:, :d], cb], 1)

    full = lambda shp: pl.BlockSpec(shp, lambda i: tuple(0 for _ in shp))
    in_specs = [
        pl.BlockSpec((2, br, d2), lambda i: (0, i, 0)),
        pl.BlockSpec((br, d2), lambda i: (i, 0)),
        pl.BlockSpec((br, d2), lambda i: (i, 0)),
        full((d2, d2)),
        full((1, d2)),
        full((d2, d2)),
        full((1, d2)),
        full((d2, 1)),
        full((1, 1)),
    ]
    b2x = lambda b: jnp.concatenate([b, b]).reshape(1, d2)
    args = [p, h, s, _bd(w1), b2x(b1), _bd(w2), b2x(b2),
            gw, gb.reshape(1, 1)]
    if final:
        d_out = dec_w.shape[1]
        in_specs += [full((d, d_out)), full((1, d_out))]
        args += [dec_w, dec_b.reshape(1, d_out)]
        out_specs = pl.BlockSpec((2, br, d_out), lambda i: (0, i, 0))
        out_shape = jax.ShapeDtypeStruct((2, npr, d_out), jnp.float32)
    else:
        out_specs = [
            pl.BlockSpec((br, d2), lambda i: (i, 0)),
            pl.BlockSpec((br, d2), lambda i: (i, 0)),
        ]
        out_shape = [
            jax.ShapeDtypeStruct((npr, d2), jnp.float32),
            jax.ShapeDtypeStruct((npr, d2), jnp.float32),
        ]

    return pl.pallas_call(
        body,
        grid=(npr // br,),
        in_specs=in_specs,
        out_specs=out_specs,
        out_shape=out_shape,
    )(*args)


def kernel(x, edge_index, enc_W, enc_b, gin0_W1, gin0_b1, gin0_W2, gin0_b2,
           gin1_W1, gin1_b1, gin1_W2, gin1_b2, gate_W, gate_b, dec_W, dec_b):
    n = x.shape[0]
    d = enc_W.shape[1]
    e = edge_index.shape[1]
    nw = _NC * _NS
    np_ = ((n + 16 * 8 - 1) // (16 * 8)) * (16 * 8)
    npr = np_ // 2
    epw_r = e // nw
    grp = _CH * _K
    epw = ((epw_r + grp - 1) // grp) * grp
    ppw = epw - epw_r
    nch = epw // _CH
    src_pad = n + (jnp.arange(nw * ppw, dtype=jnp.int32) % (np_ - n))
    dst_pad = jnp.arange(nw * ppw, dtype=jnp.int32) % np_

    def remap(r):
        return jnp.where(r < npr, 2 * r, 2 * r - np_ + 1)

    pads = jnp.stack([src_pad, dst_pad]).reshape(2, nw, ppw)
    ei4 = remap(jnp.concatenate(
        [edge_index.reshape(2, nw, epw_r), pads],
        axis=2)).reshape(2, nw, nch, _CH)
    zeros = jnp.zeros((np_, d), jnp.float32)

    init_pair = _enc(x, enc_W, enc_b, np_)

    p0 = _seg_sum_partials(init_pair.reshape(np_, d), ei4, zeros,
                           np_).reshape(2, npr, 2 * d)
    self_pair, conv_pair = _mlp_gate(p0, init_pair, init_pair, gin0_W1,
                                     gin0_b1, gin0_W2, gin0_b2, gate_W,
                                     gate_b, n)
    p1 = _seg_sum_partials(conv_pair.reshape(np_, d), ei4, zeros,
                           np_).reshape(2, npr, 2 * d)
    out3 = _mlp_gate(p1, conv_pair, self_pair, gin1_W1, gin1_b1, gin1_W2,
                     gin1_b2, gate_W, gate_b, n, dec_W, dec_b)
    return out3.reshape(2 * npr, dec_W.shape[1])[:n]

# --- scband reference (transcript-rebuilt; emitter-appended) ---
"""Pipeline reference for scband-cagnn-method-21260088115749 (READ-ONLY COPY).

The authoritative reference and input builder live on the scoring server;
editing this copy changes nothing except your own understanding.
"""

import jax, jax.numpy as jnp
import numpy as np

N = 10000
E = 320000
D_IN = 128
D_H = 64
D_OUT = 64

def _glorot(key, shape):
    fan_in = shape[0]
    return jax.random.normal(key, shape, dtype=jnp.float32) * (1.0 / np.sqrt(fan_in))

def setup_inputs(seed: int = 0):
    key = jax.random.key(seed)
    ks = jax.random.split(key, 16)
    inp = {}
    inp["x"] = jax.random.normal(ks[0], (N, D_IN), dtype=jnp.float32)
    inp["edge_index"] = jax.random.randint(ks[1], (2, E), 0, N, dtype=jnp.int32)
    inp["enc_W"] = _glorot(ks[2], (D_IN, D_H))
    inp["enc_b"] = jnp.zeros((D_H,), dtype=jnp.float32)
    inp["gin0_W1"] = _glorot(ks[3], (D_H, D_H))
    inp["gin0_b1"] = jnp.zeros((D_H,), dtype=jnp.float32)
    inp["gin0_W2"] = _glorot(ks[4], (D_H, D_H))
    inp["gin0_b2"] = jnp.zeros((D_H,), dtype=jnp.float32)
    inp["gin1_W1"] = _glorot(ks[5], (D_H, D_H))
    inp["gin1_b1"] = jnp.zeros((D_H,), dtype=jnp.float32)
    inp["gin1_W2"] = _glorot(ks[6], (D_H, D_H))
    inp["gin1_b2"] = jnp.zeros((D_H,), dtype=jnp.float32)
    inp["gate_W"] = _glorot(ks[7], (2 * D_H, 1))
    inp["gate_b"] = jnp.zeros((1,), dtype=jnp.float32)
    inp["dec_W"] = _glorot(ks[8], (D_H, D_OUT))
    inp["dec_b"] = jnp.zeros((D_OUT,), dtype=jnp.float32)
    return inp

def _gin_conv(h, src, dst, W1, b1, W2, b2):
    # GINConv (eps=0): MLP(aggr_sum(neighbors) + x)
    msg = jnp.take(h, src, axis=0)
    agg = jax.ops.segment_sum(msg, dst, num_segments=N)
    z = agg + h
    z = jnp.maximum(z @ W1 + b1, 0.0)
    return z @ W2 + b2

def reference(x, edge_index, enc_W, enc_b, gin0_W1, gin0_b1, gin0_W2, gin0_b2,
              gin1_W1, gin1_b1, gin1_W2, gin1_b2, gate_W, gate_b, dec_W, dec_b):
    # dropout layers are identity in eval/reference mode
    src = edge_index[0]
    dst = edge_index[1]
    init_x = jax.nn.relu(x @ enc_W + enc_b)
    self_x = init_x
    conv_x = init_x
    layers = [(gin0_W1, gin0_b1, gin0_W2, gin0_b2), (gin1_W1, gin1_b1, gin1_W2, gin1_b2)]
    for (W1, b1, W2, b2) in layers:
        conv_x = _gin_conv(conv_x, src, dst, W1, b1, W2, b2)
        # convex gate: a = sigmoid(Linear([self_x, conv_x]))
        a = jax.nn.sigmoid(jnp.concatenate([self_x, conv_x], axis=1) @ gate_W + gate_b)
        self_x = a * self_x + (1.0 - a) * conv_x
    return self_x @ dec_W + dec_b

if __name__ == "__main__":
    import jax
    _d = setup_inputs()
    print(jax.jit(kernel)(*tuple(_d.values())))

</pallas_src>

<mosaic_0001>
#map = affine_map<(d0, d1) -> (0, 0)>
#map1 = affine_map<(d0, d1) -> (0, 0, 0, 0)>
module attributes {stable_mosaic.version = 14 : i64} {
  func.func @body(%arg0: i32, %arg1: i32, %arg2: memref<10112x64xf32, #tpu.memory_space<hbm>>, %arg3: memref<2x32x80x128xi32, #tpu.memory_space<hbm>>, %arg4: memref<10112x64xf32, #tpu.memory_space<hbm>>, %arg5: memref<20224x64xf32, #tpu.memory_space<hbm>>, %arg6: memref<80x128xi32, #tpu.memory_space<vmem>>, %arg7: memref<80x128xi32, #tpu.memory_space<vmem>>, %arg8: memref<8x128x64xf32, #tpu.memory_space<vmem>>, %arg9: memref<10112x64xf32, #tpu.memory_space<vmem_shared>>, %arg10: memref<8x!tpu.dma_semaphore, #tpu.memory_space<semaphore_mem>>, %arg11: memref<8x!tpu.dma_semaphore, #tpu.memory_space<semaphore_mem>>) attributes {dimension_semantics = [#tpu.dimension_semantics<core_parallel>, #tpu.dimension_semantics<subcore_parallel>], iteration_bounds = array<i64: 2, 16>, scalar_prefetch = 0 : i64, scratch_operands = 6 : i64, tpu.core_type = #tpu.core_type<sc_vector_subcore>, window_params = [{transform_indices = #map}, {transform_indices = #map1}, {transform_indices = #map}, {transform_indices = #map}]} {
    %mul3A = arith.constant 2 : i32
    %mul3A_0 = arith.muli %arg1, %mul3A : i32
    %add3A = arith.addi %mul3A_0, %arg0 : i32
    %run_scoped3A = arith.constant 0 : i32
    "tpu.region"() ({
      %run_scoped3A_242 = tpu.sem_alloc : memref<!tpu.dma_semaphore, #tpu.memory_space<semaphore_mem>>
      %dma_start3A_243 = arith.constant 0 : i32
      %dma_start3A_244 = arith.constant 0 : i32
      %dma_start3A_245 = tpu.memref_slice %arg3[%run_scoped3A, %add3A, %dma_start3A_243, %dma_start3A_244] : memref<2x32x80x128xi32, #tpu.memory_space<hbm>> -> memref<1x1x80x128xi32, #tpu.memory_space<hbm>>
      %dma_start3A_246 = tpu.memref_squeeze %dma_start3A_245 : memref<1x1x80x128xi32, #tpu.memory_space<hbm>> -> memref<80x128xi32, #tpu.memory_space<hbm>>
      %dma_start3A_247 = arith.constant 0 : i32
      %dma_start3A_248 = arith.constant 0 : i32
      %dma_start3A_249 = tpu.memref_slice %arg3[%run_scoped3A, %add3A, %dma_start3A_247, %dma_start3A_248] : memref<2x32x80x128xi32, #tpu.memory_space<hbm>> -> memref<1x1x80x128xi32, #tpu.memory_space<hbm>>
      %dma_start3A_250 = tpu.memref_squeeze %dma_start3A_249 : memref<1x1x80x128xi32, #tpu.memory_space<hbm>> -> memref<80x128xi32, #tpu.memory_space<hbm>>
      tpu.enqueue_dma source(%dma_start3A_250 : memref<80x128xi32, #tpu.memory_space<hbm>>) target(%arg6 : memref<80x128xi32, #tpu.memory_space<vmem>>) target_semaphore(%run_scoped3A_242 : memref<!tpu.dma_semaphore, #tpu.memory_space<semaphore_mem>>)
      %dma_wait3A_251 = arith.constant 0 : i32
      %dma_wait3A_252 = arith.constant 0 : i32
      %dma_wait3A_253 = tpu.memref_slice %arg3[%run_scoped3A, %add3A, %dma_wait3A_251, %dma_wait3A_252] : memref<2x32x80x128xi32, #tpu.memory_space<hbm>> -> memref<1x1x80x128xi32, #tpu.memory_space<hbm>>
      %dma_wait3A_254 = tpu.memref_squeeze %dma_wait3A_253 : memref<1x1x80x128xi32, #tpu.memory_space<hbm>> -> memref<80x128xi32, #tpu.memory_space<hbm>>
      %dma_wait3A_255 = arith.constant 0 : i32
      %dma_wait3A_256 = arith.constant 0 : i32
      %dma_wait3A_257 = tpu.memref_slice %arg3[%run_scoped3A, %add3A, %dma_wait3A_255, %dma_wait3A_256] : memref<2x32x80x128xi32, #tpu.memory_space<hbm>> -> memref<1x1x80x128xi32, #tpu.memory_space<hbm>>
      %dma_wait3A_258 = tpu.memref_squeeze %dma_wait3A_257 : memref<1x1x80x128xi32, #tpu.memory_space<hbm>> -> memref<80x128xi32, #tpu.memory_space<hbm>>
      tpu.wait_dma2 semaphore(%run_scoped3A_242 : memref<!tpu.dma_semaphore, #tpu.memory_space<semaphore_mem>>) src(%dma_wait3A_258 : memref<80x128xi32, #tpu.memory_space<hbm>>) dst(%arg6 : memref<80x128xi32, #tpu.memory_space<vmem>>)
      tpu.yield
    }) : () -> ()
    %run_scoped3A_1 = arith.constant 1 : i32
    "tpu.region"() ({
      %run_scoped3A_242 = tpu.sem_alloc : memref<!tpu.dma_semaphore, #tpu.memory_space<semaphore_mem>>
      %dma_start3A_243 = arith.constant 0 : i32
      %dma_start3A_244 = arith.constant 0 : i32
      %dma_start3A_245 = tpu.memref_slice %arg3[%run_scoped3A_1, %add3A, %dma_start3A_243, %dma_start3A_244] : memref<2x32x80x128xi32, #tpu.memory_space<hbm>> -> memref<1x1x80x128xi32, #tpu.memory_space<hbm>>
      %dma_start3A_246 = tpu.memref_squeeze %dma_start3A_245 : memref<1x1x80x128xi32, #tpu.memory_space<hbm>> -> memref<80x128xi32, #tpu.memory_space<hbm>>
      %dma_start3A_247 = arith.constant 0 : i32
      %dma_start3A_248 = arith.constant 0 : i32
      %dma_start3A_249 = tpu.memref_slice %arg3[%run_scoped3A_1, %add3A, %dma_start3A_247, %dma_start3A_248] : memref<2x32x80x128xi32, #tpu.memory_space<hbm>> -> memref<1x1x80x128xi32, #tpu.memory_space<hbm>>
      %dma_start3A_250 = tpu.memref_squeeze %dma_start3A_249 : memref<1x1x80x128xi32, #tpu.memory_space<hbm>> -> memref<80x128xi32, #tpu.memory_space<hbm>>
      tpu.enqueue_dma source(%dma_start3A_250 : memref<80x128xi32, #tpu.memory_space<hbm>>) target(%arg7 : memref<80x128xi32, #tpu.memory_space<vmem>>) target_semaphore(%run_scoped3A_242 : memref<!tpu.dma_semaphore, #tpu.memory_space<semaphore_mem>>)
      %dma_wait3A_251 = arith.constant 0 : i32
      %dma_wait3A_252 = arith.constant 0 : i32
      %dma_wait3A_253 = tpu.memref_slice %arg3[%run_scoped3A_1, %add3A, %dma_wait3A_251, %dma_wait3A_252] : memref<2x32x80x128xi32, #tpu.memory_space<hbm>> -> memref<1x1x80x128xi32, #tpu.memory_space<hbm>>
      %dma_wait3A_254 = tpu.memref_squeeze %dma_wait3A_253 : memref<1x1x80x128xi32, #tpu.memory_space<hbm>> -> memref<80x128xi32, #tpu.memory_space<hbm>>
      %dma_wait3A_255 = arith.constant 0 : i32
      %dma_wait3A_256 = arith.constant 0 : i32
      %dma_wait3A_257 = tpu.memref_slice %arg3[%run_scoped3A_1, %add3A, %dma_wait3A_255, %dma_wait3A_256] : memref<2x32x80x128xi32, #tpu.memory_space<hbm>> -> memref<1x1x80x128xi32, #tpu.memory_space<hbm>>
      %dma_wait3A_258 = tpu.memref_squeeze %dma_wait3A_257 : memref<1x1x80x128xi32, #tpu.memory_space<hbm>> -> memref<80x128xi32, #tpu.memory_space<hbm>>
      tpu.wait_dma2 semaphore(%run_scoped3A_242 : memref<!tpu.dma_semaphore, #tpu.memory_space<semaphore_mem>>) src(%dma_wait3A_258 : memref<80x128xi32, #tpu.memory_space<hbm>>) dst(%arg7 : memref<80x128xi32, #tpu.memory_space<vmem>>)
      tpu.yield
    }) : () -> ()
    %dma_start3A = arith.constant 0 : i32
    %dma_start3A_2 = arith.constant 0 : i32
    %dma_start3A_3 = arith.constant 0 : i32
    %dma_start3A_4 = arith.constant 0 : i32
    %dma_start3A_5 = arith.constant 0 : i32
    %dma_start3A_6 = tpu.memref_slice %arg8[%dma_start3A_2, %dma_start3A_4, %dma_start3A_5] : memref<8x128x64xf32, #tpu.memory_space<vmem>> -> memref<1x128x64xf32, #tpu.memory_space<vmem>>
    %dma_start3A_7 = tpu.memref_squeeze %dma_start3A_6 : memref<1x128x64xf32, #tpu.memory_space<vmem>> -> memref<128x64xf32, #tpu.memory_space<vmem>>
    %dma_start3A_8 = arith.constant 0 : i32
    %dma_start3A_9 = tpu.memref_slice %arg6[%dma_start3A, %dma_start3A_8] : memref<80x128xi32, #tpu.memory_space<vmem>> -> memref<1x128xi32, #tpu.memory_space<vmem>>
    %dma_start3A_10 = tpu.memref_squeeze %dma_start3A_9 : memref<1x128xi32, #tpu.memory_space<vmem>> -> memref<128xi32, #tpu.memory_space<vmem>>
    %dma_start3A_11 = arith.constant 0 : i32
    %dma_start3A_12 = arith.constant 0 : i32
    %dma_start3A_13 = tpu.memref_slice %arg2[%dma_start3A_11, %dma_start3A_12] : memref<10112x64xf32, #tpu.memory_space<hbm>> -> memref<10112x64xf32, #tpu.memory_space<hbm>>
    %dma_start3A_14 = tpu.memref_slice %arg10[%dma_start3A_3] : memref<8x!tpu.dma_semaphore, #tpu.memory_space<semaphore_mem>> -> memref<1x!tpu.dma_semaphore, #tpu.memory_space<semaphore_mem>>
    %dma_start3A_15 = tpu.memref_squeeze %dma_start3A_14 : memref<1x!tpu.dma_semaphore, #tpu.memory_space<semaphore_mem>> -> memref<!tpu.dma_semaphore, #tpu.memory_space<semaphore_mem>>
    tpu.enqueue_indirect_dma source(%dma_start3A_13 : memref<10112x64xf32, #tpu.memory_space<hbm>>) target(%dma_start3A_7 : memref<128x64xf32, #tpu.memory_space<vmem>>) offsets(%dma_start3A_10 : memref<128xi32, #tpu.memory_space<vmem>>) semaphore(%dma_start3A_15 : memref<!tpu.dma_semaphore, #tpu.memory_space<semaphore_mem>>)
    %dma_start3A_16 = arith.constant 1 : i32
    %dma_start3A_17 = arith.constant 1 : i32
    %dma_start3A_18 = arith.constant 1 : i32
    %dma_start3A_19 = arith.constant 0 : i32
    %dma_start3A_20 = arith.constant 0 : i32
    %dma_start3A_21 = tpu.memref_slice %arg8[%dma_start3A_17, %dma_start3A_19, %dma_start3A_20] : memref<8x128x64xf32, #tpu.memory_space<vmem>> -> memref<1x128x64xf32, #tpu.memory_space<vmem>>
    %dma_start3A_22 = tpu.memref_squeeze %dma_start3A_21 : memref<1x128x64xf32, #tpu.memory_space<vmem>> -> memref<128x64xf32, #tpu.memory_space<vmem>>
    %dma_start3A_23 = arith.constant 0 : i32
    %dma_start3A_24 = tpu.memref_slice %arg6[%dma_start3A_16, %dma_start3A_23] : memref<80x128xi32, #tpu.memory_space<vmem>> -> memref<1x128xi32, #tpu.memory_space<vmem>>
    %dma_start3A_25 = tpu.memref_squeeze %dma_start3A_24 : memref<1x128xi32, #tpu.memory_space<vmem>> -> memref<128xi32, #tpu.memory_space<vmem>>
    %dma_start3A_26 = arith.constant 0 : i32
    %dma_start3A_27 = arith.constant 0 : i32
    %dma_start3A_28 = tpu.memref_slice %arg2[%dma_start3A_26, %dma_start3A_27] : memref<10112x64xf32, #tpu.memory_space<hbm>> -> memref<10112x64xf32, #tpu.memory_space<hbm>>
    %dma_start3A_29 = tpu.memref_slice %arg10[%dma_start3A_18] : memref<8x!tpu.dma_semaphore, #tpu.memory_space<semaphore_mem>> -> memref<1x!tpu.dma_semaphore, #tpu.memory_space<semaphore_mem>>
    %dma_start3A_30 = tpu.memref_squeeze %dma_start3A_29 : memref<1x!tpu.dma_semaphore, #tpu.memory_space<semaphore_mem>> -> memref<!tpu.dma_semaphore, #tpu.memory_space<semaphore_mem>>
    tpu.enqueue_indirect_dma source(%dma_start3A_28 : memref<10112x64xf32, #tpu.memory_space<hbm>>) target(%dma_start3A_22 : memref<128x64xf32, #tpu.memory_space<vmem>>) offsets(%dma_start3A_25 : memref<128xi32, #tpu.memory_space<vmem>>) semaphore(%dma_start3A_30 : memref<!tpu.dma_semaphore, #tpu.memory_space<semaphore_mem>>)
    %dma_start3A_31 = arith.constant 2 : i32
    %dma_start3A_32 = arith.constant 2 : i32
    %dma_start3A_33 = arith.constant 2 : i32
    %dma_start3A_34 = arith.constant 0 : i32
    %dma_start3A_35 = arith.constant 0 : i32
    %dma_start3A_36 = tpu.memref_slice %arg8[%dma_start3A_32, %dma_start3A_34, %dma_start3A_35] : memref<8x128x64xf32, #tpu.memory_space<vmem>> -> memref<1x128x64xf32, #tpu.memory_space<vmem>>
    %dma_start3A_37 = tpu.memref_squeeze %dma_start3A_36 : memref<1x128x64xf32, #tpu.memory_space<vmem>> -> memref<128x64xf32, #tpu.memory_space<vmem>>
    %dma_start3A_38 = arith.constant 0 : i32
    %dma_start3A_39 = tpu.memref_slice %arg6[%dma_start3A_31, %dma_start3A_38] : memref<80x128xi32, #tpu.memory_space<vmem>> -> memref<1x128xi32, #tpu.memory_space<vmem>>
    %dma_start3A_40 = tpu.memref_squeeze %dma_start3A_39 : memref<1x128xi32, #tpu.memory_space<vmem>> -> memref<128xi32, #tpu.memory_space<vmem>>
    %dma_start3A_41 = arith.constant 0 : i32
    %dma_start3A_42 = arith.constant 0 : i32
    %dma_start3A_43 = tpu.memref_slice %arg2[%dma_start3A_41, %dma_start3A_42] : memref<10112x64xf32, #tpu.memory_space<hbm>> -> memref<10112x64xf32, #tpu.memory_space<hbm>>
    %dma_start3A_44 = tpu.memref_slice %arg10[%dma_start3A_33] : memref<8x!tpu.dma_semaphore, #tpu.memory_space<semaphore_mem>> -> memref<1x!tpu.dma_semaphore, #tpu.memory_space<semaphore_mem>>
    %dma_start3A_45 = tpu.memref_squeeze %dma_start3A_44 : memref<1x!tpu.dma_semaphore, #tpu.memory_space<semaphore_mem>> -> memref<!tpu.dma_semaphore, #tpu.memory_space<semaphore_mem>>
    tpu.enqueue_indirect_dma source(%dma_start3A_43 : memref<10112x64xf32, #tpu.memory_space<hbm>>) target(%dma_start3A_37 : memref<128x64xf32, #tpu.memory_space<vmem>>) offsets(%dma_start3A_40 : memref<128xi32, #tpu.memory_space<vmem>>) semaphore(%dma_start3A_45 : memref<!tpu.dma_semaphore, #tpu.memory_space<semaphore_mem>>)
    %dma_start3A_46 = arith.constant 3 : i32
    %dma_start3A_47 = arith.constant 3 : i32
    %dma_start3A_48 = arith.constant 3 : i32
    %dma_start3A_49 = arith.constant 0 : i32
    %dma_start3A_50 = arith.constant 0 : i32
    %dma_start3A_51 = tpu.memref_slice %arg8[%dma_start3A_47, %dma_start3A_49, %dma_start3A_50] : memref<8x128x64xf32, #tpu.memory_space<vmem>> -> memref<1x128x64xf32, #tpu.memory_space<vmem>>
    %dma_start3A_52 = tpu.memref_squeeze %dma_start3A_51 : memref<1x128x64xf32, #tpu.memory_space<vmem>> -> memref<128x64xf32, #tpu.memory_space<vmem>>
    %dma_start3A_53 = arith.constant 0 : i32
    %dma_start3A_54 = tpu.memref_slice %arg6[%dma_start3A_46, %dma_start3A_53] : memref<80x128xi32, #tpu.memory_space<vmem>> -> memref<1x128xi32, #tpu.memory_space<vmem>>
    %dma_start3A_55 = tpu.memref_squeeze %dma_start3A_54 : memref<1x128xi32, #tpu.memory_space<vmem>> -> memref<128xi32, #tpu.memory_space<vmem>>
    %dma_start3A_56 = arith.constant 0 : i32
    %dma_start3A_57 = arith.constant 0 : i32
    %dma_start3A_58 = tpu.memref_slice %arg2[%dma_start3A_56, %dma_start3A_57] : memref<10112x64xf32, #tpu.memory_space<hbm>> -> memref<10112x64xf32, #tpu.memory_space<hbm>>
    %dma_start3A_59 = tpu.memref_slice %arg10[%dma_start3A_48] : memref<8x!tpu.dma_semaphore, #tpu.memory_space<semaphore_mem>> -> memref<1x!tpu.dma_semaphore, #tpu.memory_space<semaphore_mem>>
    %dma_start3A_60 = tpu.memref_squeeze %dma_start3A_59 : memref<1x!tpu.dma_semaphore, #tpu.memory_space<semaphore_mem>> -> memref<!tpu.dma_semaphore, #tpu.memory_space<semaphore_mem>>
    tpu.enqueue_indirect_dma source(%dma_start3A_58 : memref<10112x64xf32, #tpu.memory_space<hbm>>) target(%dma_start3A_52 : memref<128x64xf32, #tpu.memory_space<vmem>>) offsets(%dma_start3A_55 : memref<128xi32, #tpu.memory_space<vmem>>) semaphore(%dma_start3A_60 : memref<!tpu.dma_semaphore, #tpu.memory_space<semaphore_mem>>)
    %dma_start3A_61 = arith.constant 4 : i32
    %dma_start3A_62 = arith.constant 4 : i32
    %dma_start3A_63 = arith.constant 4 : i32
    %dma_start3A_64 = arith.constant 0 : i32
    %dma_start3A_65 = arith.constant 0 : i32
    %dma_start3A_66 = tpu.memref_slice %arg8[%dma_start3A_62, %dma_start3A_64, %dma_start3A_65] : memref<8x128x64xf32, #tpu.memory_space<vmem>> -> memref<1x128x64xf32, #tpu.memory_space<vmem>>
    %dma_start3A_67 = tpu.memref_squeeze %dma_start3A_66 : memref<1x128x64xf32, #tpu.memory_space<vmem>> -> memref<128x64xf32, #tpu.memory_space<vmem>>
    %dma_start3A_68 = arith.constant 0 : i32
    %dma_start3A_69 = tpu.memref_slice %arg6[%dma_start3A_61, %dma_start3A_68] : memref<80x128xi32, #tpu.memory_space<vmem>> -> memref<1x128xi32, #tpu.memory_space<vmem>>
    %dma_start3A_70 = tpu.memref_squeeze %dma_start3A_69 : memref<1x128xi32, #tpu.memory_space<vmem>> -> memref<128xi32, #tpu.memory_space<vmem>>
    %dma_start3A_71 = arith.constant 0 : i32
    %dma_start3A_72 = arith.constant 0 : i32
    %dma_start3A_73 = tpu.memref_slice %arg2[%dma_start3A_71, %dma_start3A_72] : memref<10112x64xf32, #tpu.memory_space<hbm>> -> memref<10112x64xf32, #tpu.memory_space<hbm>>
    %dma_start3A_74 = tpu.memref_slice %arg10[%dma_start3A_63] : memref<8x!tpu.dma_semaphore, #tpu.memory_space<semaphore_mem>> -> memref<1x!tpu.dma_semaphore, #tpu.memory_space<semaphore_mem>>
    %dma_start3A_75 = tpu.memref_squeeze %dma_start3A_74 : memref<1x!tpu.dma_semaphore, #tpu.memory_space<semaphore_mem>> -> memref<!tpu.dma_semaphore, #tpu.memory_space<semaphore_mem>>
    tpu.enqueue_indirect_dma source(%dma_start3A_73 : memref<10112x64xf32, #tpu.memory_space<hbm>>) target(%dma_start3A_67 : memref<128x64xf32, #tpu.memory_space<vmem>>) offsets(%dma_start3A_70 : memref<128xi32, #tpu.memory_space<vmem>>) semaphore(%dma_start3A_75 : memref<!tpu.dma_semaphore, #tpu.memory_space<semaphore_mem>>)
    %dma_start3A_76 = arith.constant 5 : i32
    %dma_start3A_77 = arith.constant 5 : i32
    %dma_start3A_78 = arith.constant 5 : i32
    %dma_start3A_79 = arith.constant 0 : i32
    %dma_start3A_80 = arith.constant 0 : i32
    %dma_start3A_81 = tpu.memref_slice %arg8[%dma_start3A_77, %dma_start3A_79, %dma_start3A_80] : memref<8x128x64xf32, #tpu.memory_space<vmem>> -> memref<1x128x64xf32, #tpu.memory_space<vmem>>
    %dma_start3A_82 = tpu.memref_squeeze %dma_start3A_81 : memref<1x128x64xf32, #tpu.memory_space<vmem>> -> memref<128x64xf32, #tpu.memory_space<vmem>>
    %dma_start3A_83 = arith.constant 0 : i32
    %dma_start3A_84 = tpu.memref_slice %arg6[%dma_start3A_76, %dma_start3A_83] : memref<80x128xi32, #tpu.memory_space<vmem>> -> memref<1x128xi32, #tpu.memory_space<vmem>>
    %dma_start3A_85 = tpu.memref_squeeze %dma_start3A_84 : memref<1x128xi32, #tpu.memory_space<vmem>> -> memref<128xi32, #tpu.memory_space<vmem>>
    %dma_start3A_86 = arith.constant 0 : i32
    %dma_start3A_87 = arith.constant 0 : i32
    %dma_start3A_88 = tpu.memref_slice %arg2[%dma_start3A_86, %dma_start3A_87] : memref<10112x64xf32, #tpu.memory_space<hbm>> -> memref<10112x64xf32, #tpu.memory_space<hbm>>
    %dma_start3A_89 = tpu.memref_slice %arg10[%dma_start3A_78] : memref<8x!tpu.dma_semaphore, #tpu.memory_space<semaphore_mem>> -> memref<1x!tpu.dma_semaphore, #tpu.memory_space<semaphore_mem>>
    %dma_start3A_90 = tpu.memref_squeeze %dma_start3A_89 : memref<1x!tpu.dma_semaphore, #tpu.memory_space<semaphore_mem>> -> memref<!tpu.dma_semaphore, #tpu.memory_space<semaphore_mem>>
    tpu.enqueue_indirect_dma source(%dma_start3A_88 : memref<10112x64xf32, #tpu.memory_space<hbm>>) target(%dma_start3A_82 : memref<128x64xf32, #tpu.memory_space<vmem>>) offsets(%dma_start3A_85 : memref<128xi32, #tpu.memory_space<vmem>>) semaphore(%dma_start3A_90 : memref<!tpu.dma_semaphore, #tpu.memory_space<semaphore_mem>>)
    %dma_start3A_91 = arith.constant 6 : i32
    %dma_start3A_92 = arith.constant 6 : i32
    %dma_start3A_93 = arith.constant 6 : i32
    %dma_start3A_94 = arith.constant 0 : i32
    %dma_start3A_95 = arith.constant 0 : i32
    %dma_start3A_96 = tpu.memref_slice %arg8[%dma_start3A_92, %dma_start3A_94, %dma_start3A_95] : memref<8x128x64xf32, #tpu.memory_space<vmem>> -> memref<1x128x64xf32, #tpu.memory_space<vmem>>
    %dma_start3A_97 = tpu.memref_squeeze %dma_start3A_96 : memref<1x128x64xf32, #tpu.memory_space<vmem>> -> memref<128x64xf32, #tpu.memory_space<vmem>>
    %dma_start3A_98 = arith.constant 0 : i32
    %dma_start3A_99 = tpu.memref_slice %arg6[%dma_start3A_91, %dma_start3A_98] : memref<80x128xi32, #tpu.memory_space<vmem>> -> memref<1x128xi32, #tpu.memory_space<vmem>>
    %dma_start3A_100 = tpu.memref_squeeze %dma_start3A_99 : memref<1x128xi32, #tpu.memory_space<vmem>> -> memref<128xi32, #tpu.memory_space<vmem>>
    %dma_start3A_101 = arith.constant 0 : i32
    %dma_start3A_102 = arith.constant 0 : i32
    %dma_start3A_103 = tpu.memref_slice %arg2[%dma_start3A_101, %dma_start3A_102] : memref<10112x64xf32, #tpu.memory_space<hbm>> -> memref<10112x64xf32, #tpu.memory_space<hbm>>
    %dma_start3A_104 = tpu.memref_slice %arg10[%dma_start3A_93] : memref<8x!tpu.dma_semaphore, #tpu.memory_space<semaphore_mem>> -> memref<1x!tpu.dma_semaphore, #tpu.memory_space<semaphore_mem>>
    %dma_start3A_105 = tpu.memref_squeeze %dma_start3A_104 : memref<1x!tpu.dma_semaphore, #tpu.memory_space<semaphore_mem>> -> memref<!tpu.dma_semaphore, #tpu.memory_space<semaphore_mem>>
    tpu.enqueue_indirect_dma source(%dma_start3A_103 : memref<10112x64xf32, #tpu.memory_space<hbm>>) target(%dma_start3A_97 : memref<128x64xf32, #tpu.memory_space<vmem>>) offsets(%dma_start3A_100 : memref<128xi32, #tpu.memory_space<vmem>>) semaphore(%dma_start3A_105 : memref<!tpu.dma_semaphore, #tpu.memory_space<semaphore_mem>>)
    %mul3A_106 = arith.constant 632 : i32
    %mul3A_107 = arith.muli %arg1, %mul3A_106 : i32
    %mul3A_108 = arith.constant 632 : i32
    %mul3A_109 = arith.muli %arg1, %mul3A_108 : i32
    "tpu.region"() ({
      %run_scoped3A_242 = tpu.sem_alloc : memref<!tpu.dma_semaphore, #tpu.memory_space<semaphore_mem>>
      %dma_start3A_243 = arith.constant 0 : i32
      %dma_start3A_244 = tpu.memref_slice %arg9[%mul3A_109, %dma_start3A_243] : memref<10112x64xf32, #tpu.memory_space<vmem_shared>> -> memref<632x64xf32, #tpu.memory_space<vmem_shared>>
      %dma_start3A_245 = arith.constant 0 : i32
      %dma_start3A_246 = tpu.memref_slice %arg4[%mul3A_107, %dma_start3A_245] : memref<10112x64xf32, #tpu.memory_space<hbm>> -> memref<632x64xf32, #tpu.memory_space<hbm>>
      tpu.enqueue_dma source(%dma_start3A_246 : memref<632x64xf32, #tpu.memory_space<hbm>>) target(%dma_start3A_244 : memref<632x64xf32, #tpu.memory_space<vmem_shared>>) target_semaphore(%run_scoped3A_242 : memref<!tpu.dma_semaphore, #tpu.memory_space<semaphore_mem>>)
      %dma_wait3A_247 = arith.constant 0 : i32
      %dma_wait3A_248 = tpu.memref_slice %arg9[%mul3A_109, %dma_wait3A_247] : memref<10112x64xf32, #tpu.memory_space<vmem_shared>> -> memref<632x64xf32, #tpu.memory_space<vmem_shared>>
      %dma_wait3A_249 = arith.constant 0 : i32
      %dma_wait3A_250 = tpu.memref_slice %arg4[%mul3A_107, %dma_wait3A_249] : memref<10112x64xf32, #tpu.memory_space<hbm>> -> memref<632x64xf32, #tpu.memory_space<hbm>>
      tpu.wait_dma2 semaphore(%run_scoped3A_242 : memref<!tpu.dma_semaphore, #tpu.memory_space<semaphore_mem>>) src(%dma_wait3A_250 : memref<632x64xf32, #tpu.memory_space<hbm>>) dst(%dma_wait3A_248 : memref<632x64xf32, #tpu.memory_space<vmem_shared>>)
      tpu.yield
    }) : () -> ()
    %barrier3A = arith.constant 0 : index
    tpu.barrier barrier_id(%barrier3A)
    %scan3A = arith.constant 0 : i32
    %scan3A_110 = arith.constant 0 : i32
    %scan3A_111 = arith.constant 10 : i32
    %scan3A_112 = arith.addi %scan3A_110, %scan3A_111 : i32
    %scan3A_113 = arith.constant 1 : i32
    scf.for %scan3A_242 = %scan3A_110 to %scan3A_112 step %scan3A_113  : i32 {
      %mul3A_243 = arith.constant 8 : i32
      %mul3A_244 = arith.muli %scan3A_242, %mul3A_243 : i32
      %add3A_245 = arith.constant 0 : i32
      %add3A_246 = arith.addi %mul3A_244, %add3A_245 : i32
      %add3A_247 = arith.constant 8 : i32
      %add3A_248 = arith.addi %add3A_246, %add3A_247 : i32
      %sub3A = arith.constant 1 : i32
      %sub3A_249 = arith.subi %add3A_248, %sub3A : i32
      %dma_wait3A_250 = arith.constant 0 : i32
      %dma_wait3A_251 = arith.constant 0 : i32
      %dma_wait3A_252 = arith.constant 0 : i32
      %dma_wait3A_253 = arith.constant 0 : i32
      %dma_wait3A_254 = tpu.memref_slice %arg8[%dma_wait3A_250, %dma_wait3A_252, %dma_wait3A_253] : memref<8x128x64xf32, #tpu.memory_space<vmem>> -> memref<1x128x64xf32, #tpu.memory_space<vmem>>
      %dma_wait3A_255 = tpu.memref_squeeze %dma_wait3A_254 : memref<1x128x64xf32, #tpu.memory_space<vmem>> -> memref<128x64xf32, #tpu.memory_space<vmem>>
      %dma_wait3A_256 = arith.constant 0 : i32
      %dma_wait3A_257 = tpu.memref_slice %arg6[%add3A_246, %dma_wait3A_256] : memref<80x128xi32, #tpu.memory_space<vmem>> -> memref<1x128xi32, #tpu.memory_space<vmem>>
      %dma_wait3A_258 = tpu.memref_squeeze %dma_wait3A_257 : memref<1x128xi32, #tpu.memory_space<vmem>> -> memref<128xi32, #tpu.memory_space<vmem>>
      %dma_wait3A_259 = arith.constant 0 : i32
      %dma_wait3A_260 = arith.constant 0 : i32
      %dma_wait3A_261 = tpu.memref_slice %arg2[%dma_wait3A_259, %dma_wait3A_260] : memref<10112x64xf32, #tpu.memory_space<hbm>> -> memref<10112x64xf32, #tpu.memory_space<hbm>>
      %dma_wait3A_262 = tpu.memref_slice %arg10[%dma_wait3A_251] : memref<8x!tpu.dma_semaphore, #tpu.memory_space<semaphore_mem>> -> memref<1x!tpu.dma_semaphore, #tpu.memory_space<semaphore_mem>>
      %dma_wait3A_263 = tpu.memref_squeeze %dma_wait3A_262 : memref<1x!tpu.dma_semaphore, #tpu.memory_space<semaphore_mem>> -> memref<!tpu.dma_semaphore, #tpu.memory_space<semaphore_mem>>
      tpu.wait_indirect_dma semaphore(%dma_wait3A_263 : memref<!tpu.dma_semaphore, #tpu.memory_space<semaphore_mem>>) src(%dma_wait3A_261 : memref<10112x64xf32, #tpu.memory_space<hbm>>) dst(%dma_wait3A_255 : memref<128x64xf32, #tpu.memory_space<vmem>>)
      %dma_start3A_264 = arith.constant 0 : i32
      %dma_start3A_265 = arith.constant 0 : i32
      %dma_start3A_266 = arith.constant 0 : i32
      %dma_start3A_267 = arith.constant 0 : i32
      %dma_start3A_268 = tpu.memref_slice %arg8[%dma_start3A_264, %dma_start3A_266, %dma_start3A_267] : memref<8x128x64xf32, #tpu.memory_space<vmem>> -> memref<1x128x64xf32, #tpu.memory_space<vmem>>
      %dma_start3A_269 = tpu.memref_squeeze %dma_start3A_268 : memref<1x128x64xf32, #tpu.memory_space<vmem>> -> memref<128x64xf32, #tpu.memory_space<vmem>>
      %dma_start3A_270 = arith.constant 0 : i32
      %dma_start3A_271 = tpu.memref_slice %arg7[%add3A_246, %dma_start3A_270] : memref<80x128xi32, #tpu.memory_space<vmem>> -> memref<1x128xi32, #tpu.memory_space<vmem>>
      %dma_start3A_272 = tpu.memref_squeeze %dma_start3A_271 : memref<1x128xi32, #tpu.memory_space<vmem>> -> memref<128xi32, #tpu.memory_space<vmem>>
      %dma_start3A_273 = arith.constant 0 : i32
      %dma_start3A_274 = arith.constant 0 : i32
      %dma_start3A_275 = tpu.memref_slice %arg9[%dma_start3A_273, %dma_start3A_274] : memref<10112x64xf32, #tpu.memory_space<vmem_shared>> -> memref<10112x64xf32, #tpu.memory_space<vmem_shared>>
      %dma_start3A_276 = tpu.memref_slice %arg11[%dma_start3A_265] : memref<8x!tpu.dma_semaphore, #tpu.memory_space<semaphore_mem>> -> memref<1x!tpu.dma_semaphore, #tpu.memory_space<semaphore_mem>>
      %dma_start3A_277 = tpu.memref_squeeze %dma_start3A_276 : memref<1x!tpu.dma_semaphore, #tpu.memory_space<semaphore_mem>> -> memref<!tpu.dma_semaphore, #tpu.memory_space<semaphore_mem>>
      tpu.enqueue_indirect_dma source(%dma_start3A_269 : memref<128x64xf32, #tpu.memory_space<vmem>>) target(%dma_start3A_275 : memref<10112x64xf32, #tpu.memory_space<vmem_shared>>) offsets(%dma_start3A_272 : memref<128xi32, #tpu.memory_space<vmem>>) semaphore(%dma_start3A_277 : memref<!tpu.dma_semaphore, #tpu.memory_space<semaphore_mem>>) {add = true}
      %ge3A = arith.constant 8 : i32
      %ge3A_278 = arith.cmpi sge, %sub3A_249, %ge3A : i32
      %lt3A = arith.constant 80 : i32
      %lt3A_279 = arith.cmpi slt, %sub3A_249, %lt3A : i32
      %and3A = arith.andi %ge3A_278, %lt3A_279 : i1
      %convert_element_type3A = arith.extui %and3A : i1 to i32
      %cond3A = arith.constant 0 : i32
      %cond3A_280 = arith.cmpi ne, %convert_element_type3A, %cond3A : i32
      scf.if %cond3A_280 {
        %sub3A_653 = arith.constant 1 : i32
        %sub3A_654 = arith.subi %add3A_246, %sub3A_653 : i32
        %dma_wait3A_655 = arith.constant 7 : i32
        %dma_wait3A_656 = arith.constant 7 : i32
        %dma_wait3A_657 = arith.constant 0 : i32
        %dma_wait3A_658 = arith.constant 0 : i32
        %dma_wait3A_659 = tpu.memref_slice %arg8[%dma_wait3A_655, %dma_wait3A_657, %dma_wait3A_658] : memref<8x128x64xf32, #tpu.memory_space<vmem>> -> memref<1x128x64xf32, #tpu.memory_space<vmem>>
        %dma_wait3A_660 = tpu.memref_squeeze %dma_wait3A_659 : memref<1x128x64xf32, #tpu.memory_space<vmem>> -> memref<128x64xf32, #tpu.memory_space<vmem>>
        %dma_wait3A_661 = arith.constant 0 : i32
        %dma_wait3A_662 = tpu.memref_slice %arg7[%sub3A_654, %dma_wait3A_661] : memref<80x128xi32, #tpu.memory_space<vmem>> -> memref<1x128xi32, #tpu.memory_space<vmem>>
        %dma_wait3A_663 = tpu.memref_squeeze %dma_wait3A_662 : memref<1x128xi32, #tpu.memory_space<vmem>> -> memref<128xi32, #tpu.memory_space<vmem>>
        %dma_wait3A_664 = arith.constant 0 : i32
        %dma_wait3A_665 = arith.constant 0 : i32
        %dma_wait3A_666 = tpu.memref_slice %arg9[%dma_wait3A_664, %dma_wait3A_665] : memref<10112x64xf32, #tpu.memory_space<vmem_shared>> -> memref<10112x64xf32, #tpu.memory_space<vmem_shared>>
        %dma_wait3A_667 = tpu.memref_slice %arg11[%dma_wait3A_656] : memref<8x!tpu.dma_semaphore, #tpu.memory_space<semaphore_mem>> -> memref<1x!tpu.dma_semaphore, #tpu.memory_space<semaphore_mem>>
        %dma_wait3A_668 = tpu.memref_squeeze %dma_wait3A_667 : memref<1x!tpu.dma_semaphore, #tpu.memory_space<semaphore_mem>> -> memref<!tpu.dma_semaphore, #tpu.memory_space<semaphore_mem>>
        tpu.wait_indirect_dma semaphore(%dma_wait3A_668 : memref<!tpu.dma_semaphore, #tpu.memory_space<semaphore_mem>>) src(%dma_wait3A_660 : memref<128x64xf32, #tpu.memory_space<vmem>>) dst(%dma_wait3A_666 : memref<10112x64xf32, #tpu.memory_space<vmem_shared>>)
      } else {
      }
      %ge3A_281 = arith.constant 7 : i32
      %ge3A_282 = arith.cmpi sge, %sub3A_249, %ge3A_281 : i32
      %lt3A_283 = arith.constant 80 : i32
      %lt3A_284 = arith.cmpi slt, %sub3A_249, %lt3A_283 : i32
      %and3A_285 = arith.andi %ge3A_282, %lt3A_284 : i1
      %convert_element_type3A_286 = arith.extui %and3A_285 : i1 to i32
      %cond3A_287 = arith.constant 0 : i32
      %cond3A_288 = arith.cmpi ne, %convert_element_type3A_286, %cond3A_287 : i32
      scf.if %cond3A_288 {
        %dma_start3A_653 = arith.constant 7 : i32
        %dma_start3A_654 = arith.constant 7 : i32
        %dma_start3A_655 = arith.constant 0 : i32
        %dma_start3A_656 = arith.constant 0 : i32
        %dma_start3A_657 = tpu.memref_slice %arg8[%dma_start3A_653, %dma_start3A_655, %dma_start3A_656] : memref<8x128x64xf32, #tpu.memory_space<vmem>> -> memref<1x128x64xf32, #tpu.memory_space<vmem>>
        %dma_start3A_658 = tpu.memref_squeeze %dma_start3A_657 : memref<1x128x64xf32, #tpu.memory_space<vmem>> -> memref<128x64xf32, #tpu.memory_space<vmem>>
        %dma_start3A_659 = arith.constant 0 : i32
        %dma_start3A_660 = tpu.memref_slice %arg6[%sub3A_249, %dma_start3A_659] : memref<80x128xi32, #tpu.memory_space<vmem>> -> memref<1x128xi32, #tpu.memory_space<vmem>>
        %dma_start3A_661 = tpu.memref_squeeze %dma_start3A_660 : memref<1x128xi32, #tpu.memory_space<vmem>> -> memref<128xi32, #tpu.memory_space<vmem>>
        %dma_start3A_662 = arith.constant 0 : i32
        %dma_start3A_663 = arith.constant 0 : i32
        %dma_start3A_664 = tpu.memref_slice %arg2[%dma_start3A_662, %dma_start3A_663] : memref<10112x64xf32, #tpu.memory_space<hbm>> -> memref<10112x64xf32, #tpu.memory_space<hbm>>
        %dma_start3A_665 = tpu.memref_slice %arg10[%dma_start3A_654] : memref<8x!tpu.dma_semaphore, #tpu.memory_space<semaphore_mem>> -> memref<1x!tpu.dma_semaphore, #tpu.memory_space<semaphore_mem>>
        %dma_start3A_666 = tpu.memref_squeeze %dma_start3A_665 : memref<1x!tpu.dma_semaphore, #tpu.memory_space<semaphore_mem>> -> memref<!tpu.dma_semaphore, #tpu.memory_space<semaphore_mem>>
        tpu.enqueue_indirect_dma source(%dma_start3A_664 : memref<10112x64xf32, #tpu.memory_space<hbm>>) target(%dma_start3A_658 : memref<128x64xf32, #tpu.memory_space<vmem>>) offsets(%dma_start3A_661 : memref<128xi32, #tpu.memory_space<vmem>>) semaphore(%dma_start3A_666 : memref<!tpu.dma_semaphore, #tpu.memory_space<semaphore_mem>>)
      } else {
      }
      %mul3A_289 = arith.constant 8 : i32
      %mul3A_290 = arith.muli %scan3A_242, %mul3A_289 : i32
      %add3A_291 = arith.constant 1 : i32
      %add3A_292 = arith.addi %mul3A_290, %add3A_291 : i32
      %add3A_293 = arith.constant 8 : i32
      %add3A_294 = arith.addi %add3A_292, %add3A_293 : i32
      %sub3A_295 = arith.constant 1 : i32
      %sub3A_296 = arith.subi %add3A_294, %sub3A_295 : i32
      %dma_wait3A_297 = arith.constant 1 : i32
      %dma_wait3A_298 = arith.constant 1 : i32
      %dma_wait3A_299 = arith.constant 0 : i32
      %dma_wait3A_300 = arith.constant 0 : i32
      %dma_wait3A_301 = tpu.memref_slice %arg8[%dma_wait3A_297, %dma_wait3A_299, %dma_wait3A_300] : memref<8x128x64xf32, #tpu.memory_space<vmem>> -> memref<1x128x64xf32, #tpu.memory_space<vmem>>
      %dma_wait3A_302 = tpu.memref_squeeze %dma_wait3A_301 : memref<1x128x64xf32, #tpu.memory_space<vmem>> -> memref<128x64xf32, #tpu.memory_space<vmem>>
      %dma_wait3A_303 = arith.constant 0 : i32
      %dma_wait3A_304 = tpu.memref_slice %arg6[%add3A_292, %dma_wait3A_303] : memref<80x128xi32, #tpu.memory_space<vmem>> -> memref<1x128xi32, #tpu.memory_space<vmem>>
      %dma_wait3A_305 = tpu.memref_squeeze %dma_wait3A_304 : memref<1x128xi32, #tpu.memory_space<vmem>> -> memref<128xi32, #tpu.memory_space<vmem>>
      %dma_wait3A_306 = arith.constant 0 : i32
      %dma_wait3A_307 = arith.constant 0 : i32
      %dma_wait3A_308 = tpu.memref_slice %arg2[%dma_wait3A_306, %dma_wait3A_307] : memref<10112x64xf32, #tpu.memory_space<hbm>> -> memref<10112x64xf32, #tpu.memory_space<hbm>>
      %dma_wait3A_309 = tpu.memref_slice %arg10[%dma_wait3A_298] : memref<8x!tpu.dma_semaphore, #tpu.memory_space<semaphore_mem>> -> memref<1x!tpu.dma_semaphore, #tpu.memory_space<semaphore_mem>>
      %dma_wait3A_310 = tpu.memref_squeeze %dma_wait3A_309 : memref<1x!tpu.dma_semaphore, #tpu.memory_space<semaphore_mem>> -> memref<!tpu.dma_semaphore, #tpu.memory_space<semaphore_mem>>
      tpu.wait_indirect_dma semaphore(%dma_wait3A_310 : memref<!tpu.dma_semaphore, #tpu.memory_space<semaphore_mem>>) src(%dma_wait3A_308 : memref<10112x64xf32, #tpu.memory_space<hbm>>) dst(%dma_wait3A_302 : memref<128x64xf32, #tpu.memory_space<vmem>>)
      %dma_start3A_311 = arith.constant 1 : i32
      %dma_start3A_312 = arith.constant 1 : i32
      %dma_start3A_313 = arith.constant 0 : i32
      %dma_start3A_314 = arith.constant 0 : i32
      %dma_start3A_315 = tpu.memref_slice %arg8[%dma_start3A_311, %dma_start3A_313, %dma_start3A_314] : memref<8x128x64xf32, #tpu.memory_space<vmem>> -> memref<1x128x64xf32, #tpu.memory_space<vmem>>
      %dma_start3A_316 = tpu.memref_squeeze %dma_start3A_315 : memref<1x128x64xf32, #tpu.memory_space<vmem>> -> memref<128x64xf32, #tpu.memory_space<vmem>>
      %dma_start3A_317 = arith.constant 0 : i32
      %dma_start3A_318 = tpu.memref_slice %arg7[%add3A_292, %dma_start3A_317] : memref<80x128xi32, #tpu.memory_space<vmem>> -> memref<1x128xi32, #tpu.memory_space<vmem>>
      %dma_start3A_319 = tpu.memref_squeeze %dma_start3A_318 : memref<1x128xi32, #tpu.memory_space<vmem>> -> memref<128xi32, #tpu.memory_space<vmem>>
      %dma_start3A_320 = arith.constant 0 : i32
      %dma_start3A_321 = arith.constant 0 : i32
      %dma_start3A_322 = tpu.memref_slice %arg9[%dma_start3A_320, %dma_start3A_321] : memref<10112x64xf32, #tpu.memory_space<vmem_shared>> -> memref<10112x64xf32, #tpu.memory_space<vmem_shared>>
      %dma_start3A_323 = tpu.memref_slice %arg11[%dma_start3A_312] : memref<8x!tpu.dma_semaphore, #tpu.memory_space<semaphore_mem>> -> memref<1x!tpu.dma_semaphore, #tpu.memory_space<semaphore_mem>>
      %dma_start3A_324 = tpu.memref_squeeze %dma_start3A_323 : memref<1x!tpu.dma_semaphore, #tpu.memory_space<semaphore_mem>> -> memref<!tpu.dma_semaphore, #tpu.memory_space<semaphore_mem>>
      tpu.enqueue_indirect_dma source(%dma_start3A_316 : memref<128x64xf32, #tpu.memory_space<vmem>>) target(%dma_start3A_322 : memref<10112x64xf32, #tpu.memory_space<vmem_shared>>) offsets(%dma_start3A_319 : memref<128xi32, #tpu.memory_space<vmem>>) semaphore(%dma_start3A_324 : memref<!tpu.dma_semaphore, #tpu.memory_space<semaphore_mem>>) {add = true}
      %ge3A_325 = arith.constant 8 : i32
      %ge3A_326 = arith.cmpi sge, %sub3A_296, %ge3A_325 : i32
      %lt3A_327 = arith.constant 80 : i32
      %lt3A_328 = arith.cmpi slt, %sub3A_296, %lt3A_327 : i32
      %and3A_329 = arith.andi %ge3A_326, %lt3A_328 : i1
      %convert_element_type3A_330 = arith.extui %and3A_329 : i1 to i32
      %cond3A_331 = arith.constant 0 : i32
      %cond3A_332 = arith.cmpi ne, %convert_element_type3A_330, %cond3A_331 : i32
      scf.if %cond3A_332 {
        %sub3A_653 = arith.constant 1 : i32
        %sub3A_654 = arith.subi %add3A_292, %sub3A_653 : i32
        %dma_wait3A_655 = arith.constant 0 : i32
        %dma_wait3A_656 = arith.constant 0 : i32
        %dma_wait3A_657 = arith.constant 0 : i32
        %dma_wait3A_658 = arith.constant 0 : i32
        %dma_wait3A_659 = tpu.memref_slice %arg8[%dma_wait3A_655, %dma_wait3A_657, %dma_wait3A_658] : memref<8x128x64xf32, #tpu.memory_space<vmem>> -> memref<1x128x64xf32, #tpu.memory_space<vmem>>
        %dma_wait3A_660 = tpu.memref_squeeze %dma_wait3A_659 : memref<1x128x64xf32, #tpu.memory_space<vmem>> -> memref<128x64xf32, #tpu.memory_space<vmem>>
        %dma_wait3A_661 = arith.constant 0 : i32
        %dma_wait3A_662 = tpu.memref_slice %arg7[%sub3A_654, %dma_wait3A_661] : memref<80x128xi32, #tpu.memory_space<vmem>> -> memref<1x128xi32, #tpu.memory_space<vmem>>
        %dma_wait3A_663 = tpu.memref_squeeze %dma_wait3A_662 : memref<1x128xi32, #tpu.memory_space<vmem>> -> memref<128xi32, #tpu.memory_space<vmem>>
        %dma_wait3A_664 = arith.constant 0 : i32
        %dma_wait3A_665 = arith.constant 0 : i32
        %dma_wait3A_666 = tpu.memref_slice %arg9[%dma_wait3A_664, %dma_wait3A_665] : memref<10112x64xf32, #tpu.memory_space<vmem_shared>> -> memref<10112x64xf32, #tpu.memory_space<vmem_shared>>
        %dma_wait3A_667 = tpu.memref_slice %arg11[%dma_wait3A_656] : memref<8x!tpu.dma_semaphore, #tpu.memory_space<semaphore_mem>> -> memref<1x!tpu.dma_semaphore, #tpu.memory_space<semaphore_mem>>
        %dma_wait3A_668 = tpu.memref_squeeze %dma_wait3A_667 : memref<1x!tpu.dma_semaphore, #tpu.memory_space<semaphore_mem>> -> memref<!tpu.dma_semaphore, #tpu.memory_space<semaphore_mem>>
        tpu.wait_indirect_dma semaphore(%dma_wait3A_668 : memref<!tpu.dma_semaphore, #tpu.memory_space<semaphore_mem>>) src(%dma_wait3A_660 : memref<128x64xf32, #tpu.memory_space<vmem>>) dst(%dma_wait3A_666 : memref<10112x64xf32, #tpu.memory_space<vmem_shared>>)
      } else {
      }
      %ge3A_333 = arith.constant 7 : i32
      %ge3A_334 = arith.cmpi sge, %sub3A_296, %ge3A_333 : i32
      %lt3A_335 = arith.constant 80 : i32
      %lt3A_336 = arith.cmpi slt, %sub3A_296, %lt3A_335 : i32
      %and3A_337 = arith.andi %ge3A_334, %lt3A_336 : i1
      %convert_element_type3A_338 = arith.extui %and3A_337 : i1 to i32
      %cond3A_339 = arith.constant 0 : i32
      %cond3A_340 = arith.cmpi ne, %convert_element_type3A_338, %cond3A_339 : i32
      scf.if %cond3A_340 {
        %dma_start3A_653 = arith.constant 0 : i32
        %dma_start3A_654 = arith.constant 0 : i32
        %dma_start3A_655 = arith.constant 0 : i32
        %dma_start3A_656 = arith.constant 0 : i32
        %dma_start3A_657 = tpu.memref_slice %arg8[%dma_start3A_653, %dma_start3A_655, %dma_start3A_656] : memref<8x128x64xf32, #tpu.memory_space<vmem>> -> memref<1x128x64xf32, #tpu.memory_space<vmem>>
        %dma_start3A_658 = tpu.memref_squeeze %dma_start3A_657 : memref<1x128x64xf32, #tpu.memory_space<vmem>> -> memref<128x64xf32, #tpu.memory_space<vmem>>
        %dma_start3A_659 = arith.constant 0 : i32
        %dma_start3A_660 = tpu.memref_slice %arg6[%sub3A_296, %dma_start3A_659] : memref<80x128xi32, #tpu.memory_space<vmem>> -> memref<1x128xi32, #tpu.memory_space<vmem>>
        %dma_start3A_661 = tpu.memref_squeeze %dma_start3A_660 : memref<1x128xi32, #tpu.memory_space<vmem>> -> memref<128xi32, #tpu.memory_space<vmem>>
        %dma_start3A_662 = arith.constant 0 : i32
        %dma_start3A_663 = arith.constant 0 : i32
        %dma_start3A_664 = tpu.memref_slice %arg2[%dma_start3A_662, %dma_start3A_663] : memref<10112x64xf32, #tpu.memory_space<hbm>> -> memref<10112x64xf32, #tpu.memory_space<hbm>>
        %dma_start3A_665 = tpu.memref_slice %arg10[%dma_start3A_654] : memref<8x!tpu.dma_semaphore, #tpu.memory_space<semaphore_mem>> -> memref<1x!tpu.dma_semaphore, #tpu.memory_space<semaphore_mem>>
        %dma_start3A_666 = tpu.memref_squeeze %dma_start3A_665 : memref<1x!tpu.dma_semaphore, #tpu.memory_space<semaphore_mem>> -> memref<!tpu.dma_semaphore, #tpu.memory_space<semaphore_mem>>
        tpu.enqueue_indirect_dma source(%dma_start3A_664 : memref<10112x64xf32, #tpu.memory_space<hbm>>) target(%dma_start3A_658 : memref<128x64xf32, #tpu.memory_space<vmem>>) offsets(%dma_start3A_661 : memref<128xi32, #tpu.memory_space<vmem>>) semaphore(%dma_start3A_666 : memref<!tpu.dma_semaphore, #tpu.memory_space<semaphore_mem>>)
      } else {
      }
      %mul3A_341 = arith.constant 8 : i32
      %mul3A_342 = arith.muli %scan3A_242, %mul3A_341 : i32
      %add3A_343 = arith.constant 2 : i32
      %add3A_344 = arith.addi %mul3A_342, %add3A_343 : i32
      %add3A_345 = arith.constant 8 : i32
      %add3A_346 = arith.addi %add3A_344, %add3A_345 : i32
      %sub3A_347 = arith.constant 1 : i32
      %sub3A_348 = arith.subi %add3A_346, %sub3A_347 : i32
      %dma_wait3A_349 = arith.constant 2 : i32
      %dma_wait3A_350 = arith.constant 2 : i32
      %dma_wait3A_351 = arith.constant 0 : i32
      %dma_wait3A_352 = arith.constant 0 : i32
      %dma_wait3A_353 = tpu.memref_slice %arg8[%dma_wait3A_349, %dma_wait3A_351, %dma_wait3A_352] : memref<8x128x64xf32, #tpu.memory_space<vmem>> -> memref<1x128x64xf32, #tpu.memory_space<vmem>>
      %dma_wait3A_354 = tpu.memref_squeeze %dma_wait3A_353 : memref<1x128x64xf32, #tpu.memory_space<vmem>> -> memref<128x64xf32, #tpu.memory_space<vmem>>
      %dma_wait3A_355 = arith.constant 0 : i32
      %dma_wait3A_356 = tpu.memref_slice %arg6[%add3A_344, %dma_wait3A_355] : memref<80x128xi32, #tpu.memory_space<vmem>> -> memref<1x128xi32, #tpu.memory_space<vmem>>
      %dma_wait3A_357 = tpu.memref_squeeze %dma_wait3A_356 : memref<1x128xi32, #tpu.memory_space<vmem>> -> memref<128xi32, #tpu.memory_space<vmem>>
      %dma_wait3A_358 = arith.constant 0 : i32
      %dma_wait3A_359 = arith.constant 0 : i32
      %dma_wait3A_360 = tpu.memref_slice %arg2[%dma_wait3A_358, %dma_wait3A_359] : memref<10112x64xf32, #tpu.memory_space<hbm>> -> memref<10112x64xf32, #tpu.memory_space<hbm>>
      %dma_wait3A_361 = tpu.memref_slice %arg10[%dma_wait3A_350] : memref<8x!tpu.dma_semaphore, #tpu.memory_space<semaphore_mem>> -> memref<1x!tpu.dma_semaphore, #tpu.memory_space<semaphore_mem>>
      %dma_wait3A_362 = tpu.memref_squeeze %dma_wait3A_361 : memref<1x!tpu.dma_semaphore, #tpu.memory_space<semaphore_mem>> -> memref<!tpu.dma_semaphore, #tpu.memory_space<semaphore_mem>>
      tpu.wait_indirect_dma semaphore(%dma_wait3A_362 : memref<!tpu.dma_semaphore, #tpu.memory_space<semaphore_mem>>) src(%dma_wait3A_360 : memref<10112x64xf32, #tpu.memory_space<hbm>>) dst(%dma_wait3A_354 : memref<128x64xf32, #tpu.memory_space<vmem>>)
      %dma_start3A_363 = arith.constant 2 : i32
      %dma_start3A_364 = arith.constant 2 : i32
      %dma_start3A_365 = arith.constant 0 : i32
      %dma_start3A_366 = arith.constant 0 : i32
      %dma_start3A_367 = tpu.memref_slice %arg8[%dma_start3A_363, %dma_start3A_365, %dma_start3A_366] : memref<8x128x64xf32, #tpu.memory_space<vmem>> -> memref<1x128x64xf32, #tpu.memory_space<vmem>>
      %dma_start3A_368 = tpu.memref_squeeze %dma_start3A_367 : memref<1x128x64xf32, #tpu.memory_space<vmem>> -> memref<128x64xf32, #tpu.memory_space<vmem>>
      %dma_start3A_369 = arith.constant 0 : i32
      %dma_start3A_370 = tpu.memref_slice %arg7[%add3A_344, %dma_start3A_369] : memref<80x128xi32, #tpu.memory_space<vmem>> -> memref<1x128xi32, #tpu.memory_space<vmem>>
      %dma_start3A_371 = tpu.memref_squeeze %dma_start3A_370 : memref<1x128xi32, #tpu.memory_space<vmem>> -> memref<128xi32, #tpu.memory_space<vmem>>
      %dma_start3A_372 = arith.constant 0 : i32
      %dma_start3A_373 = arith.constant 0 : i32
      %dma_start3A_374 = tpu.memref_slice %arg9[%dma_start3A_372, %dma_start3A_373] : memref<10112x64xf32, #tpu.memory_space<vmem_shared>> -> memref<10112x64xf32, #tpu.memory_space<vmem_shared>>
      %dma_start3A_375 = tpu.memref_slice %arg11[%dma_start3A_364] : memref<8x!tpu.dma_semaphore, #tpu.memory_space<semaphore_mem>> -> memref<1x!tpu.dma_semaphore, #tpu.memory_space<semaphore_mem>>
      %dma_start3A_376 = tpu.memref_squeeze %dma_start3A_375 : memref<1x!tpu.dma_semaphore, #tpu.memory_space<semaphore_mem>> -> memref<!tpu.dma_semaphore, #tpu.memory_space<semaphore_mem>>
      tpu.enqueue_indirect_dma source(%dma_start3A_368 : memref<128x64xf32, #tpu.memory_space<vmem>>) target(%dma_start3A_374 : memref<10112x64xf32, #tpu.memory_space<vmem_shared>>) offsets(%dma_start3A_371 : memref<128xi32, #tpu.memory_space<vmem>>) semaphore(%dma_start3A_376 : memref<!tpu.dma_semaphore, #tpu.memory_space<semaphore_mem>>) {add = true}
      %ge3A_377 = arith.constant 8 : i32
      %ge3A_378 = arith.cmpi sge, %sub3A_348, %ge3A_377 : i32
      %lt3A_379 = arith.constant 80 : i32
      %lt3A_380 = arith.cmpi slt, %sub3A_348, %lt3A_379 : i32
      %and3A_381 = arith.andi %ge3A_378, %lt3A_380 : i1
      %convert_element_type3A_382 = arith.extui %and3A_381 : i1 to i32
      %cond3A_383 = arith.constant 0 : i32
      %cond3A_384 = arith.cmpi ne, %convert_element_type3A_382, %cond3A_383 : i32
      scf.if %cond3A_384 {
        %sub3A_653 = arith.constant 1 : i32
        %sub3A_654 = arith.subi %add3A_344, %sub3A_653 : i32
        %dma_wait3A_655 = arith.constant 1 : i32
        %dma_wait3A_656 = arith.constant 1 : i32
        %dma_wait3A_657 = arith.constant 0 : i32
        %dma_wait3A_658 = arith.constant 0 : i32
        %dma_wait3A_659 = tpu.memref_slice %arg8[%dma_wait3A_655, %dma_wait3A_657, %dma_wait3A_658] : memref<8x128x64xf32, #tpu.memory_space<vmem>> -> memref<1x128x64xf32, #tpu.memory_space<vmem>>
        %dma_wait3A_660 = tpu.memref_squeeze %dma_wait3A_659 : memref<1x128x64xf32, #tpu.memory_space<vmem>> -> memref<128x64xf32, #tpu.memory_space<vmem>>
        %dma_wait3A_661 = arith.constant 0 : i32
        %dma_wait3A_662 = tpu.memref_slice %arg7[%sub3A_654, %dma_wait3A_661] : memref<80x128xi32, #tpu.memory_space<vmem>> -> memref<1x128xi32, #tpu.memory_space<vmem>>
        %dma_wait3A_663 = tpu.memref_squeeze %dma_wait3A_662 : memref<1x128xi32, #tpu.memory_space<vmem>> -> memref<128xi32, #tpu.memory_space<vmem>>
        %dma_wait3A_664 = arith.constant 0 : i32
        %dma_wait3A_665 = arith.constant 0 : i32
        %dma_wait3A_666 = tpu.memref_slice %arg9[%dma_wait3A_664, %dma_wait3A_665] : memref<10112x64xf32, #tpu.memory_space<vmem_shared>> -> memref<10112x64xf32, #tpu.memory_space<vmem_shared>>
        %dma_wait3A_667 = tpu.memref_slice %arg11[%dma_wait3A_656] : memref<8x!tpu.dma_semaphore, #tpu.memory_space<semaphore_mem>> -> memref<1x!tpu.dma_semaphore, #tpu.memory_space<semaphore_mem>>
        %dma_wait3A_668 = tpu.memref_squeeze %dma_wait3A_667 : memref<1x!tpu.dma_semaphore, #tpu.memory_space<semaphore_mem>> -> memref<!tpu.dma_semaphore, #tpu.memory_space<semaphore_mem>>
        tpu.wait_indirect_dma semaphore(%dma_wait3A_668 : memref<!tpu.dma_semaphore, #tpu.memory_space<semaphore_mem>>) src(%dma_wait3A_660 : memref<128x64xf32, #tpu.memory_space<vmem>>) dst(%dma_wait3A_666 : memref<10112x64xf32, #tpu.memory_space<vmem_shared>>)
      } else {
      }
      %ge3A_385 = arith.constant 7 : i32
      %ge3A_386 = arith.cmpi sge, %sub3A_348, %ge3A_385 : i32
      %lt3A_387 = arith.constant 80 : i32
      %lt3A_388 = arith.cmpi slt, %sub3A_348, %lt3A_387 : i32
      %and3A_389 = arith.andi %ge3A_386, %lt3A_388 : i1
      %convert_element_type3A_390 = arith.extui %and3A_389 : i1 to i32
      %cond3A_391 = arith.constant 0 : i32
      %cond3A_392 = arith.cmpi ne, %convert_element_type3A_390, %cond3A_391 : i32
      scf.if %cond3A_392 {
        %dma_start3A_653 = arith.constant 1 : i32
        %dma_start3A_654 = arith.constant 1 : i32
        %dma_start3A_655 = arith.constant 0 : i32
        %dma_start3A_656 = arith.constant 0 : i32
        %dma_start3A_657 = tpu.memref_slice %arg8[%dma_start3A_653, %dma_start3A_655, %dma_start3A_656] : memref<8x128x64xf32, #tpu.memory_space<vmem>> -> memref<1x128x64xf32, #tpu.memory_space<vmem>>
        %dma_start3A_658 = tpu.memref_squeeze %dma_start3A_657 : memref<1x128x64xf32, #tpu.memory_space<vmem>> -> memref<128x64xf32, #tpu.memory_space<vmem>>
        %dma_start3A_659 = arith.constant 0 : i32
        %dma_start3A_660 = tpu.memref_slice %arg6[%sub3A_348, %dma_start3A_659] : memref<80x128xi32, #tpu.memory_space<vmem>> -> memref<1x128xi32, #tpu.memory_space<vmem>>
        %dma_start3A_661 = tpu.memref_squeeze %dma_start3A_660 : memref<1x128xi32, #tpu.memory_space<vmem>> -> memref<128xi32, #tpu.memory_space<vmem>>
        %dma_start3A_662 = arith.constant 0 : i32
        %dma_start3A_663 = arith.constant 0 : i32
        %dma_start3A_664 = tpu.memref_slice %arg2[%dma_start3A_662, %dma_start3A_663] : memref<10112x64xf32, #tpu.memory_space<hbm>> -> memref<10112x64xf32, #tpu.memory_space<hbm>>
        %dma_start3A_665 = tpu.memref_slice %arg10[%dma_start3A_654] : memref<8x!tpu.dma_semaphore, #tpu.memory_space<semaphore_mem>> -> memref<1x!tpu.dma_semaphore, #tpu.memory_space<semaphore_mem>>
        %dma_start3A_666 = tpu.memref_squeeze %dma_start3A_665 : memref<1x!tpu.dma_semaphore, #tpu.memory_space<semaphore_mem>> -> memref<!tpu.dma_semaphore, #tpu.memory_space<semaphore_mem>>
        tpu.enqueue_indirect_dma source(%dma_start3A_664 : memref<10112x64xf32, #tpu.memory_space<hbm>>) target(%dma_start3A_658 : memref<128x64xf32, #tpu.memory_space<vmem>>) offsets(%dma_start3A_661 : memref<128xi32, #tpu.memory_space<vmem>>) semaphore(%dma_start3A_666 : memref<!tpu.dma_semaphore, #tpu.memory_space<semaphore_mem>>)
      } else {
      }
      %mul3A_393 = arith.constant 8 : i32
      %mul3A_394 = arith.muli %scan3A_242, %mul3A_393 : i32
      %add3A_395 = arith.constant 3 : i32
      %add3A_396 = arith.addi %mul3A_394, %add3A_395 : i32
      %add3A_397 = arith.constant 8 : i32
      %add3A_398 = arith.addi %add3A_396, %add3A_397 : i32
      %sub3A_399 = arith.constant 1 : i32
      %sub3A_400 = arith.subi %add3A_398, %sub3A_399 : i32
      %dma_wait3A_401 = arith.constant 3 : i32
      %dma_wait3A_402 = arith.constant 3 : i32
      %dma_wait3A_403 = arith.constant 0 : i32
      %dma_wait3A_404 = arith.constant 0 : i32
      %dma_wait3A_405 = tpu.memref_slice %arg8[%dma_wait3A_401, %dma_wait3A_403, %dma_wait3A_404] : memref<8x128x64xf32, #tpu.memory_space<vmem>> -> memref<1x128x64xf32, #tpu.memory_space<vmem>>
      %dma_wait3A_406 = tpu.memref_squeeze %dma_wait3A_405 : memref<1x128x64xf32, #tpu.memory_space<vmem>> -> memref<128x64xf32, #tpu.memory_space<vmem>>
      %dma_wait3A_407 = arith.constant 0 : i32
      %dma_wait3A_408 = tpu.memref_slice %arg6[%add3A_396, %dma_wait3A_407] : memref<80x128xi32, #tpu.memory_space<vmem>> -> memref<1x128xi32, #tpu.memory_space<vmem>>
      %dma_wait3A_409 = tpu.memref_squeeze %dma_wait3A_408 : memref<1x128xi32, #tpu.memory_space<vmem>> -> memref<128xi32, #tpu.memory_space<vmem>>
      %dma_wait3A_410 = arith.constant 0 : i32
      %dma_wait3A_411 = arith.constant 0 : i32
      %dma_wait3A_412 = tpu.memref_slice %arg2[%dma_wait3A_410, %dma_wait3A_411] : memref<10112x64xf32, #tpu.memory_space<hbm>> -> memref<10112x64xf32, #tpu.memory_space<hbm>>
      %dma_wait3A_413 = tpu.memref_slice %arg10[%dma_wait3A_402] : memref<8x!tpu.dma_semaphore, #tpu.memory_space<semaphore_mem>> -> memref<1x!tpu.dma_semaphore, #tpu.memory_space<semaphore_mem>>
      %dma_wait3A_414 = tpu.memref_squeeze %dma_wait3A_413 : memref<1x!tpu.dma_semaphore, #tpu.memory_space<semaphore_mem>> -> memref<!tpu.dma_semaphore, #tpu.memory_space<semaphore_mem>>
      tpu.wait_indirect_dma semaphore(%dma_wait3A_414 : memref<!tpu.dma_semaphore, #tpu.memory_space<semaphore_mem>>) src(%dma_wait3A_412 : memref<10112x64xf32, #tpu.memory_space<hbm>>) dst(%dma_wait3A_406 : memref<128x64xf32, #tpu.memory_space<vmem>>)
      %dma_start3A_415 = arith.constant 3 : i32
      %dma_start3A_416 = arith.constant 3 : i32
      %dma_start3A_417 = arith.constant 0 : i32
      %dma_start3A_418 = arith.constant 0 : i32
      %dma_start3A_419 = tpu.memref_slice %arg8[%dma_start3A_415, %dma_start3A_417, %dma_start3A_418] : memref<8x128x64xf32, #tpu.memory_space<vmem>> -> memref<1x128x64xf32, #tpu.memory_space<vmem>>
      %dma_start3A_420 = tpu.memref_squeeze %dma_start3A_419 : memref<1x128x64xf32, #tpu.memory_space<vmem>> -> memref<128x64xf32, #tpu.memory_space<vmem>>
      %dma_start3A_421 = arith.constant 0 : i32
      %dma_start3A_422 = tpu.memref_slice %arg7[%add3A_396, %dma_start3A_421] : memref<80x128xi32, #tpu.memory_space<vmem>> -> memref<1x128xi32, #tpu.memory_space<vmem>>
      %dma_start3A_423 = tpu.memref_squeeze %dma_start3A_422 : memref<1x128xi32, #tpu.memory_space<vmem>> -> memref<128xi32, #tpu.memory_space<vmem>>
      %dma_start3A_424 = arith.constant 0 : i32
      %dma_start3A_425 = arith.constant 0 : i32
      %dma_start3A_426 = tpu.memref_slice %arg9[%dma_start3A_424, %dma_start3A_425] : memref<10112x64xf32, #tpu.memory_space<vmem_shared>> -> memref<10112x64xf32, #tpu.memory_space<vmem_shared>>
      %dma_start3A_427 = tpu.memref_slice %arg11[%dma_start3A_416] : memref<8x!tpu.dma_semaphore, #tpu.memory_space<semaphore_mem>> -> memref<1x!tpu.dma_semaphore, #tpu.memory_space<semaphore_mem>>
      %dma_start3A_428 = tpu.memref_squeeze %dma_start3A_427 : memref<1x!tpu.dma_semaphore, #tpu.memory_space<semaphore_mem>> -> memref<!tpu.dma_semaphore, #tpu.memory_space<semaphore_mem>>
      tpu.enqueue_indirect_dma source(%dma_start3A_420 : memref<128x64xf32, #tpu.memory_space<vmem>>) target(%dma_start3A_426 : memref<10112x64xf32, #tpu.memory_space<vmem_shared>>) offsets(%dma_start3A_423 : memref<128xi32, #tpu.memory_space<vmem>>) semaphore(%dma_start3A_428 : memref<!tpu.dma_semaphore, #tpu.memory_space<semaphore_mem>>) {add = true}
      %ge3A_429 = arith.constant 8 : i32
      %ge3A_430 = arith.cmpi sge, %sub3A_400, %ge3A_429 : i32
      %lt3A_431 = arith.constant 80 : i32
      %lt3A_432 = arith.cmpi slt, %sub3A_400, %lt3A_431 : i32
      %and3A_433 = arith.andi %ge3A_430, %lt3A_432 : i1
      %convert_element_type3A_434 = arith.extui %and3A_433 : i1 to i32
      %cond3A_435 = arith.constant 0 : i32
      %cond3A_436 = arith.cmpi ne, %convert_element_type3A_434, %cond3A_435 : i32
      scf.if %cond3A_436 {
        %sub3A_653 = arith.constant 1 : i32
        %sub3A_654 = arith.subi %add3A_396, %sub3A_653 : i32
        %dma_wait3A_655 = arith.constant 2 : i32
        %dma_wait3A_656 = arith.constant 2 : i32
        %dma_wait3A_657 = arith.constant 0 : i32
        %dma_wait3A_658 = arith.constant 0 : i32
        %dma_wait3A_659 = tpu.memref_slice %arg8[%dma_wait3A_655, %dma_wait3A_657, %dma_wait3A_658] : memref<8x128x64xf32, #tpu.memory_space<vmem>> -> memref<1x128x64xf32, #tpu.memory_space<vmem>>
        %dma_wait3A_660 = tpu.memref_squeeze %dma_wait3A_659 : memref<1x128x64xf32, #tpu.memory_space<vmem>> -> memref<128x64xf32, #tpu.memory_space<vmem>>
        %dma_wait3A_661 = arith.constant 0 : i32
        %dma_wait3A_662 = tpu.memref_slice %arg7[%sub3A_654, %dma_wait3A_661] : memref<80x128xi32, #tpu.memory_space<vmem>> -> memref<1x128xi32, #tpu.memory_space<vmem>>
        %dma_wait3A_663 = tpu.memref_squeeze %dma_wait3A_662 : memref<1x128xi32, #tpu.memory_space<vmem>> -> memref<128xi32, #tpu.memory_space<vmem>>
        %dma_wait3A_664 = arith.constant 0 : i32
        %dma_wait3A_665 = arith.constant 0 : i32
        %dma_wait3A_666 = tpu.memref_slice %arg9[%dma_wait3A_664, %dma_wait3A_665] : memref<10112x64xf32, #tpu.memory_space<vmem_shared>> -> memref<10112x64xf32, #tpu.memory_space<vmem_shared>>
        %dma_wait3A_667 = tpu.memref_slice %arg11[%dma_wait3A_656] : memref<8x!tpu.dma_semaphore, #tpu.memory_space<semaphore_mem>> -> memref<1x!tpu.dma_semaphore, #tpu.memory_space<semaphore_mem>>
        %dma_wait3A_668 = tpu.memref_squeeze %dma_wait3A_667 : memref<1x!tpu.dma_semaphore, #tpu.memory_space<semaphore_mem>> -> memref<!tpu.dma_semaphore, #tpu.memory_space<semaphore_mem>>
        tpu.wait_indirect_dma semaphore(%dma_wait3A_668 : memref<!tpu.dma_semaphore, #tpu.memory_space<semaphore_mem>>) src(%dma_wait3A_660 : memref<128x64xf32, #tpu.memory_space<vmem>>) dst(%dma_wait3A_666 : memref<10112x64xf32, #tpu.memory_space<vmem_shared>>)
      } else {
      }
      %ge3A_437 = arith.constant 7 : i32
      %ge3A_438 = arith.cmpi sge, %sub3A_400, %ge3A_437 : i32
      %lt3A_439 = arith.constant 80 : i32
      %lt3A_440 = arith.cmpi slt, %sub3A_400, %lt3A_439 : i32
      %and3A_441 = arith.andi %ge3A_438, %lt3A_440 : i1
      %convert_element_type3A_442 = arith.extui %and3A_441 : i1 to i32
      %cond3A_443 = arith.constant 0 : i32
      %cond3A_444 = arith.cmpi ne, %convert_element_type3A_442, %cond3A_443 : i32
      scf.if %cond3A_444 {
        %dma_start3A_653 = arith.constant 2 : i32
        %dma_start3A_654 = arith.constant 2 : i32
        %dma_start3A_655 = arith.constant 0 : i32
        %dma_start3A_656 = arith.constant 0 : i32
        %dma_start3A_657 = tpu.memref_slice %arg8[%dma_start3A_653, %dma_start3A_655, %dma_start3A_656] : memref<8x128x64xf32, #tpu.memory_space<vmem>> -> memref<1x128x64xf32, #tpu.memory_space<vmem>>
        %dma_start3A_658 = tpu.memref_squeeze %dma_start3A_657 : memref<1x128x64xf32, #tpu.memory_space<vmem>> -> memref<128x64xf32, #tpu.memory_space<vmem>>
        %dma_start3A_659 = arith.constant 0 : i32
        %dma_start3A_660 = tpu.memref_slice %arg6[%sub3A_400, %dma_start3A_659] : memref<80x128xi32, #tpu.memory_space<vmem>> -> memref<1x128xi32, #tpu.memory_space<vmem>>
        %dma_start3A_661 = tpu.memref_squeeze %dma_start3A_660 : memref<1x128xi32, #tpu.memory_space<vmem>> -> memref<128xi32, #tpu.memory_space<vmem>>
        %dma_start3A_662 = arith.constant 0 : i32
        %dma_start3A_663 = arith.constant 0 : i32
        %dma_start3A_664 = tpu.memref_slice %arg2[%dma_start3A_662, %dma_start3A_663] : memref<10112x64xf32, #tpu.memory_space<hbm>> -> memref<10112x64xf32, #tpu.memory_space<hbm>>
        %dma_start3A_665 = tpu.memref_slice %arg10[%dma_start3A_654] : memref<8x!tpu.dma_semaphore, #tpu.memory_space<semaphore_mem>> -> memref<1x!tpu.dma_semaphore, #tpu.memory_space<semaphore_mem>>
        %dma_start3A_666 = tpu.memref_squeeze %dma_start3A_665 : memref<1x!tpu.dma_semaphore, #tpu.memory_space<semaphore_mem>> -> memref<!tpu.dma_semaphore, #tpu.memory_space<semaphore_mem>>
        tpu.enqueue_indirect_dma source(%dma_start3A_664 : memref<10112x64xf32, #tpu.memory_space<hbm>>) target(%dma_start3A_658 : memref<128x64xf32, #tpu.memory_space<vmem>>) offsets(%dma_start3A_661 : memref<128xi32, #tpu.memory_space<vmem>>) semaphore(%dma_start3A_666 : memref<!tpu.dma_semaphore, #tpu.memory_space<semaphore_mem>>)
      } else {
      }
      %mul3A_445 = arith.constant 8 : i32
      %mul3A_446 = arith.muli %scan3A_242, %mul3A_445 : i32
      %add3A_447 = arith.constant 4 : i32
      %add3A_448 = arith.addi %mul3A_446, %add3A_447 : i32
      %add3A_449 = arith.constant 8 : i32
      %add3A_450 = arith.addi %add3A_448, %add3A_449 : i32
      %sub3A_451 = arith.constant 1 : i32
      %sub3A_452 = arith.subi %add3A_450, %sub3A_451 : i32
      %dma_wait3A_453 = arith.constant 4 : i32
      %dma_wait3A_454 = arith.constant 4 : i32
      %dma_wait3A_455 = arith.constant 0 : i32
      %dma_wait3A_456 = arith.constant 0 : i32
      %dma_wait3A_457 = tpu.memref_slice %arg8[%dma_wait3A_453, %dma_wait3A_455, %dma_wait3A_456] : memref<8x128x64xf32, #tpu.memory_space<vmem>> -> memref<1x128x64xf32, #tpu.memory_space<vmem>>
      %dma_wait3A_458 = tpu.memref_squeeze %dma_wait3A_457 : memref<1x128x64xf32, #tpu.memory_space<vmem>> -> memref<128x64xf32, #tpu.memory_space<vmem>>
      %dma_wait3A_459 = arith.constant 0 : i32
      %dma_wait3A_460 = tpu.memref_slice %arg6[%add3A_448, %dma_wait3A_459] : memref<80x128xi32, #tpu.memory_space<vmem>> -> memref<1x128xi32, #tpu.memory_space<vmem>>
      %dma_wait3A_461 = tpu.memref_squeeze %dma_wait3A_460 : memref<1x128xi32, #tpu.memory_space<vmem>> -> memref<128xi32, #tpu.memory_space<vmem>>
      %dma_wait3A_462 = arith.constant 0 : i32
      %dma_wait3A_463 = arith.constant 0 : i32
      %dma_wait3A_464 = tpu.memref_slice %arg2[%dma_wait3A_462, %dma_wait3A_463] : memref<10112x64xf32, #tpu.memory_space<hbm>> -> memref<10112x64xf32, #tpu.memory_space<hbm>>
      %dma_wait3A_465 = tpu.memref_slice %arg10[%dma_wait3A_454] : memref<8x!tpu.dma_semaphore, #tpu.memory_space<semaphore_mem>> -> memref<1x!tpu.dma_semaphore, #tpu.memory_space<semaphore_mem>>
      %dma_wait3A_466 = tpu.memref_squeeze %dma_wait3A_465 : memref<1x!tpu.dma_semaphore, #tpu.memory_space<semaphore_mem>> -> memref<!tpu.dma_semaphore, #tpu.memory_space<semaphore_mem>>
      tpu.wait_indirect_dma semaphore(%dma_wait3A_466 : memref<!tpu.dma_semaphore, #tpu.memory_space<semaphore_mem>>) src(%dma_wait3A_464 : memref<10112x64xf32, #tpu.memory_space<hbm>>) dst(%dma_wait3A_458 : memref<128x64xf32, #tpu.memory_space<vmem>>)
      %dma_start3A_467 = arith.constant 4 : i32
      %dma_start3A_468 = arith.constant 4 : i32
      %dma_start3A_469 = arith.constant 0 : i32
      %dma_start3A_470 = arith.constant 0 : i32
      %dma_start3A_471 = tpu.memref_slice %arg8[%dma_start3A_467, %dma_start3A_469, %dma_start3A_470] : memref<8x128x64xf32, #tpu.memory_space<vmem>> -> memref<1x128x64xf32, #tpu.memory_space<vmem>>
      %dma_start3A_472 = tpu.memref_squeeze %dma_start3A_471 : memref<1x128x64xf32, #tpu.memory_space<vmem>> -> memref<128x64xf32, #tpu.memory_space<vmem>>
      %dma_start3A_473 = arith.constant 0 : i32
      %dma_start3A_474 = tpu.memref_slice %arg7[%add3A_448, %dma_start3A_473] : memref<80x128xi32, #tpu.memory_space<vmem>> -> memref<1x128xi32, #tpu.memory_space<vmem>>
      %dma_start3A_475 = tpu.memref_squeeze %dma_start3A_474 : memref<1x128xi32, #tpu.memory_space<vmem>> -> memref<128xi32, #tpu.memory_space<vmem>>
      %dma_start3A_476 = arith.constant 0 : i32
      %dma_start3A_477 = arith.constant 0 : i32
      %dma_start3A_478 = tpu.memref_slice %arg9[%dma_start3A_476, %dma_start3A_477] : memref<10112x64xf32, #tpu.memory_space<vmem_shared>> -> memref<10112x64xf32, #tpu.memory_space<vmem_shared>>
      %dma_start3A_479 = tpu.memref_slice %arg11[%dma_start3A_468] : memref<8x!tpu.dma_semaphore, #tpu.memory_space<semaphore_mem>> -> memref<1x!tpu.dma_semaphore, #tpu.memory_space<semaphore_mem>>
      %dma_start3A_480 = tpu.memref_squeeze %dma_start3A_479 : memref<1x!tpu.dma_semaphore, #tpu.memory_space<semaphore_mem>> -> memref<!tpu.dma_semaphore, #tpu.memory_space<semaphore_mem>>
      tpu.enqueue_indirect_dma source(%dma_start3A_472 : memref<128x64xf32, #tpu.memory_space<vmem>>) target(%dma_start3A_478 : memref<10112x64xf32, #tpu.memory_space<vmem_shared>>) offsets(%dma_start3A_475 : memref<128xi32, #tpu.memory_space<vmem>>) semaphore(%dma_start3A_480 : memref<!tpu.dma_semaphore, #tpu.memory_space<semaphore_mem>>) {add = true}
      %ge3A_481 = arith.constant 8 : i32
      %ge3A_482 = arith.cmpi sge, %sub3A_452, %ge3A_481 : i32
      %lt3A_483 = arith.constant 80 : i32
      %lt3A_484 = arith.cmpi slt, %sub3A_452, %lt3A_483 : i32
      %and3A_485 = arith.andi %ge3A_482, %lt3A_484 : i1
      %convert_element_type3A_486 = arith.extui %and3A_485 : i1 to i32
      %cond3A_487 = arith.constant 0 : i32
      %cond3A_488 = arith.cmpi ne, %convert_element_type3A_486, %cond3A_487 : i32
      scf.if %cond3A_488 {
        %sub3A_653 = arith.constant 1 : i32
        %sub3A_654 = arith.subi %add3A_448, %sub3A_653 : i32
        %dma_wait3A_655 = arith.constant 3 : i32
        %dma_wait3A_656 = arith.constant 3 : i32
        %dma_wait3A_657 = arith.constant 0 : i32
        %dma_wait3A_658 = arith.constant 0 : i32
        %dma_wait3A_659 = tpu.memref_slice %arg8[%dma_wait3A_655, %dma_wait3A_657, %dma_wait3A_658] : memref<8x128x64xf32, #tpu.memory_space<vmem>> -> memref<1x128x64xf32, #tpu.memory_space<vmem>>
        %dma_wait3A_660 = tpu.memref_squeeze %dma_wait3A_659 : memref<1x128x64xf32, #tpu.memory_space<vmem>> -> memref<128x64xf32, #tpu.memory_space<vmem>>
        %dma_wait3A_661 = arith.constant 0 : i32
        %dma_wait3A_662 = tpu.memref_slice %arg7[%sub3A_654, %dma_wait3A_661] : memref<80x128xi32, #tpu.memory_space<vmem>> -> memref<1x128xi32, #tpu.memory_space<vmem>>
        %dma_wait3A_663 = tpu.memref_squeeze %dma_wait3A_662 : memref<1x128xi32, #tpu.memory_space<vmem>> -> memref<128xi32, #tpu.memory_space<vmem>>
        %dma_wait3A_664 = arith.constant 0 : i32
        %dma_wait3A_665 = arith.constant 0 : i32
        %dma_wait3A_666 = tpu.memref_slice %arg9[%dma_wait3A_664, %dma_wait3A_665] : memref<10112x64xf32, #tpu.memory_space<vmem_shared>> -> memref<10112x64xf32, #tpu.memory_space<vmem_shared>>
        %dma_wait3A_667 = tpu.memref_slice %arg11[%dma_wait3A_656] : memref<8x!tpu.dma_semaphore, #tpu.memory_space<semaphore_mem>> -> memref<1x!tpu.dma_semaphore, #tpu.memory_space<semaphore_mem>>
        %dma_wait3A_668 = tpu.memref_squeeze %dma_wait3A_667 : memref<1x!tpu.dma_semaphore, #tpu.memory_space<semaphore_mem>> -> memref<!tpu.dma_semaphore, #tpu.memory_space<semaphore_mem>>
        tpu.wait_indirect_dma semaphore(%dma_wait3A_668 : memref<!tpu.dma_semaphore, #tpu.memory_space<semaphore_mem>>) src(%dma_wait3A_660 : memref<128x64xf32, #tpu.memory_space<vmem>>) dst(%dma_wait3A_666 : memref<10112x64xf32, #tpu.memory_space<vmem_shared>>)
      } else {
      }
      %ge3A_489 = arith.constant 7 : i32
      %ge3A_490 = arith.cmpi sge, %sub3A_452, %ge3A_489 : i32
      %lt3A_491 = arith.constant 80 : i32
      %lt3A_492 = arith.cmpi slt, %sub3A_452, %lt3A_491 : i32
      %and3A_493 = arith.andi %ge3A_490, %lt3A_492 : i1
      %convert_element_type3A_494 = arith.extui %and3A_493 : i1 to i32
      %cond3A_495 = arith.constant 0 : i32
      %cond3A_496 = arith.cmpi ne, %convert_element_type3A_494, %cond3A_495 : i32
      scf.if %cond3A_496 {
        %dma_start3A_653 = arith.constant 3 : i32
        %dma_start3A_654 = arith.constant 3 : i32
        %dma_start3A_655 = arith.constant 0 : i32
        %dma_start3A_656 = arith.constant 0 : i32
        %dma_start3A_657 = tpu.memref_slice %arg8[%dma_start3A_653, %dma_start3A_655, %dma_start3A_656] : memref<8x128x64xf32, #tpu.memory_space<vmem>> -> memref<1x128x64xf32, #tpu.memory_space<vmem>>
        %dma_start3A_658 = tpu.memref_squeeze %dma_start3A_657 : memref<1x128x64xf32, #tpu.memory_space<vmem>> -> memref<128x64xf32, #tpu.memory_space<vmem>>
        %dma_start3A_659 = arith.constant 0 : i32
        %dma_start3A_660 = tpu.memref_slice %arg6[%sub3A_452, %dma_start3A_659] : memref<80x128xi32, #tpu.memory_space<vmem>> -> memref<1x128xi32, #tpu.memory_space<vmem>>
        %dma_start3A_661 = tpu.memref_squeeze %dma_start3A_660 : memref<1x128xi32, #tpu.memory_space<vmem>> -> memref<128xi32, #tpu.memory_space<vmem>>
        %dma_start3A_662 = arith.constant 0 : i32
        %dma_start3A_663 = arith.constant 0 : i32
        %dma_start3A_664 = tpu.memref_slice %arg2[%dma_start3A_662, %dma_start3A_663] : memref<10112x64xf32, #tpu.memory_space<hbm>> -> memref<10112x64xf32, #tpu.memory_space<hbm>>
        %dma_start3A_665 = tpu.memref_slice %arg10[%dma_start3A_654] : memref<8x!tpu.dma_semaphore, #tpu.memory_space<semaphore_mem>> -> memref<1x!tpu.dma_semaphore, #tpu.memory_space<semaphore_mem>>
        %dma_start3A_666 = tpu.memref_squeeze %dma_start3A_665 : memref<1x!tpu.dma_semaphore, #tpu.memory_space<semaphore_mem>> -> memref<!tpu.dma_semaphore, #tpu.memory_space<semaphore_mem>>
        tpu.enqueue_indirect_dma source(%dma_start3A_664 : memref<10112x64xf32, #tpu.memory_space<hbm>>) target(%dma_start3A_658 : memref<128x64xf32, #tpu.memory_space<vmem>>) offsets(%dma_start3A_661 : memref<128xi32, #tpu.memory_space<vmem>>) semaphore(%dma_start3A_666 : memref<!tpu.dma_semaphore, #tpu.memory_space<semaphore_mem>>)
      } else {
      }
      %mul3A_497 = arith.constant 8 : i32
      %mul3A_498 = arith.muli %scan3A_242, %mul3A_497 : i32
      %add3A_499 = arith.constant 5 : i32
      %add3A_500 = arith.addi %mul3A_498, %add3A_499 : i32
      %add3A_501 = arith.constant 8 : i32
      %add3A_502 = arith.addi %add3A_500, %add3A_501 : i32
      %sub3A_503 = arith.constant 1 : i32
      %sub3A_504 = arith.subi %add3A_502, %sub3A_503 : i32
      %dma_wait3A_505 = arith.constant 5 : i32
      %dma_wait3A_506 = arith.constant 5 : i32
      %dma_wait3A_507 = arith.constant 0 : i32
      %dma_wait3A_508 = arith.constant 0 : i32
      %dma_wait3A_509 = tpu.memref_slice %arg8[%dma_wait3A_505, %dma_wait3A_507, %dma_wait3A_508] : memref<8x128x64xf32, #tpu.memory_space<vmem>> -> memref<1x128x64xf32, #tpu.memory_space<vmem>>
      %dma_wait3A_510 = tpu.memref_squeeze %dma_wait3A_509 : memref<1x128x64xf32, #tpu.memory_space<vmem>> -> memref<128x64xf32, #tpu.memory_space<vmem>>
      %dma_wait3A_511 = arith.constant 0 : i32
      %dma_wait3A_512 = tpu.memref_slice %arg6[%add3A_500, %dma_wait3A_511] : memref<80x128xi32, #tpu.memory_space<vmem>> -> memref<1x128xi32, #tpu.memory_space<vmem>>
      %dma_wait3A_513 = tpu.memref_squeeze %dma_wait3A_512 : memref<1x128xi32, #tpu.memory_space<vmem>> -> memref<128xi32, #tpu.memory_space<vmem>>
      %dma_wait3A_514 = arith.constant 0 : i32
      %dma_wait3A_515 = arith.constant 0 : i32
      %dma_wait3A_516 = tpu.memref_slice %arg2[%dma_wait3A_514, %dma_wait3A_515] : memref<10112x64xf32, #tpu.memory_space<hbm>> -> memref<10112x64xf32, #tpu.memory_space<hbm>>
      %dma_wait3A_517 = tpu.memref_slice %arg10[%dma_wait3A_506] : memref<8x!tpu.dma_semaphore, #tpu.memory_space<semaphore_mem>> -> memref<1x!tpu.dma_semaphore, #tpu.memory_space<semaphore_mem>>
      %dma_wait3A_518 = tpu.memref_squeeze %dma_wait3A_517 : memref<1x!tpu.dma_semaphore, #tpu.memory_space<semaphore_mem>> -> memref<!tpu.dma_semaphore, #tpu.memory_space<semaphore_mem>>
      tpu.wait_indirect_dma semaphore(%dma_wait3A_518 : memref<!tpu.dma_semaphore, #tpu.memory_space<semaphore_mem>>) src(%dma_wait3A_516 : memref<10112x64xf32, #tpu.memory_space<hbm>>) dst(%dma_wait3A_510 : memref<128x64xf32, #tpu.memory_space<vmem>>)
      %dma_start3A_519 = arith.constant 5 : i32
      %dma_start3A_520 = arith.constant 5 : i32
      %dma_start3A_521 = arith.constant 0 : i32
      %dma_start3A_522 = arith.constant 0 : i32
      %dma_start3A_523 = tpu.memref_slice %arg8[%dma_start3A_519, %dma_start3A_521, %dma_start3A_522] : memref<8x128x64xf32, #tpu.memory_space<vmem>> -> memref<1x128x64xf32, #tpu.memory_space<vmem>>
      %dma_start3A_524 = tpu.memref_squeeze %dma_start3A_523 : memref<1x128x64xf32, #tpu.memory_space<vmem>> -> memref<128x64xf32, #tpu.memory_space<vmem>>
      %dma_start3A_525 = arith.constant 0 : i32
      %dma_start3A_526 = tpu.memref_slice %arg7[%add3A_500, %dma_start3A_525] : memref<80x128xi32, #tpu.memory_space<vmem>> -> memref<1x128xi32, #tpu.memory_space<vmem>>
      %dma_start3A_527 = tpu.memref_squeeze %dma_start3A_526 : memref<1x128xi32, #tpu.memory_space<vmem>> -> memref<128xi32, #tpu.memory_space<vmem>>
      %dma_start3A_528 = arith.constant 0 : i32
      %dma_start3A_529 = arith.constant 0 : i32
      %dma_start3A_530 = tpu.memref_slice %arg9[%dma_start3A_528, %dma_start3A_529] : memref<10112x64xf32, #tpu.memory_space<vmem_shared>> -> memref<10112x64xf32, #tpu.memory_space<vmem_shared>>
      %dma_start3A_531 = tpu.memref_slice %arg11[%dma_start3A_520] : memref<8x!tpu.dma_semaphore, #tpu.memory_space<semaphore_mem>> -> memref<1x!tpu.dma_semaphore, #tpu.memory_space<semaphore_mem>>
      %dma_start3A_532 = tpu.memref_squeeze %dma_start3A_531 : memref<1x!tpu.dma_semaphore, #tpu.memory_space<semaphore_mem>> -> memref<!tpu.dma_semaphore, #tpu.memory_space<semaphore_mem>>
      tpu.enqueue_indirect_dma source(%dma_start3A_524 : memref<128x64xf32, #tpu.memory_space<vmem>>) target(%dma_start3A_530 : memref<10112x64xf32, #tpu.memory_space<vmem_shared>>) offsets(%dma_start3A_527 : memref<128xi32, #tpu.memory_space<vmem>>) semaphore(%dma_start3A_532 : memref<!tpu.dma_semaphore, #tpu.memory_space<semaphore_mem>>) {add = true}
      %ge3A_533 = arith.constant 8 : i32
      %ge3A_534 = arith.cmpi sge, %sub3A_504, %ge3A_533 : i32
      %lt3A_535 = arith.constant 80 : i32
      %lt3A_536 = arith.cmpi slt, %sub3A_504, %lt3A_535 : i32
      %and3A_537 = arith.andi %ge3A_534, %lt3A_536 : i1
      %convert_element_type3A_538 = arith.extui %and3A_537 : i1 to i32
      %cond3A_539 = arith.constant 0 : i32
      %cond3A_540 = arith.cmpi ne, %convert_element_type3A_538, %cond3A_539 : i32
      scf.if %cond3A_540 {
        %sub3A_653 = arith.constant 1 : i32
        %sub3A_654 = arith.subi %add3A_500, %sub3A_653 : i32
        %dma_wait3A_655 = arith.constant 4 : i32
        %dma_wait3A_656 = arith.constant 4 : i32
        %dma_wait3A_657 = arith.constant 0 : i32
        %dma_wait3A_658 = arith.constant 0 : i32
        %dma_wait3A_659 = tpu.memref_slice %arg8[%dma_wait3A_655, %dma_wait3A_657, %dma_wait3A_658] : memref<8x128x64xf32, #tpu.memory_space<vmem>> -> memref<1x128x64xf32, #tpu.memory_space<vmem>>
        %dma_wait3A_660 = tpu.memref_squeeze %dma_wait3A_659 : memref<1x128x64xf32, #tpu.memory_space<vmem>> -> memref<128x64xf32, #tpu.memory_space<vmem>>
        %dma_wait3A_661 = arith.constant 0 : i32
        %dma_wait3A_662 = tpu.memref_slice %arg7[%sub3A_654, %dma_wait3A_661] : memref<80x128xi32, #tpu.memory_space<vmem>> -> memref<1x128xi32, #tpu.memory_space<vmem>>
        %dma_wait3A_663 = tpu.memref_squeeze %dma_wait3A_662 : memref<1x128xi32, #tpu.memory_space<vmem>> -> memref<128xi32, #tpu.memory_space<vmem>>
        %dma_wait3A_664 = arith.constant 0 : i32
        %dma_wait3A_665 = arith.constant 0 : i32
        %dma_wait3A_666 = tpu.memref_slice %arg9[%dma_wait3A_664, %dma_wait3A_665] : memref<10112x64xf32, #tpu.memory_space<vmem_shared>> -> memref<10112x64xf32, #tpu.memory_space<vmem_shared>>
        %dma_wait3A_667 = tpu.memref_slice %arg11[%dma_wait3A_656] : memref<8x!tpu.dma_semaphore, #tpu.memory_space<semaphore_mem>> -> memref<1x!tpu.dma_semaphore, #tpu.memory_space<semaphore_mem>>
        %dma_wait3A_668 = tpu.memref_squeeze %dma_wait3A_667 : memref<1x!tpu.dma_semaphore, #tpu.memory_space<semaphore_mem>> -> memref<!tpu.dma_semaphore, #tpu.memory_space<semaphore_mem>>
        tpu.wait_indirect_dma semaphore(%dma_wait3A_668 : memref<!tpu.dma_semaphore, #tpu.memory_space<semaphore_mem>>) src(%dma_wait3A_660 : memref<128x64xf32, #tpu.memory_space<vmem>>) dst(%dma_wait3A_666 : memref<10112x64xf32, #tpu.memory_space<vmem_shared>>)
      } else {
      }
      %ge3A_541 = arith.constant 7 : i32
      %ge3A_542 = arith.cmpi sge, %sub3A_504, %ge3A_541 : i32
      %lt3A_543 = arith.constant 80 : i32
      %lt3A_544 = arith.cmpi slt, %sub3A_504, %lt3A_543 : i32
      %and3A_545 = arith.andi %ge3A_542, %lt3A_544 : i1
      %convert_element_type3A_546 = arith.extui %and3A_545 : i1 to i32
      %cond3A_547 = arith.constant 0 : i32
      %cond3A_548 = arith.cmpi ne, %convert_element_type3A_546, %cond3A_547 : i32
      scf.if %cond3A_548 {
        %dma_start3A_653 = arith.constant 4 : i32
        %dma_start3A_654 = arith.constant 4 : i32
        %dma_start3A_655 = arith.constant 0 : i32
        %dma_start3A_656 = arith.constant 0 : i32
        %dma_start3A_657 = tpu.memref_slice %arg8[%dma_start3A_653, %dma_start3A_655, %dma_start3A_656] : memref<8x128x64xf32, #tpu.memory_space<vmem>> -> memref<1x128x64xf32, #tpu.memory_space<vmem>>
        %dma_start3A_658 = tpu.memref_squeeze %dma_start3A_657 : memref<1x128x64xf32, #tpu.memory_space<vmem>> -> memref<128x64xf32, #tpu.memory_space<vmem>>
        %dma_start3A_659 = arith.constant 0 : i32
        %dma_start3A_660 = tpu.memref_slice %arg6[%sub3A_504, %dma_start3A_659] : memref<80x128xi32, #tpu.memory_space<vmem>> -> memref<1x128xi32, #tpu.memory_space<vmem>>
        %dma_start3A_661 = tpu.memref_squeeze %dma_start3A_660 : memref<1x128xi32, #tpu.memory_space<vmem>> -> memref<128xi32, #tpu.memory_space<vmem>>
        %dma_start3A_662 = arith.constant 0 : i32
        %dma_start3A_663 = arith.constant 0 : i32
        %dma_start3A_664 = tpu.memref_slice %arg2[%dma_start3A_662, %dma_start3A_663] : memref<10112x64xf32, #tpu.memory_space<hbm>> -> memref<10112x64xf32, #tpu.memory_space<hbm>>
        %dma_start3A_665 = tpu.memref_slice %arg10[%dma_start3A_654] : memref<8x!tpu.dma_semaphore, #tpu.memory_space<semaphore_mem>> -> memref<1x!tpu.dma_semaphore, #tpu.memory_space<semaphore_mem>>
        %dma_start3A_666 = tpu.memref_squeeze %dma_start3A_665 : memref<1x!tpu.dma_semaphore, #tpu.memory_space<semaphore_mem>> -> memref<!tpu.dma_semaphore, #tpu.memory_space<semaphore_mem>>
        tpu.enqueue_indirect_dma source(%dma_start3A_664 : memref<10112x64xf32, #tpu.memory_space<hbm>>) target(%dma_start3A_658 : memref<128x64xf32, #tpu.memory_space<vmem>>) offsets(%dma_start3A_661 : memref<128xi32, #tpu.memory_space<vmem>>) semaphore(%dma_start3A_666 : memref<!tpu.dma_semaphore, #tpu.memory_space<semaphore_mem>>)
      } else {
      }
      %mul3A_549 = arith.constant 8 : i32
      %mul3A_550 = arith.muli %scan3A_242, %mul3A_549 : i32
      %add3A_551 = arith.constant 6 : i32
      %add3A_552 = arith.addi %mul3A_550, %add3A_551 : i32
      %add3A_553 = arith.constant 8 : i32
      %add3A_554 = arith.addi %add3A_552, %add3A_553 : i32
      %sub3A_555 = arith.constant 1 : i32
      %sub3A_556 = arith.subi %add3A_554, %sub3A_555 : i32
      %dma_wait3A_557 = arith.constant 6 : i32
      %dma_wait3A_558 = arith.constant 6 : i32
      %dma_wait3A_559 = arith.constant 0 : i32
      %dma_wait3A_560 = arith.constant 0 : i32
      %dma_wait3A_561 = tpu.memref_slice %arg8[%dma_wait3A_557, %dma_wait3A_559, %dma_wait3A_560] : memref<8x128x64xf32, #tpu.memory_space<vmem>> -> memref<1x128x64xf32, #tpu.memory_space<vmem>>
      %dma_wait3A_562 = tpu.memref_squeeze %dma_wait3A_561 : memref<1x128x64xf32, #tpu.memory_space<vmem>> -> memref<128x64xf32, #tpu.memory_space<vmem>>
      %dma_wait3A_563 = arith.constant 0 : i32
      %dma_wait3A_564 = tpu.memref_slice %arg6[%add3A_552, %dma_wait3A_563] : memref<80x128xi32, #tpu.memory_space<vmem>> -> memref<1x128xi32, #tpu.memory_space<vmem>>
      %dma_wait3A_565 = tpu.memref_squeeze %dma_wait3A_564 : memref<1x128xi32, #tpu.memory_space<vmem>> -> memref<128xi32, #tpu.memory_space<vmem>>
      %dma_wait3A_566 = arith.constant 0 : i32
      %dma_wait3A_567 = arith.constant 0 : i32
      %dma_wait3A_568 = tpu.memref_slice %arg2[%dma_wait3A_566, %dma_wait3A_567] : memref<10112x64xf32, #tpu.memory_space<hbm>> -> memref<10112x64xf32, #tpu.memory_space<hbm>>
      %dma_wait3A_569 = tpu.memref_slice %arg10[%dma_wait3A_558] : memref<8x!tpu.dma_semaphore, #tpu.memory_space<semaphore_mem>> -> memref<1x!tpu.dma_semaphore, #tpu.memory_space<semaphore_mem>>
      %dma_wait3A_570 = tpu.memref_squeeze %dma_wait3A_569 : memref<1x!tpu.dma_semaphore, #tpu.memory_space<semaphore_mem>> -> memref<!tpu.dma_semaphore, #tpu.memory_space<semaphore_mem>>
      tpu.wait_indirect_dma semaphore(%dma_wait3A_570 : memref<!tpu.dma_semaphore, #tpu.memory_space<semaphore_mem>>) src(%dma_wait3A_568 : memref<10112x64xf32, #tpu.memory_space<hbm>>) dst(%dma_wait3A_562 : memref<128x64xf32, #tpu.memory_space<vmem>>)
      %dma_start3A_571 = arith.constant 6 : i32
      %dma_start3A_572 = arith.constant 6 : i32
      %dma_start3A_573 = arith.constant 0 : i32
      %dma_start3A_574 = arith.constant 0 : i32
      %dma_start3A_575 = tpu.memref_slice %arg8[%dma_start3A_571, %dma_start3A_573, %dma_start3A_574] : memref<8x128x64xf32, #tpu.memory_space<vmem>> -> memref<1x128x64xf32, #tpu.memory_space<vmem>>
      %dma_start3A_576 = tpu.memref_squeeze %dma_start3A_575 : memref<1x128x64xf32, #tpu.memory_space<vmem>> -> memref<128x64xf32, #tpu.memory_space<vmem>>
      %dma_start3A_577 = arith.constant 0 : i32
      %dma_start3A_578 = tpu.memref_slice %arg7[%add3A_552, %dma_start3A_577] : memref<80x128xi32, #tpu.memory_space<vmem>> -> memref<1x128xi32, #tpu.memory_space<vmem>>
      %dma_start3A_579 = tpu.memref_squeeze %dma_start3A_578 : memref<1x128xi32, #tpu.memory_space<vmem>> -> memref<128xi32, #tpu.memory_space<vmem>>
      %dma_start3A_580 = arith.constant 0 : i32
      %dma_start3A_581 = arith.constant 0 : i32
      %dma_start3A_582 = tpu.memref_slice %arg9[%dma_start3A_580, %dma_start3A_581] : memref<10112x64xf32, #tpu.memory_space<vmem_shared>> -> memref<10112x64xf32, #tpu.memory_space<vmem_shared>>
      %dma_start3A_583 = tpu.memref_slice %arg11[%dma_start3A_572] : memref<8x!tpu.dma_semaphore, #tpu.memory_space<semaphore_mem>> -> memref<1x!tpu.dma_semaphore, #tpu.memory_space<semaphore_mem>>
      %dma_start3A_584 = tpu.memref_squeeze %dma_start3A_583 : memref<1x!tpu.dma_semaphore, #tpu.memory_space<semaphore_mem>> -> memref<!tpu.dma_semaphore, #tpu.memory_space<semaphore_mem>>
      tpu.enqueue_indirect_dma source(%dma_start3A_576 : memref<128x64xf32, #tpu.memory_space<vmem>>) target(%dma_start3A_582 : memref<10112x64xf32, #tpu.memory_space<vmem_shared>>) offsets(%dma_start3A_579 : memref<128xi32, #tpu.memory_space<vmem>>) semaphore(%dma_start3A_584 : memref<!tpu.dma_semaphore, #tpu.memory_space<semaphore_mem>>) {add = true}
      %ge3A_585 = arith.constant 8 : i32
      %ge3A_586 = arith.cmpi sge, %sub3A_556, %ge3A_585 : i32
      %lt3A_587 = arith.constant 80 : i32
      %lt3A_588 = arith.cmpi slt, %sub3A_556, %lt3A_587 : i32
      %and3A_589 = arith.andi %ge3A_586, %lt3A_588 : i1
      %convert_element_type3A_590 = arith.extui %and3A_589 : i1 to i32
      %cond3A_591 = arith.constant 0 : i32
      %cond3A_592 = arith.cmpi ne, %convert_element_type3A_590, %cond3A_591 : i32
      scf.if %cond3A_592 {
        %sub3A_653 = arith.constant 1 : i32
        %sub3A_654 = arith.subi %add3A_552, %sub3A_653 : i32
        %dma_wait3A_655 = arith.constant 5 : i32
        %dma_wait3A_656 = arith.constant 5 : i32
        %dma_wait3A_657 = arith.constant 0 : i32
        %dma_wait3A_658 = arith.constant 0 : i32
        %dma_wait3A_659 = tpu.memref_slice %arg8[%dma_wait3A_655, %dma_wait3A_657, %dma_wait3A_658] : memref<8x128x64xf32, #tpu.memory_space<vmem>> -> memref<1x128x64xf32, #tpu.memory_space<vmem>>
        %dma_wait3A_660 = tpu.memref_squeeze %dma_wait3A_659 : memref<1x128x64xf32, #tpu.memory_space<vmem>> -> memref<128x64xf32, #tpu.memory_space<vmem>>
        %dma_wait3A_661 = arith.constant 0 : i32
        %dma_wait3A_662 = tpu.memref_slice %arg7[%sub3A_654, %dma_wait3A_661] : memref<80x128xi32, #tpu.memory_space<vmem>> -> memref<1x128xi32, #tpu.memory_space<vmem>>
        %dma_wait3A_663 = tpu.memref_squeeze %dma_wait3A_662 : memref<1x128xi32, #tpu.memory_space<vmem>> -> memref<128xi32, #tpu.memory_space<vmem>>
        %dma_wait3A_664 = arith.constant 0 : i32
        %dma_wait3A_665 = arith.constant 0 : i32
        %dma_wait3A_666 = tpu.memref_slice %arg9[%dma_wait3A_664, %dma_wait3A_665] : memref<10112x64xf32, #tpu.memory_space<vmem_shared>> -> memref<10112x64xf32, #tpu.memory_space<vmem_shared>>
        %dma_wait3A_667 = tpu.memref_slice %arg11[%dma_wait3A_656] : memref<8x!tpu.dma_semaphore, #tpu.memory_space<semaphore_mem>> -> memref<1x!tpu.dma_semaphore, #tpu.memory_space<semaphore_mem>>
        %dma_wait3A_668 = tpu.memref_squeeze %dma_wait3A_667 : memref<1x!tpu.dma_semaphore, #tpu.memory_space<semaphore_mem>> -> memref<!tpu.dma_semaphore, #tpu.memory_space<semaphore_mem>>
        tpu.wait_indirect_dma semaphore(%dma_wait3A_668 : memref<!tpu.dma_semaphore, #tpu.memory_space<semaphore_mem>>) src(%dma_wait3A_660 : memref<128x64xf32, #tpu.memory_space<vmem>>) dst(%dma_wait3A_666 : memref<10112x64xf32, #tpu.memory_space<vmem_shared>>)
      } else {
      }
      %ge3A_593 = arith.constant 7 : i32
      %ge3A_594 = arith.cmpi sge, %sub3A_556, %ge3A_593 : i32
      %lt3A_595 = arith.constant 80 : i32
      %lt3A_596 = arith.cmpi slt, %sub3A_556, %lt3A_595 : i32
      %and3A_597 = arith.andi %ge3A_594, %lt3A_596 : i1
      %convert_element_type3A_598 = arith.extui %and3A_597 : i1 to i32
      %cond3A_599 = arith.constant 0 : i32
      %cond3A_600 = arith.cmpi ne, %convert_element_type3A_598, %cond3A_599 : i32
      scf.if %cond3A_600 {
        %dma_start3A_653 = arith.constant 5 : i32
        %dma_start3A_654 = arith.constant 5 : i32
        %dma_start3A_655 = arith.constant 0 : i32
        %dma_start3A_656 = arith.constant 0 : i32
        %dma_start3A_657 = tpu.memref_slice %arg8[%dma_start3A_653, %dma_start3A_655, %dma_start3A_656] : memref<8x128x64xf32, #tpu.memory_space<vmem>> -> memref<1x128x64xf32, #tpu.memory_space<vmem>>
        %dma_start3A_658 = tpu.memref_squeeze %dma_start3A_657 : memref<1x128x64xf32, #tpu.memory_space<vmem>> -> memref<128x64xf32, #tpu.memory_space<vmem>>
        %dma_start3A_659 = arith.constant 0 : i32
        %dma_start3A_660 = tpu.memref_slice %arg6[%sub3A_556, %dma_start3A_659] : memref<80x128xi32, #tpu.memory_space<vmem>> -> memref<1x128xi32, #tpu.memory_space<vmem>>
        %dma_start3A_661 = tpu.memref_squeeze %dma_start3A_660 : memref<1x128xi32, #tpu.memory_space<vmem>> -> memref<128xi32, #tpu.memory_space<vmem>>
        %dma_start3A_662 = arith.constant 0 : i32
        %dma_start3A_663 = arith.constant 0 : i32
        %dma_start3A_664 = tpu.memref_slice %arg2[%dma_start3A_662, %dma_start3A_663] : memref<10112x64xf32, #tpu.memory_space<hbm>> -> memref<10112x64xf32, #tpu.memory_space<hbm>>
        %dma_start3A_665 = tpu.memref_slice %arg10[%dma_start3A_654] : memref<8x!tpu.dma_semaphore, #tpu.memory_space<semaphore_mem>> -> memref<1x!tpu.dma_semaphore, #tpu.memory_space<semaphore_mem>>
        %dma_start3A_666 = tpu.memref_squeeze %dma_start3A_665 : memref<1x!tpu.dma_semaphore, #tpu.memory_space<semaphore_mem>> -> memref<!tpu.dma_semaphore, #tpu.memory_space<semaphore_mem>>
        tpu.enqueue_indirect_dma source(%dma_start3A_664 : memref<10112x64xf32, #tpu.memory_space<hbm>>) target(%dma_start3A_658 : memref<128x64xf32, #tpu.memory_space<vmem>>) offsets(%dma_start3A_661 : memref<128xi32, #tpu.memory_space<vmem>>) semaphore(%dma_start3A_666 : memref<!tpu.dma_semaphore, #tpu.memory_space<semaphore_mem>>)
      } else {
      }
      %mul3A_601 = arith.constant 8 : i32
      %mul3A_602 = arith.muli %scan3A_242, %mul3A_601 : i32
      %add3A_603 = arith.constant 7 : i32
      %add3A_604 = arith.addi %mul3A_602, %add3A_603 : i32
      %add3A_605 = arith.constant 8 : i32
      %add3A_606 = arith.addi %add3A_604, %add3A_605 : i32
      %sub3A_607 = arith.constant 1 : i32
      %sub3A_608 = arith.subi %add3A_606, %sub3A_607 : i32
      %dma_wait3A_609 = arith.constant 7 : i32
      %dma_wait3A_610 = arith.constant 7 : i32
      %dma_wait3A_611 = arith.constant 0 : i32
      %dma_wait3A_612 = arith.constant 0 : i32
      %dma_wait3A_613 = tpu.memref_slice %arg8[%dma_wait3A_609, %dma_wait3A_611, %dma_wait3A_612] : memref<8x128x64xf32, #tpu.memory_space<vmem>> -> memref<1x128x64xf32, #tpu.memory_space<vmem>>
      %dma_wait3A_614 = tpu.memref_squeeze %dma_wait3A_613 : memref<1x128x64xf32, #tpu.memory_space<vmem>> -> memref<128x64xf32, #tpu.memory_space<vmem>>
      %dma_wait3A_615 = arith.constant 0 : i32
      %dma_wait3A_616 = tpu.memref_slice %arg6[%add3A_604, %dma_wait3A_615] : memref<80x128xi32, #tpu.memory_space<vmem>> -> memref<1x128xi32, #tpu.memory_space<vmem>>
      %dma_wait3A_617 = tpu.memref_squeeze %dma_wait3A_616 : memref<1x128xi32, #tpu.memory_space<vmem>> -> memref<128xi32, #tpu.memory_space<vmem>>
      %dma_wait3A_618 = arith.constant 0 : i32
      %dma_wait3A_619 = arith.constant 0 : i32
      %dma_wait3A_620 = tpu.memref_slice %arg2[%dma_wait3A_618, %dma_wait3A_619] : memref<10112x64xf32, #tpu.memory_space<hbm>> -> memref<10112x64xf32, #tpu.memory_space<hbm>>
      %dma_wait3A_621 = tpu.memref_slice %arg10[%dma_wait3A_610] : memref<8x!tpu.dma_semaphore, #tpu.memory_space<semaphore_mem>> -> memref<1x!tpu.dma_semaphore, #tpu.memory_space<semaphore_mem>>
      %dma_wait3A_622 = tpu.memref_squeeze %dma_wait3A_621 : memref<1x!tpu.dma_semaphore, #tpu.memory_space<semaphore_mem>> -> memref<!tpu.dma_semaphore, #tpu.memory_space<semaphore_mem>>
      tpu.wait_indirect_dma semaphore(%dma_wait3A_622 : memref<!tpu.dma_semaphore, #tpu.memory_space<semaphore_mem>>) src(%dma_wait3A_620 : memref<10112x64xf32, #tpu.memory_space<hbm>>) dst(%dma_wait3A_614 : memref<128x64xf32, #tpu.memory_space<vmem>>)
      %dma_start3A_623 = arith.constant 7 : i32
      %dma_start3A_624 = arith.constant 7 : i32
      %dma_start3A_625 = arith.constant 0 : i32
      %dma_start3A_626 = arith.constant 0 : i32
      %dma_start3A_627 = tpu.memref_slice %arg8[%dma_start3A_623, %dma_start3A_625, %dma_start3A_626] : memref<8x128x64xf32, #tpu.memory_space<vmem>> -> memref<1x128x64xf32, #tpu.memory_space<vmem>>
      %dma_start3A_628 = tpu.memref_squeeze %dma_start3A_627 : memref<1x128x64xf32, #tpu.memory_space<vmem>> -> memref<128x64xf32, #tpu.memory_space<vmem>>
      %dma_start3A_629 = arith.constant 0 : i32
      %dma_start3A_630 = tpu.memref_slice %arg7[%add3A_604, %dma_start3A_629] : memref<80x128xi32, #tpu.memory_space<vmem>> -> memref<1x128xi32, #tpu.memory_space<vmem>>
      %dma_start3A_631 = tpu.memref_squeeze %dma_start3A_630 : memref<1x128xi32, #tpu.memory_space<vmem>> -> memref<128xi32, #tpu.memory_space<vmem>>
      %dma_start3A_632 = arith.constant 0 : i32
      %dma_start3A_633 = arith.constant 0 : i32
      %dma_start3A_634 = tpu.memref_slice %arg9[%dma_start3A_632, %dma_start3A_633] : memref<10112x64xf32, #tpu.memory_space<vmem_shared>> -> memref<10112x64xf32, #tpu.memory_space<vmem_shared>>
      %dma_start3A_635 = tpu.memref_slice %arg11[%dma_start3A_624] : memref<8x!tpu.dma_semaphore, #tpu.memory_space<semaphore_mem>> -> memref<1x!tpu.dma_semaphore, #tpu.memory_space<semaphore_mem>>
      %dma_start3A_636 = tpu.memref_squeeze %dma_start3A_635 : memref<1x!tpu.dma_semaphore, #tpu.memory_space<semaphore_mem>> -> memref<!tpu.dma_semaphore, #tpu.memory_space<semaphore_mem>>
      tpu.enqueue_indirect_dma source(%dma_start3A_628 : memref<128x64xf32, #tpu.memory_space<vmem>>) target(%dma_start3A_634 : memref<10112x64xf32, #tpu.memory_space<vmem_shared>>) offsets(%dma_start3A_631 : memref<128xi32, #tpu.memory_space<vmem>>) semaphore(%dma_start3A_636 : memref<!tpu.dma_semaphore, #tpu.memory_space<semaphore_mem>>) {add = true}
      %ge3A_637 = arith.constant 8 : i32
      %ge3A_638 = arith.cmpi sge, %sub3A_608, %ge3A_637 : i32
      %lt3A_639 = arith.constant 80 : i32
      %lt3A_640 = arith.cmpi slt, %sub3A_608, %lt3A_639 : i32
      %and3A_641 = arith.andi %ge3A_638, %lt3A_640 : i1
      %convert_element_type3A_642 = arith.extui %and3A_641 : i1 to i32
      %cond3A_643 = arith.constant 0 : i32
      %cond3A_644 = arith.cmpi ne, %convert_element_type3A_642, %cond3A_643 : i32
      scf.if %cond3A_644 {
        %sub3A_653 = arith.constant 1 : i32
        %sub3A_654 = arith.subi %add3A_604, %sub3A_653 : i32
        %dma_wait3A_655 = arith.constant 6 : i32
        %dma_wait3A_656 = arith.constant 6 : i32
        %dma_wait3A_657 = arith.constant 0 : i32
        %dma_wait3A_658 = arith.constant 0 : i32
        %dma_wait3A_659 = tpu.memref_slice %arg8[%dma_wait3A_655, %dma_wait3A_657, %dma_wait3A_658] : memref<8x128x64xf32, #tpu.memory_space<vmem>> -> memref<1x128x64xf32, #tpu.memory_space<vmem>>
        %dma_wait3A_660 = tpu.memref_squeeze %dma_wait3A_659 : memref<1x128x64xf32, #tpu.memory_space<vmem>> -> memref<128x64xf32, #tpu.memory_space<vmem>>
        %dma_wait3A_661 = arith.constant 0 : i32
        %dma_wait3A_662 = tpu.memref_slice %arg7[%sub3A_654, %dma_wait3A_661] : memref<80x128xi32, #tpu.memory_space<vmem>> -> memref<1x128xi32, #tpu.memory_space<vmem>>
        %dma_wait3A_663 = tpu.memref_squeeze %dma_wait3A_662 : memref<1x128xi32, #tpu.memory_space<vmem>> -> memref<128xi32, #tpu.memory_space<vmem>>
        %dma_wait3A_664 = arith.constant 0 : i32
        %dma_wait3A_665 = arith.constant 0 : i32
        %dma_wait3A_666 = tpu.memref_slice %arg9[%dma_wait3A_664, %dma_wait3A_665] : memref<10112x64xf32, #tpu.memory_space<vmem_shared>> -> memref<10112x64xf32, #tpu.memory_space<vmem_shared>>
        %dma_wait3A_667 = tpu.memref_slice %arg11[%dma_wait3A_656] : memref<8x!tpu.dma_semaphore, #tpu.memory_space<semaphore_mem>> -> memref<1x!tpu.dma_semaphore, #tpu.memory_space<semaphore_mem>>
        %dma_wait3A_668 = tpu.memref_squeeze %dma_wait3A_667 : memref<1x!tpu.dma_semaphore, #tpu.memory_space<semaphore_mem>> -> memref<!tpu.dma_semaphore, #tpu.memory_space<semaphore_mem>>
        tpu.wait_indirect_dma semaphore(%dma_wait3A_668 : memref<!tpu.dma_semaphore, #tpu.memory_space<semaphore_mem>>) src(%dma_wait3A_660 : memref<128x64xf32, #tpu.memory_space<vmem>>) dst(%dma_wait3A_666 : memref<10112x64xf32, #tpu.memory_space<vmem_shared>>)
      } else {
      }
      %ge3A_645 = arith.constant 7 : i32
      %ge3A_646 = arith.cmpi sge, %sub3A_608, %ge3A_645 : i32
      %lt3A_647 = arith.constant 80 : i32
      %lt3A_648 = arith.cmpi slt, %sub3A_608, %lt3A_647 : i32
      %and3A_649 = arith.andi %ge3A_646, %lt3A_648 : i1
      %convert_element_type3A_650 = arith.extui %and3A_649 : i1 to i32
      %cond3A_651 = arith.constant 0 : i32
      %cond3A_652 = arith.cmpi ne, %convert_element_type3A_650, %cond3A_651 : i32
      scf.if %cond3A_652 {
        %dma_start3A_653 = arith.constant 6 : i32
        %dma_start3A_654 = arith.constant 6 : i32
        %dma_start3A_655 = arith.constant 0 : i32
        %dma_start3A_656 = arith.constant 0 : i32
        %dma_start3A_657 = tpu.memref_slice %arg8[%dma_start3A_653, %dma_start3A_655, %dma_start3A_656] : memref<8x128x64xf32, #tpu.memory_space<vmem>> -> memref<1x128x64xf32, #tpu.memory_space<vmem>>
        %dma_start3A_658 = tpu.memref_squeeze %dma_start3A_657 : memref<1x128x64xf32, #tpu.memory_space<vmem>> -> memref<128x64xf32, #tpu.memory_space<vmem>>
        %dma_start3A_659 = arith.constant 0 : i32
        %dma_start3A_660 = tpu.memref_slice %arg6[%sub3A_608, %dma_start3A_659] : memref<80x128xi32, #tpu.memory_space<vmem>> -> memref<1x128xi32, #tpu.memory_space<vmem>>
        %dma_start3A_661 = tpu.memref_squeeze %dma_start3A_660 : memref<1x128xi32, #tpu.memory_space<vmem>> -> memref<128xi32, #tpu.memory_space<vmem>>
        %dma_start3A_662 = arith.constant 0 : i32
        %dma_start3A_663 = arith.constant 0 : i32
        %dma_start3A_664 = tpu.memref_slice %arg2[%dma_start3A_662, %dma_start3A_663] : memref<10112x64xf32, #tpu.memory_space<hbm>> -> memref<10112x64xf32, #tpu.memory_space<hbm>>
        %dma_start3A_665 = tpu.memref_slice %arg10[%dma_start3A_654] : memref<8x!tpu.dma_semaphore, #tpu.memory_space<semaphore_mem>> -> memref<1x!tpu.dma_semaphore, #tpu.memory_space<semaphore_mem>>
        %dma_start3A_666 = tpu.memref_squeeze %dma_start3A_665 : memref<1x!tpu.dma_semaphore, #tpu.memory_space<semaphore_mem>> -> memref<!tpu.dma_semaphore, #tpu.memory_space<semaphore_mem>>
        tpu.enqueue_indirect_dma source(%dma_start3A_664 : memref<10112x64xf32, #tpu.memory_space<hbm>>) target(%dma_start3A_658 : memref<128x64xf32, #tpu.memory_space<vmem>>) offsets(%dma_start3A_661 : memref<128xi32, #tpu.memory_space<vmem>>) semaphore(%dma_start3A_666 : memref<!tpu.dma_semaphore, #tpu.memory_space<semaphore_mem>>)
      } else {
      }
    }
    %scan3A_114 = arith.constant 10 : i32
    %dma_wait3A = arith.constant 0 : i32
    %dma_wait3A_115 = arith.constant 72 : i32
    %dma_wait3A_116 = arith.constant 0 : i32
    %dma_wait3A_117 = arith.constant 0 : i32
    %dma_wait3A_118 = arith.constant 0 : i32
    %dma_wait3A_119 = tpu.memref_slice %arg8[%dma_wait3A, %dma_wait3A_117, %dma_wait3A_118] : memref<8x128x64xf32, #tpu.memory_space<vmem>> -> memref<1x128x64xf32, #tpu.memory_space<vmem>>
    %dma_wait3A_120 = tpu.memref_squeeze %dma_wait3A_119 : memref<1x128x64xf32, #tpu.memory_space<vmem>> -> memref<128x64xf32, #tpu.memory_space<vmem>>
    %dma_wait3A_121 = arith.constant 0 : i32
    %dma_wait3A_122 = tpu.memref_slice %arg7[%dma_wait3A_115, %dma_wait3A_121] : memref<80x128xi32, #tpu.memory_space<vmem>> -> memref<1x128xi32, #tpu.memory_space<vmem>>
    %dma_wait3A_123 = tpu.memref_squeeze %dma_wait3A_122 : memref<1x128xi32, #tpu.memory_space<vmem>> -> memref<128xi32, #tpu.memory_space<vmem>>
    %dma_wait3A_124 = arith.constant 0 : i32
    %dma_wait3A_125 = arith.constant 0 : i32
    %dma_wait3A_126 = tpu.memref_slice %arg9[%dma_wait3A_124, %dma_wait3A_125] : memref<10112x64xf32, #tpu.memory_space<vmem_shared>> -> memref<10112x64xf32, #tpu.memory_space<vmem_shared>>
    %dma_wait3A_127 = tpu.memref_slice %arg11[%dma_wait3A_116] : memref<8x!tpu.dma_semaphore, #tpu.memory_space<semaphore_mem>> -> memref<1x!tpu.dma_semaphore, #tpu.memory_space<semaphore_mem>>
    %dma_wait3A_128 = tpu.memref_squeeze %dma_wait3A_127 : memref<1x!tpu.dma_semaphore, #tpu.memory_space<semaphore_mem>> -> memref<!tpu.dma_semaphore, #tpu.memory_space<semaphore_mem>>
    tpu.wait_indirect_dma semaphore(%dma_wait3A_128 : memref<!tpu.dma_semaphore, #tpu.memory_space<semaphore_mem>>) src(%dma_wait3A_120 : memref<128x64xf32, #tpu.memory_space<vmem>>) dst(%dma_wait3A_126 : memref<10112x64xf32, #tpu.memory_space<vmem_shared>>)
    %dma_wait3A_129 = arith.constant 1 : i32
    %dma_wait3A_130 = arith.constant 73 : i32
    %dma_wait3A_131 = arith.constant 1 : i32
    %dma_wait3A_132 = arith.constant 0 : i32
    %dma_wait3A_133 = arith.constant 0 : i32
    %dma_wait3A_134 = tpu.memref_slice %arg8[%dma_wait3A_129, %dma_wait3A_132, %dma_wait3A_133] : memref<8x128x64xf32, #tpu.memory_space<vmem>> -> memref<1x128x64xf32, #tpu.memory_space<vmem>>
    %dma_wait3A_135 = tpu.memref_squeeze %dma_wait3A_134 : memref<1x128x64xf32, #tpu.memory_space<vmem>> -> memref<128x64xf32, #tpu.memory_space<vmem>>
    %dma_wait3A_136 = arith.constant 0 : i32
    %dma_wait3A_137 = tpu.memref_slice %arg7[%dma_wait3A_130, %dma_wait3A_136] : memref<80x128xi32, #tpu.memory_space<vmem>> -> memref<1x128xi32, #tpu.memory_space<vmem>>
    %dma_wait3A_138 = tpu.memref_squeeze %dma_wait3A_137 : memref<1x128xi32, #tpu.memory_space<vmem>> -> memref<128xi32, #tpu.memory_space<vmem>>
    %dma_wait3A_139 = arith.constant 0 : i32
    %dma_wait3A_140 = arith.constant 0 : i32
    %dma_wait3A_141 = tpu.memref_slice %arg9[%dma_wait3A_139, %dma_wait3A_140] : memref<10112x64xf32, #tpu.memory_space<vmem_shared>> -> memref<10112x64xf32, #tpu.memory_space<vmem_shared>>
    %dma_wait3A_142 = tpu.memref_slice %arg11[%dma_wait3A_131] : memref<8x!tpu.dma_semaphore, #tpu.memory_space<semaphore_mem>> -> memref<1x!tpu.dma_semaphore, #tpu.memory_space<semaphore_mem>>
    %dma_wait3A_143 = tpu.memref_squeeze %dma_wait3A_142 : memref<1x!tpu.dma_semaphore, #tpu.memory_space<semaphore_mem>> -> memref<!tpu.dma_semaphore, #tpu.memory_space<semaphore_mem>>
    tpu.wait_indirect_dma semaphore(%dma_wait3A_143 : memref<!tpu.dma_semaphore, #tpu.memory_space<semaphore_mem>>) src(%dma_wait3A_135 : memref<128x64xf32, #tpu.memory_space<vmem>>) dst(%dma_wait3A_141 : memref<10112x64xf32, #tpu.memory_space<vmem_shared>>)
    %dma_wait3A_144 = arith.constant 2 : i32
    %dma_wait3A_145 = arith.constant 74 : i32
    %dma_wait3A_146 = arith.constant 2 : i32
    %dma_wait3A_147 = arith.constant 0 : i32
    %dma_wait3A_148 = arith.constant 0 : i32
    %dma_wait3A_149 = tpu.memref_slice %arg8[%dma_wait3A_144, %dma_wait3A_147, %dma_wait3A_148] : memref<8x128x64xf32, #tpu.memory_space<vmem>> -> memref<1x128x64xf32, #tpu.memory_space<vmem>>
    %dma_wait3A_150 = tpu.memref_squeeze %dma_wait3A_149 : memref<1x128x64xf32, #tpu.memory_space<vmem>> -> memref<128x64xf32, #tpu.memory_space<vmem>>
    %dma_wait3A_151 = arith.constant 0 : i32
    %dma_wait3A_152 = tpu.memref_slice %arg7[%dma_wait3A_145, %dma_wait3A_151] : memref<80x128xi32, #tpu.memory_space<vmem>> -> memref<1x128xi32, #tpu.memory_space<vmem>>
    %dma_wait3A_153 = tpu.memref_squeeze %dma_wait3A_152 : memref<1x128xi32, #tpu.memory_space<vmem>> -> memref<128xi32, #tpu.memory_space<vmem>>
    %dma_wait3A_154 = arith.constant 0 : i32
    %dma_wait3A_155 = arith.constant 0 : i32
    %dma_wait3A_156 = tpu.memref_slice %arg9[%dma_wait3A_154, %dma_wait3A_155] : memref<10112x64xf32, #tpu.memory_space<vmem_shared>> -> memref<10112x64xf32, #tpu.memory_space<vmem_shared>>
    %dma_wait3A_157 = tpu.memref_slice %arg11[%dma_wait3A_146] : memref<8x!tpu.dma_semaphore, #tpu.memory_space<semaphore_mem>> -> memref<1x!tpu.dma_semaphore, #tpu.memory_space<semaphore_mem>>
    %dma_wait3A_158 = tpu.memref_squeeze %dma_wait3A_157 : memref<1x!tpu.dma_semaphore, #tpu.memory_space<semaphore_mem>> -> memref<!tpu.dma_semaphore, #tpu.memory_space<semaphore_mem>>
    tpu.wait_indirect_dma semaphore(%dma_wait3A_158 : memref<!tpu.dma_semaphore, #tpu.memory_space<semaphore_mem>>) src(%dma_wait3A_150 : memref<128x64xf32, #tpu.memory_space<vmem>>) dst(%dma_wait3A_156 : memref<10112x64xf32, #tpu.memory_space<vmem_shared>>)
    %dma_wait3A_159 = arith.constant 3 : i32
    %dma_wait3A_160 = arith.constant 75 : i32
    %dma_wait3A_161 = arith.constant 3 : i32
    %dma_wait3A_162 = arith.constant 0 : i32
    %dma_wait3A_163 = arith.constant 0 : i32
    %dma_wait3A_164 = tpu.memref_slice %arg8[%dma_wait3A_159, %dma_wait3A_162, %dma_wait3A_163] : memref<8x128x64xf32, #tpu.memory_space<vmem>> -> memref<1x128x64xf32, #tpu.memory_space<vmem>>
    %dma_wait3A_165 = tpu.memref_squeeze %dma_wait3A_164 : memref<1x128x64xf32, #tpu.memory_space<vmem>> -> memref<128x64xf32, #tpu.memory_space<vmem>>
    %dma_wait3A_166 = arith.constant 0 : i32
    %dma_wait3A_167 = tpu.memref_slice %arg7[%dma_wait3A_160, %dma_wait3A_166] : memref<80x128xi32, #tpu.memory_space<vmem>> -> memref<1x128xi32, #tpu.memory_space<vmem>>
    %dma_wait3A_168 = tpu.memref_squeeze %dma_wait3A_167 : memref<1x128xi32, #tpu.memory_space<vmem>> -> memref<128xi32, #tpu.memory_space<vmem>>
    %dma_wait3A_169 = arith.constant 0 : i32
    %dma_wait3A_170 = arith.constant 0 : i32
    %dma_wait3A_171 = tpu.memref_slice %arg9[%dma_wait3A_169, %dma_wait3A_170] : memref<10112x64xf32, #tpu.memory_space<vmem_shared>> -> memref<10112x64xf32, #tpu.memory_space<vmem_shared>>
    %dma_wait3A_172 = tpu.memref_slice %arg11[%dma_wait3A_161] : memref<8x!tpu.dma_semaphore, #tpu.memory_space<semaphore_mem>> -> memref<1x!tpu.dma_semaphore, #tpu.memory_space<semaphore_mem>>
    %dma_wait3A_173 = tpu.memref_squeeze %dma_wait3A_172 : memref<1x!tpu.dma_semaphore, #tpu.memory_space<semaphore_mem>> -> memref<!tpu.dma_semaphore, #tpu.memory_space<semaphore_mem>>
    tpu.wait_indirect_dma semaphore(%dma_wait3A_173 : memref<!tpu.dma_semaphore, #tpu.memory_space<semaphore_mem>>) src(%dma_wait3A_165 : memref<128x64xf32, #tpu.memory_space<vmem>>) dst(%dma_wait3A_171 : memref<10112x64xf32, #tpu.memory_space<vmem_shared>>)
    %dma_wait3A_174 = arith.constant 4 : i32
    %dma_wait3A_175 = arith.constant 76 : i32
    %dma_wait3A_176 = arith.constant 4 : i32
    %dma_wait3A_177 = arith.constant 0 : i32
    %dma_wait3A_178 = arith.constant 0 : i32
    %dma_wait3A_179 = tpu.memref_slice %arg8[%dma_wait3A_174, %dma_wait3A_177, %dma_wait3A_178] : memref<8x128x64xf32, #tpu.memory_space<vmem>> -> memref<1x128x64xf32, #tpu.memory_space<vmem>>
    %dma_wait3A_180 = tpu.memref_squeeze %dma_wait3A_179 : memref<1x128x64xf32, #tpu.memory_space<vmem>> -> memref<128x64xf32, #tpu.memory_space<vmem>>
    %dma_wait3A_181 = arith.constant 0 : i32
    %dma_wait3A_182 = tpu.memref_slice %arg7[%dma_wait3A_175, %dma_wait3A_181] : memref<80x128xi32, #tpu.memory_space<vmem>> -> memref<1x128xi32, #tpu.memory_space<vmem>>
    %dma_wait3A_183 = tpu.memref_squeeze %dma_wait3A_182 : memref<1x128xi32, #tpu.memory_space<vmem>> -> memref<128xi32, #tpu.memory_space<vmem>>
    %dma_wait3A_184 = arith.constant 0 : i32
    %dma_wait3A_185 = arith.constant 0 : i32
    %dma_wait3A_186 = tpu.memref_slice %arg9[%dma_wait3A_184, %dma_wait3A_185] : memref<10112x64xf32, #tpu.memory_space<vmem_shared>> -> memref<10112x64xf32, #tpu.memory_space<vmem_shared>>
    %dma_wait3A_187 = tpu.memref_slice %arg11[%dma_wait3A_176] : memref<8x!tpu.dma_semaphore, #tpu.memory_space<semaphore_mem>> -> memref<1x!tpu.dma_semaphore, #tpu.memory_space<semaphore_mem>>
    %dma_wait3A_188 = tpu.memref_squeeze %dma_wait3A_187 : memref<1x!tpu.dma_semaphore, #tpu.memory_space<semaphore_mem>> -> memref<!tpu.dma_semaphore, #tpu.memory_space<semaphore_mem>>
    tpu.wait_indirect_dma semaphore(%dma_wait3A_188 : memref<!tpu.dma_semaphore, #tpu.memory_space<semaphore_mem>>) src(%dma_wait3A_180 : memref<128x64xf32, #tpu.memory_space<vmem>>) dst(%dma_wait3A_186 : memref<10112x64xf32, #tpu.memory_space<vmem_shared>>)
    %dma_wait3A_189 = arith.constant 5 : i32
    %dma_wait3A_190 = arith.constant 77 : i32
    %dma_wait3A_191 = arith.constant 5 : i32
    %dma_wait3A_192 = arith.constant 0 : i32
    %dma_wait3A_193 = arith.constant 0 : i32
    %dma_wait3A_194 = tpu.memref_slice %arg8[%dma_wait3A_189, %dma_wait3A_192, %dma_wait3A_193] : memref<8x128x64xf32, #tpu.memory_space<vmem>> -> memref<1x128x64xf32, #tpu.memory_space<vmem>>
    %dma_wait3A_195 = tpu.memref_squeeze %dma_wait3A_194 : memref<1x128x64xf32, #tpu.memory_space<vmem>> -> memref<128x64xf32, #tpu.memory_space<vmem>>
    %dma_wait3A_196 = arith.constant 0 : i32
    %dma_wait3A_197 = tpu.memref_slice %arg7[%dma_wait3A_190, %dma_wait3A_196] : memref<80x128xi32, #tpu.memory_space<vmem>> -> memref<1x128xi32, #tpu.memory_space<vmem>>
    %dma_wait3A_198 = tpu.memref_squeeze %dma_wait3A_197 : memref<1x128xi32, #tpu.memory_space<vmem>> -> memref<128xi32, #tpu.memory_space<vmem>>
    %dma_wait3A_199 = arith.constant 0 : i32
    %dma_wait3A_200 = arith.constant 0 : i32
    %dma_wait3A_201 = tpu.memref_slice %arg9[%dma_wait3A_199, %dma_wait3A_200] : memref<10112x64xf32, #tpu.memory_space<vmem_shared>> -> memref<10112x64xf32, #tpu.memory_space<vmem_shared>>
    %dma_wait3A_202 = tpu.memref_slice %arg11[%dma_wait3A_191] : memref<8x!tpu.dma_semaphore, #tpu.memory_space<semaphore_mem>> -> memref<1x!tpu.dma_semaphore, #tpu.memory_space<semaphore_mem>>
    %dma_wait3A_203 = tpu.memref_squeeze %dma_wait3A_202 : memref<1x!tpu.dma_semaphore, #tpu.memory_space<semaphore_mem>> -> memref<!tpu.dma_semaphore, #tpu.memory_space<semaphore_mem>>
    tpu.wait_indirect_dma semaphore(%dma_wait3A_203 : memref<!tpu.dma_semaphore, #tpu.memory_space<semaphore_mem>>) src(%dma_wait3A_195 : memref<128x64xf32, #tpu.memory_space<vmem>>) dst(%dma_wait3A_201 : memref<10112x64xf32, #tpu.memory_space<vmem_shared>>)
    %dma_wait3A_204 = arith.constant 6 : i32
    %dma_wait3A_205 = arith.constant 78 : i32
    %dma_wait3A_206 = arith.constant 6 : i32
    %dma_wait3A_207 = arith.constant 0 : i32
    %dma_wait3A_208 = arith.constant 0 : i32
    %dma_wait3A_209 = tpu.memref_slice %arg8[%dma_wait3A_204, %dma_wait3A_207, %dma_wait3A_208] : memref<8x128x64xf32, #tpu.memory_space<vmem>> -> memref<1x128x64xf32, #tpu.memory_space<vmem>>
    %dma_wait3A_210 = tpu.memref_squeeze %dma_wait3A_209 : memref<1x128x64xf32, #tpu.memory_space<vmem>> -> memref<128x64xf32, #tpu.memory_space<vmem>>
    %dma_wait3A_211 = arith.constant 0 : i32
    %dma_wait3A_212 = tpu.memref_slice %arg7[%dma_wait3A_205, %dma_wait3A_211] : memref<80x128xi32, #tpu.memory_space<vmem>> -> memref<1x128xi32, #tpu.memory_space<vmem>>
    %dma_wait3A_213 = tpu.memref_squeeze %dma_wait3A_212 : memref<1x128xi32, #tpu.memory_space<vmem>> -> memref<128xi32, #tpu.memory_space<vmem>>
    %dma_wait3A_214 = arith.constant 0 : i32
    %dma_wait3A_215 = arith.constant 0 : i32
    %dma_wait3A_216 = tpu.memref_slice %arg9[%dma_wait3A_214, %dma_wait3A_215] : memref<10112x64xf32, #tpu.memory_space<vmem_shared>> -> memref<10112x64xf32, #tpu.memory_space<vmem_shared>>
    %dma_wait3A_217 = tpu.memref_slice %arg11[%dma_wait3A_206] : memref<8x!tpu.dma_semaphore, #tpu.memory_space<semaphore_mem>> -> memref<1x!tpu.dma_semaphore, #tpu.memory_space<semaphore_mem>>
    %dma_wait3A_218 = tpu.memref_squeeze %dma_wait3A_217 : memref<1x!tpu.dma_semaphore, #tpu.memory_space<semaphore_mem>> -> memref<!tpu.dma_semaphore, #tpu.memory_space<semaphore_mem>>
    tpu.wait_indirect_dma semaphore(%dma_wait3A_218 : memref<!tpu.dma_semaphore, #tpu.memory_space<semaphore_mem>>) src(%dma_wait3A_210 : memref<128x64xf32, #tpu.memory_space<vmem>>) dst(%dma_wait3A_216 : memref<10112x64xf32, #tpu.memory_space<vmem_shared>>)
    %dma_wait3A_219 = arith.constant 7 : i32
    %dma_wait3A_220 = arith.constant 79 : i32
    %dma_wait3A_221 = arith.constant 7 : i32
    %dma_wait3A_222 = arith.constant 0 : i32
    %dma_wait3A_223 = arith.constant 0 : i32
    %dma_wait3A_224 = tpu.memref_slice %arg8[%dma_wait3A_219, %dma_wait3A_222, %dma_wait3A_223] : memref<8x128x64xf32, #tpu.memory_space<vmem>> -> memref<1x128x64xf32, #tpu.memory_space<vmem>>
    %dma_wait3A_225 = tpu.memref_squeeze %dma_wait3A_224 : memref<1x128x64xf32, #tpu.memory_space<vmem>> -> memref<128x64xf32, #tpu.memory_space<vmem>>
    %dma_wait3A_226 = arith.constant 0 : i32
    %dma_wait3A_227 = tpu.memref_slice %arg7[%dma_wait3A_220, %dma_wait3A_226] : memref<80x128xi32, #tpu.memory_space<vmem>> -> memref<1x128xi32, #tpu.memory_space<vmem>>
    %dma_wait3A_228 = tpu.memref_squeeze %dma_wait3A_227 : memref<1x128xi32, #tpu.memory_space<vmem>> -> memref<128xi32, #tpu.memory_space<vmem>>
    %dma_wait3A_229 = arith.constant 0 : i32
    %dma_wait3A_230 = arith.constant 0 : i32
    %dma_wait3A_231 = tpu.memref_slice %arg9[%dma_wait3A_229, %dma_wait3A_230] : memref<10112x64xf32, #tpu.memory_space<vmem_shared>> -> memref<10112x64xf32, #tpu.memory_space<vmem_shared>>
    %dma_wait3A_232 = tpu.memref_slice %arg11[%dma_wait3A_221] : memref<8x!tpu.dma_semaphore, #tpu.memory_space<semaphore_mem>> -> memref<1x!tpu.dma_semaphore, #tpu.memory_space<semaphore_mem>>
    %dma_wait3A_233 = tpu.memref_squeeze %dma_wait3A_232 : memref<1x!tpu.dma_semaphore, #tpu.memory_space<semaphore_mem>> -> memref<!tpu.dma_semaphore, #tpu.memory_space<semaphore_mem>>
    tpu.wait_indirect_dma semaphore(%dma_wait3A_233 : memref<!tpu.dma_semaphore, #tpu.memory_space<semaphore_mem>>) src(%dma_wait3A_225 : memref<128x64xf32, #tpu.memory_space<vmem>>) dst(%dma_wait3A_231 : memref<10112x64xf32, #tpu.memory_space<vmem_shared>>)
    %barrier3A_234 = arith.constant 0 : index
    tpu.barrier barrier_id(%barrier3A_234)
    %mul3A_235 = arith.constant 632 : i32
    %mul3A_236 = arith.muli %arg1, %mul3A_235 : i32
    %mul3A_237 = arith.constant 10112 : i32
    %mul3A_238 = arith.muli %arg0, %mul3A_237 : i32
    %mul3A_239 = arith.constant 632 : i32
    %mul3A_240 = arith.muli %arg1, %mul3A_239 : i32
    %add3A_241 = arith.addi %mul3A_238, %mul3A_240 : i32
    "tpu.region"() ({
      %run_scoped3A_242 = tpu.sem_alloc : memref<!tpu.dma_semaphore, #tpu.memory_space<semaphore_mem>>
      %dma_start3A_243 = arith.constant 0 : i32
      %dma_start3A_244 = tpu.memref_slice %arg5[%add3A_241, %dma_start3A_243] : memref<20224x64xf32, #tpu.memory_space<hbm>> -> memref<632x64xf32, #tpu.memory_space<hbm>>
      %dma_start3A_245 = arith.constant 0 : i32
      %dma_start3A_246 = tpu.memref_slice %arg9[%mul3A_236, %dma_start3A_245] : memref<10112x64xf32, #tpu.memory_space<vmem_shared>> -> memref<632x64xf32, #tpu.memory_space<vmem_shared>>
      tpu.enqueue_dma source(%dma_start3A_246 : memref<632x64xf32, #tpu.memory_space<vmem_shared>>) target(%dma_start3A_244 : memref<632x64xf32, #tpu.memory_space<hbm>>) target_semaphore(%run_scoped3A_242 : memref<!tpu.dma_semaphore, #tpu.memory_space<semaphore_mem>>)
      %dma_wait3A_247 = arith.constant 0 : i32
      %dma_wait3A_248 = tpu.memref_slice %arg5[%add3A_241, %dma_wait3A_247] : memref<20224x64xf32, #tpu.memory_space<hbm>> -> memref<632x64xf32, #tpu.memory_space<hbm>>
      %dma_wait3A_249 = arith.constant 0 : i32
      %dma_wait3A_250 = tpu.memref_slice %arg9[%mul3A_236, %dma_wait3A_249] : memref<10112x64xf32, #tpu.memory_space<vmem_shared>> -> memref<632x64xf32, #tpu.memory_space<vmem_shared>>
      tpu.wait_dma2 semaphore(%run_scoped3A_242 : memref<!tpu.dma_semaphore, #tpu.memory_space<semaphore_mem>>) src(%dma_wait3A_250 : memref<632x64xf32, #tpu.memory_space<vmem_shared>>) dst(%dma_wait3A_248 : memref<632x64xf32, #tpu.memory_space<hbm>>)
      tpu.yield
    }) : () -> ()
    return
  }
}

#map = affine_map<(d0, d1) -> (0, 0)>
#map1 = affine_map<(d0, d1) -> (0, 0, 0, 0)>
module attributes {stable_mosaic.version = 14 : i64} {
  func.func @body(%arg0: i32, %arg1: i32, %arg2: memref<10112x64xf32, #tpu.memory_space<hbm>>, %arg3: memref<2x32x80x128xi32, #tpu.memory_space<hbm>>, %arg4: memref<10112x64xf32, #tpu.memory_space<hbm>>, %arg5: memref<20224x64xf32, #tpu.memory_space<hbm>>, %arg6: memref<80x128xi32, #tpu.memory_space<vmem>>, %arg7: memref<80x128xi32, #tpu.memory_space<vmem>>, %arg8: memref<8x128x64xf32, #tpu.memory_space<vmem>>, %arg9: memref<10112x64xf32, #tpu.memory_space<vmem_shared>>, %arg10: memref<8x!tpu.dma_semaphore, #tpu.memory_space<semaphore_mem>>, %arg11: memref<8x!tpu.dma_semaphore, #tpu.memory_space<semaphore_mem>>) attributes {dimension_semantics = [#tpu.dimension_semantics<core_parallel>, #tpu.dimension_semantics<subcore_parallel>], iteration_bounds = array<i64: 2, 16>, scalar_prefetch = 0 : i64, scratch_operands = 6 : i64, tpu.core_type = #tpu.core_type<sc_vector_subcore>, window_params = [{transform_indices = #map}, {transform_indices = #map1}, {transform_indices = #map}, {transform_indices = #map}]} {
    %mul3A = arith.constant 2 : i32
    %mul3A_0 = arith.muli %arg1, %mul3A : i32
    %add3A = arith.addi %mul3A_0, %arg0 : i32
    %run_scoped3A = arith.constant 0 : i32
    "tpu.region"() ({
      %run_scoped3A_242 = tpu.sem_alloc : memref<!tpu.dma_semaphore, #tpu.memory_space<semaphore_mem>>
      %dma_start3A_243 = arith.constant 0 : i32
      %dma_start3A_244 = arith.constant 0 : i32
      %dma_start3A_245 = tpu.memref_slice %arg3[%run_scoped3A, %add3A, %dma_start3A_243, %dma_start3A_244] : memref<2x32x80x128xi32, #tpu.memory_space<hbm>> -> memref<1x1x80x128xi32, #tpu.memory_space<hbm>>
      %dma_start3A_246 = tpu.memref_squeeze %dma_start3A_245 : memref<1x1x80x128xi32, #tpu.memory_space<hbm>> -> memref<80x128xi32, #tpu.memory_space<hbm>>
      %dma_start3A_247 = arith.constant 0 : i32
      %dma_start3A_248 = arith.constant 0 : i32
      %dma_start3A_249 = tpu.memref_slice %arg3[%run_scoped3A, %add3A, %dma_start3A_247, %dma_start3A_248] : memref<2x32x80x128xi32, #tpu.memory_space<hbm>> -> memref<1x1x80x128xi32, #tpu.memory_space<hbm>>
      %dma_start3A_250 = tpu.memref_squeeze %dma_start3A_249 : memref<1x1x80x128xi32, #tpu.memory_space<hbm>> -> memref<80x128xi32, #tpu.memory_space<hbm>>
      tpu.enqueue_dma source(%dma_start3A_250 : memref<80x128xi32, #tpu.memory_space<hbm>>) target(%arg6 : memref<80x128xi32, #tpu.memory_space<vmem>>) target_semaphore(%run_scoped3A_242 : memref<!tpu.dma_semaphore, #tpu.memory_space<semaphore_mem>>)
      %dma_wait3A_251 = arith.constant 0 : i32
      %dma_wait3A_252 = arith.constant 0 : i32
      %dma_wait3A_253 = tpu.memref_slice %arg3[%run_scoped3A, %add3A, %dma_wait3A_251, %dma_wait3A_252] : memref<2x32x80x128xi32, #tpu.memory_space<hbm>> -> memref<1x1x80x128xi32, #tpu.memory_space<hbm>>
      %dma_wait3A_254 = tpu.memref_squeeze %dma_wait3A_253 : memref<1x1x80x128xi32, #tpu.memory_space<hbm>> -> memref<80x128xi32, #tpu.memory_space<hbm>>
      %dma_wait3A_255 = arith.constant 0 : i32
      %dma_wait3A_256 = arith.constant 0 : i32
      %dma_wait3A_257 = tpu.memref_slice %arg3[%run_scoped3A, %add3A, %dma_wait3A_255, %dma_wait3A_256] : memref<2x32x80x128xi32, #tpu.memory_space<hbm>> -> memref<1x1x80x128xi32, #tpu.memory_space<hbm>>
      %dma_wait3A_258 = tpu.memref_squeeze %dma_wait3A_257 : memref<1x1x80x128xi32, #tpu.memory_space<hbm>> -> memref<80x128xi32, #tpu.memory_space<hbm>>
      tpu.wait_dma2 semaphore(%run_scoped3A_242 : memref<!tpu.dma_semaphore, #tpu.memory_space<semaphore_mem>>) src(%dma_wait3A_258 : memref<80x128xi32, #tpu.memory_space<hbm>>) dst(%arg6 : memref<80x128xi32, #tpu.memory_space<vmem>>)
      tpu.yield
    }) : () -> ()
    %run_scoped3A_1 = arith.constant 1 : i32
    "tpu.region"() ({
      %run_scoped3A_242 = tpu.sem_alloc : memref<!tpu.dma_semaphore, #tpu.memory_space<semaphore_mem>>
      %dma_start3A_243 = arith.constant 0 : i32
      %dma_start3A_244 = arith.constant 0 : i32
      %dma_start3A_245 = tpu.memref_slice %arg3[%run_scoped3A_1, %add3A, %dma_start3A_243, %dma_start3A_244] : memref<2x32x80x128xi32, #tpu.memory_space<hbm>> -> memref<1x1x80x128xi32, #tpu.memory_space<hbm>>
      %dma_start3A_246 = tpu.memref_squeeze %dma_start3A_245 : memref<1x1x80x128xi32, #tpu.memory_space<hbm>> -> memref<80x128xi32, #tpu.memory_space<hbm>>
      %dma_start3A_247 = arith.constant 0 : i32
      %dma_start3A_248 = arith.constant 0 : i32
      %dma_start3A_249 = tpu.memref_slice %arg3[%run_scoped3A_1, %add3A, %dma_start3A_247, %dma_start3A_248] : memref<2x32x80x128xi32, #tpu.memory_space<hbm>> -> memref<1x1x80x128xi32, #tpu.memory_space<hbm>>
      %dma_start3A_250 = tpu.memref_squeeze %dma_start3A_249 : memref<1x1x80x128xi32, #tpu.memory_space<hbm>> -> memref<80x128xi32, #tpu.memory_space<hbm>>
      tpu.enqueue_dma source(%dma_start3A_250 : memref<80x128xi32, #tpu.memory_space<hbm>>) target(%arg7 : memref<80x128xi32, #tpu.memory_space<vmem>>) target_semaphore(%run_scoped3A_242 : memref<!tpu.dma_semaphore, #tpu.memory_space<semaphore_mem>>)
      %dma_wait3A_251 = arith.constant 0 : i32
      %dma_wait3A_252 = arith.constant 0 : i32
      %dma_wait3A_253 = tpu.memref_slice %arg3[%run_scoped3A_1, %add3A, %dma_wait3A_251, %dma_wait3A_252] : memref<2x32x80x128xi32, #tpu.memory_space<hbm>> -> memref<1x1x80x128xi32, #tpu.memory_space<hbm>>
      %dma_wait3A_254 = tpu.memref_squeeze %dma_wait3A_253 : memref<1x1x80x128xi32, #tpu.memory_space<hbm>> -> memref<80x128xi32, #tpu.memory_space<hbm>>
      %dma_wait3A_255 = arith.constant 0 : i32
      %dma_wait3A_256 = arith.constant 0 : i32
      %dma_wait3A_257 = tpu.memref_slice %arg3[%run_scoped3A_1, %add3A, %dma_wait3A_255, %dma_wait3A_256] : memref<2x32x80x128xi32, #tpu.memory_space<hbm>> -> memref<1x1x80x128xi32, #tpu.memory_space<hbm>>
      %dma_wait3A_258 = tpu.memref_squeeze %dma_wait3A_257 : memref<1x1x80x128xi32, #tpu.memory_space<hbm>> -> memref<80x128xi32, #tpu.memory_space<hbm>>
      tpu.wait_dma2 semaphore(%run_scoped3A_242 : memref<!tpu.dma_semaphore, #tpu.memory_space<semaphore_mem>>) src(%dma_wait3A_258 : memref<80x128xi32, #tpu.memory_space<hbm>>) dst(%arg7 : memref<80x128xi32, #tpu.memory_space<vmem>>)
      tpu.yield
    }) : () -> ()
    %dma_start3A = arith.constant 0 : i32
    %dma_start3A_2 = arith.constant 0 : i32
    %dma_start3A_3 = arith.constant 0 : i32
    %dma_start3A_4 = arith.constant 0 : i32
    %dma_start3A_5 = arith.constant 0 : i32
    %dma_start3A_6 = tpu.memref_slice %arg8[%dma_start3A_2, %dma_start3A_4, %dma_start3A_5] : memref<8x128x64xf32, #tpu.memory_space<vmem>> -> memref<1x128x64xf32, #tpu.memory_space<vmem>>
    %dma_start3A_7 = tpu.memref_squeeze %dma_start3A_6 : memref<1x128x64xf32, #tpu.memory_space<vmem>> -> memref<128x64xf32, #tpu.memory_space<vmem>>
    %dma_start3A_8 = arith.constant 0 : i32
    %dma_start3A_9 = tpu.memref_slice %arg6[%dma_start3A, %dma_start3A_8] : memref<80x128xi32, #tpu.memory_space<vmem>> -> memref<1x128xi32, #tpu.memory_space<vmem>>
    %dma_start3A_10 = tpu.memref_squeeze %dma_start3A_9 : memref<1x128xi32, #tpu.memory_space<vmem>> -> memref<128xi32, #tpu.memory_space<vmem>>
    %dma_start3A_11 = arith.constant 0 : i32
    %dma_start3A_12 = arith.constant 0 : i32
    %dma_start3A_13 = tpu.memref_slice %arg2[%dma_start3A_11, %dma_start3A_12] : memref<10112x64xf32, #tpu.memory_space<hbm>> -> memref<10112x64xf32, #tpu.memory_space<hbm>>
    %dma_start3A_14 = tpu.memref_slice %arg10[%dma_start3A_3] : memref<8x!tpu.dma_semaphore, #tpu.memory_space<semaphore_mem>> -> memref<1x!tpu.dma_semaphore, #tpu.memory_space<semaphore_mem>>
    %dma_start3A_15 = tpu.memref_squeeze %dma_start3A_14 : memref<1x!tpu.dma_semaphore, #tpu.memory_space<semaphore_mem>> -> memref<!tpu.dma_semaphore, #tpu.memory_space<semaphore_mem>>
    tpu.enqueue_indirect_dma source(%dma_start3A_13 : memref<10112x64xf32, #tpu.memory_space<hbm>>) target(%dma_start3A_7 : memref<128x64xf32, #tpu.memory_space<vmem>>) offsets(%dma_start3A_10 : memref<128xi32, #tpu.memory_space<vmem>>) semaphore(%dma_start3A_15 : memref<!tpu.dma_semaphore, #tpu.memory_space<semaphore_mem>>)
    %dma_start3A_16 = arith.constant 1 : i32
    %dma_start3A_17 = arith.constant 1 : i32
    %dma_start3A_18 = arith.constant 1 : i32
    %dma_start3A_19 = arith.constant 0 : i32
    %dma_start3A_20 = arith.constant 0 : i32
    %dma_start3A_21 = tpu.memref_slice %arg8[%dma_start3A_17, %dma_start3A_19, %dma_start3A_20] : memref<8x128x64xf32, #tpu.memory_space<vmem>> -> memref<1x128x64xf32, #tpu.memory_space<vmem>>
    %dma_start3A_22 = tpu.memref_squeeze %dma_start3A_21 : memref<1x128x64xf32, #tpu.memory_space<vmem>> -> memref<128x64xf32, #tpu.memory_space<vmem>>
    %dma_start3A_23 = arith.constant 0 : i32
    %dma_start3A_24 = tpu.memref_slice %arg6[%dma_start3A_16, %dma_start3A_23] : memref<80x128xi32, #tpu.memory_space<vmem>> -> memref<1x128xi32, #tpu.memory_space<vmem>>
    %dma_start3A_25 = tpu.memref_squeeze %dma_start3A_24 : memref<1x128xi32, #tpu.memory_space<vmem>> -> memref<128xi32, #tpu.memory_space<vmem>>
    %dma_start3A_26 = arith.constant 0 : i32
    %dma_start3A_27 = arith.constant 0 : i32
    %dma_start3A_28 = tpu.memref_slice %arg2[%dma_start3A_26, %dma_start3A_27] : memref<10112x64xf32, #tpu.memory_space<hbm>> -> memref<10112x64xf32, #tpu.memory_space<hbm>>
    %dma_start3A_29 = tpu.memref_slice %arg10[%dma_start3A_18] : memref<8x!tpu.dma_semaphore, #tpu.memory_space<semaphore_mem>> -> memref<1x!tpu.dma_semaphore, #tpu.memory_space<semaphore_mem>>
    %dma_start3A_30 = tpu.memref_squeeze %dma_start3A_29 : memref<1x!tpu.dma_semaphore, #tpu.memory_space<semaphore_mem>> -> memref<!tpu.dma_semaphore, #tpu.memory_space<semaphore_mem>>
    tpu.enqueue_indirect_dma source(%dma_start3A_28 : memref<10112x64xf32, #tpu.memory_space<hbm>>) target(%dma_start3A_22 : memref<128x64xf32, #tpu.memory_space<vmem>>) offsets(%dma_start3A_25 : memref<128xi32, #tpu.memory_space<vmem>>) semaphore(%dma_start3A_30 : memref<!tpu.dma_semaphore, #tpu.memory_space<semaphore_mem>>)
    %dma_start3A_31 = arith.constant 2 : i32
    %dma_start3A_32 = arith.constant 2 : i32
    %dma_start3A_33 = arith.constant 2 : i32
    %dma_start3A_34 = arith.constant 0 : i32
    %dma_start3A_35 = arith.constant 0 : i32
    %dma_start3A_36 = tpu.memref_slice %arg8[%dma_start3A_32, %dma_start3A_34, %dma_start3A_35] : memref<8x128x64xf32, #tpu.memory_space<vmem>> -> memref<1x128x64xf32, #tpu.memory_space<vmem>>
    %dma_start3A_37 = tpu.memref_squeeze %dma_start3A_36 : memref<1x128x64xf32, #tpu.memory_space<vmem>> -> memref<128x64xf32, #tpu.memory_space<vmem>>
    %dma_start3A_38 = arith.constant 0 : i32
    %dma_start3A_39 = tpu.memref_slice %arg6[%dma_start3A_31, %dma_start3A_38] : memref<80x128xi32, #tpu.memory_space<vmem>> -> memref<1x128xi32, #tpu.memory_space<vmem>>
    %dma_start3A_40 = tpu.memref_squeeze %dma_start3A_39 : memref<1x128xi32, #tpu.memory_space<vmem>> -> memref<128xi32, #tpu.memory_space<vmem>>
    %dma_start3A_41 = arith.constant 0 : i32
    %dma_start3A_42 = arith.constant 0 : i32
    %dma_start3A_43 = tpu.memref_slice %arg2[%dma_start3A_41, %dma_start3A_42] : memref<10112x64xf32, #tpu.memory_space<hbm>> -> memref<10112x64xf32, #tpu.memory_space<hbm>>
    %dma_start3A_44 = tpu.memref_slice %arg10[%dma_start3A_33] : memref<8x!tpu.dma_semaphore, #tpu.memory_space<semaphore_mem>> -> memref<1x!tpu.dma_semaphore, #tpu.memory_space<semaphore_mem>>
    %dma_start3A_45 = tpu.memref_squeeze %dma_start3A_44 : memref<1x!tpu.dma_semaphore, #tpu.memory_space<semaphore_mem>> -> memref<!tpu.dma_semaphore, #tpu.memory_space<semaphore_mem>>
    tpu.enqueue_indirect_dma source(%dma_start3A_43 : memref<10112x64xf32, #tpu.memory_space<hbm>>) target(%dma_start3A_37 : memref<128x64xf32, #tpu.memory_space<vmem>>) offsets(%dma_start3A_40 : memref<128xi32, #tpu.memory_space<vmem>>) semaphore(%dma_start3A_45 : memref<!tpu.dma_semaphore, #tpu.memory_space<semaphore_mem>>)
    %dma_start3A_46 = arith.constant 3 : i32
    %dma_start3A_47 = arith.constant 3 : i32
    %dma_start3A_48 = arith.constant 3 : i32
    %dma_start3A_49 = arith.constant 0 : i32
    %dma_start3A_50 = arith.constant 0 : i32
    %dma_start3A_51 = tpu.memref_slice %arg8[%dma_start3A_47, %dma_start3A_49, %dma_start3A_50] : memref<8x128x64xf32, #tpu.memory_space<vmem>> -> memref<1x128x64xf32, #tpu.memory_space<vmem>>
    %dma_start3A_52 = tpu.memref_squeeze %dma_start3A_51 : memref<1x128x64xf32, #tpu.memory_space<vmem>> -> memref<128x64xf32, #tpu.memory_space<vmem>>
    %dma_start3A_53 = arith.constant 0 : i32
    %dma_start3A_54 = tpu.memref_slice %arg6[%dma_start3A_46, %dma_start3A_53] : memref<80x128xi32, #tpu.memory_space<vmem>> -> memref<1x128xi32, #tpu.memory_space<vmem>>
    %dma_start3A_55 = tpu.memref_squeeze %dma_start3A_54 : memref<1x128xi32, #tpu.memory_space<vmem>> -> memref<128xi32, #tpu.memory_space<vmem>>
    %dma_start3A_56 = arith.constant 0 : i32
    %dma_start3A_57 = arith.constant 0 : i32
    %dma_start3A_58 = tpu.memref_slice %arg2[%dma_start3A_56, %dma_start3A_57] : memref<10112x64xf32, #tpu.memory_space<hbm>> -> memref<10112x64xf32, #tpu.memory_space<hbm>>
    %dma_start3A_59 = tpu.memref_slice %arg10[%dma_start3A_48] : memref<8x!tpu.dma_semaphore, #tpu.memory_space<semaphore_mem>> -> memref<1x!tpu.dma_semaphore, #tpu.memory_space<semaphore_mem>>
    %dma_start3A_60 = tpu.memref_squeeze %dma_start3A_59 : memref<1x!tpu.dma_semaphore, #tpu.memory_space<semaphore_mem>> -> memref<!tpu.dma_semaphore, #tpu.memory_space<semaphore_mem>>
    tpu.enqueue_indirect_dma source(%dma_start3A_58 : memref<10112x64xf32, #tpu.memory_space<hbm>>) target(%dma_start3A_52 : memref<128x64xf32, #tpu.memory_space<vmem>>) offsets(%dma_start3A_55 : memref<128xi32, #tpu.memory_space<vmem>>) semaphore(%dma_start3A_60 : memref<!tpu.dma_semaphore, #tpu.memory_space<semaphore_mem>>)
    %dma_start3A_61 = arith.constant 4 : i32
    %dma_start3A_62 = arith.constant 4 : i32
    %dma_start3A_63 = arith.constant 4 : i32
    %dma_start3A_64 = arith.constant 0 : i32
    %dma_start3A_65 = arith.constant 0 : i32
    %dma_start3A_66 = tpu.memref_slice %arg8[%dma_start3A_62, %dma_start3A_64, %dma_start3A_65] : memref<8x128x64xf32, #tpu.memory_space<vmem>> -> memref<1x128x64xf32, #tpu.memory_space<vmem>>
    %dma_start3A_67 = tpu.memref_squeeze %dma_start3A_66 : memref<1x128x64xf32, #tpu.memory_space<vmem>> -> memref<128x64xf32, #tpu.memory_space<vmem>>
    %dma_start3A_68 = arith.constant 0 : i32
    %dma_start3A_69 = tpu.memref_slice %arg6[%dma_start3A_61, %dma_start3A_68] : memref<80x128xi32, #tpu.memory_space<vmem>> -> memref<1x128xi32, #tpu.memory_space<vmem>>
    %dma_start3A_70 = tpu.memref_squeeze %dma_start3A_69 : memref<1x128xi32, #tpu.memory_space<vmem>> -> memref<128xi32, #tpu.memory_space<vmem>>
    %dma_start3A_71 = arith.constant 0 : i32
    %dma_start3A_72 = arith.constant 0 : i32
    %dma_start3A_73 = tpu.memref_slice %arg2[%dma_start3A_71, %dma_start3A_72] : memref<10112x64xf32, #tpu.memory_space<hbm>> -> memref<10112x64xf32, #tpu.memory_space<hbm>>
    %dma_start3A_74 = tpu.memref_slice %arg10[%dma_start3A_63] : memref<8x!tpu.dma_semaphore, #tpu.memory_space<semaphore_mem>> -> memref<1x!tpu.dma_semaphore, #tpu.memory_space<semaphore_mem>>
    %dma_start3A_75 = tpu.memref_squeeze %dma_start3A_74 : memref<1x!tpu.dma_semaphore, #tpu.memory_space<semaphore_mem>> -> memref<!tpu.dma_semaphore, #tpu.memory_space<semaphore_mem>>
    tpu.enqueue_indirect_dma source(%dma_start3A_73 : memref<10112x64xf32, #tpu.memory_space<hbm>>) target(%dma_start3A_67 : memref<128x64xf32, #tpu.memory_space<vmem>>) offsets(%dma_start3A_70 : memref<128xi32, #tpu.memory_space<vmem>>) semaphore(%dma_start3A_75 : memref<!tpu.dma_semaphore, #tpu.memory_space<semaphore_mem>>)
    %dma_start3A_76 = arith.constant 5 : i32
    %dma_start3A_77 = arith.constant 5 : i32
    %dma_start3A_78 = arith.constant 5 : i32
    %dma_start3A_79 = arith.constant 0 : i32
    %dma_start3A_80 = arith.constant 0 : i32
    %dma_start3A_81 = tpu.memref_slice %arg8[%dma_start3A_77, %dma_start3A_79, %dma_start3A_80] : memref<8x128x64xf32, #tpu.memory_space<vmem>> -> memref<1x128x64xf32, #tpu.memory_space<vmem>>
    %dma_start3A_82 = tpu.memref_squeeze %dma_start3A_81 : memref<1x128x64xf32, #tpu.memory_space<vmem>> -> memref<128x64xf32, #tpu.memory_space<vmem>>
    %dma_start3A_83 = arith.constant 0 : i32
    %dma_start3A_84 = tpu.memref_slice %arg6[%dma_start3A_76, %dma_start3A_83] : memref<80x128xi32, #tpu.memory_space<vmem>> -> memref<1x128xi32, #tpu.memory_space<vmem>>
    %dma_start3A_85 = tpu.memref_squeeze %dma_start3A_84 : memref<1x128xi32, #tpu.memory_space<vmem>> -> memref<128xi32, #tpu.memory_space<vmem>>
    %dma_start3A_86 = arith.constant 0 : i32
    %dma_start3A_87 = arith.constant 0 : i32
    %dma_start3A_88 = tpu.memref_slice %arg2[%dma_start3A_86, %dma_start3A_87] : memref<10112x64xf32, #tpu.memory_space<hbm>> -> memref<10112x64xf32, #tpu.memory_space<hbm>>
    %dma_start3A_89 = tpu.memref_slice %arg10[%dma_start3A_78] : memref<8x!tpu.dma_semaphore, #tpu.memory_space<semaphore_mem>> -> memref<1x!tpu.dma_semaphore, #tpu.memory_space<semaphore_mem>>
    %dma_start3A_90 = tpu.memref_squeeze %dma_start3A_89 : memref<1x!tpu.dma_semaphore, #tpu.memory_space<semaphore_mem>> -> memref<!tpu.dma_semaphore, #tpu.memory_space<semaphore_mem>>
    tpu.enqueue_indirect_dma source(%dma_start3A_88 : memref<10112x64xf32, #tpu.memory_space<hbm>>) target(%dma_start3A_82 : memref<128x64xf32, #tpu.memory_space<vmem>>) offsets(%dma_start3A_85 : memref<128xi32, #tpu.memory_space<vmem>>) semaphore(%dma_start3A_90 : memref<!tpu.dma_semaphore, #tpu.memory_space<semaphore_mem>>)
    %dma_start3A_91 = arith.constant 6 : i32
    %dma_start3A_92 = arith.constant 6 : i32
    %dma_start3A_93 = arith.constant 6 : i32
    %dma_start3A_94 = arith.constant 0 : i32
    %dma_start3A_95 = arith.constant 0 : i32
    %dma_start3A_96 = tpu.memref_slice %arg8[%dma_start3A_92, %dma_start3A_94, %dma_start3A_95] : memref<8x128x64xf32, #tpu.memory_space<vmem>> -> memref<1x128x64xf32, #tpu.memory_space<vmem>>
    %dma_start3A_97 = tpu.memref_squeeze %dma_start3A_96 : memref<1x128x64xf32, #tpu.memory_space<vmem>> -> memref<128x64xf32, #tpu.memory_space<vmem>>
    %dma_start3A_98 = arith.constant 0 : i32
    %dma_start3A_99 = tpu.memref_slice %arg6[%dma_start3A_91, %dma_start3A_98] : memref<80x128xi32, #tpu.memory_space<vmem>> -> memref<1x128xi32, #tpu.memory_space<vmem>>
    %dma_start3A_100 = tpu.memref_squeeze %dma_start3A_99 : memref<1x128xi32, #tpu.memory_space<vmem>> -> memref<128xi32, #tpu.memory_space<vmem>>
    %dma_start3A_101 = arith.constant 0 : i32
    %dma_start3A_102 = arith.constant 0 : i32
    %dma_start3A_103 = tpu.memref_slice %arg2[%dma_start3A_101, %dma_start3A_102] : memref<10112x64xf32, #tpu.memory_space<hbm>> -> memref<10112x64xf32, #tpu.memory_space<hbm>>
    %dma_start3A_104 = tpu.memref_slice %arg10[%dma_start3A_93] : memref<8x!tpu.dma_semaphore, #tpu.memory_space<semaphore_mem>> -> memref<1x!tpu.dma_semaphore, #tpu.memory_space<semaphore_mem>>
    %dma_start3A_105 = tpu.memref_squeeze %dma_start3A_104 : memref<1x!tpu.dma_semaphore, #tpu.memory_space<semaphore_mem>> -> memref<!tpu.dma_semaphore, #tpu.memory_space<semaphore_mem>>
    tpu.enqueue_indirect_dma source(%dma_start3A_103 : memref<10112x64xf32, #tpu.memory_space<hbm>>) target(%dma_start3A_97 : memref<128x64xf32, #tpu.memory_space<vmem>>) offsets(%dma_start3A_100 : memref<128xi32, #tpu.memory_space<vmem>>) semaphore(%dma_start3A_105 : memref<!tpu.dma_semaphore, #tpu.memory_space<semaphore_mem>>)
    %mul3A_106 = arith.constant 632 : i32
    %mul3A_107 = arith.muli %arg1, %mul3A_106 : i32
    %mul3A_108 = arith.constant 632 : i32
    %mul3A_109 = arith.muli %arg1, %mul3A_108 : i32
    "tpu.region"() ({
      %run_scoped3A_242 = tpu.sem_alloc : memref<!tpu.dma_semaphore, #tpu.memory_space<semaphore_mem>>
      %dma_start3A_243 = arith.constant 0 : i32
      %dma_start3A_244 = tpu.memref_slice %arg9[%mul3A_109, %dma_start3A_243] : memref<10112x64xf32, #tpu.memory_space<vmem_shared>> -> memref<632x64xf32, #tpu.memory_space<vmem_shared>>
      %dma_start3A_245 = arith.constant 0 : i32
      %dma_start3A_246 = tpu.memref_slice %arg4[%mul3A_107, %dma_start3A_245] : memref<10112x64xf32, #tpu.memory_space<hbm>> -> memref<632x64xf32, #tpu.memory_space<hbm>>
      tpu.enqueue_dma source(%dma_start3A_246 : memref<632x64xf32, #tpu.memory_space<hbm>>) target(%dma_start3A_244 : memref<632x64xf32, #tpu.memory_space<vmem_shared>>) target_semaphore(%run_scoped3A_242 : memref<!tpu.dma_semaphore, #tpu.memory_space<semaphore_mem>>)
      %dma_wait3A_247 = arith.constant 0 : i32
      %dma_wait3A_248 = tpu.memref_slice %arg9[%mul3A_109, %dma_wait3A_247] : memref<10112x64xf32, #tpu.memory_space<vmem_shared>> -> memref<632x64xf32, #tpu.memory_space<vmem_shared>>
      %dma_wait3A_249 = arith.constant 0 : i32
      %dma_wait3A_250 = tpu.memref_slice %arg4[%mul3A_107, %dma_wait3A_249] : memref<10112x64xf32, #tpu.memory_space<hbm>> -> memref<632x64xf32, #tpu.memory_space<hbm>>
      tpu.wait_dma2 semaphore(%run_scoped3A_242 : memref<!tpu.dma_semaphore, #tpu.memory_space<semaphore_mem>>) src(%dma_wait3A_250 : memref<632x64xf32, #tpu.memory_space<hbm>>) dst(%dma_wait3A_248 : memref<632x64xf32, #tpu.memory_space<vmem_shared>>)
      tpu.yield
    }) : () -> ()
    %barrier3A = arith.constant 0 : index
    tpu.barrier barrier_id(%barrier3A)
    %scan3A = arith.constant 0 : i32
    %scan3A_110 = arith.constant 0 : i32
    %scan3A_111 = arith.constant 10 : i32
    %scan3A_112 = arith.addi %scan3A_110, %scan3A_111 : i32
    %scan3A_113 = arith.constant 1 : i32
    scf.for %scan3A_242 = %scan3A_110 to %scan3A_112 step %scan3A_113  : i32 {
      %mul3A_243 = arith.constant 8 : i32
      %mul3A_244 = arith.muli %scan3A_242, %mul3A_243 : i32
      %add3A_245 = arith.constant 0 : i32
      %add3A_246 = arith.addi %mul3A_244, %add3A_245 : i32
      %add3A_247 = arith.constant 8 : i32
      %add3A_248 = arith.addi %add3A_246, %add3A_247 : i32
      %sub3A = arith.constant 1 : i32
      %sub3A_249 = arith.subi %add3A_248, %sub3A : i32
      %dma_wait3A_250 = arith.constant 0 : i32
      %dma_wait3A_251 = arith.constant 0 : i32
      %dma_wait3A_252 = arith.constant 0 : i32
      %dma_wait3A_253 = arith.constant 0 : i32
      %dma_wait3A_254 = tpu.memref_slice %arg8[%dma_wait3A_250, %dma_wait3A_252, %dma_wait3A_253] : memref<8x128x64xf32, #tpu.memory_space<vmem>> -> memref<1x128x64xf32, #tpu.memory_space<vmem>>
      %dma_wait3A_255 = tpu.memref_squeeze %dma_wait3A_254 : memref<1x128x64xf32, #tpu.memory_space<vmem>> -> memref<128x64xf32, #tpu.memory_space<vmem>>
      %dma_wait3A_256 = arith.constant 0 : i32
      %dma_wait3A_257 = tpu.memref_slice %arg6[%add3A_246, %dma_wait3A_256] : memref<80x128xi32, #tpu.memory_space<vmem>> -> memref<1x128xi32, #tpu.memory_space<vmem>>
      %dma_wait3A_258 = tpu.memref_squeeze %dma_wait3A_257 : memref<1x128xi32, #tpu.memory_space<vmem>> -> memref<128xi32, #tpu.memory_space<vmem>>
      %dma_wait3A_259 = arith.constant 0 : i32
      %dma_wait3A_260 = arith.constant 0 : i32
      %dma_wait3A_261 = tpu.memref_slice %arg2[%dma_wait3A_259, %dma_wait3A_260] : memref<10112x64xf32, #tpu.memory_space<hbm>> -> memref<10112x64xf32, #tpu.memory_space<hbm>>
      %dma_wait3A_262 = tpu.memref_slice %arg10[%dma_wait3A_251] : memref<8x!tpu.dma_semaphore, #tpu.memory_space<semaphore_mem>> -> memref<1x!tpu.dma_semaphore, #tpu.memory_space<semaphore_mem>>
      %dma_wait3A_263 = tpu.memref_squeeze %dma_wait3A_262 : memref<1x!tpu.dma_semaphore, #tpu.memory_space<semaphore_mem>> -> memref<!tpu.dma_semaphore, #tpu.memory_space<semaphore_mem>>
      tpu.wait_indirect_dma semaphore(%dma_wait3A_263 : memref<!tpu.dma_semaphore, #tpu.memory_space<semaphore_mem>>) src(%dma_wait3A_261 : memref<10112x64xf32, #tpu.memory_space<hbm>>) dst(%dma_wait3A_255 : memref<128x64xf32, #tpu.memory_space<vmem>>)
      %dma_start3A_264 = arith.constant 0 : i32
      %dma_start3A_265 = arith.constant 0 : i32
      %dma_start3A_266 = arith.constant 0 : i32
      %dma_start3A_267 = arith.constant 0 : i32
      %dma_start3A_268 = tpu.memref_slice %arg8[%dma_start3A_264, %dma_start3A_266, %dma_start3A_267] : memref<8x128x64xf32, #tpu.memory_space<vmem>> -> memref<1x128x64xf32, #tpu.memory_space<vmem>>
      %dma_start3A_269 = tpu.memref_squeeze %dma_start3A_268 : memref<1x128x64xf32, #tpu.memory_space<vmem>> -> memref<128x64xf32, #tpu.memory_space<vmem>>
      %dma_start3A_270 = arith.constant 0 : i32
      %dma_start3A_271 = tpu.memref_slice %arg7[%add3A_246, %dma_start3A_270] : memref<80x128xi32, #tpu.memory_space<vmem>> -> memref<1x128xi32, #tpu.memory_space<vmem>>
      %dma_start3A_272 = tpu.memref_squeeze %dma_start3A_271 : memref<1x128xi32, #tpu.memory_space<vmem>> -> memref<128xi32, #tpu.memory_space<vmem>>
      %dma_start3A_273 = arith.constant 0 : i32
      %dma_start3A_274 = arith.constant 0 : i32
      %dma_start3A_275 = tpu.memref_slice %arg9[%dma_start3A_273, %dma_start3A_274] : memref<10112x64xf32, #tpu.memory_space<vmem_shared>> -> memref<10112x64xf32, #tpu.memory_space<vmem_shared>>
      %dma_start3A_276 = tpu.memref_slice %arg11[%dma_start3A_265] : memref<8x!tpu.dma_semaphore, #tpu.memory_space<semaphore_mem>> -> memref<1x!tpu.dma_semaphore, #tpu.memory_space<semaphore_mem>>
      %dma_start3A_277 = tpu.memref_squeeze %dma_start3A_276 : memref<1x!tpu.dma_semaphore, #tpu.memory_space<semaphore_mem>> -> memref<!tpu.dma_semaphore, #tpu.memory_space<semaphore_mem>>
      tpu.enqueue_indirect_dma source(%dma_start3A_269 : memref<128x64xf32, #tpu.memory_space<vmem>>) target(%dma_start3A_275 : memref<10112x64xf32, #tpu.memory_space<vmem_shared>>) offsets(%dma_start3A_272 : memref<128xi32, #tpu.memory_space<vmem>>) semaphore(%dma_start3A_277 : memref<!tpu.dma_semaphore, #tpu.memory_space<semaphore_mem>>) {add = true}
      %ge3A = arith.constant 8 : i32
      %ge3A_278 = arith.cmpi sge, %sub3A_249, %ge3A : i32
      %lt3A = arith.constant 80 : i32
      %lt3A_279 = arith.cmpi slt, %sub3A_249, %lt3A : i32
      %and3A = arith.andi %ge3A_278, %lt3A_279 : i1
      %convert_element_type3A = arith.extui %and3A : i1 to i32
      %cond3A = arith.constant 0 : i32
      %cond3A_280 = arith.cmpi ne, %convert_element_type3A, %cond3A : i32
      scf.if %cond3A_280 {
        %sub3A_653 = arith.constant 1 : i32
        %sub3A_654 = arith.subi %add3A_246, %sub3A_653 : i32
        %dma_wait3A_655 = arith.constant 7 : i32
        %dma_wait3A_656 = arith.constant 7 : i32
        %dma_wait3A_657 = arith.constant 0 : i32
        %dma_wait3A_658 = arith.constant 0 : i32
        %dma_wait3A_659 = tpu.memref_slice %arg8[%dma_wait3A_655, %dma_wait3A_657, %dma_wait3A_658] : memref<8x128x64xf32, #tpu.memory_space<vmem>> -> memref<1x128x64xf32, #tpu.memory_space<vmem>>
        %dma_wait3A_660 = tpu.memref_squeeze %dma_wait3A_659 : memref<1x128x64xf32, #tpu.memory_space<vmem>> -> memref<128x64xf32, #tpu.memory_space<vmem>>
        %dma_wait3A_661 = arith.constant 0 : i32
        %dma_wait3A_662 = tpu.memref_slice %arg7[%sub3A_654, %dma_wait3A_661] : memref<80x128xi32, #tpu.memory_space<vmem>> -> memref<1x128xi32, #tpu.memory_space<vmem>>
        %dma_wait3A_663 = tpu.memref_squeeze %dma_wait3A_662 : memref<1x128xi32, #tpu.memory_space<vmem>> -> memref<128xi32, #tpu.memory_space<vmem>>
        %dma_wait3A_664 = arith.constant 0 : i32
        %dma_wait3A_665 = arith.constant 0 : i32
        %dma_wait3A_666 = tpu.memref_slice %arg9[%dma_wait3A_664, %dma_wait3A_665] : memref<10112x64xf32, #tpu.memory_space<vmem_shared>> -> memref<10112x64xf32, #tpu.memory_space<vmem_shared>>
        %dma_wait3A_667 = tpu.memref_slice %arg11[%dma_wait3A_656] : memref<8x!tpu.dma_semaphore, #tpu.memory_space<semaphore_mem>> -> memref<1x!tpu.dma_semaphore, #tpu.memory_space<semaphore_mem>>
        %dma_wait3A_668 = tpu.memref_squeeze %dma_wait3A_667 : memref<1x!tpu.dma_semaphore, #tpu.memory_space<semaphore_mem>> -> memref<!tpu.dma_semaphore, #tpu.memory_space<semaphore_mem>>
        tpu.wait_indirect_dma semaphore(%dma_wait3A_668 : memref<!tpu.dma_semaphore, #tpu.memory_space<semaphore_mem>>) src(%dma_wait3A_660 : memref<128x64xf32, #tpu.memory_space<vmem>>) dst(%dma_wait3A_666 : memref<10112x64xf32, #tpu.memory_space<vmem_shared>>)
      } else {
      }
      %ge3A_281 = arith.constant 7 : i32
      %ge3A_282 = arith.cmpi sge, %sub3A_249, %ge3A_281 : i32
      %lt3A_283 = arith.constant 80 : i32
      %lt3A_284 = arith.cmpi slt, %sub3A_249, %lt3A_283 : i32
      %and3A_285 = arith.andi %ge3A_282, %lt3A_284 : i1
      %convert_element_type3A_286 = arith.extui %and3A_285 : i1 to i32
      %cond3A_287 = arith.constant 0 : i32
      %cond3A_288 = arith.cmpi ne, %convert_element_type3A_286, %cond3A_287 : i32
      scf.if %cond3A_288 {
        %dma_start3A_653 = arith.constant 7 : i32
        %dma_start3A_654 = arith.constant 7 : i32
        %dma_start3A_655 = arith.constant 0 : i32
        %dma_start3A_656 = arith.constant 0 : i32
        %dma_start3A_657 = tpu.memref_slice %arg8[%dma_start3A_653, %dma_start3A_655, %dma_start3A_656] : memref<8x128x64xf32, #tpu.memory_space<vmem>> -> memref<1x128x64xf32, #tpu.memory_space<vmem>>
        %dma_start3A_658 = tpu.memref_squeeze %dma_start3A_657 : memref<1x128x64xf32, #tpu.memory_space<vmem>> -> memref<128x64xf32, #tpu.memory_space<vmem>>
        %dma_start3A_659 = arith.constant 0 : i32
        %dma_start3A_660 = tpu.memref_slice %arg6[%sub3A_249, %dma_start3A_659] : memref<80x128xi32, #tpu.memory_space<vmem>> -> memref<1x128xi32, #tpu.memory_space<vmem>>
        %dma_start3A_661 = tpu.memref_squeeze %dma_start3A_660 : memref<1x128xi32, #tpu.memory_space<vmem>> -> memref<128xi32, #tpu.memory_space<vmem>>
        %dma_start3A_662 = arith.constant 0 : i32
        %dma_start3A_663 = arith.constant 0 : i32
        %dma_start3A_664 = tpu.memref_slice %arg2[%dma_start3A_662, %dma_start3A_663] : memref<10112x64xf32, #tpu.memory_space<hbm>> -> memref<10112x64xf32, #tpu.memory_space<hbm>>
        %dma_start3A_665 = tpu.memref_slice %arg10[%dma_start3A_654] : memref<8x!tpu.dma_semaphore, #tpu.memory_space<semaphore_mem>> -> memref<1x!tpu.dma_semaphore, #tpu.memory_space<semaphore_mem>>
        %dma_start3A_666 = tpu.memref_squeeze %dma_start3A_665 : memref<1x!tpu.dma_semaphore, #tpu.memory_space<semaphore_mem>> -> memref<!tpu.dma_semaphore, #tpu.memory_space<semaphore_mem>>
        tpu.enqueue_indirect_dma source(%dma_start3A_664 : memref<10112x64xf32, #tpu.memory_space<hbm>>) target(%dma_start3A_658 : memref<128x64xf32, #tpu.memory_space<vmem>>) offsets(%dma_start3A_661 : memref<128xi32, #tpu.memory_space<vmem>>) semaphore(%dma_start3A_666 : memref<!tpu.dma_semaphore, #tpu.memory_space<semaphore_mem>>)
      } else {
      }
      %mul3A_289 = arith.constant 8 : i32
      %mul3A_290 = arith.muli %scan3A_242, %mul3A_289 : i32
      %add3A_291 = arith.constant 1 : i32
      %add3A_292 = arith.addi %mul3A_290, %add3A_291 : i32
      %add3A_293 = arith.constant 8 : i32
      %add3A_294 = arith.addi %add3A_292, %add3A_293 : i32
      %sub3A_295 = arith.constant 1 : i32
      %sub3A_296 = arith.subi %add3A_294, %sub3A_295 : i32
      %dma_wait3A_297 = arith.constant 1 : i32
      %dma_wait3A_298 = arith.constant 1 : i32
      %dma_wait3A_299 = arith.constant 0 : i32
      %dma_wait3A_300 = arith.constant 0 : i32
      %dma_wait3A_301 = tpu.memref_slice %arg8[%dma_wait3A_297, %dma_wait3A_299, %dma_wait3A_300] : memref<8x128x64xf32, #tpu.memory_space<vmem>> -> memref<1x128x64xf32, #tpu.memory_space<vmem>>
      %dma_wait3A_302 = tpu.memref_squeeze %dma_wait3A_301 : memref<1x128x64xf32, #tpu.memory_space<vmem>> -> memref<128x64xf32, #tpu.memory_space<vmem>>
      %dma_wait3A_303 = arith.constant 0 : i32
      %dma_wait3A_304 = tpu.memref_slice %arg6[%add3A_292, %dma_wait3A_303] : memref<80x128xi32, #tpu.memory_space<vmem>> -> memref<1x128xi32, #tpu.memory_space<vmem>>
      %dma_wait3A_305 = tpu.memref_squeeze %dma_wait3A_304 : memref<1x128xi32, #tpu.memory_space<vmem>> -> memref<128xi32, #tpu.memory_space<vmem>>
      %dma_wait3A_306 = arith.constant 0 : i32
      %dma_wait3A_307 = arith.constant 0 : i32
      %dma_wait3A_308 = tpu.memref_slice %arg2[%dma_wait3A_306, %dma_wait3A_307] : memref<10112x64xf32, #tpu.memory_space<hbm>> -> memref<10112x64xf32, #tpu.memory_space<hbm>>
      %dma_wait3A_309 = tpu.memref_slice %arg10[%dma_wait3A_298] : memref<8x!tpu.dma_semaphore, #tpu.memory_space<semaphore_mem>> -> memref<1x!tpu.dma_semaphore, #tpu.memory_space<semaphore_mem>>
      %dma_wait3A_310 = tpu.memref_squeeze %dma_wait3A_309 : memref<1x!tpu.dma_semaphore, #tpu.memory_space<semaphore_mem>> -> memref<!tpu.dma_semaphore, #tpu.memory_space<semaphore_mem>>
      tpu.wait_indirect_dma semaphore(%dma_wait3A_310 : memref<!tpu.dma_semaphore, #tpu.memory_space<semaphore_mem>>) src(%dma_wait3A_308 : memref<10112x64xf32, #tpu.memory_space<hbm>>) dst(%dma_wait3A_302 : memref<128x64xf32, #tpu.memory_space<vmem>>)
      %dma_start3A_311 = arith.constant 1 : i32
      %dma_start3A_312 = arith.constant 1 : i32
      %dma_start3A_313 = arith.constant 0 : i32
      %dma_start3A_314 = arith.constant 0 : i32
      %dma_start3A_315 = tpu.memref_slice %arg8[%dma_start3A_311, %dma_start3A_313, %dma_start3A_314] : memref<8x128x64xf32, #tpu.memory_space<vmem>> -> memref<1x128x64xf32, #tpu.memory_space<vmem>>
      %dma_start3A_316 = tpu.memref_squeeze %dma_start3A_315 : memref<1x128x64xf32, #tpu.memory_space<vmem>> -> memref<128x64xf32, #tpu.memory_space<vmem>>
      %dma_start3A_317 = arith.constant 0 : i32
      %dma_start3A_318 = tpu.memref_slice %arg7[%add3A_292, %dma_start3A_317] : memref<80x128xi32, #tpu.memory_space<vmem>> -> memref<1x128xi32, #tpu.memory_space<vmem>>
      %dma_start3A_319 = tpu.memref_squeeze %dma_start3A_318 : memref<1x128xi32, #tpu.memory_space<vmem>> -> memref<128xi32, #tpu.memory_space<vmem>>
      %dma_start3A_320 = arith.constant 0 : i32
      %dma_start3A_321 = arith.constant 0 : i32
      %dma_start3A_322 = tpu.memref_slice %arg9[%dma_start3A_320, %dma_start3A_321] : memref<10112x64xf32, #tpu.memory_space<vmem_shared>> -> memref<10112x64xf32, #tpu.memory_space<vmem_shared>>
      %dma_start3A_323 = tpu.memref_slice %arg11[%dma_start3A_312] : memref<8x!tpu.dma_semaphore, #tpu.memory_space<semaphore_mem>> -> memref<1x!tpu.dma_semaphore, #tpu.memory_space<semaphore_mem>>
      %dma_start3A_324 = tpu.memref_squeeze %dma_start3A_323 : memref<1x!tpu.dma_semaphore, #tpu.memory_space<semaphore_mem>> -> memref<!tpu.dma_semaphore, #tpu.memory_space<semaphore_mem>>
      tpu.enqueue_indirect_dma source(%dma_start3A_316 : memref<128x64xf32, #tpu.memory_space<vmem>>) target(%dma_start3A_322 : memref<10112x64xf32, #tpu.memory_space<vmem_shared>>) offsets(%dma_start3A_319 : memref<128xi32, #tpu.memory_space<vmem>>) semaphore(%dma_start3A_324 : memref<!tpu.dma_semaphore, #tpu.memory_space<semaphore_mem>>) {add = true}
      %ge3A_325 = arith.constant 8 : i32
      %ge3A_326 = arith.cmpi sge, %sub3A_296, %ge3A_325 : i32
      %lt3A_327 = arith.constant 80 : i32
      %lt3A_328 = arith.cmpi slt, %sub3A_296, %lt3A_327 : i32
      %and3A_329 = arith.andi %ge3A_326, %lt3A_328 : i1
      %convert_element_type3A_330 = arith.extui %and3A_329 : i1 to i32
      %cond3A_331 = arith.constant 0 : i32
      %cond3A_332 = arith.cmpi ne, %convert_element_type3A_330, %cond3A_331 : i32
      scf.if %cond3A_332 {
        %sub3A_653 = arith.constant 1 : i32
        %sub3A_654 = arith.subi %add3A_292, %sub3A_653 : i32
        %dma_wait3A_655 = arith.constant 0 : i32
        %dma_wait3A_656 = arith.constant 0 : i32
        %dma_wait3A_657 = arith.constant 0 : i32
        %dma_wait3A_658 = arith.constant 0 : i32
        %dma_wait3A_659 = tpu.memref_slice %arg8[%dma_wait3A_655, %dma_wait3A_657, %dma_wait3A_658] : memref<8x128x64xf32, #tpu.memory_space<vmem>> -> memref<1x128x64xf32, #tpu.memory_space<vmem>>
        %dma_wait3A_660 = tpu.memref_squeeze %dma_wait3A_659 : memref<1x128x64xf32, #tpu.memory_space<vmem>> -> memref<128x64xf32, #tpu.memory_space<vmem>>
        %dma_wait3A_661 = arith.constant 0 : i32
        %dma_wait3A_662 = tpu.memref_slice %arg7[%sub3A_654, %dma_wait3A_661] : memref<80x128xi32, #tpu.memory_space<vmem>> -> memref<1x128xi32, #tpu.memory_space<vmem>>
        %dma_wait3A_663 = tpu.memref_squeeze %dma_wait3A_662 : memref<1x128xi32, #tpu.memory_space<vmem>> -> memref<128xi32, #tpu.memory_space<vmem>>
        %dma_wait3A_664 = arith.constant 0 : i32
        %dma_wait3A_665 = arith.constant 0 : i32
        %dma_wait3A_666 = tpu.memref_slice %arg9[%dma_wait3A_664, %dma_wait3A_665] : memref<10112x64xf32, #tpu.memory_space<vmem_shared>> -> memref<10112x64xf32, #tpu.memory_space<vmem_shared>>
        %dma_wait3A_667 = tpu.memref_slice %arg11[%dma_wait3A_656] : memref<8x!tpu.dma_semaphore, #tpu.memory_space<semaphore_mem>> -> memref<1x!tpu.dma_semaphore, #tpu.memory_space<semaphore_mem>>
        %dma_wait3A_668 = tpu.memref_squeeze %dma_wait3A_667 : memref<1x!tpu.dma_semaphore, #tpu.memory_space<semaphore_mem>> -> memref<!tpu.dma_semaphore, #tpu.memory_space<semaphore_mem>>
        tpu.wait_indirect_dma semaphore(%dma_wait3A_668 : memref<!tpu.dma_semaphore, #tpu.memory_space<semaphore_mem>>) src(%dma_wait3A_660 : memref<128x64xf32, #tpu.memory_space<vmem>>) dst(%dma_wait3A_666 : memref<10112x64xf32, #tpu.memory_space<vmem_shared>>)
      } else {
      }
      %ge3A_333 = arith.constant 7 : i32
      %ge3A_334 = arith.cmpi sge, %sub3A_296, %ge3A_333 : i32
      %lt3A_335 = arith.constant 80 : i32
      %lt3A_336 = arith.cmpi slt, %sub3A_296, %lt3A_335 : i32
      %and3A_337 = arith.andi %ge3A_334, %lt3A_336 : i1
      %convert_element_type3A_338 = arith.extui %and3A_337 : i1 to i32
      %cond3A_339 = arith.constant 0 : i32
      %cond3A_340 = arith.cmpi ne, %convert_element_type3A_338, %cond3A_339 : i32
      scf.if %cond3A_340 {
        %dma_start3A_653 = arith.constant 0 : i32
        %dma_start3A_654 = arith.constant 0 : i32
        %dma_start3A_655 = arith.constant 0 : i32
        %dma_start3A_656 = arith.constant 0 : i32
        %dma_start3A_657 = tpu.memref_slice %arg8[%dma_start3A_653, %dma_start3A_655, %dma_start3A_656] : memref<8x128x64xf32, #tpu.memory_space<vmem>> -> memref<1x128x64xf32, #tpu.memory_space<vmem>>
        %dma_start3A_658 = tpu.memref_squeeze %dma_start3A_657 : memref<1x128x64xf32, #tpu.memory_space<vmem>> -> memref<128x64xf32, #tpu.memory_space<vmem>>
        %dma_start3A_659 = arith.constant 0 : i32
        %dma_start3A_660 = tpu.memref_slice %arg6[%sub3A_296, %dma_start3A_659] : memref<80x128xi32, #tpu.memory_space<vmem>> -> memref<1x128xi32, #tpu.memory_space<vmem>>
        %dma_start3A_661 = tpu.memref_squeeze %dma_start3A_660 : memref<1x128xi32, #tpu.memory_space<vmem>> -> memref<128xi32, #tpu.memory_space<vmem>>
        %dma_start3A_662 = arith.constant 0 : i32
        %dma_start3A_663 = arith.constant 0 : i32
        %dma_start3A_664 = tpu.memref_slice %arg2[%dma_start3A_662, %dma_start3A_663] : memref<10112x64xf32, #tpu.memory_space<hbm>> -> memref<10112x64xf32, #tpu.memory_space<hbm>>
        %dma_start3A_665 = tpu.memref_slice %arg10[%dma_start3A_654] : memref<8x!tpu.dma_semaphore, #tpu.memory_space<semaphore_mem>> -> memref<1x!tpu.dma_semaphore, #tpu.memory_space<semaphore_mem>>
        %dma_start3A_666 = tpu.memref_squeeze %dma_start3A_665 : memref<1x!tpu.dma_semaphore, #tpu.memory_space<semaphore_mem>> -> memref<!tpu.dma_semaphore, #tpu.memory_space<semaphore_mem>>
        tpu.enqueue_indirect_dma source(%dma_start3A_664 : memref<10112x64xf32, #tpu.memory_space<hbm>>) target(%dma_start3A_658 : memref<128x64xf32, #tpu.memory_space<vmem>>) offsets(%dma_start3A_661 : memref<128xi32, #tpu.memory_space<vmem>>) semaphore(%dma_start3A_666 : memref<!tpu.dma_semaphore, #tpu.memory_space<semaphore_mem>>)
      } else {
      }
      %mul3A_341 = arith.constant 8 : i32
      %mul3A_342 = arith.muli %scan3A_242, %mul3A_341 : i32
      %add3A_343 = arith.constant 2 : i32
      %add3A_344 = arith.addi %mul3A_342, %add3A_343 : i32
      %add3A_345 = arith.constant 8 : i32
      %add3A_346 = arith.addi %add3A_344, %add3A_345 : i32
      %sub3A_347 = arith.constant 1 : i32
      %sub3A_348 = arith.subi %add3A_346, %sub3A_347 : i32
      %dma_wait3A_349 = arith.constant 2 : i32
      %dma_wait3A_350 = arith.constant 2 : i32
      %dma_wait3A_351 = arith.constant 0 : i32
      %dma_wait3A_352 = arith.constant 0 : i32
      %dma_wait3A_353 = tpu.memref_slice %arg8[%dma_wait3A_349, %dma_wait3A_351, %dma_wait3A_352] : memref<8x128x64xf32, #tpu.memory_space<vmem>> -> memref<1x128x64xf32, #tpu.memory_space<vmem>>
      %dma_wait3A_354 = tpu.memref_squeeze %dma_wait3A_353 : memref<1x128x64xf32, #tpu.memory_space<vmem>> -> memref<128x64xf32, #tpu.memory_space<vmem>>
      %dma_wait3A_355 = arith.constant 0 : i32
      %dma_wait3A_356 = tpu.memref_slice %arg6[%add3A_344, %dma_wait3A_355] : memref<80x128xi32, #tpu.memory_space<vmem>> -> memref<1x128xi32, #tpu.memory_space<vmem>>
      %dma_wait3A_357 = tpu.memref_squeeze %dma_wait3A_356 : memref<1x128xi32, #tpu.memory_space<vmem>> -> memref<128xi32, #tpu.memory_space<vmem>>
      %dma_wait3A_358 = arith.constant 0 : i32
      %dma_wait3A_359 = arith.constant 0 : i32
      %dma_wait3A_360 = tpu.memref_slice %arg2[%dma_wait3A_358, %dma_wait3A_359] : memref<10112x64xf32, #tpu.memory_space<hbm>> -> memref<10112x64xf32, #tpu.memory_space<hbm>>
      %dma_wait3A_361 = tpu.memref_slice %arg10[%dma_wait3A_350] : memref<8x!tpu.dma_semaphore, #tpu.memory_space<semaphore_mem>> -> memref<1x!tpu.dma_semaphore, #tpu.memory_space<semaphore_mem>>
      %dma_wait3A_362 = tpu.memref_squeeze %dma_wait3A_361 : memref<1x!tpu.dma_semaphore, #tpu.memory_space<semaphore_mem>> -> memref<!tpu.dma_semaphore, #tpu.memory_space<semaphore_mem>>
      tpu.wait_indirect_dma semaphore(%dma_wait3A_362 : memref<!tpu.dma_semaphore, #tpu.memory_space<semaphore_mem>>) src(%dma_wait3A_360 : memref<10112x64xf32, #tpu.memory_space<hbm>>) dst(%dma_wait3A_354 : memref<128x64xf32, #tpu.memory_space<vmem>>)
      %dma_start3A_363 = arith.constant 2 : i32
      %dma_start3A_364 = arith.constant 2 : i32
      %dma_start3A_365 = arith.constant 0 : i32
      %dma_start3A_366 = arith.constant 0 : i32
      %dma_start3A_367 = tpu.memref_slice %arg8[%dma_start3A_363, %dma_start3A_365, %dma_start3A_366] : memref<8x128x64xf32, #tpu.memory_space<vmem>> -> memref<1x128x64xf32, #tpu.memory_space<vmem>>
      %dma_start3A_368 = tpu.memref_squeeze %dma_start3A_367 : memref<1x128x64xf32, #tpu.memory_space<vmem>> -> memref<128x64xf32, #tpu.memory_space<vmem>>
      %dma_start3A_369 = arith.constant 0 : i32
      %dma_start3A_370 = tpu.memref_slice %arg7[%add3A_344, %dma_start3A_369] : memref<80x128xi32, #tpu.memory_space<vmem>> -> memref<1x128xi32, #tpu.memory_space<vmem>>
      %dma_start3A_371 = tpu.memref_squeeze %dma_start3A_370 : memref<1x128xi32, #tpu.memory_space<vmem>> -> memref<128xi32, #tpu.memory_space<vmem>>
      %dma_start3A_372 = arith.constant 0 : i32
      %dma_start3A_373 = arith.constant 0 : i32
      %dma_start3A_374 = tpu.memref_slice %arg9[%dma_start3A_372, %dma_start3A_373] : memref<10112x64xf32, #tpu.memory_space<vmem_shared>> -> memref<10112x64xf32, #tpu.memory_space<vmem_shared>>
      %dma_start3A_375 = tpu.memref_slice %arg11[%dma_start3A_364] : memref<8x!tpu.dma_semaphore, #tpu.memory_space<semaphore_mem>> -> memref<1x!tpu.dma_semaphore, #tpu.memory_space<semaphore_mem>>
      %dma_start3A_376 = tpu.memref_squeeze %dma_start3A_375 : memref<1x!tpu.dma_semaphore, #tpu.memory_space<semaphore_mem>> -> memref<!tpu.dma_semaphore, #tpu.memory_space<semaphore_mem>>
      tpu.enqueue_indirect_dma source(%dma_start3A_368 : memref<128x64xf32, #tpu.memory_space<vmem>>) target(%dma_start3A_374 : memref<10112x64xf32, #tpu.memory_space<vmem_shared>>) offsets(%dma_start3A_371 : memref<128xi32, #tpu.memory_space<vmem>>) semaphore(%dma_start3A_376 : memref<!tpu.dma_semaphore, #tpu.memory_space<semaphore_mem>>) {add = true}
      %ge3A_377 = arith.constant 8 : i32
      %ge3A_378 = arith.cmpi sge, %sub3A_348, %ge3A_377 : i32
      %lt3A_379 = arith.constant 80 : i32
      %lt3A_380 = arith.cmpi slt, %sub3A_348, %lt3A_379 : i32
      %and3A_381 = arith.andi %ge3A_378, %lt3A_380 : i1
      %convert_element_type3A_382 = arith.extui %and3A_381 : i1 to i32
      %cond3A_383 = arith.constant 0 : i32
      %cond3A_384 = arith.cmpi ne, %convert_element_type3A_382, %cond3A_383 : i32
      scf.if %cond3A_384 {
        %sub3A_653 = arith.constant 1 : i32
        %sub3A_654 = arith.subi %add3A_344, %sub3A_653 : i32
        %dma_wait3A_655 = arith.constant 1 : i32
        %dma_wait3A_656 = arith.constant 1 : i32
        %dma_wait3A_657 = arith.constant 0 : i32
        %dma_wait3A_658 = arith.constant 0 : i32
        %dma_wait3A_659 = tpu.memref_slice %arg8[%dma_wait3A_655, %dma_wait3A_657, %dma_wait3A_658] : memref<8x128x64xf32, #tpu.memory_space<vmem>> -> memref<1x128x64xf32, #tpu.memory_space<vmem>>
        %dma_wait3A_660 = tpu.memref_squeeze %dma_wait3A_659 : memref<1x128x64xf32, #tpu.memory_space<vmem>> -> memref<128x64xf32, #tpu.memory_space<vmem>>
        %dma_wait3A_661 = arith.constant 0 : i32
        %dma_wait3A_662 = tpu.memref_slice %arg7[%sub3A_654, %dma_wait3A_661] : memref<80x128xi32, #tpu.memory_space<vmem>> -> memref<1x128xi32, #tpu.memory_space<vmem>>
        %dma_wait3A_663 = tpu.memref_squeeze %dma_wait3A_662 : memref<1x128xi32, #tpu.memory_space<vmem>> -> memref<128xi32, #tpu.memory_space<vmem>>
        %dma_wait3A_664 = arith.constant 0 : i32
        %dma_wait3A_665 = arith.constant 0 : i32
        %dma_wait3A_666 = tpu.memref_slice %arg9[%dma_wait3A_664, %dma_wait3A_665] : memref<10112x64xf32, #tpu.memory_space<vmem_shared>> -> memref<10112x64xf32, #tpu.memory_space<vmem_shared>>
        %dma_wait3A_667 = tpu.memref_slice %arg11[%dma_wait3A_656] : memref<8x!tpu.dma_semaphore, #tpu.memory_space<semaphore_mem>> -> memref<1x!tpu.dma_semaphore, #tpu.memory_space<semaphore_mem>>
        %dma_wait3A_668 = tpu.memref_squeeze %dma_wait3A_667 : memref<1x!tpu.dma_semaphore, #tpu.memory_space<semaphore_mem>> -> memref<!tpu.dma_semaphore, #tpu.memory_space<semaphore_mem>>
        tpu.wait_indirect_dma semaphore(%dma_wait3A_668 : memref<!tpu.dma_semaphore, #tpu.memory_space<semaphore_mem>>) src(%dma_wait3A_660 : memref<128x64xf32, #tpu.memory_space<vmem>>) dst(%dma_wait3A_666 : memref<10112x64xf32, #tpu.memory_space<vmem_shared>>)
      } else {
      }
      %ge3A_385 = arith.constant 7 : i32
      %ge3A_386 = arith.cmpi sge, %sub3A_348, %ge3A_385 : i32
      %lt3A_387 = arith.constant 80 : i32
      %lt3A_388 = arith.cmpi slt, %sub3A_348, %lt3A_387 : i32
      %and3A_389 = arith.andi %ge3A_386, %lt3A_388 : i1
      %convert_element_type3A_390 = arith.extui %and3A_389 : i1 to i32
      %cond3A_391 = arith.constant 0 : i32
      %cond3A_392 = arith.cmpi ne, %convert_element_type3A_390, %cond3A_391 : i32
      scf.if %cond3A_392 {
        %dma_start3A_653 = arith.constant 1 : i32
        %dma_start3A_654 = arith.constant 1 : i32
        %dma_start3A_655 = arith.constant 0 : i32
        %dma_start3A_656 = arith.constant 0 : i32
        %dma_start3A_657 = tpu.memref_slice %arg8[%dma_start3A_653, %dma_start3A_655, %dma_start3A_656] : memref<8x128x64xf32, #tpu.memory_space<vmem>> -> memref<1x128x64xf32, #tpu.memory_space<vmem>>
        %dma_start3A_658 = tpu.memref_squeeze %dma_start3A_657 : memref<1x128x64xf32, #tpu.memory_space<vmem>> -> memref<128x64xf32, #tpu.memory_space<vmem>>
        %dma_start3A_659 = arith.constant 0 : i32
        %dma_start3A_660 = tpu.memref_slice %arg6[%sub3A_348, %dma_start3A_659] : memref<80x128xi32, #tpu.memory_space<vmem>> -> memref<1x128xi32, #tpu.memory_space<vmem>>
        %dma_start3A_661 = tpu.memref_squeeze %dma_start3A_660 : memref<1x128xi32, #tpu.memory_space<vmem>> -> memref<128xi32, #tpu.memory_space<vmem>>
        %dma_start3A_662 = arith.constant 0 : i32
        %dma_start3A_663 = arith.constant 0 : i32
        %dma_start3A_664 = tpu.memref_slice %arg2[%dma_start3A_662, %dma_start3A_663] : memref<10112x64xf32, #tpu.memory_space<hbm>> -> memref<10112x64xf32, #tpu.memory_space<hbm>>
        %dma_start3A_665 = tpu.memref_slice %arg10[%dma_start3A_654] : memref<8x!tpu.dma_semaphore, #tpu.memory_space<semaphore_mem>> -> memref<1x!tpu.dma_semaphore, #tpu.memory_space<semaphore_mem>>
        %dma_start3A_666 = tpu.memref_squeeze %dma_start3A_665 : memref<1x!tpu.dma_semaphore, #tpu.memory_space<semaphore_mem>> -> memref<!tpu.dma_semaphore, #tpu.memory_space<semaphore_mem>>
        tpu.enqueue_indirect_dma source(%dma_start3A_664 : memref<10112x64xf32, #tpu.memory_space<hbm>>) target(%dma_start3A_658 : memref<128x64xf32, #tpu.memory_space<vmem>>) offsets(%dma_start3A_661 : memref<128xi32, #tpu.memory_space<vmem>>) semaphore(%dma_start3A_666 : memref<!tpu.dma_semaphore, #tpu.memory_space<semaphore_mem>>)
      } else {
      }
      %mul3A_393 = arith.constant 8 : i32
      %mul3A_394 = arith.muli %scan3A_242, %mul3A_393 : i32
      %add3A_395 = arith.constant 3 : i32
      %add3A_396 = arith.addi %mul3A_394, %add3A_395 : i32
      %add3A_397 = arith.constant 8 : i32
      %add3A_398 = arith.addi %add3A_396, %add3A_397 : i32
      %sub3A_399 = arith.constant 1 : i32
      %sub3A_400 = arith.subi %add3A_398, %sub3A_399 : i32
      %dma_wait3A_401 = arith.constant 3 : i32
      %dma_wait3A_402 = arith.constant 3 : i32
      %dma_wait3A_403 = arith.constant 0 : i32
      %dma_wait3A_404 = arith.constant 0 : i32
      %dma_wait3A_405 = tpu.memref_slice %arg8[%dma_wait3A_401, %dma_wait3A_403, %dma_wait3A_404] : memref<8x128x64xf32, #tpu.memory_space<vmem>> -> memref<1x128x64xf32, #tpu.memory_space<vmem>>
      %dma_wait3A_406 = tpu.memref_squeeze %dma_wait3A_405 : memref<1x128x64xf32, #tpu.memory_space<vmem>> -> memref<128x64xf32, #tpu.memory_space<vmem>>
      %dma_wait3A_407 = arith.constant 0 : i32
      %dma_wait3A_408 = tpu.memref_slice %arg6[%add3A_396, %dma_wait3A_407] : memref<80x128xi32, #tpu.memory_space<vmem>> -> memref<1x128xi32, #tpu.memory_space<vmem>>
      %dma_wait3A_409 = tpu.memref_squeeze %dma_wait3A_408 : memref<1x128xi32, #tpu.memory_space<vmem>> -> memref<128xi32, #tpu.memory_space<vmem>>
      %dma_wait3A_410 = arith.constant 0 : i32
      %dma_wait3A_411 = arith.constant 0 : i32
      %dma_wait3A_412 = tpu.memref_slice %arg2[%dma_wait3A_410, %dma_wait3A_411] : memref<10112x64xf32, #tpu.memory_space<hbm>> -> memref<10112x64xf32, #tpu.memory_space<hbm>>
      %dma_wait3A_413 = tpu.memref_slice %arg10[%dma_wait3A_402] : memref<8x!tpu.dma_semaphore, #tpu.memory_space<semaphore_mem>> -> memref<1x!tpu.dma_semaphore, #tpu.memory_space<semaphore_mem>>
      %dma_wait3A_414 = tpu.memref_squeeze %dma_wait3A_413 : memref<1x!tpu.dma_semaphore, #tpu.memory_space<semaphore_mem>> -> memref<!tpu.dma_semaphore, #tpu.memory_space<semaphore_mem>>
      tpu.wait_indirect_dma semaphore(%dma_wait3A_414 : memref<!tpu.dma_semaphore, #tpu.memory_space<semaphore_mem>>) src(%dma_wait3A_412 : memref<10112x64xf32, #tpu.memory_space<hbm>>) dst(%dma_wait3A_406 : memref<128x64xf32, #tpu.memory_space<vmem>>)
      %dma_start3A_415 = arith.constant 3 : i32
      %dma_start3A_416 = arith.constant 3 : i32
      %dma_start3A_417 = arith.constant 0 : i32
      %dma_start3A_418 = arith.constant 0 : i32
      %dma_start3A_419 = tpu.memref_slice %arg8[%dma_start3A_415, %dma_start3A_417, %dma_start3A_418] : memref<8x128x64xf32, #tpu.memory_space<vmem>> -> memref<1x128x64xf32, #tpu.memory_space<vmem>>
      %dma_start3A_420 = tpu.memref_squeeze %dma_start3A_419 : memref<1x128x64xf32, #tpu.memory_space<vmem>> -> memref<128x64xf32, #tpu.memory_space<vmem>>
      %dma_start3A_421 = arith.constant 0 : i32
      %dma_start3A_422 = tpu.memref_slice %arg7[%add3A_396, %dma_start3A_421] : memref<80x128xi32, #tpu.memory_space<vmem>> -> memref<1x128xi32, #tpu.memory_space<vmem>>
      %dma_start3A_423 = tpu.memref_squeeze %dma_start3A_422 : memref<1x128xi32, #tpu.memory_space<vmem>> -> memref<128xi32, #tpu.memory_space<vmem>>
      %dma_start3A_424 = arith.constant 0 : i32
      %dma_start3A_425 = arith.constant 0 : i32
      %dma_start3A_426 = tpu.memref_slice %arg9[%dma_start3A_424, %dma_start3A_425] : memref<10112x64xf32, #tpu.memory_space<vmem_shared>> -> memref<10112x64xf32, #tpu.memory_space<vmem_shared>>
      %dma_start3A_427 = tpu.memref_slice %arg11[%dma_start3A_416] : memref<8x!tpu.dma_semaphore, #tpu.memory_space<semaphore_mem>> -> memref<1x!tpu.dma_semaphore, #tpu.memory_space<semaphore_mem>>
      %dma_start3A_428 = tpu.memref_squeeze %dma_start3A_427 : memref<1x!tpu.dma_semaphore, #tpu.memory_space<semaphore_mem>> -> memref<!tpu.dma_semaphore, #tpu.memory_space<semaphore_mem>>
      tpu.enqueue_indirect_dma source(%dma_start3A_420 : memref<128x64xf32, #tpu.memory_space<vmem>>) target(%dma_start3A_426 : memref<10112x64xf32, #tpu.memory_space<vmem_shared>>) offsets(%dma_start3A_423 : memref<128xi32, #tpu.memory_space<vmem>>) semaphore(%dma_start3A_428 : memref<!tpu.dma_semaphore, #tpu.memory_space<semaphore_mem>>) {add = true}
      %ge3A_429 = arith.constant 8 : i32
      %ge3A_430 = arith.cmpi sge, %sub3A_400, %ge3A_429 : i32
      %lt3A_431 = arith.constant 80 : i32
      %lt3A_432 = arith.cmpi slt, %sub3A_400, %lt3A_431 : i32
      %and3A_433 = arith.andi %ge3A_430, %lt3A_432 : i1
      %convert_element_type3A_434 = arith.extui %and3A_433 : i1 to i32
      %cond3A_435 = arith.constant 0 : i32
      %cond3A_436 = arith.cmpi ne, %convert_element_type3A_434, %cond3A_435 : i32
      scf.if %cond3A_436 {
        %sub3A_653 = arith.constant 1 : i32
        %sub3A_654 = arith.subi %add3A_396, %sub3A_653 : i32
        %dma_wait3A_655 = arith.constant 2 : i32
        %dma_wait3A_656 = arith.constant 2 : i32
        %dma_wait3A_657 = arith.constant 0 : i32
        %dma_wait3A_658 = arith.constant 0 : i32
        %dma_wait3A_659 = tpu.memref_slice %arg8[%dma_wait3A_655, %dma_wait3A_657, %dma_wait3A_658] : memref<8x128x64xf32, #tpu.memory_space<vmem>> -> memref<1x128x64xf32, #tpu.memory_space<vmem>>
        %dma_wait3A_660 = tpu.memref_squeeze %dma_wait3A_659 : memref<1x128x64xf32, #tpu.memory_space<vmem>> -> memref<128x64xf32, #tpu.memory_space<vmem>>
        %dma_wait3A_661 = arith.constant 0 : i32
        %dma_wait3A_662 = tpu.memref_slice %arg7[%sub3A_654, %dma_wait3A_661] : memref<80x128xi32, #tpu.memory_space<vmem>> -> memref<1x128xi32, #tpu.memory_space<vmem>>
        %dma_wait3A_663 = tpu.memref_squeeze %dma_wait3A_662 : memref<1x128xi32, #tpu.memory_space<vmem>> -> memref<128xi32, #tpu.memory_space<vmem>>
        %dma_wait3A_664 = arith.constant 0 : i32
        %dma_wait3A_665 = arith.constant 0 : i32
        %dma_wait3A_666 = tpu.memref_slice %arg9[%dma_wait3A_664, %dma_wait3A_665] : memref<10112x64xf32, #tpu.memory_space<vmem_shared>> -> memref<10112x64xf32, #tpu.memory_space<vmem_shared>>
        %dma_wait3A_667 = tpu.memref_slice %arg11[%dma_wait3A_656] : memref<8x!tpu.dma_semaphore, #tpu.memory_space<semaphore_mem>> -> memref<1x!tpu.dma_semaphore, #tpu.memory_space<semaphore_mem>>
        %dma_wait3A_668 = tpu.memref_squeeze %dma_wait3A_667 : memref<1x!tpu.dma_semaphore, #tpu.memory_space<semaphore_mem>> -> memref<!tpu.dma_semaphore, #tpu.memory_space<semaphore_mem>>
        tpu.wait_indirect_dma semaphore(%dma_wait3A_668 : memref<!tpu.dma_semaphore, #tpu.memory_space<semaphore_mem>>) src(%dma_wait3A_660 : memref<128x64xf32, #tpu.memory_space<vmem>>) dst(%dma_wait3A_666 : memref<10112x64xf32, #tpu.memory_space<vmem_shared>>)
      } else {
      }
      %ge3A_437 = arith.constant 7 : i32
      %ge3A_438 = arith.cmpi sge, %sub3A_400, %ge3A_437 : i32
      %lt3A_439 = arith.constant 80 : i32
      %lt3A_440 = arith.cmpi slt, %sub3A_400, %lt3A_439 : i32
      %and3A_441 = arith.andi %ge3A_438, %lt3A_440 : i1
      %convert_element_type3A_442 = arith.extui %and3A_441 : i1 to i32
      %cond3A_443 = arith.constant 0 : i32
      %cond3A_444 = arith.cmpi ne, %convert_element_type3A_442, %cond3A_443 : i32
      scf.if %cond3A_444 {
        %dma_start3A_653 = arith.constant 2 : i32
        %dma_start3A_654 = arith.constant 2 : i32
        %dma_start3A_655 = arith.constant 0 : i32
        %dma_start3A_656 = arith.constant 0 : i32
        %dma_start3A_657 = tpu.memref_slice %arg8[%dma_start3A_653, %dma_start3A_655, %dma_start3A_656] : memref<8x128x64xf32, #tpu.memory_space<vmem>> -> memref<1x128x64xf32, #tpu.memory_space<vmem>>
        %dma_start3A_658 = tpu.memref_squeeze %dma_start3A_657 : memref<1x128x64xf32, #tpu.memory_space<vmem>> -> memref<128x64xf32, #tpu.memory_space<vmem>>
        %dma_start3A_659 = arith.constant 0 : i32
        %dma_start3A_660 = tpu.memref_slice %arg6[%sub3A_400, %dma_start3A_659] : memref<80x128xi32, #tpu.memory_space<vmem>> -> memref<1x128xi32, #tpu.memory_space<vmem>>
        %dma_start3A_661 = tpu.memref_squeeze %dma_start3A_660 : memref<1x128xi32, #tpu.memory_space<vmem>> -> memref<128xi32, #tpu.memory_space<vmem>>
        %dma_start3A_662 = arith.constant 0 : i32
        %dma_start3A_663 = arith.constant 0 : i32
        %dma_start3A_664 = tpu.memref_slice %arg2[%dma_start3A_662, %dma_start3A_663] : memref<10112x64xf32, #tpu.memory_space<hbm>> -> memref<10112x64xf32, #tpu.memory_space<hbm>>
        %dma_start3A_665 = tpu.memref_slice %arg10[%dma_start3A_654] : memref<8x!tpu.dma_semaphore, #tpu.memory_space<semaphore_mem>> -> memref<1x!tpu.dma_semaphore, #tpu.memory_space<semaphore_mem>>
        %dma_start3A_666 = tpu.memref_squeeze %dma_start3A_665 : memref<1x!tpu.dma_semaphore, #tpu.memory_space<semaphore_mem>> -> memref<!tpu.dma_semaphore, #tpu.memory_space<semaphore_mem>>
        tpu.enqueue_indirect_dma source(%dma_start3A_664 : memref<10112x64xf32, #tpu.memory_space<hbm>>) target(%dma_start3A_658 : memref<128x64xf32, #tpu.memory_space<vmem>>) offsets(%dma_start3A_661 : memref<128xi32, #tpu.memory_space<vmem>>) semaphore(%dma_start3A_666 : memref<!tpu.dma_semaphore, #tpu.memory_space<semaphore_mem>>)
      } else {
      }
      %mul3A_445 = arith.constant 8 : i32
      %mul3A_446 = arith.muli %scan3A_242, %mul3A_445 : i32
      %add3A_447 = arith.constant 4 : i32
      %add3A_448 = arith.addi %mul3A_446, %add3A_447 : i32
      %add3A_449 = arith.constant 8 : i32
      %add3A_450 = arith.addi %add3A_448, %add3A_449 : i32
      %sub3A_451 = arith.constant 1 : i32
      %sub3A_452 = arith.subi %add3A_450, %sub3A_451 : i32
      %dma_wait3A_453 = arith.constant 4 : i32
      %dma_wait3A_454 = arith.constant 4 : i32
      %dma_wait3A_455 = arith.constant 0 : i32
      %dma_wait3A_456 = arith.constant 0 : i32
      %dma_wait3A_457 = tpu.memref_slice %arg8[%dma_wait3A_453, %dma_wait3A_455, %dma_wait3A_456] : memref<8x128x64xf32, #tpu.memory_space<vmem>> -> memref<1x128x64xf32, #tpu.memory_space<vmem>>
      %dma_wait3A_458 = tpu.memref_squeeze %dma_wait3A_457 : memref<1x128x64xf32, #tpu.memory_space<vmem>> -> memref<128x64xf32, #tpu.memory_space<vmem>>
      %dma_wait3A_459 = arith.constant 0 : i32
      %dma_wait3A_460 = tpu.memref_slice %arg6[%add3A_448, %dma_wait3A_459] : memref<80x128xi32, #tpu.memory_space<vmem>> -> memref<1x128xi32, #tpu.memory_space<vmem>>
      %dma_wait3A_461 = tpu.memref_squeeze %dma_wait3A_460 : memref<1x128xi32, #tpu.memory_space<vmem>> -> memref<128xi32, #tpu.memory_space<vmem>>
      %dma_wait3A_462 = arith.constant 0 : i32
      %dma_wait3A_463 = arith.constant 0 : i32
      %dma_wait3A_464 = tpu.memref_slice %arg2[%dma_wait3A_462, %dma_wait3A_463] : memref<10112x64xf32, #tpu.memory_space<hbm>> -> memref<10112x64xf32, #tpu.memory_space<hbm>>
      %dma_wait3A_465 = tpu.memref_slice %arg10[%dma_wait3A_454] : memref<8x!tpu.dma_semaphore, #tpu.memory_space<semaphore_mem>> -> memref<1x!tpu.dma_semaphore, #tpu.memory_space<semaphore_mem>>
      %dma_wait3A_466 = tpu.memref_squeeze %dma_wait3A_465 : memref<1x!tpu.dma_semaphore, #tpu.memory_space<semaphore_mem>> -> memref<!tpu.dma_semaphore, #tpu.memory_space<semaphore_mem>>
      tpu.wait_indirect_dma semaphore(%dma_wait3A_466 : memref<!tpu.dma_semaphore, #tpu.memory_space<semaphore_mem>>) src(%dma_wait3A_464 : memref<10112x64xf32, #tpu.memory_space<hbm>>) dst(%dma_wait3A_458 : memref<128x64xf32, #tpu.memory_space<vmem>>)
      %dma_start3A_467 = arith.constant 4 : i32
      %dma_start3A_468 = arith.constant 4 : i32
      %dma_start3A_469 = arith.constant 0 : i32
      %dma_start3A_470 = arith.constant 0 : i32
      %dma_start3A_471 = tpu.memref_slice %arg8[%dma_start3A_467, %dma_start3A_469, %dma_start3A_470] : memref<8x128x64xf32, #tpu.memory_space<vmem>> -> memref<1x128x64xf32, #tpu.memory_space<vmem>>
      %dma_start3A_472 = tpu.memref_squeeze %dma_start3A_471 : memref<1x128x64xf32, #tpu.memory_space<vmem>> -> memref<128x64xf32, #tpu.memory_space<vmem>>
      %dma_start3A_473 = arith.constant 0 : i32
      %dma_start3A_474 = tpu.memref_slice %arg7[%add3A_448, %dma_start3A_473] : memref<80x128xi32, #tpu.memory_space<vmem>> -> memref<1x128xi32, #tpu.memory_space<vmem>>
      %dma_start3A_475 = tpu.memref_squeeze %dma_start3A_474 : memref<1x128xi32, #tpu.memory_space<vmem>> -> memref<128xi32, #tpu.memory_space<vmem>>
      %dma_start3A_476 = arith.constant 0 : i32
      %dma_start3A_477 = arith.constant 0 : i32
      %dma_start3A_478 = tpu.memref_slice %arg9[%dma_start3A_476, %dma_start3A_477] : memref<10112x64xf32, #tpu.memory_space<vmem_shared>> -> memref<10112x64xf32, #tpu.memory_space<vmem_shared>>
      %dma_start3A_479 = tpu.memref_slice %arg11[%dma_start3A_468] : memref<8x!tpu.dma_semaphore, #tpu.memory_space<semaphore_mem>> -> memref<1x!tpu.dma_semaphore, #tpu.memory_space<semaphore_mem>>
      %dma_start3A_480 = tpu.memref_squeeze %dma_start3A_479 : memref<1x!tpu.dma_semaphore, #tpu.memory_space<semaphore_mem>> -> memref<!tpu.dma_semaphore, #tpu.memory_space<semaphore_mem>>
      tpu.enqueue_indirect_dma source(%dma_start3A_472 : memref<128x64xf32, #tpu.memory_space<vmem>>) target(%dma_start3A_478 : memref<10112x64xf32, #tpu.memory_space<vmem_shared>>) offsets(%dma_start3A_475 : memref<128xi32, #tpu.memory_space<vmem>>) semaphore(%dma_start3A_480 : memref<!tpu.dma_semaphore, #tpu.memory_space<semaphore_mem>>) {add = true}
      %ge3A_481 = arith.constant 8 : i32
      %ge3A_482 = arith.cmpi sge, %sub3A_452, %ge3A_481 : i32
      %lt3A_483 = arith.constant 80 : i32
      %lt3A_484 = arith.cmpi slt, %sub3A_452, %lt3A_483 : i32
      %and3A_485 = arith.andi %ge3A_482, %lt3A_484 : i1
      %convert_element_type3A_486 = arith.extui %and3A_485 : i1 to i32
      %cond3A_487 = arith.constant 0 : i32
      %cond3A_488 = arith.cmpi ne, %convert_element_type3A_486, %cond3A_487 : i32
      scf.if %cond3A_488 {
        %sub3A_653 = arith.constant 1 : i32
        %sub3A_654 = arith.subi %add3A_448, %sub3A_653 : i32
        %dma_wait3A_655 = arith.constant 3 : i32
        %dma_wait3A_656 = arith.constant 3 : i32
        %dma_wait3A_657 = arith.constant 0 : i32
        %dma_wait3A_658 = arith.constant 0 : i32
        %dma_wait3A_659 = tpu.memref_slice %arg8[%dma_wait3A_655, %dma_wait3A_657, %dma_wait3A_658] : memref<8x128x64xf32, #tpu.memory_space<vmem>> -> memref<1x128x64xf32, #tpu.memory_space<vmem>>
        %dma_wait3A_660 = tpu.memref_squeeze %dma_wait3A_659 : memref<1x128x64xf32, #tpu.memory_space<vmem>> -> memref<128x64xf32, #tpu.memory_space<vmem>>
        %dma_wait3A_661 = arith.constant 0 : i32
        %dma_wait3A_662 = tpu.memref_slice %arg7[%sub3A_654, %dma_wait3A_661] : memref<80x128xi32, #tpu.memory_space<vmem>> -> memref<1x128xi32, #tpu.memory_space<vmem>>
        %dma_wait3A_663 = tpu.memref_squeeze %dma_wait3A_662 : memref<1x128xi32, #tpu.memory_space<vmem>> -> memref<128xi32, #tpu.memory_space<vmem>>
        %dma_wait3A_664 = arith.constant 0 : i32
        %dma_wait3A_665 = arith.constant 0 : i32
        %dma_wait3A_666 = tpu.memref_slice %arg9[%dma_wait3A_664, %dma_wait3A_665] : memref<10112x64xf32, #tpu.memory_space<vmem_shared>> -> memref<10112x64xf32, #tpu.memory_space<vmem_shared>>
        %dma_wait3A_667 = tpu.memref_slice %arg11[%dma_wait3A_656] : memref<8x!tpu.dma_semaphore, #tpu.memory_space<semaphore_mem>> -> memref<1x!tpu.dma_semaphore, #tpu.memory_space<semaphore_mem>>
        %dma_wait3A_668 = tpu.memref_squeeze %dma_wait3A_667 : memref<1x!tpu.dma_semaphore, #tpu.memory_space<semaphore_mem>> -> memref<!tpu.dma_semaphore, #tpu.memory_space<semaphore_mem>>
        tpu.wait_indirect_dma semaphore(%dma_wait3A_668 : memref<!tpu.dma_semaphore, #tpu.memory_space<semaphore_mem>>) src(%dma_wait3A_660 : memref<128x64xf32, #tpu.memory_space<vmem>>) dst(%dma_wait3A_666 : memref<10112x64xf32, #tpu.memory_space<vmem_shared>>)
      } else {
      }
      %ge3A_489 = arith.constant 7 : i32
      %ge3A_490 = arith.cmpi sge, %sub3A_452, %ge3A_489 : i32
      %lt3A_491 = arith.constant 80 : i32
      %lt3A_492 = arith.cmpi slt, %sub3A_452, %lt3A_491 : i32
      %and3A_493 = arith.andi %ge3A_490, %lt3A_492 : i1
      %convert_element_type3A_494 = arith.extui %and3A_493 : i1 to i32
      %cond3A_495 = arith.constant 0 : i32
      %cond3A_496 = arith.cmpi ne, %convert_element_type3A_494, %cond3A_495 : i32
      scf.if %cond3A_496 {
        %dma_start3A_653 = arith.constant 3 : i32
        %dma_start3A_654 = arith.constant 3 : i32
        %dma_start3A_655 = arith.constant 0 : i32
        %dma_start3A_656 = arith.constant 0 : i32
        %dma_start3A_657 = tpu.memref_slice %arg8[%dma_start3A_653, %dma_start3A_655, %dma_start3A_656] : memref<8x128x64xf32, #tpu.memory_space<vmem>> -> memref<1x128x64xf32, #tpu.memory_space<vmem>>
        %dma_start3A_658 = tpu.memref_squeeze %dma_start3A_657 : memref<1x128x64xf32, #tpu.memory_space<vmem>> -> memref<128x64xf32, #tpu.memory_space<vmem>>
        %dma_start3A_659 = arith.constant 0 : i32
        %dma_start3A_660 = tpu.memref_slice %arg6[%sub3A_452, %dma_start3A_659] : memref<80x128xi32, #tpu.memory_space<vmem>> -> memref<1x128xi32, #tpu.memory_space<vmem>>
        %dma_start3A_661 = tpu.memref_squeeze %dma_start3A_660 : memref<1x128xi32, #tpu.memory_space<vmem>> -> memref<128xi32, #tpu.memory_space<vmem>>
        %dma_start3A_662 = arith.constant 0 : i32
        %dma_start3A_663 = arith.constant 0 : i32
        %dma_start3A_664 = tpu.memref_slice %arg2[%dma_start3A_662, %dma_start3A_663] : memref<10112x64xf32, #tpu.memory_space<hbm>> -> memref<10112x64xf32, #tpu.memory_space<hbm>>
        %dma_start3A_665 = tpu.memref_slice %arg10[%dma_start3A_654] : memref<8x!tpu.dma_semaphore, #tpu.memory_space<semaphore_mem>> -> memref<1x!tpu.dma_semaphore, #tpu.memory_space<semaphore_mem>>
        %dma_start3A_666 = tpu.memref_squeeze %dma_start3A_665 : memref<1x!tpu.dma_semaphore, #tpu.memory_space<semaphore_mem>> -> memref<!tpu.dma_semaphore, #tpu.memory_space<semaphore_mem>>
        tpu.enqueue_indirect_dma source(%dma_start3A_664 : memref<10112x64xf32, #tpu.memory_space<hbm>>) target(%dma_start3A_658 : memref<128x64xf32, #tpu.memory_space<vmem>>) offsets(%dma_start3A_661 : memref<128xi32, #tpu.memory_space<vmem>>) semaphore(%dma_start3A_666 : memref<!tpu.dma_semaphore, #tpu.memory_space<semaphore_mem>>)
      } else {
      }
      %mul3A_497 = arith.constant 8 : i32
      %mul3A_498 = arith.muli %scan3A_242, %mul3A_497 : i32
      %add3A_499 = arith.constant 5 : i32
      %add3A_500 = arith.addi %mul3A_498, %add3A_499 : i32
      %add3A_501 = arith.constant 8 : i32
      %add3A_502 = arith.addi %add3A_500, %add3A_501 : i32
      %sub3A_503 = arith.constant 1 : i32
      %sub3A_504 = arith.subi %add3A_502, %sub3A_503 : i32
      %dma_wait3A_505 = arith.constant 5 : i32
      %dma_wait3A_506 = arith.constant 5 : i32
      %dma_wait3A_507 = arith.constant 0 : i32
      %dma_wait3A_508 = arith.constant 0 : i32
      %dma_wait3A_509 = tpu.memref_slice %arg8[%dma_wait3A_505, %dma_wait3A_507, %dma_wait3A_508] : memref<8x128x64xf32, #tpu.memory_space<vmem>> -> memref<1x128x64xf32, #tpu.memory_space<vmem>>
      %dma_wait3A_510 = tpu.memref_squeeze %dma_wait3A_509 : memref<1x128x64xf32, #tpu.memory_space<vmem>> -> memref<128x64xf32, #tpu.memory_space<vmem>>
      %dma_wait3A_511 = arith.constant 0 : i32
      %dma_wait3A_512 = tpu.memref_slice %arg6[%add3A_500, %dma_wait3A_511] : memref<80x128xi32, #tpu.memory_space<vmem>> -> memref<1x128xi32, #tpu.memory_space<vmem>>
      %dma_wait3A_513 = tpu.memref_squeeze %dma_wait3A_512 : memref<1x128xi32, #tpu.memory_space<vmem>> -> memref<128xi32, #tpu.memory_space<vmem>>
      %dma_wait3A_514 = arith.constant 0 : i32
      %dma_wait3A_515 = arith.constant 0 : i32
      %dma_wait3A_516 = tpu.memref_slice %arg2[%dma_wait3A_514, %dma_wait3A_515] : memref<10112x64xf32, #tpu.memory_space<hbm>> -> memref<10112x64xf32, #tpu.memory_space<hbm>>
      %dma_wait3A_517 = tpu.memref_slice %arg10[%dma_wait3A_506] : memref<8x!tpu.dma_semaphore, #tpu.memory_space<semaphore_mem>> -> memref<1x!tpu.dma_semaphore, #tpu.memory_space<semaphore_mem>>
      %dma_wait3A_518 = tpu.memref_squeeze %dma_wait3A_517 : memref<1x!tpu.dma_semaphore, #tpu.memory_space<semaphore_mem>> -> memref<!tpu.dma_semaphore, #tpu.memory_space<semaphore_mem>>
      tpu.wait_indirect_dma semaphore(%dma_wait3A_518 : memref<!tpu.dma_semaphore, #tpu.memory_space<semaphore_mem>>) src(%dma_wait3A_516 : memref<10112x64xf32, #tpu.memory_space<hbm>>) dst(%dma_wait3A_510 : memref<128x64xf32, #tpu.memory_space<vmem>>)
      %dma_start3A_519 = arith.constant 5 : i32
      %dma_start3A_520 = arith.constant 5 : i32
      %dma_start3A_521 = arith.constant 0 : i32
      %dma_start3A_522 = arith.constant 0 : i32
      %dma_start3A_523 = tpu.memref_slice %arg8[%dma_start3A_519, %dma_start3A_521, %dma_start3A_522] : memref<8x128x64xf32, #tpu.memory_space<vmem>> -> memref<1x128x64xf32, #tpu.memory_space<vmem>>
      %dma_start3A_524 = tpu.memref_squeeze %dma_start3A_523 : memref<1x128x64xf32, #tpu.memory_space<vmem>> -> memref<128x64xf32, #tpu.memory_space<vmem>>
      %dma_start3A_525 = arith.constant 0 : i32
      %dma_start3A_526 = tpu.memref_slice %arg7[%add3A_500, %dma_start3A_525] : memref<80x128xi32, #tpu.memory_space<vmem>> -> memref<1x128xi32, #tpu.memory_space<vmem>>
      %dma_start3A_527 = tpu.memref_squeeze %dma_start3A_526 : memref<1x128xi32, #tpu.memory_space<vmem>> -> memref<128xi32, #tpu.memory_space<vmem>>
      %dma_start3A_528 = arith.constant 0 : i32
      %dma_start3A_529 = arith.constant 0 : i32
      %dma_start3A_530 = tpu.memref_slice %arg9[%dma_start3A_528, %dma_start3A_529] : memref<10112x64xf32, #tpu.memory_space<vmem_shared>> -> memref<10112x64xf32, #tpu.memory_space<vmem_shared>>
      %dma_start3A_531 = tpu.memref_slice %arg11[%dma_start3A_520] : memref<8x!tpu.dma_semaphore, #tpu.memory_space<semaphore_mem>> -> memref<1x!tpu.dma_semaphore, #tpu.memory_space<semaphore_mem>>
      %dma_start3A_532 = tpu.memref_squeeze %dma_start3A_531 : memref<1x!tpu.dma_semaphore, #tpu.memory_space<semaphore_mem>> -> memref<!tpu.dma_semaphore, #tpu.memory_space<semaphore_mem>>
      tpu.enqueue_indirect_dma source(%dma_start3A_524 : memref<128x64xf32, #tpu.memory_space<vmem>>) target(%dma_start3A_530 : memref<10112x64xf32, #tpu.memory_space<vmem_shared>>) offsets(%dma_start3A_527 : memref<128xi32, #tpu.memory_space<vmem>>) semaphore(%dma_start3A_532 : memref<!tpu.dma_semaphore, #tpu.memory_space<semaphore_mem>>) {add = true}
      %ge3A_533 = arith.constant 8 : i32
      %ge3A_534 = arith.cmpi sge, %sub3A_504, %ge3A_533 : i32
      %lt3A_535 = arith.constant 80 : i32
      %lt3A_536 = arith.cmpi slt, %sub3A_504, %lt3A_535 : i32
      %and3A_537 = arith.andi %ge3A_534, %lt3A_536 : i1
      %convert_element_type3A_538 = arith.extui %and3A_537 : i1 to i32
      %cond3A_539 = arith.constant 0 : i32
      %cond3A_540 = arith.cmpi ne, %convert_element_type3A_538, %cond3A_539 : i32
      scf.if %cond3A_540 {
        %sub3A_653 = arith.constant 1 : i32
        %sub3A_654 = arith.subi %add3A_500, %sub3A_653 : i32
        %dma_wait3A_655 = arith.constant 4 : i32
        %dma_wait3A_656 = arith.constant 4 : i32
        %dma_wait3A_657 = arith.constant 0 : i32
        %dma_wait3A_658 = arith.constant 0 : i32
        %dma_wait3A_659 = tpu.memref_slice %arg8[%dma_wait3A_655, %dma_wait3A_657, %dma_wait3A_658] : memref<8x128x64xf32, #tpu.memory_space<vmem>> -> memref<1x128x64xf32, #tpu.memory_space<vmem>>
        %dma_wait3A_660 = tpu.memref_squeeze %dma_wait3A_659 : memref<1x128x64xf32, #tpu.memory_space<vmem>> -> memref<128x64xf32, #tpu.memory_space<vmem>>
        %dma_wait3A_661 = arith.constant 0 : i32
        %dma_wait3A_662 = tpu.memref_slice %arg7[%sub3A_654, %dma_wait3A_661] : memref<80x128xi32, #tpu.memory_space<vmem>> -> memref<1x128xi32, #tpu.memory_space<vmem>>
        %dma_wait3A_663 = tpu.memref_squeeze %dma_wait3A_662 : memref<1x128xi32, #tpu.memory_space<vmem>> -> memref<128xi32, #tpu.memory_space<vmem>>
        %dma_wait3A_664 = arith.constant 0 : i32
        %dma_wait3A_665 = arith.constant 0 : i32
        %dma_wait3A_666 = tpu.memref_slice %arg9[%dma_wait3A_664, %dma_wait3A_665] : memref<10112x64xf32, #tpu.memory_space<vmem_shared>> -> memref<10112x64xf32, #tpu.memory_space<vmem_shared>>
        %dma_wait3A_667 = tpu.memref_slice %arg11[%dma_wait3A_656] : memref<8x!tpu.dma_semaphore, #tpu.memory_space<semaphore_mem>> -> memref<1x!tpu.dma_semaphore, #tpu.memory_space<semaphore_mem>>
        %dma_wait3A_668 = tpu.memref_squeeze %dma_wait3A_667 : memref<1x!tpu.dma_semaphore, #tpu.memory_space<semaphore_mem>> -> memref<!tpu.dma_semaphore, #tpu.memory_space<semaphore_mem>>
        tpu.wait_indirect_dma semaphore(%dma_wait3A_668 : memref<!tpu.dma_semaphore, #tpu.memory_space<semaphore_mem>>) src(%dma_wait3A_660 : memref<128x64xf32, #tpu.memory_space<vmem>>) dst(%dma_wait3A_666 : memref<10112x64xf32, #tpu.memory_space<vmem_shared>>)
      } else {
      }
      %ge3A_541 = arith.constant 7 : i32
      %ge3A_542 = arith.cmpi sge, %sub3A_504, %ge3A_541 : i32
      %lt3A_543 = arith.constant 80 : i32
      %lt3A_544 = arith.cmpi slt, %sub3A_504, %lt3A_543 : i32
      %and3A_545 = arith.andi %ge3A_542, %lt3A_544 : i1
      %convert_element_type3A_546 = arith.extui %and3A_545 : i1 to i32
      %cond3A_547 = arith.constant 0 : i32
      %cond3A_548 = arith.cmpi ne, %convert_element_type3A_546, %cond3A_547 : i32
      scf.if %cond3A_548 {
        %dma_start3A_653 = arith.constant 4 : i32
        %dma_start3A_654 = arith.constant 4 : i32
        %dma_start3A_655 = arith.constant 0 : i32
        %dma_start3A_656 = arith.constant 0 : i32
        %dma_start3A_657 = tpu.memref_slice %arg8[%dma_start3A_653, %dma_start3A_655, %dma_start3A_656] : memref<8x128x64xf32, #tpu.memory_space<vmem>> -> memref<1x128x64xf32, #tpu.memory_space<vmem>>
        %dma_start3A_658 = tpu.memref_squeeze %dma_start3A_657 : memref<1x128x64xf32, #tpu.memory_space<vmem>> -> memref<128x64xf32, #tpu.memory_space<vmem>>
        %dma_start3A_659 = arith.constant 0 : i32
        %dma_start3A_660 = tpu.memref_slice %arg6[%sub3A_504, %dma_start3A_659] : memref<80x128xi32, #tpu.memory_space<vmem>> -> memref<1x128xi32, #tpu.memory_space<vmem>>
        %dma_start3A_661 = tpu.memref_squeeze %dma_start3A_660 : memref<1x128xi32, #tpu.memory_space<vmem>> -> memref<128xi32, #tpu.memory_space<vmem>>
        %dma_start3A_662 = arith.constant 0 : i32
        %dma_start3A_663 = arith.constant 0 : i32
        %dma_start3A_664 = tpu.memref_slice %arg2[%dma_start3A_662, %dma_start3A_663] : memref<10112x64xf32, #tpu.memory_space<hbm>> -> memref<10112x64xf32, #tpu.memory_space<hbm>>
        %dma_start3A_665 = tpu.memref_slice %arg10[%dma_start3A_654] : memref<8x!tpu.dma_semaphore, #tpu.memory_space<semaphore_mem>> -> memref<1x!tpu.dma_semaphore, #tpu.memory_space<semaphore_mem>>
        %dma_start3A_666 = tpu.memref_squeeze %dma_start3A_665 : memref<1x!tpu.dma_semaphore, #tpu.memory_space<semaphore_mem>> -> memref<!tpu.dma_semaphore, #tpu.memory_space<semaphore_mem>>
        tpu.enqueue_indirect_dma source(%dma_start3A_664 : memref<10112x64xf32, #tpu.memory_space<hbm>>) target(%dma_start3A_658 : memref<128x64xf32, #tpu.memory_space<vmem>>) offsets(%dma_start3A_661 : memref<128xi32, #tpu.memory_space<vmem>>) semaphore(%dma_start3A_666 : memref<!tpu.dma_semaphore, #tpu.memory_space<semaphore_mem>>)
      } else {
      }
      %mul3A_549 = arith.constant 8 : i32
      %mul3A_550 = arith.muli %scan3A_242, %mul3A_549 : i32
      %add3A_551 = arith.constant 6 : i32
      %add3A_552 = arith.addi %mul3A_550, %add3A_551 : i32
      %add3A_553 = arith.constant 8 : i32
      %add3A_554 = arith.addi %add3A_552, %add3A_553 : i32
      %sub3A_555 = arith.constant 1 : i32
      %sub3A_556 = arith.subi %add3A_554, %sub3A_555 : i32
      %dma_wait3A_557 = arith.constant 6 : i32
      %dma_wait3A_558 = arith.constant 6 : i32
      %dma_wait3A_559 = arith.constant 0 : i32
      %dma_wait3A_560 = arith.constant 0 : i32
      %dma_wait3A_561 = tpu.memref_slice %arg8[%dma_wait3A_557, %dma_wait3A_559, %dma_wait3A_560] : memref<8x128x64xf32, #tpu.memory_space<vmem>> -> memref<1x128x64xf32, #tpu.memory_space<vmem>>
      %dma_wait3A_562 = tpu.memref_squeeze %dma_wait3A_561 : memref<1x128x64xf32, #tpu.memory_space<vmem>> -> memref<128x64xf32, #tpu.memory_space<vmem>>
      %dma_wait3A_563 = arith.constant 0 : i32
      %dma_wait3A_564 = tpu.memref_slice %arg6[%add3A_552, %dma_wait3A_563] : memref<80x128xi32, #tpu.memory_space<vmem>> -> memref<1x128xi32, #tpu.memory_space<vmem>>
      %dma_wait3A_565 = tpu.memref_squeeze %dma_wait3A_564 : memref<1x128xi32, #tpu.memory_space<vmem>> -> memref<128xi32, #tpu.memory_space<vmem>>
      %dma_wait3A_566 = arith.constant 0 : i32
      %dma_wait3A_567 = arith.constant 0 : i32
      %dma_wait3A_568 = tpu.memref_slice %arg2[%dma_wait3A_566, %dma_wait3A_567] : memref<10112x64xf32, #tpu.memory_space<hbm>> -> memref<10112x64xf32, #tpu.memory_space<hbm>>
      %dma_wait3A_569 = tpu.memref_slice %arg10[%dma_wait3A_558] : memref<8x!tpu.dma_semaphore, #tpu.memory_space<semaphore_mem>> -> memref<1x!tpu.dma_semaphore, #tpu.memory_space<semaphore_mem>>
      %dma_wait3A_570 = tpu.memref_squeeze %dma_wait3A_569 : memref<1x!tpu.dma_semaphore, #tpu.memory_space<semaphore_mem>> -> memref<!tpu.dma_semaphore, #tpu.memory_space<semaphore_mem>>
      tpu.wait_indirect_dma semaphore(%dma_wait3A_570 : memref<!tpu.dma_semaphore, #tpu.memory_space<semaphore_mem>>) src(%dma_wait3A_568 : memref<10112x64xf32, #tpu.memory_space<hbm>>) dst(%dma_wait3A_562 : memref<128x64xf32, #tpu.memory_space<vmem>>)
      %dma_start3A_571 = arith.constant 6 : i32
      %dma_start3A_572 = arith.constant 6 : i32
      %dma_start3A_573 = arith.constant 0 : i32
      %dma_start3A_574 = arith.constant 0 : i32
      %dma_start3A_575 = tpu.memref_slice %arg8[%dma_start3A_571, %dma_start3A_573, %dma_start3A_574] : memref<8x128x64xf32, #tpu.memory_space<vmem>> -> memref<1x128x64xf32, #tpu.memory_space<vmem>>
      %dma_start3A_576 = tpu.memref_squeeze %dma_start3A_575 : memref<1x128x64xf32, #tpu.memory_space<vmem>> -> memref<128x64xf32, #tpu.memory_space<vmem>>
      %dma_start3A_577 = arith.constant 0 : i32
      %dma_start3A_578 = tpu.memref_slice %arg7[%add3A_552, %dma_start3A_577] : memref<80x128xi32, #tpu.memory_space<vmem>> -> memref<1x128xi32, #tpu.memory_space<vmem>>
      %dma_start3A_579 = tpu.memref_squeeze %dma_start3A_578 : memref<1x128xi32, #tpu.memory_space<vmem>> -> memref<128xi32, #tpu.memory_space<vmem>>
      %dma_start3A_580 = arith.constant 0 : i32
      %dma_start3A_581 = arith.constant 0 : i32
      %dma_start3A_582 = tpu.memref_slice %arg9[%dma_start3A_580, %dma_start3A_581] : memref<10112x64xf32, #tpu.memory_space<vmem_shared>> -> memref<10112x64xf32, #tpu.memory_space<vmem_shared>>
      %dma_start3A_583 = tpu.memref_slice %arg11[%dma_start3A_572] : memref<8x!tpu.dma_semaphore, #tpu.memory_space<semaphore_mem>> -> memref<1x!tpu.dma_semaphore, #tpu.memory_space<semaphore_mem>>
      %dma_start3A_584 = tpu.memref_squeeze %dma_start3A_583 : memref<1x!tpu.dma_semaphore, #tpu.memory_space<semaphore_mem>> -> memref<!tpu.dma_semaphore, #tpu.memory_space<semaphore_mem>>
      tpu.enqueue_indirect_dma source(%dma_start3A_576 : memref<128x64xf32, #tpu.memory_space<vmem>>) target(%dma_start3A_582 : memref<10112x64xf32, #tpu.memory_space<vmem_shared>>) offsets(%dma_start3A_579 : memref<128xi32, #tpu.memory_space<vmem>>) semaphore(%dma_start3A_584 : memref<!tpu.dma_semaphore, #tpu.memory_space<semaphore_mem>>) {add = true}
      %ge3A_585 = arith.constant 8 : i32
      %ge3A_586 = arith.cmpi sge, %sub3A_556, %ge3A_585 : i32
      %lt3A_587 = arith.constant 80 : i32
      %lt3A_588 = arith.cmpi slt, %sub3A_556, %lt3A_587 : i32
      %and3A_589 = arith.andi %ge3A_586, %lt3A_588 : i1
      %convert_element_type3A_590 = arith.extui %and3A_589 : i1 to i32
      %cond3A_591 = arith.constant 0 : i32
      %cond3A_592 = arith.cmpi ne, %convert_element_type3A_590, %cond3A_591 : i32
      scf.if %cond3A_592 {
        %sub3A_653 = arith.constant 1 : i32
        %sub3A_654 = arith.subi %add3A_552, %sub3A_653 : i32
        %dma_wait3A_655 = arith.constant 5 : i32
        %dma_wait3A_656 = arith.constant 5 : i32
        %dma_wait3A_657 = arith.constant 0 : i32
        %dma_wait3A_658 = arith.constant 0 : i32
        %dma_wait3A_659 = tpu.memref_slice %arg8[%dma_wait3A_655, %dma_wait3A_657, %dma_wait3A_658] : memref<8x128x64xf32, #tpu.memory_space<vmem>> -> memref<1x128x64xf32, #tpu.memory_space<vmem>>
        %dma_wait3A_660 = tpu.memref_squeeze %dma_wait3A_659 : memref<1x128x64xf32, #tpu.memory_space<vmem>> -> memref<128x64xf32, #tpu.memory_space<vmem>>
        %dma_wait3A_661 = arith.constant 0 : i32
        %dma_wait3A_662 = tpu.memref_slice %arg7[%sub3A_654, %dma_wait3A_661] : memref<80x128xi32, #tpu.memory_space<vmem>> -> memref<1x128xi32, #tpu.memory_space<vmem>>
        %dma_wait3A_663 = tpu.memref_squeeze %dma_wait3A_662 : memref<1x128xi32, #tpu.memory_space<vmem>> -> memref<128xi32, #tpu.memory_space<vmem>>
        %dma_wait3A_664 = arith.constant 0 : i32
        %dma_wait3A_665 = arith.constant 0 : i32
        %dma_wait3A_666 = tpu.memref_slice %arg9[%dma_wait3A_664, %dma_wait3A_665] : memref<10112x64xf32, #tpu.memory_space<vmem_shared>> -> memref<10112x64xf32, #tpu.memory_space<vmem_shared>>
        %dma_wait3A_667 = tpu.memref_slice %arg11[%dma_wait3A_656] : memref<8x!tpu.dma_semaphore, #tpu.memory_space<semaphore_mem>> -> memref<1x!tpu.dma_semaphore, #tpu.memory_space<semaphore_mem>>
        %dma_wait3A_668 = tpu.memref_squeeze %dma_wait3A_667 : memref<1x!tpu.dma_semaphore, #tpu.memory_space<semaphore_mem>> -> memref<!tpu.dma_semaphore, #tpu.memory_space<semaphore_mem>>
        tpu.wait_indirect_dma semaphore(%dma_wait3A_668 : memref<!tpu.dma_semaphore, #tpu.memory_space<semaphore_mem>>) src(%dma_wait3A_660 : memref<128x64xf32, #tpu.memory_space<vmem>>) dst(%dma_wait3A_666 : memref<10112x64xf32, #tpu.memory_space<vmem_shared>>)
      } else {
      }
      %ge3A_593 = arith.constant 7 : i32
      %ge3A_594 = arith.cmpi sge, %sub3A_556, %ge3A_593 : i32
      %lt3A_595 = arith.constant 80 : i32
      %lt3A_596 = arith.cmpi slt, %sub3A_556, %lt3A_595 : i32
      %and3A_597 = arith.andi %ge3A_594, %lt3A_596 : i1
      %convert_element_type3A_598 = arith.extui %and3A_597 : i1 to i32
      %cond3A_599 = arith.constant 0 : i32
      %cond3A_600 = arith.cmpi ne, %convert_element_type3A_598, %cond3A_599 : i32
      scf.if %cond3A_600 {
        %dma_start3A_653 = arith.constant 5 : i32
        %dma_start3A_654 = arith.constant 5 : i32
        %dma_start3A_655 = arith.constant 0 : i32
        %dma_start3A_656 = arith.constant 0 : i32
        %dma_start3A_657 = tpu.memref_slice %arg8[%dma_start3A_653, %dma_start3A_655, %dma_start3A_656] : memref<8x128x64xf32, #tpu.memory_space<vmem>> -> memref<1x128x64xf32, #tpu.memory_space<vmem>>
        %dma_start3A_658 = tpu.memref_squeeze %dma_start3A_657 : memref<1x128x64xf32, #tpu.memory_space<vmem>> -> memref<128x64xf32, #tpu.memory_space<vmem>>
        %dma_start3A_659 = arith.constant 0 : i32
        %dma_start3A_660 = tpu.memref_slice %arg6[%sub3A_556, %dma_start3A_659] : memref<80x128xi32, #tpu.memory_space<vmem>> -> memref<1x128xi32, #tpu.memory_space<vmem>>
        %dma_start3A_661 = tpu.memref_squeeze %dma_start3A_660 : memref<1x128xi32, #tpu.memory_space<vmem>> -> memref<128xi32, #tpu.memory_space<vmem>>
        %dma_start3A_662 = arith.constant 0 : i32
        %dma_start3A_663 = arith.constant 0 : i32
        %dma_start3A_664 = tpu.memref_slice %arg2[%dma_start3A_662, %dma_start3A_663] : memref<10112x64xf32, #tpu.memory_space<hbm>> -> memref<10112x64xf32, #tpu.memory_space<hbm>>
        %dma_start3A_665 = tpu.memref_slice %arg10[%dma_start3A_654] : memref<8x!tpu.dma_semaphore, #tpu.memory_space<semaphore_mem>> -> memref<1x!tpu.dma_semaphore, #tpu.memory_space<semaphore_mem>>
        %dma_start3A_666 = tpu.memref_squeeze %dma_start3A_665 : memref<1x!tpu.dma_semaphore, #tpu.memory_space<semaphore_mem>> -> memref<!tpu.dma_semaphore, #tpu.memory_space<semaphore_mem>>
        tpu.enqueue_indirect_dma source(%dma_start3A_664 : memref<10112x64xf32, #tpu.memory_space<hbm>>) target(%dma_start3A_658 : memref<128x64xf32, #tpu.memory_space<vmem>>) offsets(%dma_start3A_661 : memref<128xi32, #tpu.memory_space<vmem>>) semaphore(%dma_start3A_666 : memref<!tpu.dma_semaphore, #tpu.memory_space<semaphore_mem>>)
      } else {
      }
      %mul3A_601 = arith.constant 8 : i32
      %mul3A_602 = arith.muli %scan3A_242, %mul3A_601 : i32
      %add3A_603 = arith.constant 7 : i32
      %add3A_604 = arith.addi %mul3A_602, %add3A_603 : i32
      %add3A_605 = arith.constant 8 : i32
      %add3A_606 = arith.addi %add3A_604, %add3A_605 : i32
      %sub3A_607 = arith.constant 1 : i32
      %sub3A_608 = arith.subi %add3A_606, %sub3A_607 : i32
      %dma_wait3A_609 = arith.constant 7 : i32
      %dma_wait3A_610 = arith.constant 7 : i32
      %dma_wait3A_611 = arith.constant 0 : i32
      %dma_wait3A_612 = arith.constant 0 : i32
      %dma_wait3A_613 = tpu.memref_slice %arg8[%dma_wait3A_609, %dma_wait3A_611, %dma_wait3A_612] : memref<8x128x64xf32, #tpu.memory_space<vmem>> -> memref<1x128x64xf32, #tpu.memory_space<vmem>>
      %dma_wait3A_614 = tpu.memref_squeeze %dma_wait3A_613 : memref<1x128x64xf32, #tpu.memory_space<vmem>> -> memref<128x64xf32, #tpu.memory_space<vmem>>
      %dma_wait3A_615 = arith.constant 0 : i32
      %dma_wait3A_616 = tpu.memref_slice %arg6[%add3A_604, %dma_wait3A_615] : memref<80x128xi32, #tpu.memory_space<vmem>> -> memref<1x128xi32, #tpu.memory_space<vmem>>
      %dma_wait3A_617 = tpu.memref_squeeze %dma_wait3A_616 : memref<1x128xi32, #tpu.memory_space<vmem>> -> memref<128xi32, #tpu.memory_space<vmem>>
      %dma_wait3A_618 = arith.constant 0 : i32
      %dma_wait3A_619 = arith.constant 0 : i32
      %dma_wait3A_620 = tpu.memref_slice %arg2[%dma_wait3A_618, %dma_wait3A_619] : memref<10112x64xf32, #tpu.memory_space<hbm>> -> memref<10112x64xf32, #tpu.memory_space<hbm>>
      %dma_wait3A_621 = tpu.memref_slice %arg10[%dma_wait3A_610] : memref<8x!tpu.dma_semaphore, #tpu.memory_space<semaphore_mem>> -> memref<1x!tpu.dma_semaphore, #tpu.memory_space<semaphore_mem>>
      %dma_wait3A_622 = tpu.memref_squeeze %dma_wait3A_621 : memref<1x!tpu.dma_semaphore, #tpu.memory_space<semaphore_mem>> -> memref<!tpu.dma_semaphore, #tpu.memory_space<semaphore_mem>>
      tpu.wait_indirect_dma semaphore(%dma_wait3A_622 : memref<!tpu.dma_semaphore, #tpu.memory_space<semaphore_mem>>) src(%dma_wait3A_620 : memref<10112x64xf32, #tpu.memory_space<hbm>>) dst(%dma_wait3A_614 : memref<128x64xf32, #tpu.memory_space<vmem>>)
      %dma_start3A_623 = arith.constant 7 : i32
      %dma_start3A_624 = arith.constant 7 : i32
      %dma_start3A_625 = arith.constant 0 : i32
      %dma_start3A_626 = arith.constant 0 : i32
      %dma_start3A_627 = tpu.memref_slice %arg8[%dma_start3A_623, %dma_start3A_625, %dma_start3A_626] : memref<8x128x64xf32, #tpu.memory_space<vmem>> -> memref<1x128x64xf32, #tpu.memory_space<vmem>>
      %dma_start3A_628 = tpu.memref_squeeze %dma_start3A_627 : memref<1x128x64xf32, #tpu.memory_space<vmem>> -> memref<128x64xf32, #tpu.memory_space<vmem>>
      %dma_start3A_629 = arith.constant 0 : i32
      %dma_start3A_630 = tpu.memref_slice %arg7[%add3A_604, %dma_start3A_629] : memref<80x128xi32, #tpu.memory_space<vmem>> -> memref<1x128xi32, #tpu.memory_space<vmem>>
      %dma_start3A_631 = tpu.memref_squeeze %dma_start3A_630 : memref<1x128xi32, #tpu.memory_space<vmem>> -> memref<128xi32, #tpu.memory_space<vmem>>
      %dma_start3A_632 = arith.constant 0 : i32
      %dma_start3A_633 = arith.constant 0 : i32
      %dma_start3A_634 = tpu.memref_slice %arg9[%dma_start3A_632, %dma_start3A_633] : memref<10112x64xf32, #tpu.memory_space<vmem_shared>> -> memref<10112x64xf32, #tpu.memory_space<vmem_shared>>
      %dma_start3A_635 = tpu.memref_slice %arg11[%dma_start3A_624] : memref<8x!tpu.dma_semaphore, #tpu.memory_space<semaphore_mem>> -> memref<1x!tpu.dma_semaphore, #tpu.memory_space<semaphore_mem>>
      %dma_start3A_636 = tpu.memref_squeeze %dma_start3A_635 : memref<1x!tpu.dma_semaphore, #tpu.memory_space<semaphore_mem>> -> memref<!tpu.dma_semaphore, #tpu.memory_space<semaphore_mem>>
      tpu.enqueue_indirect_dma source(%dma_start3A_628 : memref<128x64xf32, #tpu.memory_space<vmem>>) target(%dma_start3A_634 : memref<10112x64xf32, #tpu.memory_space<vmem_shared>>) offsets(%dma_start3A_631 : memref<128xi32, #tpu.memory_space<vmem>>) semaphore(%dma_start3A_636 : memref<!tpu.dma_semaphore, #tpu.memory_space<semaphore_mem>>) {add = true}
      %ge3A_637 = arith.constant 8 : i32
      %ge3A_638 = arith.cmpi sge, %sub3A_608, %ge3A_637 : i32
      %lt3A_639 = arith.constant 80 : i32
      %lt3A_640 = arith.cmpi slt, %sub3A_608, %lt3A_639 : i32
      %and3A_641 = arith.andi %ge3A_638, %lt3A_640 : i1
      %convert_element_type3A_642 = arith.extui %and3A_641 : i1 to i32
      %cond3A_643 = arith.constant 0 : i32
      %cond3A_644 = arith.cmpi ne, %convert_element_type3A_642, %cond3A_643 : i32
      scf.if %cond3A_644 {
        %sub3A_653 = arith.constant 1 : i32
        %sub3A_654 = arith.subi %add3A_604, %sub3A_653 : i32
        %dma_wait3A_655 = arith.constant 6 : i32
        %dma_wait3A_656 = arith.constant 6 : i32
        %dma_wait3A_657 = arith.constant 0 : i32
        %dma_wait3A_658 = arith.constant 0 : i32
        %dma_wait3A_659 = tpu.memref_slice %arg8[%dma_wait3A_655, %dma_wait3A_657, %dma_wait3A_658] : memref<8x128x64xf32, #tpu.memory_space<vmem>> -> memref<1x128x64xf32, #tpu.memory_space<vmem>>
        %dma_wait3A_660 = tpu.memref_squeeze %dma_wait3A_659 : memref<1x128x64xf32, #tpu.memory_space<vmem>> -> memref<128x64xf32, #tpu.memory_space<vmem>>
        %dma_wait3A_661 = arith.constant 0 : i32
        %dma_wait3A_662 = tpu.memref_slice %arg7[%sub3A_654, %dma_wait3A_661] : memref<80x128xi32, #tpu.memory_space<vmem>> -> memref<1x128xi32, #tpu.memory_space<vmem>>
        %dma_wait3A_663 = tpu.memref_squeeze %dma_wait3A_662 : memref<1x128xi32, #tpu.memory_space<vmem>> -> memref<128xi32, #tpu.memory_space<vmem>>
        %dma_wait3A_664 = arith.constant 0 : i32
        %dma_wait3A_665 = arith.constant 0 : i32
        %dma_wait3A_666 = tpu.memref_slice %arg9[%dma_wait3A_664, %dma_wait3A_665] : memref<10112x64xf32, #tpu.memory_space<vmem_shared>> -> memref<10112x64xf32, #tpu.memory_space<vmem_shared>>
        %dma_wait3A_667 = tpu.memref_slice %arg11[%dma_wait3A_656] : memref<8x!tpu.dma_semaphore, #tpu.memory_space<semaphore_mem>> -> memref<1x!tpu.dma_semaphore, #tpu.memory_space<semaphore_mem>>
        %dma_wait3A_668 = tpu.memref_squeeze %dma_wait3A_667 : memref<1x!tpu.dma_semaphore, #tpu.memory_space<semaphore_mem>> -> memref<!tpu.dma_semaphore, #tpu.memory_space<semaphore_mem>>
        tpu.wait_indirect_dma semaphore(%dma_wait3A_668 : memref<!tpu.dma_semaphore, #tpu.memory_space<semaphore_mem>>) src(%dma_wait3A_660 : memref<128x64xf32, #tpu.memory_space<vmem>>) dst(%dma_wait3A_666 : memref<10112x64xf32, #tpu.memory_space<vmem_shared>>)
      } else {
      }
      %ge3A_645 = arith.constant 7 : i32
      %ge3A_646 = arith.cmpi sge, %sub3A_608, %ge3A_645 : i32
      %lt3A_647 = arith.constant 80 : i32
      %lt3A_648 = arith.cmpi slt, %sub3A_608, %lt3A_647 : i32
      %and3A_649 = arith.andi %ge3A_646, %lt3A_648 : i1
      %convert_element_type3A_650 = arith.extui %and3A_649 : i1 to i32
      %cond3A_651 = arith.constant 0 : i32
      %cond3A_652 = arith.cmpi ne, %convert_element_type3A_650, %cond3A_651 : i32
      scf.if %cond3A_652 {
        %dma_start3A_653 = arith.constant 6 : i32
        %dma_start3A_654 = arith.constant 6 : i32
        %dma_start3A_655 = arith.constant 0 : i32
        %dma_start3A_656 = arith.constant 0 : i32
        %dma_start3A_657 = tpu.memref_slice %arg8[%dma_start3A_653, %dma_start3A_655, %dma_start3A_656] : memref<8x128x64xf32, #tpu.memory_space<vmem>> -> memref<1x128x64xf32, #tpu.memory_space<vmem>>
        %dma_start3A_658 = tpu.memref_squeeze %dma_start3A_657 : memref<1x128x64xf32, #tpu.memory_space<vmem>> -> memref<128x64xf32, #tpu.memory_space<vmem>>
        %dma_start3A_659 = arith.constant 0 : i32
        %dma_start3A_660 = tpu.memref_slice %arg6[%sub3A_608, %dma_start3A_659] : memref<80x128xi32, #tpu.memory_space<vmem>> -> memref<1x128xi32, #tpu.memory_space<vmem>>
        %dma_start3A_661 = tpu.memref_squeeze %dma_start3A_660 : memref<1x128xi32, #tpu.memory_space<vmem>> -> memref<128xi32, #tpu.memory_space<vmem>>
        %dma_start3A_662 = arith.constant 0 : i32
        %dma_start3A_663 = arith.constant 0 : i32
        %dma_start3A_664 = tpu.memref_slice %arg2[%dma_start3A_662, %dma_start3A_663] : memref<10112x64xf32, #tpu.memory_space<hbm>> -> memref<10112x64xf32, #tpu.memory_space<hbm>>
        %dma_start3A_665 = tpu.memref_slice %arg10[%dma_start3A_654] : memref<8x!tpu.dma_semaphore, #tpu.memory_space<semaphore_mem>> -> memref<1x!tpu.dma_semaphore, #tpu.memory_space<semaphore_mem>>
        %dma_start3A_666 = tpu.memref_squeeze %dma_start3A_665 : memref<1x!tpu.dma_semaphore, #tpu.memory_space<semaphore_mem>> -> memref<!tpu.dma_semaphore, #tpu.memory_space<semaphore_mem>>
        tpu.enqueue_indirect_dma source(%dma_start3A_664 : memref<10112x64xf32, #tpu.memory_space<hbm>>) target(%dma_start3A_658 : memref<128x64xf32, #tpu.memory_space<vmem>>) offsets(%dma_start3A_661 : memref<128xi32, #tpu.memory_space<vmem>>) semaphore(%dma_start3A_666 : memref<!tpu.dma_semaphore, #tpu.memory_space<semaphore_mem>>)
      } else {
      }
    }
    %scan3A_114 = arith.constant 10 : i32
    %dma_wait3A = arith.constant 0 : i32
    %dma_wait3A_115 = arith.constant 72 : i32
    %dma_wait3A_116 = arith.constant 0 : i32
    %dma_wait3A_117 = arith.constant 0 : i32
    %dma_wait3A_118 = arith.constant 0 : i32
    %dma_wait3A_119 = tpu.memref_slice %arg8[%dma_wait3A, %dma_wait3A_117, %dma_wait3A_118] : memref<8x128x64xf32, #tpu.memory_space<vmem>> -> memref<1x128x64xf32, #tpu.memory_space<vmem>>
    %dma_wait3A_120 = tpu.memref_squeeze %dma_wait3A_119 : memref<1x128x64xf32, #tpu.memory_space<vmem>> -> memref<128x64xf32, #tpu.memory_space<vmem>>
    %dma_wait3A_121 = arith.constant 0 : i32
    %dma_wait3A_122 = tpu.memref_slice %arg7[%dma_wait3A_115, %dma_wait3A_121] : memref<80x128xi32, #tpu.memory_space<vmem>> -> memref<1x128xi32, #tpu.memory_space<vmem>>
    %dma_wait3A_123 = tpu.memref_squeeze %dma_wait3A_122 : memref<1x128xi32, #tpu.memory_space<vmem>> -> memref<128xi32, #tpu.memory_space<vmem>>
    %dma_wait3A_124 = arith.constant 0 : i32
    %dma_wait3A_125 = arith.constant 0 : i32
    %dma_wait3A_126 = tpu.memref_slice %arg9[%dma_wait3A_124, %dma_wait3A_125] : memref<10112x64xf32, #tpu.memory_space<vmem_shared>> -> memref<10112x64xf32, #tpu.memory_space<vmem_shared>>
    %dma_wait3A_127 = tpu.memref_slice %arg11[%dma_wait3A_116] : memref<8x!tpu.dma_semaphore, #tpu.memory_space<semaphore_mem>> -> memref<1x!tpu.dma_semaphore, #tpu.memory_space<semaphore_mem>>
    %dma_wait3A_128 = tpu.memref_squeeze %dma_wait3A_127 : memref<1x!tpu.dma_semaphore, #tpu.memory_space<semaphore_mem>> -> memref<!tpu.dma_semaphore, #tpu.memory_space<semaphore_mem>>
    tpu.wait_indirect_dma semaphore(%dma_wait3A_128 : memref<!tpu.dma_semaphore, #tpu.memory_space<semaphore_mem>>) src(%dma_wait3A_120 : memref<128x64xf32, #tpu.memory_space<vmem>>) dst(%dma_wait3A_126 : memref<10112x64xf32, #tpu.memory_space<vmem_shared>>)
    %dma_wait3A_129 = arith.constant 1 : i32
    %dma_wait3A_130 = arith.constant 73 : i32
    %dma_wait3A_131 = arith.constant 1 : i32
    %dma_wait3A_132 = arith.constant 0 : i32
    %dma_wait3A_133 = arith.constant 0 : i32
    %dma_wait3A_134 = tpu.memref_slice %arg8[%dma_wait3A_129, %dma_wait3A_132, %dma_wait3A_133] : memref<8x128x64xf32, #tpu.memory_space<vmem>> -> memref<1x128x64xf32, #tpu.memory_space<vmem>>
    %dma_wait3A_135 = tpu.memref_squeeze %dma_wait3A_134 : memref<1x128x64xf32, #tpu.memory_space<vmem>> -> memref<128x64xf32, #tpu.memory_space<vmem>>
    %dma_wait3A_136 = arith.constant 0 : i32
    %dma_wait3A_137 = tpu.memref_slice %arg7[%dma_wait3A_130, %dma_wait3A_136] : memref<80x128xi32, #tpu.memory_space<vmem>> -> memref<1x128xi32, #tpu.memory_space<vmem>>
    %dma_wait3A_138 = tpu.memref_squeeze %dma_wait3A_137 : memref<1x128xi32, #tpu.memory_space<vmem>> -> memref<128xi32, #tpu.memory_space<vmem>>
    %dma_wait3A_139 = arith.constant 0 : i32
    %dma_wait3A_140 = arith.constant 0 : i32
    %dma_wait3A_141 = tpu.memref_slice %arg9[%dma_wait3A_139, %dma_wait3A_140] : memref<10112x64xf32, #tpu.memory_space<vmem_shared>> -> memref<10112x64xf32, #tpu.memory_space<vmem_shared>>
    %dma_wait3A_142 = tpu.memref_slice %arg11[%dma_wait3A_131] : memref<8x!tpu.dma_semaphore, #tpu.memory_space<semaphore_mem>> -> memref<1x!tpu.dma_semaphore, #tpu.memory_space<semaphore_mem>>
    %dma_wait3A_143 = tpu.memref_squeeze %dma_wait3A_142 : memref<1x!tpu.dma_semaphore, #tpu.memory_space<semaphore_mem>> -> memref<!tpu.dma_semaphore, #tpu.memory_space<semaphore_mem>>
    tpu.wait_indirect_dma semaphore(%dma_wait3A_143 : memref<!tpu.dma_semaphore, #tpu.memory_space<semaphore_mem>>) src(%dma_wait3A_135 : memref<128x64xf32, #tpu.memory_space<vmem>>) dst(%dma_wait3A_141 : memref<10112x64xf32, #tpu.memory_space<vmem_shared>>)
    %dma_wait3A_144 = arith.constant 2 : i32
    %dma_wait3A_145 = arith.constant 74 : i32
    %dma_wait3A_146 = arith.constant 2 : i32
    %dma_wait3A_147 = arith.constant 0 : i32
    %dma_wait3A_148 = arith.constant 0 : i32
    %dma_wait3A_149 = tpu.memref_slice %arg8[%dma_wait3A_144, %dma_wait3A_147, %dma_wait3A_148] : memref<8x128x64xf32, #tpu.memory_space<vmem>> -> memref<1x128x64xf32, #tpu.memory_space<vmem>>
    %dma_wait3A_150 = tpu.memref_squeeze %dma_wait3A_149 : memref<1x128x64xf32, #tpu.memory_space<vmem>> -> memref<128x64xf32, #tpu.memory_space<vmem>>
    %dma_wait3A_151 = arith.constant 0 : i32
    %dma_wait3A_152 = tpu.memref_slice %arg7[%dma_wait3A_145, %dma_wait3A_151] : memref<80x128xi32, #tpu.memory_space<vmem>> -> memref<1x128xi32, #tpu.memory_space<vmem>>
    %dma_wait3A_153 = tpu.memref_squeeze %dma_wait3A_152 : memref<1x128xi32, #tpu.memory_space<vmem>> -> memref<128xi32, #tpu.memory_space<vmem>>
    %dma_wait3A_154 = arith.constant 0 : i32
    %dma_wait3A_155 = arith.constant 0 : i32
    %dma_wait3A_156 = tpu.memref_slice %arg9[%dma_wait3A_154, %dma_wait3A_155] : memref<10112x64xf32, #tpu.memory_space<vmem_shared>> -> memref<10112x64xf32, #tpu.memory_space<vmem_shared>>
    %dma_wait3A_157 = tpu.memref_slice %arg11[%dma_wait3A_146] : memref<8x!tpu.dma_semaphore, #tpu.memory_space<semaphore_mem>> -> memref<1x!tpu.dma_semaphore, #tpu.memory_space<semaphore_mem>>
    %dma_wait3A_158 = tpu.memref_squeeze %dma_wait3A_157 : memref<1x!tpu.dma_semaphore, #tpu.memory_space<semaphore_mem>> -> memref<!tpu.dma_semaphore, #tpu.memory_space<semaphore_mem>>
    tpu.wait_indirect_dma semaphore(%dma_wait3A_158 : memref<!tpu.dma_semaphore, #tpu.memory_space<semaphore_mem>>) src(%dma_wait3A_150 : memref<128x64xf32, #tpu.memory_space<vmem>>) dst(%dma_wait3A_156 : memref<10112x64xf32, #tpu.memory_space<vmem_shared>>)
    %dma_wait3A_159 = arith.constant 3 : i32
    %dma_wait3A_160 = arith.constant 75 : i32
    %dma_wait3A_161 = arith.constant 3 : i32
    %dma_wait3A_162 = arith.constant 0 : i32
    %dma_wait3A_163 = arith.constant 0 : i32
    %dma_wait3A_164 = tpu.memref_slice %arg8[%dma_wait3A_159, %dma_wait3A_162, %dma_wait3A_163] : memref<8x128x64xf32, #tpu.memory_space<vmem>> -> memref<1x128x64xf32, #tpu.memory_space<vmem>>
    %dma_wait3A_165 = tpu.memref_squeeze %dma_wait3A_164 : memref<1x128x64xf32, #tpu.memory_space<vmem>> -> memref<128x64xf32, #tpu.memory_space<vmem>>
    %dma_wait3A_166 = arith.constant 0 : i32
    %dma_wait3A_167 = tpu.memref_slice %arg7[%dma_wait3A_160, %dma_wait3A_166] : memref<80x128xi32, #tpu.memory_space<vmem>> -> memref<1x128xi32, #tpu.memory_space<vmem>>
    %dma_wait3A_168 = tpu.memref_squeeze %dma_wait3A_167 : memref<1x128xi32, #tpu.memory_space<vmem>> -> memref<128xi32, #tpu.memory_space<vmem>>
    %dma_wait3A_169 = arith.constant 0 : i32
    %dma_wait3A_170 = arith.constant 0 : i32
    %dma_wait3A_171 = tpu.memref_slice %arg9[%dma_wait3A_169, %dma_wait3A_170] : memref<10112x64xf32, #tpu.memory_space<vmem_shared>> -> memref<10112x64xf32, #tpu.memory_space<vmem_shared>>
    %dma_wait3A_172 = tpu.memref_slice %arg11[%dma_wait3A_161] : memref<8x!tpu.dma_semaphore, #tpu.memory_space<semaphore_mem>> -> memref<1x!tpu.dma_semaphore, #tpu.memory_space<semaphore_mem>>
    %dma_wait3A_173 = tpu.memref_squeeze %dma_wait3A_172 : memref<1x!tpu.dma_semaphore, #tpu.memory_space<semaphore_mem>> -> memref<!tpu.dma_semaphore, #tpu.memory_space<semaphore_mem>>
    tpu.wait_indirect_dma semaphore(%dma_wait3A_173 : memref<!tpu.dma_semaphore, #tpu.memory_space<semaphore_mem>>) src(%dma_wait3A_165 : memref<128x64xf32, #tpu.memory_space<vmem>>) dst(%dma_wait3A_171 : memref<10112x64xf32, #tpu.memory_space<vmem_shared>>)
    %dma_wait3A_174 = arith.constant 4 : i32
    %dma_wait3A_175 = arith.constant 76 : i32
    %dma_wait3A_176 = arith.constant 4 : i32
    %dma_wait3A_177 = arith.constant 0 : i32
    %dma_wait3A_178 = arith.constant 0 : i32
    %dma_wait3A_179 = tpu.memref_slice %arg8[%dma_wait3A_174, %dma_wait3A_177, %dma_wait3A_178] : memref<8x128x64xf32, #tpu.memory_space<vmem>> -> memref<1x128x64xf32, #tpu.memory_space<vmem>>
    %dma_wait3A_180 = tpu.memref_squeeze %dma_wait3A_179 : memref<1x128x64xf32, #tpu.memory_space<vmem>> -> memref<128x64xf32, #tpu.memory_space<vmem>>
    %dma_wait3A_181 = arith.constant 0 : i32
    %dma_wait3A_182 = tpu.memref_slice %arg7[%dma_wait3A_175, %dma_wait3A_181] : memref<80x128xi32, #tpu.memory_space<vmem>> -> memref<1x128xi32, #tpu.memory_space<vmem>>
    %dma_wait3A_183 = tpu.memref_squeeze %dma_wait3A_182 : memref<1x128xi32, #tpu.memory_space<vmem>> -> memref<128xi32, #tpu.memory_space<vmem>>
    %dma_wait3A_184 = arith.constant 0 : i32
    %dma_wait3A_185 = arith.constant 0 : i32
    %dma_wait3A_186 = tpu.memref_slice %arg9[%dma_wait3A_184, %dma_wait3A_185] : memref<10112x64xf32, #tpu.memory_space<vmem_shared>> -> memref<10112x64xf32, #tpu.memory_space<vmem_shared>>
    %dma_wait3A_187 = tpu.memref_slice %arg11[%dma_wait3A_176] : memref<8x!tpu.dma_semaphore, #tpu.memory_space<semaphore_mem>> -> memref<1x!tpu.dma_semaphore, #tpu.memory_space<semaphore_mem>>
    %dma_wait3A_188 = tpu.memref_squeeze %dma_wait3A_187 : memref<1x!tpu.dma_semaphore, #tpu.memory_space<semaphore_mem>> -> memref<!tpu.dma_semaphore, #tpu.memory_space<semaphore_mem>>
    tpu.wait_indirect_dma semaphore(%dma_wait3A_188 : memref<!tpu.dma_semaphore, #tpu.memory_space<semaphore_mem>>) src(%dma_wait3A_180 : memref<128x64xf32, #tpu.memory_space<vmem>>) dst(%dma_wait3A_186 : memref<10112x64xf32, #tpu.memory_space<vmem_shared>>)
    %dma_wait3A_189 = arith.constant 5 : i32
    %dma_wait3A_190 = arith.constant 77 : i32
    %dma_wait3A_191 = arith.constant 5 : i32
    %dma_wait3A_192 = arith.constant 0 : i32
    %dma_wait3A_193 = arith.constant 0 : i32
    %dma_wait3A_194 = tpu.memref_slice %arg8[%dma_wait3A_189, %dma_wait3A_192, %dma_wait3A_193] : memref<8x128x64xf32, #tpu.memory_space<vmem>> -> memref<1x128x64xf32, #tpu.memory_space<vmem>>
    %dma_wait3A_195 = tpu.memref_squeeze %dma_wait3A_194 : memref<1x128x64xf32, #tpu.memory_space<vmem>> -> memref<128x64xf32, #tpu.memory_space<vmem>>
    %dma_wait3A_196 = arith.constant 0 : i32
    %dma_wait3A_197 = tpu.memref_slice %arg7[%dma_wait3A_190, %dma_wait3A_196] : memref<80x128xi32, #tpu.memory_space<vmem>> -> memref<1x128xi32, #tpu.memory_space<vmem>>
    %dma_wait3A_198 = tpu.memref_squeeze %dma_wait3A_197 : memref<1x128xi32, #tpu.memory_space<vmem>> -> memref<128xi32, #tpu.memory_space<vmem>>
    %dma_wait3A_199 = arith.constant 0 : i32
    %dma_wait3A_200 = arith.constant 0 : i32
    %dma_wait3A_201 = tpu.memref_slice %arg9[%dma_wait3A_199, %dma_wait3A_200] : memref<10112x64xf32, #tpu.memory_space<vmem_shared>> -> memref<10112x64xf32, #tpu.memory_space<vmem_shared>>
    %dma_wait3A_202 = tpu.memref_slice %arg11[%dma_wait3A_191] : memref<8x!tpu.dma_semaphore, #tpu.memory_space<semaphore_mem>> -> memref<1x!tpu.dma_semaphore, #tpu.memory_space<semaphore_mem>>
    %dma_wait3A_203 = tpu.memref_squeeze %dma_wait3A_202 : memref<1x!tpu.dma_semaphore, #tpu.memory_space<semaphore_mem>> -> memref<!tpu.dma_semaphore, #tpu.memory_space<semaphore_mem>>
    tpu.wait_indirect_dma semaphore(%dma_wait3A_203 : memref<!tpu.dma_semaphore, #tpu.memory_space<semaphore_mem>>) src(%dma_wait3A_195 : memref<128x64xf32, #tpu.memory_space<vmem>>) dst(%dma_wait3A_201 : memref<10112x64xf32, #tpu.memory_space<vmem_shared>>)
    %dma_wait3A_204 = arith.constant 6 : i32
    %dma_wait3A_205 = arith.constant 78 : i32
    %dma_wait3A_206 = arith.constant 6 : i32
    %dma_wait3A_207 = arith.constant 0 : i32
    %dma_wait3A_208 = arith.constant 0 : i32
    %dma_wait3A_209 = tpu.memref_slice %arg8[%dma_wait3A_204, %dma_wait3A_207, %dma_wait3A_208] : memref<8x128x64xf32, #tpu.memory_space<vmem>> -> memref<1x128x64xf32, #tpu.memory_space<vmem>>
    %dma_wait3A_210 = tpu.memref_squeeze %dma_wait3A_209 : memref<1x128x64xf32, #tpu.memory_space<vmem>> -> memref<128x64xf32, #tpu.memory_space<vmem>>
    %dma_wait3A_211 = arith.constant 0 : i32
    %dma_wait3A_212 = tpu.memref_slice %arg7[%dma_wait3A_205, %dma_wait3A_211] : memref<80x128xi32, #tpu.memory_space<vmem>> -> memref<1x128xi32, #tpu.memory_space<vmem>>
    %dma_wait3A_213 = tpu.memref_squeeze %dma_wait3A_212 : memref<1x128xi32, #tpu.memory_space<vmem>> -> memref<128xi32, #tpu.memory_space<vmem>>
    %dma_wait3A_214 = arith.constant 0 : i32
    %dma_wait3A_215 = arith.constant 0 : i32
    %dma_wait3A_216 = tpu.memref_slice %arg9[%dma_wait3A_214, %dma_wait3A_215] : memref<10112x64xf32, #tpu.memory_space<vmem_shared>> -> memref<10112x64xf32, #tpu.memory_space<vmem_shared>>
    %dma_wait3A_217 = tpu.memref_slice %arg11[%dma_wait3A_206] : memref<8x!tpu.dma_semaphore, #tpu.memory_space<semaphore_mem>> -> memref<1x!tpu.dma_semaphore, #tpu.memory_space<semaphore_mem>>
    %dma_wait3A_218 = tpu.memref_squeeze %dma_wait3A_217 : memref<1x!tpu.dma_semaphore, #tpu.memory_space<semaphore_mem>> -> memref<!tpu.dma_semaphore, #tpu.memory_space<semaphore_mem>>
    tpu.wait_indirect_dma semaphore(%dma_wait3A_218 : memref<!tpu.dma_semaphore, #tpu.memory_space<semaphore_mem>>) src(%dma_wait3A_210 : memref<128x64xf32, #tpu.memory_space<vmem>>) dst(%dma_wait3A_216 : memref<10112x64xf32, #tpu.memory_space<vmem_shared>>)
    %dma_wait3A_219 = arith.constant 7 : i32
    %dma_wait3A_220 = arith.constant 79 : i32
    %dma_wait3A_221 = arith.constant 7 : i32
    %dma_wait3A_222 = arith.constant 0 : i32
    %dma_wait3A_223 = arith.constant 0 : i32
    %dma_wait3A_224 = tpu.memref_slice %arg8[%dma_wait3A_219, %dma_wait3A_222, %dma_wait3A_223] : memref<8x128x64xf32, #tpu.memory_space<vmem>> -> memref<1x128x64xf32, #tpu.memory_space<vmem>>
    %dma_wait3A_225 = tpu.memref_squeeze %dma_wait3A_224 : memref<1x128x64xf32, #tpu.memory_space<vmem>> -> memref<128x64xf32, #tpu.memory_space<vmem>>
    %dma_wait3A_226 = arith.constant 0 : i32
    %dma_wait3A_227 = tpu.memref_slice %arg7[%dma_wait3A_220, %dma_wait3A_226] : memref<80x128xi32, #tpu.memory_space<vmem>> -> memref<1x128xi32, #tpu.memory_space<vmem>>
    %dma_wait3A_228 = tpu.memref_squeeze %dma_wait3A_227 : memref<1x128xi32, #tpu.memory_space<vmem>> -> memref<128xi32, #tpu.memory_space<vmem>>
    %dma_wait3A_229 = arith.constant 0 : i32
    %dma_wait3A_230 = arith.constant 0 : i32
    %dma_wait3A_231 = tpu.memref_slice %arg9[%dma_wait3A_229, %dma_wait3A_230] : memref<10112x64xf32, #tpu.memory_space<vmem_shared>> -> memref<10112x64xf32, #tpu.memory_space<vmem_shared>>
    %dma_wait3A_232 = tpu.memref_slice %arg11[%dma_wait3A_221] : memref<8x!tpu.dma_semaphore, #tpu.memory_space<semaphore_mem>> -> memref<1x!tpu.dma_semaphore, #tpu.memory_space<semaphore_mem>>
    %dma_wait3A_233 = tpu.memref_squeeze %dma_wait3A_232 : memref<1x!tpu.dma_semaphore, #tpu.memory_space<semaphore_mem>> -> memref<!tpu.dma_semaphore, #tpu.memory_space<semaphore_mem>>
    tpu.wait_indirect_dma semaphore(%dma_wait3A_233 : memref<!tpu.dma_semaphore, #tpu.memory_space<semaphore_mem>>) src(%dma_wait3A_225 : memref<128x64xf32, #tpu.memory_space<vmem>>) dst(%dma_wait3A_231 : memref<10112x64xf32, #tpu.memory_space<vmem_shared>>)
    %barrier3A_234 = arith.constant 0 : index
    tpu.barrier barrier_id(%barrier3A_234)
    %mul3A_235 = arith.constant 632 : i32
    %mul3A_236 = arith.muli %arg1, %mul3A_235 : i32
    %mul3A_237 = arith.constant 10112 : i32
    %mul3A_238 = arith.muli %arg0, %mul3A_237 : i32
    %mul3A_239 = arith.constant 632 : i32
    %mul3A_240 = arith.muli %arg1, %mul3A_239 : i32
    %add3A_241 = arith.addi %mul3A_238, %mul3A_240 : i32
    "tpu.region"() ({
      %run_scoped3A_242 = tpu.sem_alloc : memref<!tpu.dma_semaphore, #tpu.memory_space<semaphore_mem>>
      %dma_start3A_243 = arith.constant 0 : i32
      %dma_start3A_244 = tpu.memref_slice %arg5[%add3A_241, %dma_start3A_243] : memref<20224x64xf32, #tpu.memory_space<hbm>> -> memref<632x64xf32, #tpu.memory_space<hbm>>
      %dma_start3A_245 = arith.constant 0 : i32
      %dma_start3A_246 = tpu.memref_slice %arg9[%mul3A_236, %dma_start3A_245] : memref<10112x64xf32, #tpu.memory_space<vmem_shared>> -> memref<632x64xf32, #tpu.memory_space<vmem_shared>>
      tpu.enqueue_dma source(%dma_start3A_246 : memref<632x64xf32, #tpu.memory_space<vmem_shared>>) target(%dma_start3A_244 : memref<632x64xf32, #tpu.memory_space<hbm>>) target_semaphore(%run_scoped3A_242 : memref<!tpu.dma_semaphore, #tpu.memory_space<semaphore_mem>>)
      %dma_wait3A_247 = arith.constant 0 : i32
      %dma_wait3A_248 = tpu.memref_slice %arg5[%add3A_241, %dma_wait3A_247] : memref<20224x64xf32, #tpu.memory_space<hbm>> -> memref<632x64xf32, #tpu.memory_space<hbm>>
      %dma_wait3A_249 = arith.constant 0 : i32
      %dma_wait3A_250 = tpu.memref_slice %arg9[%mul3A_236, %dma_wait3A_249] : memref<10112x64xf32, #tpu.memory_space<vmem_shared>> -> memref<632x64xf32, #tpu.memory_space<vmem_shared>>
      tpu.wait_dma2 semaphore(%run_scoped3A_242 : memref<!tpu.dma_semaphore, #tpu.memory_space<semaphore_mem>>) src(%dma_wait3A_250 : memref<632x64xf32, #tpu.memory_space<vmem_shared>>) dst(%dma_wait3A_248 : memref<632x64xf32, #tpu.memory_space<hbm>>)
      tpu.yield
    }) : () -> ()
    return
  }
}

module attributes {stable_mosaic.version = 14 : i64} {
  func.func @body(%arg0: i32, %arg1: memref<1264x128xf32, #tpu.memory_space<vmem>>, %arg2: memref<1264x128xf32, #tpu.memory_space<vmem>>, %arg3: memref<128x64xf32, #tpu.memory_space<vmem>>, %arg4: memref<1x64xf32, #tpu.memory_space<vmem>>, %arg5: memref<1264x128xf32, #tpu.memory_space<vmem>>) attributes {dimension_semantics = [#tpu.dimension_semantics<arbitrary>], iteration_bounds = array<i64: 4>, scalar_prefetch = 0 : i64, scratch_operands = 0 : i64, tpu.core_type = #tpu.core_type<tc>, window_params = [{transform_indices = @transform_0, window_bounds = array<i64: 1264, 128>}, {transform_indices = @transform_1, window_bounds = array<i64: 1264, 128>}, {pipeline_mode = #tpu.pipeline_mode<synchronous>, transform_indices = @transform_2, window_bounds = array<i64: 128, 64>}, {pipeline_mode = #tpu.pipeline_mode<synchronous>, transform_indices = @transform_3, window_bounds = array<i64: 1, 64>}, {transform_indices = @transform_4, window_bounds = array<i64: 1264, 128>}]} {
    %mul3A = arith.constant 1264 : i32
    %mul3A_0 = arith.muli %arg0, %mul3A : i32
    %iota3A = tpu.iota {dimensions = array<i32: 0>} : vector<1264x1xi32>
    %add3A = vector.broadcast %mul3A_0 : i32 to vector<1264x1xi32>
    %add3A_1 = arith.addi %add3A, %iota3A : vector<1264x1xi32>
    %get3A = arith.constant 0 : index
    %get3A_2 = arith.constant 0 : index
    %get3A_3 = vector.load %arg1[%get3A, %get3A_2] : memref<1264x128xf32, #tpu.memory_space<vmem>>, vector<1264x128xf32>
    %get3A_4 = arith.constant 0 : index
    %get3A_5 = arith.constant 0 : index
    %get3A_6 = vector.load %arg3[%get3A_4, %get3A_5] : memref<128x64xf32, #tpu.memory_space<vmem>>, vector<128x64xf32>
    %dot_general3A = arith.constant dense<0.000000e+00> : vector<1264x64xf32>
    %dot_general3A_7 = tpu.matmul %get3A_3, %get3A_6, %dot_general3A {dimension_numbers = #tpu.dot_dimension_numbers<[1], [0], [0], [1], [0, 0, 1, 1], [], []>, transpose_lhs_hint = false} : vector<1264x128xf32>, vector<128x64xf32>, vector<1264x64xf32> -> vector<1264x64xf32>
    %get3A_8 = arith.constant 0 : index
    %get3A_9 = arith.constant 0 : index
    %get3A_10 = vector.load %arg4[%get3A_8, %get3A_9] : memref<1x64xf32, #tpu.memory_space<vmem>>, vector<1x64xf32>
    %add3A_11 = vector.broadcast %get3A_10 : vector<1x64xf32> to vector<1264x64xf32>
    %add3A_12 = arith.addf %dot_general3A_7, %add3A_11 : vector<1264x64xf32>
    %max3A = arith.constant 0.000000e+00 : f32
    %max3A_13 = vector.broadcast %max3A : f32 to vector<1264x64xf32>
    %max3A_14 = arith.maximumf %add3A_12, %max3A_13 : vector<1264x64xf32>
    %get3A_15 = arith.constant 0 : index
    %get3A_16 = arith.constant 0 : index
    %get3A_17 = vector.load %arg2[%get3A_15, %get3A_16] : memref<1264x128xf32, #tpu.memory_space<vmem>>, vector<1264x128xf32>
    %get3A_18 = arith.constant 0 : index
    %get3A_19 = arith.constant 0 : index
    %get3A_20 = vector.load %arg3[%get3A_18, %get3A_19] : memref<128x64xf32, #tpu.memory_space<vmem>>, vector<128x64xf32>
    %dot_general3A_21 = arith.constant dense<0.000000e+00> : vector<1264x64xf32>
    %dot_general3A_22 = tpu.matmul %get3A_17, %get3A_20, %dot_general3A_21 {dimension_numbers = #tpu.dot_dimension_numbers<[1], [0], [0], [1], [0, 0, 1, 1], [], []>, transpose_lhs_hint = false} : vector<1264x128xf32>, vector<128x64xf32>, vector<1264x64xf32> -> vector<1264x64xf32>
    %get3A_23 = arith.constant 0 : index
    %get3A_24 = arith.constant 0 : index
    %get3A_25 = vector.load %arg4[%get3A_23, %get3A_24] : memref<1x64xf32, #tpu.memory_space<vmem>>, vector<1x64xf32>
    %add3A_26 = vector.broadcast %get3A_25 : vector<1x64xf32> to vector<1264x64xf32>
    %add3A_27 = arith.addf %dot_general3A_22, %add3A_26 : vector<1264x64xf32>
    %max3A_28 = arith.constant 0.000000e+00 : f32
    %max3A_29 = vector.broadcast %max3A_28 : f32 to vector<1264x64xf32>
    %max3A_30 = arith.maximumf %add3A_27, %max3A_29 : vector<1264x64xf32>
    %lt3A = arith.constant 4944 : i32
    %lt3A_31 = vector.broadcast %lt3A : i32 to vector<1264x1xi32>
    %lt3A_32 = arith.cmpi slt, %add3A_1, %lt3A_31 : vector<1264x1xi32>
    %jit3A = arith.constant 0.000000e+00 : f32
    %broadcast_in_dim3A = vector.shape_cast %lt3A_32 : vector<1264x1xi1> to vector<1264x1xi1>
    %broadcast_in_dim3A_33 = vector.broadcast %broadcast_in_dim3A : vector<1264x1xi1> to vector<1264x64xi1>
    %broadcast_in_dim3A_34 = vector.broadcast %jit3A : f32 to vector<1264x64xf32>
    %select_n3A = arith.select %broadcast_in_dim3A_33, %max3A_30, %broadcast_in_dim3A_34 : vector<1264x64xi1>, vector<1264x64xf32>
    %concatenate3A = tpu.concatenate %max3A_14, %select_n3A in 1 : vector<1264x64xf32>, vector<1264x64xf32> -> vector<1264x128xf32>
    %swap3A = arith.constant 0 : index
    %swap3A_35 = arith.constant 0 : index
    %swap3A_36 = vector.load %arg5[%swap3A, %swap3A_35] : memref<1264x128xf32, #tpu.memory_space<vmem>>, vector<1264x128xf32>
    tpu.vector_store %arg5[%swap3A, %swap3A_35], %concatenate3A {strides = array<i32>} : memref<1264x128xf32, #tpu.memory_space<vmem>>, vector<1264x128xf32>,
    return
  }
  func.func @transform_0(%arg0: i32) -> (i32, i32) {
    %c0_i32 = arith.constant 0 : i32
    %c0_i32_0 = arith.constant 0 : i32
    return %arg0, %c0_i32 : i32, i32
  }
  func.func @transform_1(%arg0: i32) -> (i32, i32) {
    %add3A = arith.constant 4 : i32
    %add3A_0 = arith.addi %arg0, %add3A : i32
    %c0_i32 = arith.constant 0 : i32
    %c0_i32_1 = arith.constant 0 : i32
    return %add3A_0, %c0_i32 : i32, i32
  }
  func.func @transform_2(%arg0: i32) -> (i32, i32) {
    %c0_i32 = arith.constant 0 : i32
    %c0_i32_0 = arith.constant 0 : i32
    %c0_i32_1 = arith.constant 0 : i32
    return %c0_i32, %c0_i32_0 : i32, i32
  }
  func.func @transform_3(%arg0: i32) -> (i32, i32) {
    %c0_i32 = arith.constant 0 : i32
    %c0_i32_0 = arith.constant 0 : i32
    %c0_i32_1 = arith.constant 0 : i32
    return %c0_i32, %c0_i32_0 : i32, i32
  }
  func.func @transform_4(%arg0: i32) -> (i32, i32) {
    %c0_i32 = arith.constant 0 : i32
    %c0_i32_0 = arith.constant 0 : i32
    return %arg0, %c0_i32 : i32, i32
  }
}

module attributes {stable_mosaic.version = 14 : i64} {
  func.func @body(%arg0: i32, %arg1: memref<2x1264x128xf32, #tpu.memory_space<vmem>>, %arg2: memref<1264x128xf32, #tpu.memory_space<vmem>>, %arg3: memref<1264x128xf32, #tpu.memory_space<vmem>>, %arg4: memref<128x128xf32, #tpu.memory_space<vmem>>, %arg5: memref<1x128xf32, #tpu.memory_space<vmem>>, %arg6: memref<128x128xf32, #tpu.memory_space<vmem>>, %arg7: memref<1x128xf32, #tpu.memory_space<vmem>>, %arg8: memref<128x1xf32, #tpu.memory_space<vmem>>, %arg9: memref<1x1xf32, #tpu.memory_space<vmem>>, %arg10: memref<1264x128xf32, #tpu.memory_space<vmem>>, %arg11: memref<1264x128xf32, #tpu.memory_space<vmem>>) attributes {dimension_semantics = [#tpu.dimension_semantics<arbitrary>], iteration_bounds = array<i64: 4>, scalar_prefetch = 0 : i64, scratch_operands = 0 : i64, tpu.core_type = #tpu.core_type<tc>, window_params = [{transform_indices = @transform_0, window_bounds = array<i64: 2, 1264, 128>}, {transform_indices = @transform_1, window_bounds = array<i64: 1264, 128>}, {transform_indices = @transform_2, window_bounds = array<i64: 1264, 128>}, {pipeline_mode = #tpu.pipeline_mode<synchronous>, transform_indices = @transform_3, window_bounds = array<i64: 128, 128>}, {pipeline_mode = #tpu.pipeline_mode<synchronous>, transform_indices = @transform_4, window_bounds = array<i64: 1, 128>}, {pipeline_mode = #tpu.pipeline_mode<synchronous>, transform_indices = @transform_5, window_bounds = array<i64: 128, 128>}, {pipeline_mode = #tpu.pipeline_mode<synchronous>, transform_indices = @transform_6, window_bounds = array<i64: 1, 128>}, {pipeline_mode = #tpu.pipeline_mode<synchronous>, transform_indices = @transform_7, window_bounds = array<i64: 128, 1>}, {pipeline_mode = #tpu.pipeline_mode<synchronous>, transform_indices = @transform_8, window_bounds = array<i64: 1, 1>}, {transform_indices = @transform_9, window_bounds = array<i64: 1264, 128>}, {transform_indices = @transform_10, window_bounds = array<i64: 1264, 128>}]} {
    %get3A = arith.constant 0 : index
    %get3A_0 = arith.constant 0 : index
    %get3A_1 = arith.constant 0 : index
    %get3A_2 = vector.load %arg1[%get3A, %get3A_0, %get3A_1] : memref<2x1264x128xf32, #tpu.memory_space<vmem>>, vector<1x1264x128xf32>
    %get3A_3 = vector.shape_cast %get3A_2 : vector<1x1264x128xf32> to vector<1264x128xf32>
    %get3A_4 = arith.constant 1 : index
    %get3A_5 = arith.constant 0 : index
    %get3A_6 = arith.constant 0 : index
    %get3A_7 = vector.load %arg1[%get3A_4, %get3A_5, %get3A_6] : memref<2x1264x128xf32, #tpu.memory_space<vmem>>, vector<1x1264x128xf32>
    %get3A_8 = vector.shape_cast %get3A_7 : vector<1x1264x128xf32> to vector<1264x128xf32>
    %add3A = arith.addf %get3A_3, %get3A_8 : vector<1264x128xf32>
    %get3A_9 = arith.constant 0 : index
    %get3A_10 = arith.constant 0 : index
    %get3A_11 = vector.load %arg2[%get3A_9, %get3A_10] : memref<1264x128xf32, #tpu.memory_space<vmem>>, vector<1264x128xf32>
    %add3A_12 = arith.addf %add3A, %get3A_11 : vector<1264x128xf32>
    %get3A_13 = arith.constant 0 : index
    %get3A_14 = arith.constant 0 : index
    %get3A_15 = vector.load %arg4[%get3A_13, %get3A_14] : memref<128x128xf32, #tpu.memory_space<vmem>>, vector<128x128xf32>
    %dot_general3A = arith.constant dense<0.000000e+00> : vector<1264x128xf32>
    %dot_general3A_16 = tpu.matmul %add3A_12, %get3A_15, %dot_general3A {dimension_numbers = #tpu.dot_dimension_numbers<[1], [0], [0], [1], [0, 0, 1, 1], [], []>, transpose_lhs_hint = false} : vector<1264x128xf32>, vector<128x128xf32>, vector<1264x128xf32> -> vector<1264x128xf32>
    %get3A_17 = arith.constant 0 : index
    %get3A_18 = arith.constant 0 : index
    %get3A_19 = vector.load %arg5[%get3A_17, %get3A_18] : memref<1x128xf32, #tpu.memory_space<vmem>>, vector<1x128xf32>
    %add3A_20 = vector.broadcast %get3A_19 : vector<1x128xf32> to vector<1264x128xf32>
    %add3A_21 = arith.addf %dot_general3A_16, %add3A_20 : vector<1264x128xf32>
    %max3A = arith.constant 0.000000e+00 : f32
    %max3A_22 = vector.broadcast %max3A : f32 to vector<1264x128xf32>
    %max3A_23 = arith.maximumf %add3A_21, %max3A_22 : vector<1264x128xf32>
    %get3A_24 = arith.constant 0 : index
    %get3A_25 = arith.constant 0 : index
    %get3A_26 = vector.load %arg6[%get3A_24, %get3A_25] : memref<128x128xf32, #tpu.memory_space<vmem>>, vector<128x128xf32>
    %dot_general3A_27 = arith.constant dense<0.000000e+00> : vector<1264x128xf32>
    %dot_general3A_28 = tpu.matmul %max3A_23, %get3A_26, %dot_general3A_27 {dimension_numbers = #tpu.dot_dimension_numbers<[1], [0], [0], [1], [0, 0, 1, 1], [], []>, transpose_lhs_hint = false} : vector<1264x128xf32>, vector<128x128xf32>, vector<1264x128xf32> -> vector<1264x128xf32>
    %get3A_29 = arith.constant 0 : index
    %get3A_30 = arith.constant 0 : index
    %get3A_31 = vector.load %arg7[%get3A_29, %get3A_30] : memref<1x128xf32, #tpu.memory_space<vmem>>, vector<1x128xf32>
    %add3A_32 = vector.broadcast %get3A_31 : vector<1x128xf32> to vector<1264x128xf32>
    %add3A_33 = arith.addf %dot_general3A_28, %add3A_32 : vector<1264x128xf32>
    %get3A_34 = arith.constant 0 : index
    %get3A_35 = arith.constant 0 : index
    %get3A_36 = vector.load %arg3[%get3A_34, %get3A_35] : memref<1264x128xf32, #tpu.memory_space<vmem>>, vector<1264x128xf32>
    %slice3A = vector.extract_strided_slice %get3A_36 {offsets = [0, 0], sizes = [1264, 64], strides = [1, 1]} : vector<1264x128xf32> to vector<1264x64xf32>
    %slice3A_37 = vector.extract_strided_slice %add3A_33 {offsets = [0, 0], sizes = [1264, 64], strides = [1, 1]} : vector<1264x128xf32> to vector<1264x64xf32>
    %concatenate3A = tpu.concatenate %slice3A, %slice3A_37 in 1 : vector<1264x64xf32>, vector<1264x64xf32> -> vector<1264x128xf32>
    %get3A_38 = arith.constant 0 : index
    %get3A_39 = arith.constant 0 : index
    %get3A_40 = vector.load %arg8[%get3A_38, %get3A_39] : memref<128x1xf32, #tpu.memory_space<vmem>>, vector<128x1xf32>
    %dot_general3A_41 = arith.constant dense<0.000000e+00> : vector<1264x1xf32>
    %dot_general3A_42 = tpu.matmul %concatenate3A, %get3A_40, %dot_general3A_41 {dimension_numbers = #tpu.dot_dimension_numbers<[1], [0], [0], [1], [0, 0, 1, 1], [], []>, transpose_lhs_hint = false} : vector<1264x128xf32>, vector<128x1xf32>, vector<1264x1xf32> -> vector<1264x1xf32>
    %get3A_43 = arith.constant 0 : index
    %get3A_44 = arith.constant 0 : index
    %get3A_45 = vector.load %arg9[%get3A_43, %get3A_44] : memref<1x1xf32, #tpu.memory_space<vmem>>, vector<1x1xf32>
    %add3A_46 = vector.broadcast %get3A_45 : vector<1x1xf32> to vector<1264x1xf32>
    %add3A_47 = arith.addf %dot_general3A_42, %add3A_46 : vector<1264x1xf32>
    %logistic3A = arith.negf %add3A_47 : vector<1264x1xf32>
    %logistic3A_48 = math.exp %logistic3A : vector<1264x1xf32>
    %logistic3A_49 = arith.constant 1.000000e+00 : f32
    %logistic3A_50 = vector.broadcast %logistic3A_49 : f32 to vector<1264x1xf32>
    %logistic3A_51 = arith.addf %logistic3A_50, %logistic3A_48 : vector<1264x1xf32>
    %logistic3A_52 = arith.divf %logistic3A_50, %logistic3A_51 : vector<1264x1xf32>
    %broadcast_in_dim3A = vector.shape_cast %logistic3A_52 : vector<1264x1xf32> to vector<1264x1xf32>
    %broadcast_in_dim3A_53 = vector.broadcast %broadcast_in_dim3A : vector<1264x1xf32> to vector<1264x64xf32>
    %slice3A_54 = vector.extract_strided_slice %get3A_36 {offsets = [0, 64], sizes = [1264, 64], strides = [1, 1]} : vector<1264x128xf32> to vector<1264x64xf32>
    %slice3A_55 = vector.extract_strided_slice %add3A_33 {offsets = [0, 64], sizes = [1264, 64], strides = [1, 1]} : vector<1264x128xf32> to vector<1264x64xf32>
    %concatenate3A_56 = tpu.concatenate %slice3A_54, %slice3A_55 in 1 : vector<1264x64xf32>, vector<1264x64xf32> -> vector<1264x128xf32>
    %get3A_57 = arith.constant 0 : index
    %get3A_58 = arith.constant 0 : index
    %get3A_59 = vector.load %arg8[%get3A_57, %get3A_58] : memref<128x1xf32, #tpu.memory_space<vmem>>, vector<128x1xf32>
    %dot_general3A_60 = arith.constant dense<0.000000e+00> : vector<1264x1xf32>
    %dot_general3A_61 = tpu.matmul %concatenate3A_56, %get3A_59, %dot_general3A_60 {dimension_numbers = #tpu.dot_dimension_numbers<[1], [0], [0], [1], [0, 0, 1, 1], [], []>, transpose_lhs_hint = false} : vector<1264x128xf32>, vector<128x1xf32>, vector<1264x1xf32> -> vector<1264x1xf32>
    %get3A_62 = arith.constant 0 : index
    %get3A_63 = arith.constant 0 : index
    %get3A_64 = vector.load %arg9[%get3A_62, %get3A_63] : memref<1x1xf32, #tpu.memory_space<vmem>>, vector<1x1xf32>
    %add3A_65 = vector.broadcast %get3A_64 : vector<1x1xf32> to vector<1264x1xf32>
    %add3A_66 = arith.addf %dot_general3A_61, %add3A_65 : vector<1264x1xf32>
    %logistic3A_67 = arith.negf %add3A_66 : vector<1264x1xf32>
    %logistic3A_68 = math.exp %logistic3A_67 : vector<1264x1xf32>
    %logistic3A_69 = arith.constant 1.000000e+00 : f32
    %logistic3A_70 = vector.broadcast %logistic3A_69 : f32 to vector<1264x1xf32>
    %logistic3A_71 = arith.addf %logistic3A_70, %logistic3A_68 : vector<1264x1xf32>
    %logistic3A_72 = arith.divf %logistic3A_70, %logistic3A_71 : vector<1264x1xf32>
    %broadcast_in_dim3A_73 = vector.shape_cast %logistic3A_72 : vector<1264x1xf32> to vector<1264x1xf32>
    %broadcast_in_dim3A_74 = vector.broadcast %broadcast_in_dim3A_73 : vector<1264x1xf32> to vector<1264x64xf32>
    %concatenate3A_75 = tpu.concatenate %broadcast_in_dim3A_53, %broadcast_in_dim3A_74 in 1 : vector<1264x64xf32>, vector<1264x64xf32> -> vector<1264x128xf32>
    %mul3A = arith.mulf %concatenate3A_75, %get3A_36 : vector<1264x128xf32>
    %sub3A = arith.constant 1.000000e+00 : f32
    %sub3A_76 = vector.broadcast %sub3A : f32 to vector<1264x128xf32>
    %sub3A_77 = arith.subf %sub3A_76, %concatenate3A_75 : vector<1264x128xf32>
    %mul3A_78 = arith.mulf %sub3A_77, %add3A_33 : vector<1264x128xf32>
    %add3A_79 = arith.addf %mul3A, %mul3A_78 : vector<1264x128xf32>
    %mul3A_80 = arith.constant 1264 : i32
    %mul3A_81 = arith.muli %arg0, %mul3A_80 : i32
    %iota3A = tpu.iota {dimensions = array<i32: 0>} : vector<1264x1xi32>
    %add3A_82 = vector.broadcast %mul3A_81 : i32 to vector<1264x1xi32>
    %add3A_83 = arith.addi %add3A_82, %iota3A : vector<1264x1xi32>
    %swap3A = arith.constant 0 : index
    %swap3A_84 = arith.constant 0 : index
    %swap3A_85 = vector.load %arg10[%swap3A, %swap3A_84] : memref<1264x128xf32, #tpu.memory_space<vmem>>, vector<1264x128xf32>
    tpu.vector_store %arg10[%swap3A, %swap3A_84], %add3A_79 {strides = array<i32>} : memref<1264x128xf32, #tpu.memory_space<vmem>>, vector<1264x128xf32>,
    %lt3A = arith.constant 4944 : i32
    %lt3A_86 = vector.broadcast %lt3A : i32 to vector<1264x1xi32>
    %lt3A_87 = arith.cmpi slt, %add3A_83, %lt3A_86 : vector<1264x1xi32>
    %slice3A_88 = vector.extract_strided_slice %add3A_33 {offsets = [0, 64], sizes = [1264, 64], strides = [1, 1]} : vector<1264x128xf32> to vector<1264x64xf32>
    %jit3A = arith.constant 0.000000e+00 : f32
    %broadcast_in_dim3A_89 = vector.shape_cast %lt3A_87 : vector<1264x1xi1> to vector<1264x1xi1>
    %broadcast_in_dim3A_90 = vector.broadcast %broadcast_in_dim3A_89 : vector<1264x1xi1> to vector<1264x64xi1>
    %broadcast_in_dim3A_91 = vector.broadcast %jit3A : f32 to vector<1264x64xf32>
    %select_n3A = arith.select %broadcast_in_dim3A_90, %slice3A_88, %broadcast_in_dim3A_91 : vector<1264x64xi1>, vector<1264x64xf32>
    %slice3A_92 = vector.extract_strided_slice %add3A_33 {offsets = [0, 0], sizes = [1264, 64], strides = [1, 1]} : vector<1264x128xf32> to vector<1264x64xf32>
    %concatenate3A_93 = tpu.concatenate %slice3A_92, %select_n3A in 1 : vector<1264x64xf32>, vector<1264x64xf32> -> vector<1264x128xf32>
    %swap3A_94 = arith.constant 0 : index
    %swap3A_95 = arith.constant 0 : index
    %swap3A_96 = vector.load %arg11[%swap3A_94, %swap3A_95] : memref<1264x128xf32, #tpu.memory_space<vmem>>, vector<1264x128xf32>
    tpu.vector_store %arg11[%swap3A_94, %swap3A_95], %concatenate3A_93 {strides = array<i32>} : memref<1264x128xf32, #tpu.memory_space<vmem>>, vector<1264x128xf32>,
    return
  }
  func.func @transform_0(%arg0: i32) -> (i32, i32, i32) {
    %c0_i32 = arith.constant 0 : i32
    %c0_i32_0 = arith.constant 0 : i32
    %c0_i32_1 = arith.constant 0 : i32
    return %c0_i32, %arg0, %c0_i32_0 : i32, i32, i32
  }
  func.func @transform_1(%arg0: i32) -> (i32, i32) {
    %c0_i32 = arith.constant 0 : i32
    %c0_i32_0 = arith.constant 0 : i32
    return %arg0, %c0_i32 : i32, i32
  }
  func.func @transform_2(%arg0: i32) -> (i32, i32) {
    %c0_i32 = arith.constant 0 : i32
    %c0_i32_0 = arith.constant 0 : i32
    return %arg0, %c0_i32 : i32, i32
  }
  func.func @transform_3(%arg0: i32) -> (i32, i32) {
    %c0_i32 = arith.constant 0 : i32
    %c0_i32_0 = arith.constant 0 : i32
    %c0_i32_1 = arith.constant 0 : i32
    return %c0_i32, %c0_i32_0 : i32, i32
  }
  func.func @transform_4(%arg0: i32) -> (i32, i32) {
    %c0_i32 = arith.constant 0 : i32
    %c0_i32_0 = arith.constant 0 : i32
    %c0_i32_1 = arith.constant 0 : i32
    return %c0_i32, %c0_i32_0 : i32, i32
  }
  func.func @transform_5(%arg0: i32) -> (i32, i32) {
    %c0_i32 = arith.constant 0 : i32
    %c0_i32_0 = arith.constant 0 : i32
    %c0_i32_1 = arith.constant 0 : i32
    return %c0_i32, %c0_i32_0 : i32, i32
  }
  func.func @transform_6(%arg0: i32) -> (i32, i32) {
    %c0_i32 = arith.constant 0 : i32
    %c0_i32_0 = arith.constant 0 : i32
    %c0_i32_1 = arith.constant 0 : i32
    return %c0_i32, %c0_i32_0 : i32, i32
  }
  func.func @transform_7(%arg0: i32) -> (i32, i32) {
    %c0_i32 = arith.constant 0 : i32
    %c0_i32_0 = arith.constant 0 : i32
    %c0_i32_1 = arith.constant 0 : i32
    return %c0_i32, %c0_i32_0 : i32, i32
  }
  func.func @transform_8(%arg0: i32) -> (i32, i32) {
    %c0_i32 = arith.constant 0 : i32
    %c0_i32_0 = arith.constant 0 : i32
    %c0_i32_1 = arith.constant 0 : i32
    return %c0_i32, %c0_i32_0 : i32, i32
  }
  func.func @transform_9(%arg0: i32) -> (i32, i32) {
    %c0_i32 = arith.constant 0 : i32
    %c0_i32_0 = arith.constant 0 : i32
    return %arg0, %c0_i32 : i32, i32
  }
  func.func @transform_10(%arg0: i32) -> (i32, i32) {
    %c0_i32 = arith.constant 0 : i32
    %c0_i32_0 = arith.constant 0 : i32
    return %arg0, %c0_i32 : i32, i32
  }
}

module attributes {stable_mosaic.version = 14 : i64} {
  func.func @body(%arg0: i32, %arg1: memref<2x1264x128xf32, #tpu.memory_space<vmem>>, %arg2: memref<1264x128xf32, #tpu.memory_space<vmem>>, %arg3: memref<1264x128xf32, #tpu.memory_space<vmem>>, %arg4: memref<128x128xf32, #tpu.memory_space<vmem>>, %arg5: memref<1x128xf32, #tpu.memory_space<vmem>>, %arg6: memref<128x128xf32, #tpu.memory_space<vmem>>, %arg7: memref<1x128xf32, #tpu.memory_space<vmem>>, %arg8: memref<128x1xf32, #tpu.memory_space<vmem>>, %arg9: memref<1x1xf32, #tpu.memory_space<vmem>>, %arg10: memref<64x64xf32, #tpu.memory_space<vmem>>, %arg11: memref<1x64xf32, #tpu.memory_space<vmem>>, %arg12: memref<2x1264x64xf32, #tpu.memory_space<vmem>>) attributes {dimension_semantics = [#tpu.dimension_semantics<arbitrary>], iteration_bounds = array<i64: 4>, scalar_prefetch = 0 : i64, scratch_operands = 0 : i64, tpu.core_type = #tpu.core_type<tc>, window_params = [{transform_indices = @transform_0, window_bounds = array<i64: 2, 1264, 128>}, {transform_indices = @transform_1, window_bounds = array<i64: 1264, 128>}, {transform_indices = @transform_2, window_bounds = array<i64: 1264, 128>}, {pipeline_mode = #tpu.pipeline_mode<synchronous>, transform_indices = @transform_3, window_bounds = array<i64: 128, 128>}, {pipeline_mode = #tpu.pipeline_mode<synchronous>, transform_indices = @transform_4, window_bounds = array<i64: 1, 128>}, {pipeline_mode = #tpu.pipeline_mode<synchronous>, transform_indices = @transform_5, window_bounds = array<i64: 128, 128>}, {pipeline_mode = #tpu.pipeline_mode<synchronous>, transform_indices = @transform_6, window_bounds = array<i64: 1, 128>}, {pipeline_mode = #tpu.pipeline_mode<synchronous>, transform_indices = @transform_7, window_bounds = array<i64: 128, 1>}, {pipeline_mode = #tpu.pipeline_mode<synchronous>, transform_indices = @transform_8, window_bounds = array<i64: 1, 1>}, {pipeline_mode = #tpu.pipeline_mode<synchronous>, transform_indices = @transform_9, window_bounds = array<i64: 64, 64>}, {pipeline_mode = #tpu.pipeline_mode<synchronous>, transform_indices = @transform_10, window_bounds = array<i64: 1, 64>}, {transform_indices = @transform_11, window_bounds = array<i64: 2, 1264, 64>}]} {
    %get3A = arith.constant 0 : index
    %get3A_0 = arith.constant 0 : index
    %get3A_1 = arith.constant 0 : index
    %get3A_2 = vector.load %arg1[%get3A, %get3A_0, %get3A_1] : memref<2x1264x128xf32, #tpu.memory_space<vmem>>, vector<1x1264x128xf32>
    %get3A_3 = vector.shape_cast %get3A_2 : vector<1x1264x128xf32> to vector<1264x128xf32>
    %get3A_4 = arith.constant 1 : index
    %get3A_5 = arith.constant 0 : index
    %get3A_6 = arith.constant 0 : index
    %get3A_7 = vector.load %arg1[%get3A_4, %get3A_5, %get3A_6] : memref<2x1264x128xf32, #tpu.memory_space<vmem>>, vector<1x1264x128xf32>
    %get3A_8 = vector.shape_cast %get3A_7 : vector<1x1264x128xf32> to vector<1264x128xf32>
    %add3A = arith.addf %get3A_3, %get3A_8 : vector<1264x128xf32>
    %get3A_9 = arith.constant 0 : index
    %get3A_10 = arith.constant 0 : index
    %get3A_11 = vector.load %arg2[%get3A_9, %get3A_10] : memref<1264x128xf32, #tpu.memory_space<vmem>>, vector<1264x128xf32>
    %add3A_12 = arith.addf %add3A, %get3A_11 : vector<1264x128xf32>
    %get3A_13 = arith.constant 0 : index
    %get3A_14 = arith.constant 0 : index
    %get3A_15 = vector.load %arg4[%get3A_13, %get3A_14] : memref<128x128xf32, #tpu.memory_space<vmem>>, vector<128x128xf32>
    %dot_general3A = arith.constant dense<0.000000e+00> : vector<1264x128xf32>
    %dot_general3A_16 = tpu.matmul %add3A_12, %get3A_15, %dot_general3A {dimension_numbers = #tpu.dot_dimension_numbers<[1], [0], [0], [1], [0, 0, 1, 1], [], []>, transpose_lhs_hint = false} : vector<1264x128xf32>, vector<128x128xf32>, vector<1264x128xf32> -> vector<1264x128xf32>
    %get3A_17 = arith.constant 0 : index
    %get3A_18 = arith.constant 0 : index
    %get3A_19 = vector.load %arg5[%get3A_17, %get3A_18] : memref<1x128xf32, #tpu.memory_space<vmem>>, vector<1x128xf32>
    %add3A_20 = vector.broadcast %get3A_19 : vector<1x128xf32> to vector<1264x128xf32>
    %add3A_21 = arith.addf %dot_general3A_16, %add3A_20 : vector<1264x128xf32>
    %max3A = arith.constant 0.000000e+00 : f32
    %max3A_22 = vector.broadcast %max3A : f32 to vector<1264x128xf32>
    %max3A_23 = arith.maximumf %add3A_21, %max3A_22 : vector<1264x128xf32>
    %get3A_24 = arith.constant 0 : index
    %get3A_25 = arith.constant 0 : index
    %get3A_26 = vector.load %arg6[%get3A_24, %get3A_25] : memref<128x128xf32, #tpu.memory_space<vmem>>, vector<128x128xf32>
    %dot_general3A_27 = arith.constant dense<0.000000e+00> : vector<1264x128xf32>
    %dot_general3A_28 = tpu.matmul %max3A_23, %get3A_26, %dot_general3A_27 {dimension_numbers = #tpu.dot_dimension_numbers<[1], [0], [0], [1], [0, 0, 1, 1], [], []>, transpose_lhs_hint = false} : vector<1264x128xf32>, vector<128x128xf32>, vector<1264x128xf32> -> vector<1264x128xf32>
    %get3A_29 = arith.constant 0 : index
    %get3A_30 = arith.constant 0 : index
    %get3A_31 = vector.load %arg7[%get3A_29, %get3A_30] : memref<1x128xf32, #tpu.memory_space<vmem>>, vector<1x128xf32>
    %add3A_32 = vector.broadcast %get3A_31 : vector<1x128xf32> to vector<1264x128xf32>
    %add3A_33 = arith.addf %dot_general3A_28, %add3A_32 : vector<1264x128xf32>
    %get3A_34 = arith.constant 0 : index
    %get3A_35 = arith.constant 0 : index
    %get3A_36 = vector.load %arg3[%get3A_34, %get3A_35] : memref<1264x128xf32, #tpu.memory_space<vmem>>, vector<1264x128xf32>
    %slice3A = vector.extract_strided_slice %get3A_36 {offsets = [0, 0], sizes = [1264, 64], strides = [1, 1]} : vector<1264x128xf32> to vector<1264x64xf32>
    %slice3A_37 = vector.extract_strided_slice %add3A_33 {offsets = [0, 0], sizes = [1264, 64], strides = [1, 1]} : vector<1264x128xf32> to vector<1264x64xf32>
    %concatenate3A = tpu.concatenate %slice3A, %slice3A_37 in 1 : vector<1264x64xf32>, vector<1264x64xf32> -> vector<1264x128xf32>
    %get3A_38 = arith.constant 0 : index
    %get3A_39 = arith.constant 0 : index
    %get3A_40 = vector.load %arg8[%get3A_38, %get3A_39] : memref<128x1xf32, #tpu.memory_space<vmem>>, vector<128x1xf32>
    %dot_general3A_41 = arith.constant dense<0.000000e+00> : vector<1264x1xf32>
    %dot_general3A_42 = tpu.matmul %concatenate3A, %get3A_40, %dot_general3A_41 {dimension_numbers = #tpu.dot_dimension_numbers<[1], [0], [0], [1], [0, 0, 1, 1], [], []>, transpose_lhs_hint = false} : vector<1264x128xf32>, vector<128x1xf32>, vector<1264x1xf32> -> vector<1264x1xf32>
    %get3A_43 = arith.constant 0 : index
    %get3A_44 = arith.constant 0 : index
    %get3A_45 = vector.load %arg9[%get3A_43, %get3A_44] : memref<1x1xf32, #tpu.memory_space<vmem>>, vector<1x1xf32>
    %add3A_46 = vector.broadcast %get3A_45 : vector<1x1xf32> to vector<1264x1xf32>
    %add3A_47 = arith.addf %dot_general3A_42, %add3A_46 : vector<1264x1xf32>
    %logistic3A = arith.negf %add3A_47 : vector<1264x1xf32>
    %logistic3A_48 = math.exp %logistic3A : vector<1264x1xf32>
    %logistic3A_49 = arith.constant 1.000000e+00 : f32
    %logistic3A_50 = vector.broadcast %logistic3A_49 : f32 to vector<1264x1xf32>
    %logistic3A_51 = arith.addf %logistic3A_50, %logistic3A_48 : vector<1264x1xf32>
    %logistic3A_52 = arith.divf %logistic3A_50, %logistic3A_51 : vector<1264x1xf32>
    %broadcast_in_dim3A = vector.shape_cast %logistic3A_52 : vector<1264x1xf32> to vector<1264x1xf32>
    %broadcast_in_dim3A_53 = vector.broadcast %broadcast_in_dim3A : vector<1264x1xf32> to vector<1264x64xf32>
    %slice3A_54 = vector.extract_strided_slice %get3A_36 {offsets = [0, 64], sizes = [1264, 64], strides = [1, 1]} : vector<1264x128xf32> to vector<1264x64xf32>
    %slice3A_55 = vector.extract_strided_slice %add3A_33 {offsets = [0, 64], sizes = [1264, 64], strides = [1, 1]} : vector<1264x128xf32> to vector<1264x64xf32>
    %concatenate3A_56 = tpu.concatenate %slice3A_54, %slice3A_55 in 1 : vector<1264x64xf32>, vector<1264x64xf32> -> vector<1264x128xf32>
    %get3A_57 = arith.constant 0 : index
    %get3A_58 = arith.constant 0 : index
    %get3A_59 = vector.load %arg8[%get3A_57, %get3A_58] : memref<128x1xf32, #tpu.memory_space<vmem>>, vector<128x1xf32>
    %dot_general3A_60 = arith.constant dense<0.000000e+00> : vector<1264x1xf32>
    %dot_general3A_61 = tpu.matmul %concatenate3A_56, %get3A_59, %dot_general3A_60 {dimension_numbers = #tpu.dot_dimension_numbers<[1], [0], [0], [1], [0, 0, 1, 1], [], []>, transpose_lhs_hint = false} : vector<1264x128xf32>, vector<128x1xf32>, vector<1264x1xf32> -> vector<1264x1xf32>
    %get3A_62 = arith.constant 0 : index
    %get3A_63 = arith.constant 0 : index
    %get3A_64 = vector.load %arg9[%get3A_62, %get3A_63] : memref<1x1xf32, #tpu.memory_space<vmem>>, vector<1x1xf32>
    %add3A_65 = vector.broadcast %get3A_64 : vector<1x1xf32> to vector<1264x1xf32>
    %add3A_66 = arith.addf %dot_general3A_61, %add3A_65 : vector<1264x1xf32>
    %logistic3A_67 = arith.negf %add3A_66 : vector<1264x1xf32>
    %logistic3A_68 = math.exp %logistic3A_67 : vector<1264x1xf32>
    %logistic3A_69 = arith.constant 1.000000e+00 : f32
    %logistic3A_70 = vector.broadcast %logistic3A_69 : f32 to vector<1264x1xf32>
    %logistic3A_71 = arith.addf %logistic3A_70, %logistic3A_68 : vector<1264x1xf32>
    %logistic3A_72 = arith.divf %logistic3A_70, %logistic3A_71 : vector<1264x1xf32>
    %broadcast_in_dim3A_73 = vector.shape_cast %logistic3A_72 : vector<1264x1xf32> to vector<1264x1xf32>
    %broadcast_in_dim3A_74 = vector.broadcast %broadcast_in_dim3A_73 : vector<1264x1xf32> to vector<1264x64xf32>
    %concatenate3A_75 = tpu.concatenate %broadcast_in_dim3A_53, %broadcast_in_dim3A_74 in 1 : vector<1264x64xf32>, vector<1264x64xf32> -> vector<1264x128xf32>
    %mul3A = arith.mulf %concatenate3A_75, %get3A_36 : vector<1264x128xf32>
    %sub3A = arith.constant 1.000000e+00 : f32
    %sub3A_76 = vector.broadcast %sub3A : f32 to vector<1264x128xf32>
    %sub3A_77 = arith.subf %sub3A_76, %concatenate3A_75 : vector<1264x128xf32>
    %mul3A_78 = arith.mulf %sub3A_77, %add3A_33 : vector<1264x128xf32>
    %add3A_79 = arith.addf %mul3A, %mul3A_78 : vector<1264x128xf32>
    %slice3A_80 = vector.extract_strided_slice %add3A_79 {offsets = [0, 0], sizes = [1264, 64], strides = [1, 1]} : vector<1264x128xf32> to vector<1264x64xf32>
    %get3A_81 = arith.constant 0 : index
    %get3A_82 = arith.constant 0 : index
    %get3A_83 = vector.load %arg10[%get3A_81, %get3A_82] : memref<64x64xf32, #tpu.memory_space<vmem>>, vector<64x64xf32>
    %dot_general3A_84 = arith.constant dense<0.000000e+00> : vector<1264x64xf32>
    %dot_general3A_85 = tpu.matmul %slice3A_80, %get3A_83, %dot_general3A_84 {dimension_numbers = #tpu.dot_dimension_numbers<[1], [0], [0], [1], [0, 0, 1, 1], [], []>, transpose_lhs_hint = false} : vector<1264x64xf32>, vector<64x64xf32>, vector<1264x64xf32> -> vector<1264x64xf32>
    %get3A_86 = arith.constant 0 : index
    %get3A_87 = arith.constant 0 : index
    %get3A_88 = vector.load %arg11[%get3A_86, %get3A_87] : memref<1x64xf32, #tpu.memory_space<vmem>>, vector<1x64xf32>
    %add3A_89 = vector.broadcast %get3A_88 : vector<1x64xf32> to vector<1264x64xf32>
    %add3A_90 = arith.addf %dot_general3A_85, %add3A_89 : vector<1264x64xf32>
    %swap3A = arith.constant 0 : index
    %swap3A_91 = arith.constant 0 : index
    %swap3A_92 = arith.constant 0 : index
    %swap3A_93 = vector.load %arg12[%swap3A, %swap3A_91, %swap3A_92] : memref<2x1264x64xf32, #tpu.memory_space<vmem>>, vector<1x1264x64xf32>
    %swap3A_94 = vector.shape_cast %swap3A_93 : vector<1x1264x64xf32> to vector<1264x64xf32>
    %swap3A_95 = vector.shape_cast %add3A_90 : vector<1264x64xf32> to vector<1x1264x64xf32>
    tpu.vector_store %arg12[%swap3A, %swap3A_91, %swap3A_92], %swap3A_95 {strides = array<i32>} : memref<2x1264x64xf32, #tpu.memory_space<vmem>>, vector<1x1264x64xf32>,
    %slice3A_96 = vector.extract_strided_slice %add3A_79 {offsets = [0, 64], sizes = [1264, 64], strides = [1, 1]} : vector<1264x128xf32> to vector<1264x64xf32>
    %get3A_97 = arith.constant 0 : index
    %get3A_98 = arith.constant 0 : index
    %get3A_99 = vector.load %arg10[%get3A_97, %get3A_98] : memref<64x64xf32, #tpu.memory_space<vmem>>, vector<64x64xf32>
    %dot_general3A_100 = arith.constant dense<0.000000e+00> : vector<1264x64xf32>
    %dot_general3A_101 = tpu.matmul %slice3A_96, %get3A_99, %dot_general3A_100 {dimension_numbers = #tpu.dot_dimension_numbers<[1], [0], [0], [1], [0, 0, 1, 1], [], []>, transpose_lhs_hint = false} : vector<1264x64xf32>, vector<64x64xf32>, vector<1264x64xf32> -> vector<1264x64xf32>
    %get3A_102 = arith.constant 0 : index
    %get3A_103 = arith.constant 0 : index
    %get3A_104 = vector.load %arg11[%get3A_102, %get3A_103] : memref<1x64xf32, #tpu.memory_space<vmem>>, vector<1x64xf32>
    %add3A_105 = vector.broadcast %get3A_104 : vector<1x64xf32> to vector<1264x64xf32>
    %add3A_106 = arith.addf %dot_general3A_101, %add3A_105 : vector<1264x64xf32>
    %swap3A_107 = arith.constant 1 : index
    %swap3A_108 = arith.constant 0 : index
    %swap3A_109 = arith.constant 0 : index
    %swap3A_110 = vector.load %arg12[%swap3A_107, %swap3A_108, %swap3A_109] : memref<2x1264x64xf32, #tpu.memory_space<vmem>>, vector<1x1264x64xf32>
    %swap3A_111 = vector.shape_cast %swap3A_110 : vector<1x1264x64xf32> to vector<1264x64xf32>
    %swap3A_112 = vector.shape_cast %add3A_106 : vector<1264x64xf32> to vector<1x1264x64xf32>
    tpu.vector_store %arg12[%swap3A_107, %swap3A_108, %swap3A_109], %swap3A_112 {strides = array<i32>} : memref<2x1264x64xf32, #tpu.memory_space<vmem>>, vector<1x1264x64xf32>,
    return
  }
  func.func @transform_0(%arg0: i32) -> (i32, i32, i32) {
    %c0_i32 = arith.constant 0 : i32
    %c0_i32_0 = arith.constant 0 : i32
    %c0_i32_1 = arith.constant 0 : i32
    return %c0_i32, %arg0, %c0_i32_0 : i32, i32, i32
  }
  func.func @transform_1(%arg0: i32) -> (i32, i32) {
    %c0_i32 = arith.constant 0 : i32
    %c0_i32_0 = arith.constant 0 : i32
    return %arg0, %c0_i32 : i32, i32
  }
  func.func @transform_2(%arg0: i32) -> (i32, i32) {
    %c0_i32 = arith.constant 0 : i32
    %c0_i32_0 = arith.constant 0 : i32
    return %arg0, %c0_i32 : i32, i32
  }
  func.func @transform_3(%arg0: i32) -> (i32, i32) {
    %c0_i32 = arith.constant 0 : i32
    %c0_i32_0 = arith.constant 0 : i32
    %c0_i32_1 = arith.constant 0 : i32
    return %c0_i32, %c0_i32_0 : i32, i32
  }
  func.func @transform_4(%arg0: i32) -> (i32, i32) {
    %c0_i32 = arith.constant 0 : i32
    %c0_i32_0 = arith.constant 0 : i32
    %c0_i32_1 = arith.constant 0 : i32
    return %c0_i32, %c0_i32_0 : i32, i32
  }
  func.func @transform_5(%arg0: i32) -> (i32, i32) {
    %c0_i32 = arith.constant 0 : i32
    %c0_i32_0 = arith.constant 0 : i32
    %c0_i32_1 = arith.constant 0 : i32
    return %c0_i32, %c0_i32_0 : i32, i32
  }
  func.func @transform_6(%arg0: i32) -> (i32, i32) {
    %c0_i32 = arith.constant 0 : i32
    %c0_i32_0 = arith.constant 0 : i32
    %c0_i32_1 = arith.constant 0 : i32
    return %c0_i32, %c0_i32_0 : i32, i32
  }
  func.func @transform_7(%arg0: i32) -> (i32, i32) {
    %c0_i32 = arith.constant 0 : i32
    %c0_i32_0 = arith.constant 0 : i32
    %c0_i32_1 = arith.constant 0 : i32
    return %c0_i32, %c0_i32_0 : i32, i32
  }
  func.func @transform_8(%arg0: i32) -> (i32, i32) {
    %c0_i32 = arith.constant 0 : i32
    %c0_i32_0 = arith.constant 0 : i32
    %c0_i32_1 = arith.constant 0 : i32
    return %c0_i32, %c0_i32_0 : i32, i32
  }
  func.func @transform_9(%arg0: i32) -> (i32, i32) {
    %c0_i32 = arith.constant 0 : i32
    %c0_i32_0 = arith.constant 0 : i32
    %c0_i32_1 = arith.constant 0 : i32
    return %c0_i32, %c0_i32_0 : i32, i32
  }
  func.func @transform_10(%arg0: i32) -> (i32, i32) {
    %c0_i32 = arith.constant 0 : i32
    %c0_i32_0 = arith.constant 0 : i32
    %c0_i32_1 = arith.constant 0 : i32
    return %c0_i32, %c0_i32_0 : i32, i32
  }
  func.func @transform_11(%arg0: i32) -> (i32, i32, i32) {
    %c0_i32 = arith.constant 0 : i32
    %c0_i32_0 = arith.constant 0 : i32
    %c0_i32_1 = arith.constant 0 : i32
    return %c0_i32, %arg0, %c0_i32_0 : i32, i32, i32
  }
}

</mosaic_0001>

<sc_bundles>
// kernel: kernel.10.cloned.1.call-start
scs
__scs_entry_jumppad:
0x0: {  	(pc) =	sbr.rel $0x88, $3  }
0x1: {  	(tag) =	ssettag $0x0;
	lr =	simm.s32 $0x1  }
0x2: {  	[smem:$0x3F91] =	sst lr;
	_ =	strace $0xD0000000  }
0x3: {  	_ = 	snop  }
0x4: {  	_ = 	snop  }
0x5: {  	_ = 	snop  }
0x6: {  	_ = 	snop  }
0x7: {  	_ = 	snop  }
__scs_overlays_trampoline_lowered:
0x8: {  	[smem:$0x3FA0] =	sst s0  }
0x9: {  	[smem:$0x3FA1] =	sst s1  }
0xa: {  	[smem:$0x3FA2] =	sst s2  }
0xb: {  	[smem:$0x3FA3] =	sst s3  }
0xc: {  	[smem:$0x3FA4] =	sst s4  }
0xd: {  	[smem:$0x3FA5] =	sst s5  }
0xe: {  	[smem:$0x3FA6] =	sst s6  }
0xf: {  	[smem:$0x3FA7] =	sst s7  }
0x10: {  	[smem:$0x3FA8] =	sst s8  }
0x11: {  	[smem:$0x3FA9] =	sst s9;
	s0 =	simm.s32 @!p0 $0x0  }
0x12: {  	s1 =	sld [smem:$0x3F8F];
	s0 =	simm.s32 @p0 $0x1  }
0x13: {  	[smem:$0x3FAA] =	sst s0;
	s0 =	simm.s32 @!p1 $0x0  }
0x14: {  	s2 =	sld [smem:$0x3F8E];
	s0 =	simm.s32 @p1 $0x1  }
0x15: {  	[smem:$0x3FAB] =	sst s0;
	s0 =	simm.s32 @!p2 $0x0  }
0x16: {  	s3 =	sld [smem:$0x3FDB];
	s0 =	simm.s32 @p2 $0x1  }
0x17: {  	s4 =	simm.s32 $0x1BF5;
	[smem:$0x3FAD] =	sst s0  }
0x18: {  	s0 =	sld [smem:$0x3F90];
	_ =	swait.ge [sflag:s4], $0x0  }
0x19: {  	s7 =	sld [smem:$0x3F91]  }
0x1a: {  	s8 =	sadd.s32 $0xFFFFE003, lr  }
0x1b: {  	s9 =	sadd.s32 $0xFFFFFEF7, lr;
	s5 =	simm.s32 $0xFFFFFFFF;
	p2 =	slt.u32 s8, $0xFFFFF086  }
0x1c: {  	p1 =	slt.u32 s9, $0xF7A;
	s5 =	simm.s32 @!p2 $0x0  }
0x1d: {  	s5 =	simm.s32 @p1 $0x1;
	p0 =	seq.s32 s7, s2  }
0x1e: {  	s7 =	smul.u32 @!p0 $0xF7A, s2;
	p2 =	seq.s32 @!p0 s5, $0x0  }
0x1f: {  	s9 =	smul.u32 $0xF7A, s1;
	s8 =	simm.s32 @!p0 $0x1BF5;
	p2 =	por !p2, p0  }
0x20: {  	[sflag:s8] =	ssyncset.s32 @!p0 $0xFFFFF086;
	s6 =	sadd.s32 @!p0 s3, s7;
	s7 =	simm.s32 @!p0 $0x108  }
0x21: {  	s3 =	sadd.s32 s3, s9;
	s6 =	sadd.s32 @!p0 $0x88, s6;
	s7 =	simm.s32 @p2 $0x1082  }
0x22: {  	[simem:s7], [sflag:s8] =	dma.local @!p0 [hbm:s6], $0xF7A  }
0x23: {  	s9 =	sor.u32 $0xD0000000, s2;
	s6 =	simm.s32 $0x108;
	_ =	swait.ge @!p0 [sflag:s8], $0x0  }
0x24: {  	s3 =	sadd.s32 $0x88, s3;
	s6 =	simm.s32 @!p1 $0x1082;
	[sflag:s4] =	ssyncset.s32 $0xFFFFF086  }
0x25: {  	[simem:s6], [sflag:s4] =	dma.local [hbm:s3], $0xF7A  }
0x26: {  	[smem:$0x3F91] =	sst s1;
	(tag) =	ssettag s2;
	_ =	strace s9  }
0x27: {  	s1 =	sld [smem:$0x3FA1]  }
0x28: {  	s2 =	sld [smem:$0x3FA2]  }
0x29: {  	s4 =	sld [smem:$0x3FA4]  }
0x2a: {  	p0 =	seq.s32 s5, $0x0;
	s5 =	sld [smem:$0x3FA5]  }
0x2b: {  	s6 =	sld [smem:$0x3FA6]  }
0x2c: {  	s7 =	sld [smem:$0x3FA7]  }
0x2d: {  	s3 =	simm.s32 $0x108;
	s8 =	sld [smem:$0x3FA8]  }
0x2e: {  	s3 =	simm.s32 @!p0 $0x1082;
	s9 =	sld [smem:$0x3FA9]  }
0x2f: {  	lr =	sadd.s32 s0, s3;
	s0 =	sld [smem:$0x3FA0]  }
0x30: {  	s3 =	sld [smem:$0x3FA3]  }
0x31: {  	[smem:$0x3FAC] =	sst s10  }
0x32: {  	s10 =	sld [smem:$0x3FAA];
	_ =	sdelay $0x3  }
0x33: {  	p0 =	seq.s32 s10, $0x1;
	s10 =	sld [smem:$0x3FAC];
	_ =	sdelay $0x3  }
0x34: {  	[smem:$0x3FAC] =	sst s10  }
0x35: {  	s10 =	sld [smem:$0x3FAB];
	_ =	sdelay $0x3  }
0x36: {  	p1 =	seq.s32 s10, $0x1;
	s10 =	sld [smem:$0x3FAC];
	_ =	sdelay $0x3  }
0x37: {  	[smem:$0x3FAC] =	sst s10  }
0x38: {  	s10 =	sld [smem:$0x3FAD]  }
0x39: {  	_ = 	snop;
	(pc) =	sbr.ind lr, $3  }
0x3a: {  	_ = 	snop  }
0x3b: {  	_ = 	snop  }
0x3c: {  	p2 =	seq.s32 s10, $0x1;
	s10 =	sld [smem:$0x3FAC]  }
0x3d: {  	_ =	shalt  }
0x3e: {  	_ =	shalt  }
0x3f: {  	_ =	shalt  }
0x40: {  	_ =	shalt  }
0x41: {  	_ =	shalt  }
0x42: {  	_ =	shalt  }
0x43: {  	_ =	shalt  }
0x44: {  	_ =	shalt  }
0x45: {  	_ =	shalt  }
0x46: {  	_ =	shalt  }
0x47: {  	_ =	shalt  }
0x48: {  	_ =	shalt  }
0x49: {  	_ =	shalt  }
0x4a: {  	_ =	shalt  }
0x4b: {  	_ =	shalt  }
0x4c: {  	_ =	shalt  }
0x4d: {  	_ =	shalt  }
0x4e: {  	_ =	shalt  }
0x4f: {  	_ =	shalt  }
0x50: {  	_ =	shalt  }
0x51: {  	_ =	shalt  }
0x52: {  	_ =	shalt  }
0x53: {  	_ =	shalt  }
0x54: {  	_ =	shalt  }
0x55: {  	_ =	shalt  }
0x56: {  	_ =	shalt  }
0x57: {  	_ =	shalt  }
0x58: {  	_ =	shalt  }
0x59: {  	_ =	shalt  }
0x5a: {  	_ =	shalt  }
0x5b: {  	_ =	shalt  }
0x5c: {  	_ =	shalt  }
0x5d: {  	_ =	shalt  }
0x5e: {  	_ =	shalt  }
0x5f: {  	_ =	shalt  }
0x60: {  	_ =	shalt  }
0x61: {  	_ =	shalt  }
0x62: {  	_ =	shalt  }
0x63: {  	_ =	shalt  }
0x64: {  	_ =	shalt  }
0x65: {  	_ =	shalt  }
0x66: {  	_ =	shalt  }
0x67: {  	_ =	shalt  }
0x68: {  	_ =	shalt  }
0x69: {  	_ =	shalt  }
0x6a: {  	_ =	shalt  }
0x6b: {  	_ =	shalt  }
0x6c: {  	_ =	shalt  }
0x6d: {  	_ =	shalt  }
0x6e: {  	_ =	shalt  }
0x6f: {  	_ =	shalt  }
0x70: {  	_ =	shalt  }
0x71: {  	_ =	shalt  }
0x72: {  	_ =	shalt  }
0x73: {  	_ =	shalt  }
0x74: {  	_ =	shalt  }
0x75: {  	_ =	shalt  }
0x76: {  	_ =	shalt  }
0x77: {  	_ =	shalt  }
0x78: {  	_ =	shalt  }
0x79: {  	_ =	shalt  }
0x7a: {  	_ =	shalt  }
0x7b: {  	_ =	shalt  }
0x7c: {  	_ =	shalt  }
0x7d: {  	_ =	shalt  }
0x7e: {  	_ =	shalt  }
0x7f: {  	_ =	shalt  }
0x80: {  	_ =	shalt  }
0x81: {  	_ =	shalt  }
0x82: {  	_ =	shalt  }
0x83: {  	_ =	shalt  }
0x84: {  	_ =	shalt  }
0x85: {  	_ =	shalt  }
0x86: {  	_ =	shalt  }
0x87: {  	_ =	shalt  }
.Lfunc_end0:
.L_simem_size_0:
called_computation.1_lowered:
.L_overlay_start_0:
0x88: {  	s2 =	sld [smem:$0x3FD9]  }
0x89: {  	s3 =	sld [smem:$0x3FFE];
	_ =	sdelay $0x1  }
0x8a: {  	s1 =	srdreg.scid  }
0x8b: {  	s0 =	sand.u32 $0x1, s1  }
0x8c: {  	s17 =	sshll.u32 s0, $0xA;
	s2 =	sadd.s32 s3, s2  }
0x8d: {  	s2 =	sadd.s32 s2, s17  }
0x8e: {  	[smem:$0x3FB8] =	sst s2  }
0x8f: {  	_ = 	snop  }
0x90: {  	s2 =	sld [smem:$0x3FD0];
	(tm) =	ssettm $0x1  }
0x91: {  	s18 =	sld [smem:$0x3FFB];
	_ =	sdelay $0x3  }
0x92: {  	_ =	strace s18  }
0x93: {  	s3 =	sld [smem:$0x3FFC];
	_ =	sdelay $0x3  }
0x94: {  	_ =	strace s3  }
0x95: {  	s3 =	sld [smem:$0x3FFD];
	_ =	sdelay $0x3  }
0x96: {  	_ =	strace s3  }
0x97: {  	_ =	strace $0x8FFFFFFF  }
0x98: {  	s19 =	sld [smem:$0x3FDB];
	_ =	sdelay $0x1  }
0x99: {  	s4 =	simm.s32 $_scs_section_size  }
0x9a: {  	s5 =	simm.s32 $_size__tile_overlayer_lowered;
	s6 =	simm.s32 $_tile_overlayer_lowered  }
0x9b: {  	s22 =	simm.s32 $0x1BFF;
	s21 =	sshll.u32 s6, $0x1;
	s3 =	sadd.s32 s4, s19  }
0x9c: {  	s7 =	simm.s32 $0x0;
	s20 =	sshll.u32 s5, $0x1;
	s5 =	sadd.s32 s21, s3  }
0x9d: {  	[timem:s7], [sflag:s22] =	dma.local [hbm:s5], s20  }
0x9e: {  	_ =	swait.ge [sflag:s22], s20  }
0x9f: {  	s4 =	ssub.s32 $0x0, s20;
	[sflag:s22] =	ssyncset.done $0x0  }
0xa0: {  	[sflag:s22] =	ssyncadd.s32 s4;
	_ =	sdelay $0x1  }
0xa1: {  	s23 =	simm.s32 $0x1B8B  }
0xa2: {  	_ =	swait.ge [sflag:s23], $0x1  }
0xa3: {  	[sflag:s23] =	ssyncset.done $0x0  }
0xa4: {  	s25 =	simm.s32 $0x1B8E;
	s24 =	sld [smem:$0x3FFE];
	[sflag:s23] =	ssyncadd.s32 $0xFFFFFFFF  }
0xa5: {  	s26 =	simm.s32 $execute0_lowered;
	[smem:$0x3FD2] =	sst s25  }
0xa6: {  	s5 =	sshll.u32 s26, $0x1;
	_ =	strace $0x80000049;
	[dreg:$0x1] =	wrdreg $0xFFFFFFFF  }
0xa7: {  	s28 =	simm.s32 $_size_execute0_lowered;
	s3 =	sadd.s32 s3, s5;
	[dreg:$0x0] =	wrdreg $0x0  }
0xa8: {  	s5 =	sshll.u32 s28, $0x1;
	[dreg:$0x2] =	wrdreg s3  }
0xa9: {  	[dreg:$0x3] =	wrdreg s5  }
0xaa: {  	[dreg:$0x4] =	wrdreg $0xC0  }
0xab: {  	_ =	task [dreg:s7], $0x5FFFF  }
0xac: {  	[dreg:$0x1] =	wrdreg $0xFFFFFFFF  }
0xad: {  	[dreg:$0x0] =	wrdreg $0x60  }
0xae: {  	[dreg:$0x2] =	wrdreg s2  }
0xaf: {  	[dreg:$0x3] =	wrdreg s24  }
0xb0: {  	[dreg:$0x4] =	wrdreg $0x150000  }
0xb1: {  	[dreg:$0x5] =	wrdreg $0x9  }
0xb2: {  	_ =	task.clear_ibuf [dreg:s7], $0x6FFFF;
	_ =	strace $0x90000049  }
0xb3: {  	s29 =	simm.s32 $0x9;
	_ =	strace $0x8000004B  }
0xb4: {  	_ =	swait.ge [sflag:s29], $0x1  }
0xb5: {  	[sflag:s29] =	ssyncadd.s32 $0xFFFFFFFF  }
0xb6: {  	_ =	strace $0x9000004B  }
0xb7: {  	_ =	sfence  }
0xb8: {  	s30 =	sld [smem:$0x0];
	_ =	sdelay $0x2  }
0xb9: {  	s31 =	sshll.u32 s1, $0xD;
	s1 =	sshrl.u32 s1, $0x2  }
0xba: {  	s3 =	sand.u32 $0x4000, s31;
	s1 =	sadd.s32 s1, s30  }
0xbb: {  	s0 =	sor.u32 s3, s0;
	s1 =	sshll.u32 s1, $0x11  }
0xbc: {  	s0 =	sor.u32 s1, s0  }
0xbd: {  	s0 =	sadd.s32 $0x8F2B, s0  }
0xbe: {  	[sflag:s0] =	ssyncadd.remote.s32 $0x1  }
0xbf: {  	_ =	sfence.sel $0xFFFF  }
0xc0: {  	[dreg:$0x0] =	wrdreg $0xFFFFFFFF;
	(pc) =	sbr.abs _section_cstart, $3  }
0xc1: {  	[dreg:$0x1] =	wrdreg $0xFFFFFFFF  }
0xc2: {  	_ =	task.clear_ibuf [dreg:s7], $0x2FFFF;
	_ =	strace $0x9FFFFFFF  }
0xc3: {  	(tm) =	ssettm $0x7FFFFFFF  }
tec
execute0_lowered:
.L_overlay_start_1:
0x0: {  	(tag) =	ssettag $0x1  }
0x1: {  	s0 =	srdreg.scid;
	s2 =	rddreg [dreg:$0x0]  }
0x2: {  	s6 =	stileid.u32;
	s4 =	rddreg [dreg:$0x1]  }
0x3: {  	s3 =	rddreg [dreg:$0x2];
	s7 =	simm.s32 $0x0;
	s10 =	simm.s32 $0x11  }
0x4: {  	s13 =	simm.s32 $0x80;
	s14 =	simm.s32 $0x5000;
	s15 =	simm.s32 $0x7000  }
0x5: {  	s17 =	simm.s32 $0x9000;
	s19 =	simm.s32 $0xB000;
	s29 =	simm.s32 $0x13000  }
0x6: {  	s30 =	simm.s32 $0x2;
	s16 =	simm.s32 $0x3;
	s20 =	simm.s32 $0xA  }
0x7: {  	s31 =	simm.s32 $0xB;
	s18 =	simm.s32 $0x5;
	s28 =	simm.s32 $0xC  }
0x8: {  	s12 =	simm.s32 $0xF;
	s9 =	simm.s32 $0x0;
	s5 =	smul.u32 $0x9E00, s6  }
0x9: {  	s0 =	sand.u32 $0x1, s0;
	s1 =	sshll.u32 s6, $0x1;
	s6 =	smul.u32 $0x13C0, s6  }
0xa: {  	[smem:$0x7FF] =	sst s7;
	s7 =	simm.s32 $0x8;
	s1 =	sor.u32 s0, s1  }
0xb: {  	s21 =	smul.u32 $0x13C00, s0;
	_ =	strace $0x8000004A;
	s0 =	ssub.s32 $0x2, s0  }
0xc: {  	s1 =	smul.u32 $0x2800, s1;
	s8 =	sshrl.u32 s5, $0x3;
	s22 =	sshrl.u32 s0, $0x1  }
0xd: {  	s24 =	sadd.s32 s5, s3;
	s5 =	simm.s32 $0x7;
	s6 =	sadd.s32 s6, s21  }
0xe: {  	s8 =	sadd.s32 s8, s4;
	s0 =	ssub.s32 s0, s22;
	[dreg:$0x6] =	wrdreg s24  }
0xf: {  	s21 =	simm.s32 $0xD000;
	s24 =	simm.s32 $0x4;
	s22 =	simm.s32 $0x6  }
0x10: {  	s1 =	sshrl.u32 s1, $0x3;
	s25 =	sadd.s32 $0x18200, s8;
	s0 =	smax.u32 s0, $0x1  }
0x11: {  	s8 =	simm.s32 $0x10;
	s1 =	sadd.s32 s1, s4;
	[dreg:$0x7] =	wrdreg s25  }
.Ltmp0:
0x12: {  	[dreg:$0x9] =	wrdreg s0;
	s23 =	sadd.s32 $0x4200, s1;
	(pc) =	sbr.rel .LBB2_1-.Ltmp0, $4  }
0x13: {  	s4 =	sadd.s32 s6, s4;
	s1 =	sadd.s32 $0xE200, s1;
	[dreg:$0x4] =	wrdreg s23  }
0x14: {  	s25 =	simm.s32 $0x11000;
	s26 =	sadd.s32 $0x2BE00, s4;
	[dreg:$0x5] =	wrdreg s1  }
0x15: {  	s0 =	simm.s32 $0xD;
	s6 =	simm.s32 $0xE;
	[dreg:$0x8] =	wrdreg s26  }
0x16: {  	s23 =	simm.s32 $0xF000;
	s26 =	simm.s32 $0x1;
	s1 =	simm.s32 $0x9  }
.LBB2_4:
0x17: {  	_ =	swait.ge [sflag:s16], $0x2000  }
0x18: {  	[sflag:s16] =	ssyncset.done $0x0  }
0x19: {  	[sflag:s16] =	ssyncadd.s32 $0xFFFFE000  }
0x1a: {  	[spmem:s3] =	stream.indirect.scatter.add.f32 [tilespmem:s17], [sflag:$0xB], $0x40, s11, s13, $0xb8;
	[tilespmem:$0x1EE00] =	vst v63  }
0x1b: {  	_ =	swait.ge [sflag:s24], $0x2000  }
0x1c: {  	[sflag:s24] =	ssyncset.done $0x0  }
0x1d: {  	s4 =	sadd.s32 $0x2D80, s10;
	[sflag:s24] =	ssyncadd.s32 $0xFFFFE000  }
0x1e: {  	[spmem:s3] =	stream.indirect.scatter.add.f32 [tilespmem:s19], [sflag:$0xC], $0x40, s4, s13, $0xb8;
	[tilespmem:$0x1EE00] =	vst v63  }
0x1f: {  	_ =	swait.ge [sflag:s18], $0x2000  }
0x20: {  	[sflag:s18] =	ssyncset.done $0x0  }
0x21: {  	s11 =	sadd.s32 $0x2E00, s10;
	[sflag:s18] =	ssyncadd.s32 $0xFFFFE000  }
0x22: {  	[spmem:s3] =	stream.indirect.scatter.add.f32 [tilespmem:s21], [sflag:$0xD], $0x40, s11, s13, $0xb8;
	[tilespmem:$0x1EE00] =	vst v63  }
0x23: {  	_ =	swait.ge [sflag:s22], $0x2000  }
0x24: {  	[sflag:s22] =	ssyncset.done $0x0  }
0x25: {  	s9 =	sadd.s32 $0x2E80, s10;
	[sflag:s22] =	ssyncadd.s32 $0xFFFFE000  }
0x26: {  	[spmem:s3] =	stream.indirect.scatter.add.f32 [tilespmem:s23], [sflag:$0xE], $0x40, s9, s13, $0xb8;
	[tilespmem:$0x1EE00] =	vst v63  }
0x27: {  	_ =	swait.ge [sflag:s5], $0x2000  }
0x28: {  	[sflag:s5] =	ssyncset.done $0x0  }
0x29: {  	s11 =	sadd.s32 $0x2F00, s10;
	[sflag:s5] =	ssyncadd.s32 $0xFFFFE000  }
0x2a: {  	[spmem:s3] =	stream.indirect.scatter.add.f32 [tilespmem:s25], [sflag:$0xF], $0x40, s11, s13, $0xb8;
	[tilespmem:$0x1EE00] =	vst v63  }
0x2b: {  	_ =	swait.ge [sflag:s7], $0x2000  }
0x2c: {  	[sflag:s7] =	ssyncset.done $0x0  }
0x2d: {  	s9 =	sadd.s32 $0x2F80, s10;
	[sflag:s7] =	ssyncadd.s32 $0xFFFFE000  }
0x2e: {  	[spmem:s3] =	stream.indirect.scatter.add.f32 [tilespmem:s29], [sflag:$0x10], $0x40, s9, s13, $0xb8;
	[tilespmem:$0x1EE00] =	vst v63  }
0x2f: {  	_ =	swait.ge [sflag:s1], $0x2000  }
0x30: {  	[sflag:s1] =	ssyncset.done $0x0  }
0x31: {  	[sflag:s1] =	ssyncadd.s32 $0xFFFFE000  }
0x32: {  	_ =	swait.ge [sflag:s20], $0x2000  }
0x33: {  	[sflag:s20] =	ssyncset.done $0x0  }
0x34: {  	[sflag:s20] =	ssyncadd.s32 $0xFFFFE000  }
0x35: {  	_ =	swait.ge [sflag:s31], $0x2000  }
0x36: {  	[sflag:s31] =	ssyncset.done $0x0  }
0x37: {  	[sflag:s31] =	ssyncadd.s32 $0xFFFFE000  }
0x38: {  	_ =	swait.ge [sflag:s28], $0x2000  }
0x39: {  	[sflag:s28] =	ssyncset.done $0x0  }
0x3a: {  	[sflag:s28] =	ssyncadd.s32 $0xFFFFE000  }
0x3b: {  	_ =	swait.ge [sflag:s0], $0x2000  }
0x3c: {  	[sflag:s0] =	ssyncset.done $0x0  }
0x3d: {  	[sflag:s0] =	ssyncadd.s32 $0xFFFFE000  }
0x3e: {  	_ =	swait.ge [sflag:s6], $0x2000  }
0x3f: {  	[sflag:s6] =	ssyncset.done $0x0  }
0x40: {  	[sflag:s6] =	ssyncadd.s32 $0xFFFFE000  }
0x41: {  	_ =	swait.ge [sflag:s12], $0x2000  }
0x42: {  	[sflag:s12] =	ssyncset.done $0x0  }
0x43: {  	[sflag:s12] =	ssyncadd.s32 $0xFFFFE000  }
0x44: {  	_ =	swait.ge [sflag:s8], $0x2000  }
0x45: {  	[sflag:s8] =	ssyncset.done $0x0  }
0x46: {  	[sflag:s8] =	ssyncadd.s32 $0xFFFFE000  }
0x47: {  	[bflag:$0x0] =	sbarrier.arrive $0xFFFF  }
0x48: {  	s10 =	rddreg [dreg:$0x8]  }
0x49: {  	s9 =	rddreg [dreg:$0xb]  }
0x4a: {  	s11 =	rddreg [dreg:$0xc]  }
0x4b: {  	[hbm:s10], [sflag:s9] =	dma.local [spmem:s11], $0x13C0  }
0x4c: {  	s10 =	simm.s32 $0x11  }
0x4d: {  	_ =	swait.ge [sflag:s10], $0x13C0  }
0x4e: {  	s4 =	rddreg [dreg:$0xa]  }
0x4f: {  	s11 =	rddreg [dreg:$0x9];
	s9 =	sadd.s32 $0x1, s4  }
0x50: {  	p0 =	sne.s32 s9, s11  }
.Ltmp1:
0x51: {  	_ = 	snop;
	(pc) =	sbr.rel @!p0 .LBB2_5-.Ltmp1, $3  }
0x52: {  	_ =	sdelay $0x1  }
0x53: {  	[sflag:s10] =	ssyncset.done $0x0  }
0x54: {  	[sflag:s10] =	ssyncadd.s32 $0xFFFFEC40  }
.LBB2_1:
0x55: {  	[dreg:$0xa] =	wrdreg s9  }
0x56: {  	s4 =	simm.s32 $0x0;
	s11 =	rddreg [dreg:$0x4]  }
0x57: {  	[tilespmem:s4], [sflag:$0x11] =	stream.linear.gather [hbm4b:s11+s4], $0x2800, $0x38;
	[tilespmem:$0x1EE00] =	vst v63  }
0x58: {  	_ =	swait.ge [sflag:s10], $0x2800  }
0x59: {  	[sflag:s10] =	ssyncset.done $0x0  }
0x5a: {  	s11 =	simm.s32 $0x2800;
	s9 =	rddreg [dreg:$0x5];
	[sflag:s10] =	ssyncadd.s32 $0xFFFFD800  }
0x5b: {  	[tilespmem:s11], [sflag:$0x11] =	stream.linear.gather [hbm4b:s9+s4], $0x2800, $0x38;
	[tilespmem:$0x1EE00] =	vst v63  }
0x5c: {  	_ =	swait.ge [sflag:s10], $0x2800  }
0x5d: {  	[sflag:s10] =	ssyncset.done $0x0  }
0x5e: {  	[sflag:s10] =	ssyncadd.s32 $0xFFFFD800  }
0x5f: {  	[tilespmem:s14], [sflag:$0x1] =	stream.indirect.gather [hbm4b:s2+s13], $0x40, s4, s13, $0xb8;
	[tilespmem:$0x1EE00] =	vst v63  }
0x60: {  	_ = 	snop  }
0x61: {  	[tilespmem:s15], [sflag:$0x2] =	stream.indirect.gather [hbm4b:s2+s13], $0x40, s13, s13, $0xb8;
	[tilespmem:$0x1EE00] =	vst v63  }
0x62: {  	s14 =	simm.s32 $0x100  }
0x63: {  	[tilespmem:s17], [sflag:$0x3] =	stream.indirect.gather [hbm4b:s2+s13], $0x40, s14, s13, $0xb8;
	[tilespmem:$0x1EE00] =	vst v63  }
0x64: {  	s9 =	simm.s32 $0x180  }
0x65: {  	[tilespmem:s19], [sflag:$0x4] =	stream.indirect.gather [hbm4b:s2+s13], $0x40, s9, s13, $0xb8;
	[tilespmem:$0x1EE00] =	vst v63  }
0x66: {  	s14 =	simm.s32 $0x200  }
0x67: {  	[tilespmem:s21], [sflag:$0x5] =	stream.indirect.gather [hbm4b:s2+s13], $0x40, s14, s13, $0xb8;
	[tilespmem:$0x1EE00] =	vst v63  }
0x68: {  	s9 =	simm.s32 $0x280  }
0x69: {  	[tilespmem:s23], [sflag:$0x6] =	stream.indirect.gather [hbm4b:s2+s13], $0x40, s9, s13, $0xb8;
	[tilespmem:$0x1EE00] =	vst v63  }
0x6a: {  	s14 =	simm.s32 $0x300;
	s9 =	stileid.u32  }
0x6b: {  	[tilespmem:s25], [sflag:$0x7] =	stream.indirect.gather [hbm4b:s2+s13], $0x40, s14, s13, $0xb8;
	[tilespmem:$0x1EE00] =	vst v63  }
0x6c: {  	s4 =	sshll.u32 s9, $0x6;
	s14 =	rddreg [dreg:$0x6]  }
0x6d: {  	s9 =	sor.u32 $0x1C11, s4;
	s4 =	rddreg [dreg:$0x7]  }
0x6e: {  	s14 =	sshrl.u32 s14, $0x3;
	[dreg:$0xb] =	wrdreg s9  }
0x6f: {  	[dreg:$0xc] =	wrdreg s14  }
0x70: {  	[spmem:s14], [sflag:s9] =	dma.local [hbm:s4], $0x13C0  }
0x71: {  	_ =	swait.ge [sflag:s10], $0x13C0  }
0x72: {  	[sflag:s10] =	ssyncset.done $0x0  }
0x73: {  	[sflag:s10] =	ssyncadd.s32 $0xFFFFEC40  }
0x74: {  	[bflag:$0x0] =	sbarrier.arrive $0xFFFF  }
0x75: {  	_ =	swait.ge [sflag:s26], $0x2000  }
0x76: {  	[sflag:s26] =	ssyncset.done $0x0  }
0x77: {  	s14 =	simm.s32 $0x5000;
	[sflag:s26] =	ssyncadd.s32 $0xFFFFE000  }
0x78: {  	[spmem:s3] =	stream.indirect.scatter.add.f32 [tilespmem:s14], [sflag:$0x9], $0x40, s11, s13, $0xb8;
	[tilespmem:$0x1EE00] =	vst v63  }
0x79: {  	s9 =	simm.s32 $0x380  }
0x7a: {  	[tilespmem:s29], [sflag:$0x8] =	stream.indirect.gather [hbm4b:s2+s13], $0x40, s9, s13, $0xb8;
	[tilespmem:$0x1EE00] =	vst v63  }
0x7b: {  	_ =	swait.ge [sflag:s30], $0x2000  }
0x7c: {  	[sflag:s30] =	ssyncset.done $0x0  }
0x7d: {  	s10 =	simm.s32 $0x2880;
	[sflag:s30] =	ssyncadd.s32 $0xFFFFE000  }
0x7e: {  	[spmem:s3] =	stream.indirect.scatter.add.f32 [tilespmem:s15], [sflag:$0xA], $0x40, s10, s13, $0xb8;
	[tilespmem:$0x1EE00] =	vst v63  }
0x7f: {  	_ =	swait.ge [sflag:s1], $0x2000  }
0x80: {  	[sflag:s1] =	ssyncset.done $0x0  }
0x81: {  	s11 =	simm.s32 $0x400;
	[sflag:s1] =	ssyncadd.s32 $0xFFFFE000  }
0x82: {  	[tilespmem:s14], [sflag:$0x1] =	stream.indirect.gather [hbm4b:s2+s13], $0x40, s11, s13, $0xb8;
	[tilespmem:$0x1EE00] =	vst v63  }
0x83: {  	_ =	swait.ge [sflag:s16], $0x2000  }
0x84: {  	[sflag:s16] =	ssyncset.done $0x0  }
0x85: {  	s9 =	simm.s32 $0x2900;
	[sflag:s16] =	ssyncadd.s32 $0xFFFFE000  }
0x86: {  	[spmem:s3] =	stream.indirect.scatter.add.f32 [tilespmem:s17], [sflag:$0xB], $0x40, s9, s13, $0xb8;
	[tilespmem:$0x1EE00] =	vst v63  }
0x87: {  	_ =	swait.ge [sflag:s20], $0x2000  }
0x88: {  	[sflag:s20] =	ssyncset.done $0x0  }
0x89: {  	s10 =	simm.s32 $0x480;
	[sflag:s20] =	ssyncadd.s32 $0xFFFFE000  }
0x8a: {  	[tilespmem:s15], [sflag:$0x2] =	stream.indirect.gather [hbm4b:s2+s13], $0x40, s10, s13, $0xb8;
	[tilespmem:$0x1EE00] =	vst v63  }
0x8b: {  	_ =	swait.ge [sflag:s24], $0x2000  }
0x8c: {  	[sflag:s24] =	ssyncset.done $0x0  }
0x8d: {  	s11 =	simm.s32 $0x2980;
	[sflag:s24] =	ssyncadd.s32 $0xFFFFE000  }
0x8e: {  	[spmem:s3] =	stream.indirect.scatter.add.f32 [tilespmem:s19], [sflag:$0xC], $0x40, s11, s13, $0xb8;
	[tilespmem:$0x1EE00] =	vst v63  }
0x8f: {  	_ =	swait.ge [sflag:s31], $0x2000  }
0x90: {  	[sflag:s31] =	ssyncset.done $0x0  }
0x91: {  	s9 =	simm.s32 $0x500;
	[sflag:s31] =	ssyncadd.s32 $0xFFFFE000  }
0x92: {  	[tilespmem:s17], [sflag:$0x3] =	stream.indirect.gather [hbm4b:s2+s13], $0x40, s9, s13, $0xb8;
	[tilespmem:$0x1EE00] =	vst v63  }
0x93: {  	_ =	swait.ge [sflag:s18], $0x2000  }
0x94: {  	[sflag:s18] =	ssyncset.done $0x0  }
0x95: {  	s10 =	simm.s32 $0x2A00;
	[sflag:s18] =	ssyncadd.s32 $0xFFFFE000  }
0x96: {  	[spmem:s3] =	stream.indirect.scatter.add.f32 [tilespmem:s21], [sflag:$0xD], $0x40, s10, s13, $0xb8;
	[tilespmem:$0x1EE00] =	vst v63  }
0x97: {  	_ =	swait.ge [sflag:s28], $0x2000  }
0x98: {  	[sflag:s28] =	ssyncset.done $0x0  }
0x99: {  	s11 =	simm.s32 $0x580;
	[sflag:s28] =	ssyncadd.s32 $0xFFFFE000  }
0x9a: {  	[tilespmem:s19], [sflag:$0x4] =	stream.indirect.gather [hbm4b:s2+s13], $0x40, s11, s13, $0xb8;
	[tilespmem:$0x1EE00] =	vst v63  }
0x9b: {  	_ =	swait.ge [sflag:s22], $0x2000  }
0x9c: {  	[sflag:s22] =	ssyncset.done $0x0  }
0x9d: {  	s9 =	simm.s32 $0x2A80;
	[sflag:s22] =	ssyncadd.s32 $0xFFFFE000  }
0x9e: {  	[spmem:s3] =	stream.indirect.scatter.add.f32 [tilespmem:s23], [sflag:$0xE], $0x40, s9, s13, $0xb8;
	[tilespmem:$0x1EE00] =	vst v63  }
0x9f: {  	_ =	swait.ge [sflag:s0], $0x2000  }
0xa0: {  	[sflag:s0] =	ssyncset.done $0x0  }
0xa1: {  	s10 =	simm.s32 $0x600;
	[sflag:s0] =	ssyncadd.s32 $0xFFFFE000  }
0xa2: {  	[tilespmem:s21], [sflag:$0x5] =	stream.indirect.gather [hbm4b:s2+s13], $0x40, s10, s13, $0xb8;
	[tilespmem:$0x1EE00] =	vst v63  }
0xa3: {  	_ =	swait.ge [sflag:s5], $0x2000  }
0xa4: {  	[sflag:s5] =	ssyncset.done $0x0  }
0xa5: {  	s11 =	simm.s32 $0x2B00;
	[sflag:s5] =	ssyncadd.s32 $0xFFFFE000  }
0xa6: {  	[spmem:s3] =	stream.indirect.scatter.add.f32 [tilespmem:s25], [sflag:$0xF], $0x40, s11, s13, $0xb8;
	[tilespmem:$0x1EE00] =	vst v63  }
0xa7: {  	_ =	swait.ge [sflag:s6], $0x2000  }
0xa8: {  	[sflag:s6] =	ssyncset.done $0x0  }
0xa9: {  	s9 =	simm.s32 $0x680;
	[sflag:s6] =	ssyncadd.s32 $0xFFFFE000  }
0xaa: {  	[tilespmem:s23], [sflag:$0x6] =	stream.indirect.gather [hbm4b:s2+s13], $0x40, s9, s13, $0xb8;
	[tilespmem:$0x1EE00] =	vst v63  }
0xab: {  	_ =	swait.ge [sflag:s7], $0x2000  }
0xac: {  	[sflag:s7] =	ssyncset.done $0x0  }
0xad: {  	s10 =	simm.s32 $0x2B80;
	[sflag:s7] =	ssyncadd.s32 $0xFFFFE000  }
0xae: {  	[spmem:s3] =	stream.indirect.scatter.add.f32 [tilespmem:s29], [sflag:$0x10], $0x40, s10, s13, $0xb8;
	[tilespmem:$0x1EE00] =	vst v63  }
0xaf: {  	_ =	swait.ge [sflag:s12], $0x2000  }
0xb0: {  	[sflag:s12] =	ssyncset.done $0x0  }
0xb1: {  	s4 =	simm.s32 $0x0;
	s11 =	simm.s32 $0x700;
	[sflag:s12] =	ssyncadd.s32 $0xFFFFE000  }
0xb2: {  	[tilespmem:s25], [sflag:$0x7] =	stream.indirect.gather [hbm4b:s2+s13], $0x40, s11, s13, $0xb8;
	[tilespmem:$0x1EE00] =	vst v63  }
.LBB2_2:
0xb3: {  	_ =	swait.ge [sflag:s26], $0x2000  }
0xb4: {  	s10 =	sshra.s32 s4, $0x2;
	[sflag:s26] =	ssyncset.done $0x0  }
0xb5: {  	s11 =	sadd.s32 $0x2C00, s10;
	[sflag:s26] =	ssyncadd.s32 $0xFFFFE000  }
0xb6: {  	[spmem:s3] =	stream.indirect.scatter.add.f32 [tilespmem:s14], [sflag:$0x9], $0x40, s11, s13, $0xb8;
	[tilespmem:$0x1EE00] =	vst v63  }
0xb7: {  	_ =	swait.ge [sflag:s8], $0x2000  }
0xb8: {  	[sflag:s8] =	ssyncset.done $0x0  }
0xb9: {  	p0 =	seq.s32 s4, $0x8000;
	s9 =	sadd.s32 $0x780, s10;
	[sflag:s8] =	ssyncadd.s32 $0xFFFFE000  }
0xba: {  	[tilespmem:s29], [sflag:$0x8] =	stream.indirect.gather [hbm4b:s2+s13], $0x40, s9, s13, $0xb8;
	[tilespmem:$0x1EE00] =	vst v63  }
.Ltmp2:
0xbb: {  	_ = 	snop;
	(pc) =	sbr.rel @p0 .LBB2_4-.Ltmp2, $4  }
0xbc: {  	_ =	swait.ge [sflag:s30], $0x2000  }
0xbd: {  	[sflag:s30] =	ssyncset.done $0x0  }
0xbe: {  	s11 =	sadd.s32 $0x2D00, s10;
	s9 =	sadd.s32 $0x2C80, s10;
	[sflag:s30] =	ssyncadd.s32 $0xFFFFE000  }
0xbf: {  	[spmem:s3] =	stream.indirect.scatter.add.f32 [tilespmem:s15], [sflag:$0xA], $0x40, s9, s13, $0xb8;
	[tilespmem:$0x1EE00] =	vst v63  }
0xc0: {  	_ =	swait.ge [sflag:s1], $0x2000  }
0xc1: {  	[sflag:s1] =	ssyncset.done $0x0  }
0xc2: {  	s9 =	sadd.s32 $0x800, s10;
	[sflag:s1] =	ssyncadd.s32 $0xFFFFE000  }
0xc3: {  	[tilespmem:s14], [sflag:$0x1] =	stream.indirect.gather [hbm4b:s2+s13], $0x40, s9, s13, $0xb8;
	[tilespmem:$0x1EE00] =	vst v63  }
0xc4: {  	_ =	swait.ge [sflag:s16], $0x2000  }
0xc5: {  	[sflag:s16] =	ssyncset.done $0x0  }
0xc6: {  	[sflag:s16] =	ssyncadd.s32 $0xFFFFE000  }
0xc7: {  	[spmem:s3] =	stream.indirect.scatter.add.f32 [tilespmem:s17], [sflag:$0xB], $0x40, s11, s13, $0xb8;
	[tilespmem:$0x1EE00] =	vst v63  }
0xc8: {  	_ =	swait.ge [sflag:s20], $0x2000  }
0xc9: {  	[sflag:s20] =	ssyncset.done $0x0  }
0xca: {  	s11 =	sadd.s32 $0x880, s10;
	[sflag:s20] =	ssyncadd.s32 $0xFFFFE000  }
0xcb: {  	[tilespmem:s15], [sflag:$0x2] =	stream.indirect.gather [hbm4b:s2+s13], $0x40, s11, s13, $0xb8;
	[tilespmem:$0x1EE00] =	vst v63  }
0xcc: {  	_ =	swait.ge [sflag:s24], $0x2000  }
0xcd: {  	[sflag:s24] =	ssyncset.done $0x0  }
0xce: {  	s11 =	sadd.s32 $0x2D80, s10;
	[sflag:s24] =	ssyncadd.s32 $0xFFFFE000  }
0xcf: {  	[spmem:s3] =	stream.indirect.scatter.add.f32 [tilespmem:s19], [sflag:$0xC], $0x40, s11, s13, $0xb8;
	[tilespmem:$0x1EE00] =	vst v63  }
0xd0: {  	_ =	swait.ge [sflag:s31], $0x2000  }
0xd1: {  	[sflag:s31] =	ssyncset.done $0x0  }
0xd2: {  	s11 =	sadd.s32 $0x900, s10;
	[sflag:s31] =	ssyncadd.s32 $0xFFFFE000  }
0xd3: {  	[tilespmem:s17], [sflag:$0x3] =	stream.indirect.gather [hbm4b:s2+s13], $0x40, s11, s13, $0xb8;
	[tilespmem:$0x1EE00] =	vst v63  }
0xd4: {  	_ =	swait.ge [sflag:s18], $0x2000  }
0xd5: {  	[sflag:s18] =	ssyncset.done $0x0  }
0xd6: {  	s11 =	sadd.s32 $0x2E00, s10;
	[sflag:s18] =	ssyncadd.s32 $0xFFFFE000  }
0xd7: {  	[spmem:s3] =	stream.indirect.scatter.add.f32 [tilespmem:s21], [sflag:$0xD], $0x40, s11, s13, $0xb8;
	[tilespmem:$0x1EE00] =	vst v63  }
0xd8: {  	_ =	swait.ge [sflag:s28], $0x2000  }
0xd9: {  	[sflag:s28] =	ssyncset.done $0x0  }
0xda: {  	s11 =	sadd.s32 $0x980, s10;
	[sflag:s28] =	ssyncadd.s32 $0xFFFFE000  }
0xdb: {  	[tilespmem:s19], [sflag:$0x4] =	stream.indirect.gather [hbm4b:s2+s13], $0x40, s11, s13, $0xb8;
	[tilespmem:$0x1EE00] =	vst v63  }
0xdc: {  	_ =	swait.ge [sflag:s22], $0x2000  }
0xdd: {  	[sflag:s22] =	ssyncset.done $0x0  }
0xde: {  	s11 =	sadd.s32 $0x2E80, s10;
	[sflag:s22] =	ssyncadd.s32 $0xFFFFE000  }
0xdf: {  	[spmem:s3] =	stream.indirect.scatter.add.f32 [tilespmem:s23], [sflag:$0xE], $0x40, s11, s13, $0xb8;
	[tilespmem:$0x1EE00] =	vst v63  }
0xe0: {  	_ =	swait.ge [sflag:s0], $0x2000  }
0xe1: {  	[sflag:s0] =	ssyncset.done $0x0  }
0xe2: {  	s11 =	sadd.s32 $0xA00, s10;
	[sflag:s0] =	ssyncadd.s32 $0xFFFFE000  }
0xe3: {  	[tilespmem:s21], [sflag:$0x5] =	stream.indirect.gather [hbm4b:s2+s13], $0x40, s11, s13, $0xb8;
	[tilespmem:$0x1EE00] =	vst v63  }
0xe4: {  	_ =	swait.ge [sflag:s5], $0x2000  }
0xe5: {  	[sflag:s5] =	ssyncset.done $0x0  }
0xe6: {  	s11 =	sadd.s32 $0x2F00, s10;
	[sflag:s5] =	ssyncadd.s32 $0xFFFFE000  }
0xe7: {  	[spmem:s3] =	stream.indirect.scatter.add.f32 [tilespmem:s25], [sflag:$0xF], $0x40, s11, s13, $0xb8;
	[tilespmem:$0x1EE00] =	vst v63  }
0xe8: {  	_ =	swait.ge [sflag:s6], $0x2000  }
0xe9: {  	[sflag:s6] =	ssyncset.done $0x0  }
0xea: {  	s11 =	sadd.s32 $0xA80, s10;
	[sflag:s6] =	ssyncadd.s32 $0xFFFFE000  }
0xeb: {  	[tilespmem:s23], [sflag:$0x6] =	stream.indirect.gather [hbm4b:s2+s13], $0x40, s11, s13, $0xb8;
	[tilespmem:$0x1EE00] =	vst v63  }
0xec: {  	_ =	swait.ge [sflag:s7], $0x2000  }
0xed: {  	[sflag:s7] =	ssyncset.done $0x0  }
0xee: {  	s11 =	sadd.s32 $0x2F80, s10;
	[sflag:s7] =	ssyncadd.s32 $0xFFFFE000  }
0xef: {  	[spmem:s3] =	stream.indirect.scatter.add.f32 [tilespmem:s29], [sflag:$0x10], $0x40, s11, s13, $0xb8;
	[tilespmem:$0x1EE00] =	vst v63  }
.Ltmp3:
0xf0: {  	_ = 	snop;
	(pc) =	sbr.rel .LBB2_2-.Ltmp3, $4  }
0xf1: {  	_ =	swait.ge [sflag:s12], $0x2000  }
0xf2: {  	[sflag:s12] =	ssyncset.done $0x0  }
0xf3: {  	s4 =	sadd.s32 $0x1000, s4;
	s11 =	sadd.s32 $0xB00, s10;
	[sflag:s12] =	ssyncadd.s32 $0xFFFFE000  }
0xf4: {  	[tilespmem:s25], [sflag:$0x7] =	stream.indirect.gather [hbm4b:s2+s13], $0x40, s11, s13, $0xb8;
	[tilespmem:$0x1EE00] =	vst v63  }
.LBB2_5:
0xf5: {  	_ =	sfence.sel $0x180000  }
0xf6: {  	[bflag:$0x0] =	sbarrier.arrive $0xFFFF  }
0xf7: {  	_ =	strace $0x9000004A  }
0xf8: {  	s0 =	stileid.u32;
	[bflag:$0x2] =	sbarrier.arrive $0xFFFF  }
0xf9: {  	p0 =	sne.s32 s0, $0x0;
	s0 =	rddreg [dreg:$0x3]  }
0xfa: {  	s0 =	sadd.s32 @!p0 $0x100000, s0  }
0xfb: {  	[sflag:s0] =	ssyncadd.tile.s32 @!p0 $0x1;
	_ =	shalt  }
.Lfunc_end2:
_tile_overlayer_lowered:
.L_overlay_start_2:
0xfc: {  	(tag) =	ssettag $0x2  }
0xfd: {  	s0 =	rddreg [dreg:$0x0];
	s2 =	stileid.u32  }
0xfe: {  	s1 =	rddreg [dreg:$0x1];
	p0 =	sne.s32 s2, $0x0  }
0xff: {  	s3 =	rddreg [dreg:$0x2];
	[bflag:$0x3] =	sbarrier.arrive $0xFFFF;
	s2 =	simm.s32 @!p0 $0x1C11  }
0x100: {  	[timem:s3], [sflag:s2] =	dma.local @!p0 [hbm:s0], s1  }
0x101: {  	s0 =	simm.s32 @!p0 $0x11  }
0x102: {  	_ =	swait.ge @!p0 [sflag:s0], s1  }
0x103: {  	s1 =	ssub.s32 @!p0 $0x0, s1;
	[sflag:s0] =	ssyncset.done @!p0 $0x0  }
0x104: {  	[sflag:s0] =	ssyncadd.s32 @!p0 s1  }
0x105: {  	[bflag:$0x3] =	sbarrier.arrive $0xFFFF  }
0x106: {  	_ =	shalt  }

// kernel: kernel.7.cloned.1.call-start
scs
__scs_entry_jumppad:
0x0: {  	(pc) =	sbr.rel $0x88, $3  }
0x1: {  	(tag) =	ssettag $0x0;
	lr =	simm.s32 $0x1  }
0x2: {  	[smem:$0x3F91] =	sst lr;
	_ =	strace $0xD0000000  }
0x3: {  	_ = 	snop  }
0x4: {  	_ = 	snop  }
0x5: {  	_ = 	snop  }
0x6: {  	_ = 	snop  }
0x7: {  	_ = 	snop  }
__scs_overlays_trampoline_lowered:
0x8: {  	[smem:$0x3FA0] =	sst s0  }
0x9: {  	[smem:$0x3FA1] =	sst s1  }
0xa: {  	[smem:$0x3FA2] =	sst s2  }
0xb: {  	[smem:$0x3FA3] =	sst s3  }
0xc: {  	[smem:$0x3FA4] =	sst s4  }
0xd: {  	[smem:$0x3FA5] =	sst s5  }
0xe: {  	[smem:$0x3FA6] =	sst s6  }
0xf: {  	[smem:$0x3FA7] =	sst s7  }
0x10: {  	[smem:$0x3FA8] =	sst s8  }
0x11: {  	[smem:$0x3FA9] =	sst s9;
	s0 =	simm.s32 @!p0 $0x0  }
0x12: {  	s1 =	sld [smem:$0x3F8F];
	s0 =	simm.s32 @p0 $0x1  }
0x13: {  	[smem:$0x3FAA] =	sst s0;
	s0 =	simm.s32 @!p1 $0x0  }
0x14: {  	s2 =	sld [smem:$0x3F8E];
	s0 =	simm.s32 @p1 $0x1  }
0x15: {  	[smem:$0x3FAB] =	sst s0;
	s0 =	simm.s32 @!p2 $0x0  }
0x16: {  	s3 =	sld [smem:$0x3FDB];
	s0 =	simm.s32 @p2 $0x1  }
0x17: {  	s4 =	simm.s32 $0x1BF5;
	[smem:$0x3FAD] =	sst s0  }
0x18: {  	s0 =	sld [smem:$0x3F90];
	_ =	swait.ge [sflag:s4], $0x0  }
0x19: {  	s7 =	sld [smem:$0x3F91]  }
0x1a: {  	s8 =	sadd.s32 $0xFFFFE003, lr  }
0x1b: {  	s9 =	sadd.s32 $0xFFFFFEF7, lr;
	s5 =	simm.s32 $0xFFFFFFFF;
	p2 =	slt.u32 s8, $0xFFFFF086  }
0x1c: {  	p1 =	slt.u32 s9, $0xF7A;
	s5 =	simm.s32 @!p2 $0x0  }
0x1d: {  	s5 =	simm.s32 @p1 $0x1;
	p0 =	seq.s32 s7, s2  }
0x1e: {  	s7 =	smul.u32 @!p0 $0xF7A, s2;
	p2 =	seq.s32 @!p0 s5, $0x0  }
0x1f: {  	s9 =	smul.u32 $0xF7A, s1;
	s8 =	simm.s32 @!p0 $0x1BF5;
	p2 =	por !p2, p0  }
0x20: {  	[sflag:s8] =	ssyncset.s32 @!p0 $0xFFFFF086;
	s6 =	sadd.s32 @!p0 s3, s7;
	s7 =	simm.s32 @!p0 $0x108  }
0x21: {  	s3 =	sadd.s32 s3, s9;
	s6 =	sadd.s32 @!p0 $0x88, s6;
	s7 =	simm.s32 @p2 $0x1082  }
0x22: {  	[simem:s7], [sflag:s8] =	dma.local @!p0 [hbm:s6], $0xF7A  }
0x23: {  	s9 =	sor.u32 $0xD0000000, s2;
	s6 =	simm.s32 $0x108;
	_ =	swait.ge @!p0 [sflag:s8], $0x0  }
0x24: {  	s3 =	sadd.s32 $0x88, s3;
	s6 =	simm.s32 @!p1 $0x1082;
	[sflag:s4] =	ssyncset.s32 $0xFFFFF086  }
0x25: {  	[simem:s6], [sflag:s4] =	dma.local [hbm:s3], $0xF7A  }
0x26: {  	[smem:$0x3F91] =	sst s1;
	(tag) =	ssettag s2;
	_ =	strace s9  }
0x27: {  	s1 =	sld [smem:$0x3FA1]  }
0x28: {  	s2 =	sld [smem:$0x3FA2]  }
0x29: {  	s4 =	sld [smem:$0x3FA4]  }
0x2a: {  	p0 =	seq.s32 s5, $0x0;
	s5 =	sld [smem:$0x3FA5]  }
0x2b: {  	s6 =	sld [smem:$0x3FA6]  }
0x2c: {  	s7 =	sld [smem:$0x3FA7]  }
0x2d: {  	s3 =	simm.s32 $0x108;
	s8 =	sld [smem:$0x3FA8]  }
0x2e: {  	s3 =	simm.s32 @!p0 $0x1082;
	s9 =	sld [smem:$0x3FA9]  }
0x2f: {  	lr =	sadd.s32 s0, s3;
	s0 =	sld [smem:$0x3FA0]  }
0x30: {  	s3 =	sld [smem:$0x3FA3]  }
0x31: {  	[smem:$0x3FAC] =	sst s10  }
0x32: {  	s10 =	sld [smem:$0x3FAA];
	_ =	sdelay $0x3  }
0x33: {  	p0 =	seq.s32 s10, $0x1;
	s10 =	sld [smem:$0x3FAC];
	_ =	sdelay $0x3  }
0x34: {  	[smem:$0x3FAC] =	sst s10  }
0x35: {  	s10 =	sld [smem:$0x3FAB];
	_ =	sdelay $0x3  }
0x36: {  	p1 =	seq.s32 s10, $0x1;
	s10 =	sld [smem:$0x3FAC];
	_ =	sdelay $0x3  }
0x37: {  	[smem:$0x3FAC] =	sst s10  }
0x38: {  	s10 =	sld [smem:$0x3FAD]  }
0x39: {  	_ = 	snop;
	(pc) =	sbr.ind lr, $3  }
0x3a: {  	_ = 	snop  }
0x3b: {  	_ = 	snop  }
0x3c: {  	p2 =	seq.s32 s10, $0x1;
	s10 =	sld [smem:$0x3FAC]  }
0x3d: {  	_ =	shalt  }
0x3e: {  	_ =	shalt  }
0x3f: {  	_ =	shalt  }
0x40: {  	_ =	shalt  }
0x41: {  	_ =	shalt  }
0x42: {  	_ =	shalt  }
0x43: {  	_ =	shalt  }
0x44: {  	_ =	shalt  }
0x45: {  	_ =	shalt  }
0x46: {  	_ =	shalt  }
0x47: {  	_ =	shalt  }
0x48: {  	_ =	shalt  }
0x49: {  	_ =	shalt  }
0x4a: {  	_ =	shalt  }
0x4b: {  	_ =	shalt  }
0x4c: {  	_ =	shalt  }
0x4d: {  	_ =	shalt  }
0x4e: {  	_ =	shalt  }
0x4f: {  	_ =	shalt  }
0x50: {  	_ =	shalt  }
0x51: {  	_ =	shalt  }
0x52: {  	_ =	shalt  }
0x53: {  	_ =	shalt  }
0x54: {  	_ =	shalt  }
0x55: {  	_ =	shalt  }
0x56: {  	_ =	shalt  }
0x57: {  	_ =	shalt  }
0x58: {  	_ =	shalt  }
0x59: {  	_ =	shalt  }
0x5a: {  	_ =	shalt  }
0x5b: {  	_ =	shalt  }
0x5c: {  	_ =	shalt  }
0x5d: {  	_ =	shalt  }
0x5e: {  	_ =	shalt  }
0x5f: {  	_ =	shalt  }
0x60: {  	_ =	shalt  }
0x61: {  	_ =	shalt  }
0x62: {  	_ =	shalt  }
0x63: {  	_ =	shalt  }
0x64: {  	_ =	shalt  }
0x65: {  	_ =	shalt  }
0x66: {  	_ =	shalt  }
0x67: {  	_ =	shalt  }
0x68: {  	_ =	shalt  }
0x69: {  	_ =	shalt  }
0x6a: {  	_ =	shalt  }
0x6b: {  	_ =	shalt  }
0x6c: {  	_ =	shalt  }
0x6d: {  	_ =	shalt  }
0x6e: {  	_ =	shalt  }
0x6f: {  	_ =	shalt  }
0x70: {  	_ =	shalt  }
0x71: {  	_ =	shalt  }
0x72: {  	_ =	shalt  }
0x73: {  	_ =	shalt  }
0x74: {  	_ =	shalt  }
0x75: {  	_ =	shalt  }
0x76: {  	_ =	shalt  }
0x77: {  	_ =	shalt  }
0x78: {  	_ =	shalt  }
0x79: {  	_ =	shalt  }
0x7a: {  	_ =	shalt  }
0x7b: {  	_ =	shalt  }
0x7c: {  	_ =	shalt  }
0x7d: {  	_ =	shalt  }
0x7e: {  	_ =	shalt  }
0x7f: {  	_ =	shalt  }
0x80: {  	_ =	shalt  }
0x81: {  	_ =	shalt  }
0x82: {  	_ =	shalt  }
0x83: {  	_ =	shalt  }
0x84: {  	_ =	shalt  }
0x85: {  	_ =	shalt  }
0x86: {  	_ =	shalt  }
0x87: {  	_ =	shalt  }
.Lfunc_end0:
.L_simem_size_0:
called_computation_lowered:
.L_overlay_start_0:
0x88: {  	s2 =	sld [smem:$0x3FD9]  }
0x89: {  	s3 =	sld [smem:$0x3FFE];
	_ =	sdelay $0x1  }
0x8a: {  	s1 =	srdreg.scid  }
0x8b: {  	s0 =	sand.u32 $0x1, s1  }
0x8c: {  	s17 =	sshll.u32 s0, $0xA;
	s2 =	sadd.s32 s3, s2  }
0x8d: {  	s2 =	sadd.s32 s2, s17  }
0x8e: {  	[smem:$0x3FB8] =	sst s2  }
0x8f: {  	_ = 	snop  }
0x90: {  	s2 =	sld [smem:$0x3FD0];
	(tm) =	ssettm $0x1  }
0x91: {  	s18 =	sld [smem:$0x3FFB];
	_ =	sdelay $0x3  }
0x92: {  	_ =	strace s18  }
0x93: {  	s3 =	sld [smem:$0x3FFC];
	_ =	sdelay $0x3  }
0x94: {  	_ =	strace s3  }
0x95: {  	s3 =	sld [smem:$0x3FFD];
	_ =	sdelay $0x3  }
0x96: {  	_ =	strace s3  }
0x97: {  	_ =	strace $0x8FFFFFFF  }
0x98: {  	s19 =	sld [smem:$0x3FDB];
	_ =	sdelay $0x1  }
0x99: {  	s4 =	simm.s32 $_scs_section_size  }
0x9a: {  	s5 =	simm.s32 $_size__tile_overlayer_lowered;
	s6 =	simm.s32 $_tile_overlayer_lowered  }
0x9b: {  	s22 =	simm.s32 $0x1BFF;
	s21 =	sshll.u32 s6, $0x1;
	s3 =	sadd.s32 s4, s19  }
0x9c: {  	s7 =	simm.s32 $0x0;
	s20 =	sshll.u32 s5, $0x1;
	s5 =	sadd.s32 s21, s3  }
0x9d: {  	[timem:s7], [sflag:s22] =	dma.local [hbm:s5], s20  }
0x9e: {  	_ =	swait.ge [sflag:s22], s20  }
0x9f: {  	s4 =	ssub.s32 $0x0, s20;
	[sflag:s22] =	ssyncset.done $0x0  }
0xa0: {  	[sflag:s22] =	ssyncadd.s32 s4;
	_ =	sdelay $0x1  }
0xa1: {  	s23 =	simm.s32 $0x1B8B  }
0xa2: {  	_ =	swait.ge [sflag:s23], $0x1  }
0xa3: {  	[sflag:s23] =	ssyncset.done $0x0  }
0xa4: {  	s25 =	simm.s32 $0x1B8E;
	s24 =	sld [smem:$0x3FFE];
	[sflag:s23] =	ssyncadd.s32 $0xFFFFFFFF  }
0xa5: {  	s26 =	simm.s32 $execute0_lowered;
	[smem:$0x3FD2] =	sst s25  }
0xa6: {  	s5 =	sshll.u32 s26, $0x1;
	_ =	strace $0x80000046;
	[dreg:$0x1] =	wrdreg $0xFFFFFFFF  }
0xa7: {  	s28 =	simm.s32 $_size_execute0_lowered;
	s3 =	sadd.s32 s3, s5;
	[dreg:$0x0] =	wrdreg $0x0  }
0xa8: {  	s5 =	sshll.u32 s28, $0x1;
	[dreg:$0x2] =	wrdreg s3  }
0xa9: {  	[dreg:$0x3] =	wrdreg s5  }
0xaa: {  	[dreg:$0x4] =	wrdreg $0xC0  }
0xab: {  	_ =	task [dreg:s7], $0x5FFFF  }
0xac: {  	[dreg:$0x1] =	wrdreg $0xFFFFFFFF  }
0xad: {  	[dreg:$0x0] =	wrdreg $0x60  }
0xae: {  	[dreg:$0x2] =	wrdreg s2  }
0xaf: {  	[dreg:$0x3] =	wrdreg s24  }
0xb0: {  	[dreg:$0x4] =	wrdreg $0x150000  }
0xb1: {  	[dreg:$0x5] =	wrdreg $0x9  }
0xb2: {  	_ =	task.clear_ibuf [dreg:s7], $0x6FFFF;
	_ =	strace $0x90000046  }
0xb3: {  	s29 =	simm.s32 $0x9;
	_ =	strace $0x80000048  }
0xb4: {  	_ =	swait.ge [sflag:s29], $0x1  }
0xb5: {  	[sflag:s29] =	ssyncadd.s32 $0xFFFFFFFF  }
0xb6: {  	_ =	strace $0x90000048  }
0xb7: {  	_ =	sfence  }
0xb8: {  	s30 =	sld [smem:$0x0];
	_ =	sdelay $0x2  }
0xb9: {  	s31 =	sshll.u32 s1, $0xD;
	s1 =	sshrl.u32 s1, $0x2  }
0xba: {  	s3 =	sand.u32 $0x4000, s31;
	s1 =	sadd.s32 s1, s30  }
0xbb: {  	s0 =	sor.u32 s3, s0;
	s1 =	sshll.u32 s1, $0x11  }
0xbc: {  	s0 =	sor.u32 s1, s0  }
0xbd: {  	s0 =	sadd.s32 $0x8F2B, s0  }
0xbe: {  	[sflag:s0] =	ssyncadd.remote.s32 $0x1  }
0xbf: {  	_ =	sfence.sel $0xFFFF  }
0xc0: {  	[dreg:$0x0] =	wrdreg $0xFFFFFFFF;
	(pc) =	sbr.abs _section_cstart, $3  }
0xc1: {  	[dreg:$0x1] =	wrdreg $0xFFFFFFFF  }
0xc2: {  	_ =	task.clear_ibuf [dreg:s7], $0x2FFFF;
	_ =	strace $0x9FFFFFFF  }
0xc3: {  	(tm) =	ssettm $0x7FFFFFFF  }
tec
execute0_lowered:
.L_overlay_start_1:
0x0: {  	(tag) =	ssettag $0x1  }
0x1: {  	s0 =	srdreg.scid;
	s2 =	rddreg [dreg:$0x0]  }
0x2: {  	s6 =	stileid.u32;
	s4 =	rddreg [dreg:$0x1]  }
0x3: {  	s3 =	rddreg [dreg:$0x2];
	s7 =	simm.s32 $0x0;
	s10 =	simm.s32 $0x11  }
0x4: {  	s13 =	simm.s32 $0x80;
	s14 =	simm.s32 $0x5000;
	s15 =	simm.s32 $0x7000  }
0x5: {  	s17 =	simm.s32 $0x9000;
	s19 =	simm.s32 $0xB000;
	s29 =	simm.s32 $0x13000  }
0x6: {  	s30 =	simm.s32 $0x2;
	s16 =	simm.s32 $0x3;
	s20 =	simm.s32 $0xA  }
0x7: {  	s31 =	simm.s32 $0xB;
	s18 =	simm.s32 $0x5;
	s28 =	simm.s32 $0xC  }
0x8: {  	s12 =	simm.s32 $0xF;
	s9 =	simm.s32 $0x0;
	s5 =	smul.u32 $0x9E00, s6  }
0x9: {  	s0 =	sand.u32 $0x1, s0;
	s1 =	sshll.u32 s6, $0x1;
	s6 =	smul.u32 $0x13C0, s6  }
0xa: {  	[smem:$0x7FF] =	sst s7;
	s7 =	simm.s32 $0x8;
	s1 =	sor.u32 s0, s1  }
0xb: {  	s21 =	smul.u32 $0x13C00, s0;
	_ =	strace $0x80000047;
	s0 =	ssub.s32 $0x2, s0  }
0xc: {  	s1 =	smul.u32 $0x2800, s1;
	s8 =	sshrl.u32 s5, $0x3;
	s22 =	sshrl.u32 s0, $0x1  }
0xd: {  	s24 =	sadd.s32 s5, s3;
	s5 =	simm.s32 $0x7;
	s6 =	sadd.s32 s6, s21  }
0xe: {  	s8 =	sadd.s32 s8, s4;
	s0 =	ssub.s32 s0, s22;
	[dreg:$0x6] =	wrdreg s24  }
0xf: {  	s21 =	simm.s32 $0xD000;
	s24 =	simm.s32 $0x4;
	s22 =	simm.s32 $0x6  }
0x10: {  	s1 =	sshrl.u32 s1, $0x3;
	s25 =	sadd.s32 $0x18200, s8;
	s0 =	smax.u32 s0, $0x1  }
0x11: {  	s8 =	simm.s32 $0x10;
	s1 =	sadd.s32 s1, s4;
	[dreg:$0x7] =	wrdreg s25  }
.Ltmp0:
0x12: {  	[dreg:$0x9] =	wrdreg s0;
	s23 =	sadd.s32 $0x4200, s1;
	(pc) =	sbr.rel .LBB2_1-.Ltmp0, $4  }
0x13: {  	s4 =	sadd.s32 s6, s4;
	s1 =	sadd.s32 $0xE200, s1;
	[dreg:$0x4] =	wrdreg s23  }
0x14: {  	s25 =	simm.s32 $0x11000;
	s26 =	sadd.s32 $0x2BE00, s4;
	[dreg:$0x5] =	wrdreg s1  }
0x15: {  	s0 =	simm.s32 $0xD;
	s6 =	simm.s32 $0xE;
	[dreg:$0x8] =	wrdreg s26  }
0x16: {  	s23 =	simm.s32 $0xF000;
	s26 =	simm.s32 $0x1;
	s1 =	simm.s32 $0x9  }
.LBB2_4:
0x17: {  	_ =	swait.ge [sflag:s16], $0x2000  }
0x18: {  	[sflag:s16] =	ssyncset.done $0x0  }
0x19: {  	[sflag:s16] =	ssyncadd.s32 $0xFFFFE000  }
0x1a: {  	[spmem:s3] =	stream.indirect.scatter.add.f32 [tilespmem:s17], [sflag:$0xB], $0x40, s11, s13, $0xb8;
	[tilespmem:$0x1EE00] =	vst v63  }
0x1b: {  	_ =	swait.ge [sflag:s24], $0x2000  }
0x1c: {  	[sflag:s24] =	ssyncset.done $0x0  }
0x1d: {  	s4 =	sadd.s32 $0x2D80, s10;
	[sflag:s24] =	ssyncadd.s32 $0xFFFFE000  }
0x1e: {  	[spmem:s3] =	stream.indirect.scatter.add.f32 [tilespmem:s19], [sflag:$0xC], $0x40, s4, s13, $0xb8;
	[tilespmem:$0x1EE00] =	vst v63  }
0x1f: {  	_ =	swait.ge [sflag:s18], $0x2000  }
0x20: {  	[sflag:s18] =	ssyncset.done $0x0  }
0x21: {  	s11 =	sadd.s32 $0x2E00, s10;
	[sflag:s18] =	ssyncadd.s32 $0xFFFFE000  }
0x22: {  	[spmem:s3] =	stream.indirect.scatter.add.f32 [tilespmem:s21], [sflag:$0xD], $0x40, s11, s13, $0xb8;
	[tilespmem:$0x1EE00] =	vst v63  }
0x23: {  	_ =	swait.ge [sflag:s22], $0x2000  }
0x24: {  	[sflag:s22] =	ssyncset.done $0x0  }
0x25: {  	s9 =	sadd.s32 $0x2E80, s10;
	[sflag:s22] =	ssyncadd.s32 $0xFFFFE000  }
0x26: {  	[spmem:s3] =	stream.indirect.scatter.add.f32 [tilespmem:s23], [sflag:$0xE], $0x40, s9, s13, $0xb8;
	[tilespmem:$0x1EE00] =	vst v63  }
0x27: {  	_ =	swait.ge [sflag:s5], $0x2000  }
0x28: {  	[sflag:s5] =	ssyncset.done $0x0  }
0x29: {  	s11 =	sadd.s32 $0x2F00, s10;
	[sflag:s5] =	ssyncadd.s32 $0xFFFFE000  }
0x2a: {  	[spmem:s3] =	stream.indirect.scatter.add.f32 [tilespmem:s25], [sflag:$0xF], $0x40, s11, s13, $0xb8;
	[tilespmem:$0x1EE00] =	vst v63  }
0x2b: {  	_ =	swait.ge [sflag:s7], $0x2000  }
0x2c: {  	[sflag:s7] =	ssyncset.done $0x0  }
0x2d: {  	s9 =	sadd.s32 $0x2F80, s10;
	[sflag:s7] =	ssyncadd.s32 $0xFFFFE000  }
0x2e: {  	[spmem:s3] =	stream.indirect.scatter.add.f32 [tilespmem:s29], [sflag:$0x10], $0x40, s9, s13, $0xb8;
	[tilespmem:$0x1EE00] =	vst v63  }
0x2f: {  	_ =	swait.ge [sflag:s1], $0x2000  }
0x30: {  	[sflag:s1] =	ssyncset.done $0x0  }
0x31: {  	[sflag:s1] =	ssyncadd.s32 $0xFFFFE000  }
0x32: {  	_ =	swait.ge [sflag:s20], $0x2000  }
0x33: {  	[sflag:s20] =	ssyncset.done $0x0  }
0x34: {  	[sflag:s20] =	ssyncadd.s32 $0xFFFFE000  }
0x35: {  	_ =	swait.ge [sflag:s31], $0x2000  }
0x36: {  	[sflag:s31] =	ssyncset.done $0x0  }
0x37: {  	[sflag:s31] =	ssyncadd.s32 $0xFFFFE000  }
0x38: {  	_ =	swait.ge [sflag:s28], $0x2000  }
0x39: {  	[sflag:s28] =	ssyncset.done $0x0  }
0x3a: {  	[sflag:s28] =	ssyncadd.s32 $0xFFFFE000  }
0x3b: {  	_ =	swait.ge [sflag:s0], $0x2000  }
0x3c: {  	[sflag:s0] =	ssyncset.done $0x0  }
0x3d: {  	[sflag:s0] =	ssyncadd.s32 $0xFFFFE000  }
0x3e: {  	_ =	swait.ge [sflag:s6], $0x2000  }
0x3f: {  	[sflag:s6] =	ssyncset.done $0x0  }
0x40: {  	[sflag:s6] =	ssyncadd.s32 $0xFFFFE000  }
0x41: {  	_ =	swait.ge [sflag:s12], $0x2000  }
0x42: {  	[sflag:s12] =	ssyncset.done $0x0  }
0x43: {  	[sflag:s12] =	ssyncadd.s32 $0xFFFFE000  }
0x44: {  	_ =	swait.ge [sflag:s8], $0x2000  }
0x45: {  	[sflag:s8] =	ssyncset.done $0x0  }
0x46: {  	[sflag:s8] =	ssyncadd.s32 $0xFFFFE000  }
0x47: {  	[bflag:$0x0] =	sbarrier.arrive $0xFFFF  }
0x48: {  	s10 =	rddreg [dreg:$0x8]  }
0x49: {  	s9 =	rddreg [dreg:$0xb]  }
0x4a: {  	s11 =	rddreg [dreg:$0xc]  }
0x4b: {  	[hbm:s10], [sflag:s9] =	dma.local [spmem:s11], $0x13C0  }
0x4c: {  	s10 =	simm.s32 $0x11  }
0x4d: {  	_ =	swait.ge [sflag:s10], $0x13C0  }
0x4e: {  	s4 =	rddreg [dreg:$0xa]  }
0x4f: {  	s11 =	rddreg [dreg:$0x9];
	s9 =	sadd.s32 $0x1, s4  }
0x50: {  	p0 =	sne.s32 s9, s11  }
.Ltmp1:
0x51: {  	_ = 	snop;
	(pc) =	sbr.rel @!p0 .LBB2_5-.Ltmp1, $3  }
0x52: {  	_ =	sdelay $0x1  }
0x53: {  	[sflag:s10] =	ssyncset.done $0x0  }
0x54: {  	[sflag:s10] =	ssyncadd.s32 $0xFFFFEC40  }
.LBB2_1:
0x55: {  	[dreg:$0xa] =	wrdreg s9  }
0x56: {  	s4 =	simm.s32 $0x0;
	s11 =	rddreg [dreg:$0x4]  }
0x57: {  	[tilespmem:s4], [sflag:$0x11] =	stream.linear.gather [hbm4b:s11+s4], $0x2800, $0x38;
	[tilespmem:$0x1EE00] =	vst v63  }
0x58: {  	_ =	swait.ge [sflag:s10], $0x2800  }
0x59: {  	[sflag:s10] =	ssyncset.done $0x0  }
0x5a: {  	s11 =	simm.s32 $0x2800;
	s9 =	rddreg [dreg:$0x5];
	[sflag:s10] =	ssyncadd.s32 $0xFFFFD800  }
0x5b: {  	[tilespmem:s11], [sflag:$0x11] =	stream.linear.gather [hbm4b:s9+s4], $0x2800, $0x38;
	[tilespmem:$0x1EE00] =	vst v63  }
0x5c: {  	_ =	swait.ge [sflag:s10], $0x2800  }
0x5d: {  	[sflag:s10] =	ssyncset.done $0x0  }
0x5e: {  	[sflag:s10] =	ssyncadd.s32 $0xFFFFD800  }
0x5f: {  	[tilespmem:s14], [sflag:$0x1] =	stream.indirect.gather [hbm4b:s2+s13], $0x40, s4, s13, $0xb8;
	[tilespmem:$0x1EE00] =	vst v63  }
0x60: {  	_ = 	snop  }
0x61: {  	[tilespmem:s15], [sflag:$0x2] =	stream.indirect.gather [hbm4b:s2+s13], $0x40, s13, s13, $0xb8;
	[tilespmem:$0x1EE00] =	vst v63  }
0x62: {  	s14 =	simm.s32 $0x100  }
0x63: {  	[tilespmem:s17], [sflag:$0x3] =	stream.indirect.gather [hbm4b:s2+s13], $0x40, s14, s13, $0xb8;
	[tilespmem:$0x1EE00] =	vst v63  }
0x64: {  	s9 =	simm.s32 $0x180  }
0x65: {  	[tilespmem:s19], [sflag:$0x4] =	stream.indirect.gather [hbm4b:s2+s13], $0x40, s9, s13, $0xb8;
	[tilespmem:$0x1EE00] =	vst v63  }
0x66: {  	s14 =	simm.s32 $0x200  }
0x67: {  	[tilespmem:s21], [sflag:$0x5] =	stream.indirect.gather [hbm4b:s2+s13], $0x40, s14, s13, $0xb8;
	[tilespmem:$0x1EE00] =	vst v63  }
0x68: {  	s9 =	simm.s32 $0x280  }
0x69: {  	[tilespmem:s23], [sflag:$0x6] =	stream.indirect.gather [hbm4b:s2+s13], $0x40, s9, s13, $0xb8;
	[tilespmem:$0x1EE00] =	vst v63  }
0x6a: {  	s14 =	simm.s32 $0x300;
	s9 =	stileid.u32  }
0x6b: {  	[tilespmem:s25], [sflag:$0x7] =	stream.indirect.gather [hbm4b:s2+s13], $0x40, s14, s13, $0xb8;
	[tilespmem:$0x1EE00] =	vst v63  }
0x6c: {  	s4 =	sshll.u32 s9, $0x6;
	s14 =	rddreg [dreg:$0x6]  }
0x6d: {  	s9 =	sor.u32 $0x1C11, s4;
	s4 =	rddreg [dreg:$0x7]  }
0x6e: {  	s14 =	sshrl.u32 s14, $0x3;
	[dreg:$0xb] =	wrdreg s9  }
0x6f: {  	[dreg:$0xc] =	wrdreg s14  }
0x70: {  	[spmem:s14], [sflag:s9] =	dma.local [hbm:s4], $0x13C0  }
0x71: {  	_ =	swait.ge [sflag:s10], $0x13C0  }
0x72: {  	[sflag:s10] =	ssyncset.done $0x0  }
0x73: {  	[sflag:s10] =	ssyncadd.s32 $0xFFFFEC40  }
0x74: {  	[bflag:$0x0] =	sbarrier.arrive $0xFFFF  }
0x75: {  	_ =	swait.ge [sflag:s26], $0x2000  }
0x76: {  	[sflag:s26] =	ssyncset.done $0x0  }
0x77: {  	s14 =	simm.s32 $0x5000;
	[sflag:s26] =	ssyncadd.s32 $0xFFFFE000  }
0x78: {  	[spmem:s3] =	stream.indirect.scatter.add.f32 [tilespmem:s14], [sflag:$0x9], $0x40, s11, s13, $0xb8;
	[tilespmem:$0x1EE00] =	vst v63  }
0x79: {  	s9 =	simm.s32 $0x380  }
0x7a: {  	[tilespmem:s29], [sflag:$0x8] =	stream.indirect.gather [hbm4b:s2+s13], $0x40, s9, s13, $0xb8;
	[tilespmem:$0x1EE00] =	vst v63  }
0x7b: {  	_ =	swait.ge [sflag:s30], $0x2000  }
0x7c: {  	[sflag:s30] =	ssyncset.done $0x0  }
0x7d: {  	s10 =	simm.s32 $0x2880;
	[sflag:s30] =	ssyncadd.s32 $0xFFFFE000  }
0x7e: {  	[spmem:s3] =	stream.indirect.scatter.add.f32 [tilespmem:s15], [sflag:$0xA], $0x40, s10, s13, $0xb8;
	[tilespmem:$0x1EE00] =	vst v63  }
0x7f: {  	_ =	swait.ge [sflag:s1], $0x2000  }
0x80: {  	[sflag:s1] =	ssyncset.done $0x0  }
0x81: {  	s11 =	simm.s32 $0x400;
	[sflag:s1] =	ssyncadd.s32 $0xFFFFE000  }
0x82: {  	[tilespmem:s14], [sflag:$0x1] =	stream.indirect.gather [hbm4b:s2+s13], $0x40, s11, s13, $0xb8;
	[tilespmem:$0x1EE00] =	vst v63  }
0x83: {  	_ =	swait.ge [sflag:s16], $0x2000  }
0x84: {  	[sflag:s16] =	ssyncset.done $0x0  }
0x85: {  	s9 =	simm.s32 $0x2900;
	[sflag:s16] =	ssyncadd.s32 $0xFFFFE000  }
0x86: {  	[spmem:s3] =	stream.indirect.scatter.add.f32 [tilespmem:s17], [sflag:$0xB], $0x40, s9, s13, $0xb8;
	[tilespmem:$0x1EE00] =	vst v63  }
0x87: {  	_ =	swait.ge [sflag:s20], $0x2000  }
0x88: {  	[sflag:s20] =	ssyncset.done $0x0  }
0x89: {  	s10 =	simm.s32 $0x480;
	[sflag:s20] =	ssyncadd.s32 $0xFFFFE000  }
0x8a: {  	[tilespmem:s15], [sflag:$0x2] =	stream.indirect.gather [hbm4b:s2+s13], $0x40, s10, s13, $0xb8;
	[tilespmem:$0x1EE00] =	vst v63  }
0x8b: {  	_ =	swait.ge [sflag:s24], $0x2000  }
0x8c: {  	[sflag:s24] =	ssyncset.done $0x0  }
0x8d: {  	s11 =	simm.s32 $0x2980;
	[sflag:s24] =	ssyncadd.s32 $0xFFFFE000  }
0x8e: {  	[spmem:s3] =	stream.indirect.scatter.add.f32 [tilespmem:s19], [sflag:$0xC], $0x40, s11, s13, $0xb8;
	[tilespmem:$0x1EE00] =	vst v63  }
0x8f: {  	_ =	swait.ge [sflag:s31], $0x2000  }
0x90: {  	[sflag:s31] =	ssyncset.done $0x0  }
0x91: {  	s9 =	simm.s32 $0x500;
	[sflag:s31] =	ssyncadd.s32 $0xFFFFE000  }
0x92: {  	[tilespmem:s17], [sflag:$0x3] =	stream.indirect.gather [hbm4b:s2+s13], $0x40, s9, s13, $0xb8;
	[tilespmem:$0x1EE00] =	vst v63  }
0x93: {  	_ =	swait.ge [sflag:s18], $0x2000  }
0x94: {  	[sflag:s18] =	ssyncset.done $0x0  }
0x95: {  	s10 =	simm.s32 $0x2A00;
	[sflag:s18] =	ssyncadd.s32 $0xFFFFE000  }
0x96: {  	[spmem:s3] =	stream.indirect.scatter.add.f32 [tilespmem:s21], [sflag:$0xD], $0x40, s10, s13, $0xb8;
	[tilespmem:$0x1EE00] =	vst v63  }
0x97: {  	_ =	swait.ge [sflag:s28], $0x2000  }
0x98: {  	[sflag:s28] =	ssyncset.done $0x0  }
0x99: {  	s11 =	simm.s32 $0x580;
	[sflag:s28] =	ssyncadd.s32 $0xFFFFE000  }
0x9a: {  	[tilespmem:s19], [sflag:$0x4] =	stream.indirect.gather [hbm4b:s2+s13], $0x40, s11, s13, $0xb8;
	[tilespmem:$0x1EE00] =	vst v63  }
0x9b: {  	_ =	swait.ge [sflag:s22], $0x2000  }
0x9c: {  	[sflag:s22] =	ssyncset.done $0x0  }
0x9d: {  	s9 =	simm.s32 $0x2A80;
	[sflag:s22] =	ssyncadd.s32 $0xFFFFE000  }
0x9e: {  	[spmem:s3] =	stream.indirect.scatter.add.f32 [tilespmem:s23], [sflag:$0xE], $0x40, s9, s13, $0xb8;
	[tilespmem:$0x1EE00] =	vst v63  }
0x9f: {  	_ =	swait.ge [sflag:s0], $0x2000  }
0xa0: {  	[sflag:s0] =	ssyncset.done $0x0  }
0xa1: {  	s10 =	simm.s32 $0x600;
	[sflag:s0] =	ssyncadd.s32 $0xFFFFE000  }
0xa2: {  	[tilespmem:s21], [sflag:$0x5] =	stream.indirect.gather [hbm4b:s2+s13], $0x40, s10, s13, $0xb8;
	[tilespmem:$0x1EE00] =	vst v63  }
0xa3: {  	_ =	swait.ge [sflag:s5], $0x2000  }
0xa4: {  	[sflag:s5] =	ssyncset.done $0x0  }
0xa5: {  	s11 =	simm.s32 $0x2B00;
	[sflag:s5] =	ssyncadd.s32 $0xFFFFE000  }
0xa6: {  	[spmem:s3] =	stream.indirect.scatter.add.f32 [tilespmem:s25], [sflag:$0xF], $0x40, s11, s13, $0xb8;
	[tilespmem:$0x1EE00] =	vst v63  }
0xa7: {  	_ =	swait.ge [sflag:s6], $0x2000  }
0xa8: {  	[sflag:s6] =	ssyncset.done $0x0  }
0xa9: {  	s9 =	simm.s32 $0x680;
	[sflag:s6] =	ssyncadd.s32 $0xFFFFE000  }
0xaa: {  	[tilespmem:s23], [sflag:$0x6] =	stream.indirect.gather [hbm4b:s2+s13], $0x40, s9, s13, $0xb8;
	[tilespmem:$0x1EE00] =	vst v63  }
0xab: {  	_ =	swait.ge [sflag:s7], $0x2000  }
0xac: {  	[sflag:s7] =	ssyncset.done $0x0  }
0xad: {  	s10 =	simm.s32 $0x2B80;
	[sflag:s7] =	ssyncadd.s32 $0xFFFFE000  }
0xae: {  	[spmem:s3] =	stream.indirect.scatter.add.f32 [tilespmem:s29], [sflag:$0x10], $0x40, s10, s13, $0xb8;
	[tilespmem:$0x1EE00] =	vst v63  }
0xaf: {  	_ =	swait.ge [sflag:s12], $0x2000  }
0xb0: {  	[sflag:s12] =	ssyncset.done $0x0  }
0xb1: {  	s4 =	simm.s32 $0x0;
	s11 =	simm.s32 $0x700;
	[sflag:s12] =	ssyncadd.s32 $0xFFFFE000  }
0xb2: {  	[tilespmem:s25], [sflag:$0x7] =	stream.indirect.gather [hbm4b:s2+s13], $0x40, s11, s13, $0xb8;
	[tilespmem:$0x1EE00] =	vst v63  }
.LBB2_2:
0xb3: {  	_ =	swait.ge [sflag:s26], $0x2000  }
0xb4: {  	s10 =	sshra.s32 s4, $0x2;
	[sflag:s26] =	ssyncset.done $0x0  }
0xb5: {  	s11 =	sadd.s32 $0x2C00, s10;
	[sflag:s26] =	ssyncadd.s32 $0xFFFFE000  }
0xb6: {  	[spmem:s3] =	stream.indirect.scatter.add.f32 [tilespmem:s14], [sflag:$0x9], $0x40, s11, s13, $0xb8;
	[tilespmem:$0x1EE00] =	vst v63  }
0xb7: {  	_ =	swait.ge [sflag:s8], $0x2000  }
0xb8: {  	[sflag:s8] =	ssyncset.done $0x0  }
0xb9: {  	p0 =	seq.s32 s4, $0x8000;
	s9 =	sadd.s32 $0x780, s10;
	[sflag:s8] =	ssyncadd.s32 $0xFFFFE000  }
0xba: {  	[tilespmem:s29], [sflag:$0x8] =	stream.indirect.gather [hbm4b:s2+s13], $0x40, s9, s13, $0xb8;
	[tilespmem:$0x1EE00] =	vst v63  }
.Ltmp2:
0xbb: {  	_ = 	snop;
	(pc) =	sbr.rel @p0 .LBB2_4-.Ltmp2, $4  }
0xbc: {  	_ =	swait.ge [sflag:s30], $0x2000  }
0xbd: {  	[sflag:s30] =	ssyncset.done $0x0  }
0xbe: {  	s11 =	sadd.s32 $0x2D00, s10;
	s9 =	sadd.s32 $0x2C80, s10;
	[sflag:s30] =	ssyncadd.s32 $0xFFFFE000  }
0xbf: {  	[spmem:s3] =	stream.indirect.scatter.add.f32 [tilespmem:s15], [sflag:$0xA], $0x40, s9, s13, $0xb8;
	[tilespmem:$0x1EE00] =	vst v63  }
0xc0: {  	_ =	swait.ge [sflag:s1], $0x2000  }
0xc1: {  	[sflag:s1] =	ssyncset.done $0x0  }
0xc2: {  	s9 =	sadd.s32 $0x800, s10;
	[sflag:s1] =	ssyncadd.s32 $0xFFFFE000  }
0xc3: {  	[tilespmem:s14], [sflag:$0x1] =	stream.indirect.gather [hbm4b:s2+s13], $0x40, s9, s13, $0xb8;
	[tilespmem:$0x1EE00] =	vst v63  }
0xc4: {  	_ =	swait.ge [sflag:s16], $0x2000  }
0xc5: {  	[sflag:s16] =	ssyncset.done $0x0  }
0xc6: {  	[sflag:s16] =	ssyncadd.s32 $0xFFFFE000  }
0xc7: {  	[spmem:s3] =	stream.indirect.scatter.add.f32 [tilespmem:s17], [sflag:$0xB], $0x40, s11, s13, $0xb8;
	[tilespmem:$0x1EE00] =	vst v63  }
0xc8: {  	_ =	swait.ge [sflag:s20], $0x2000  }
0xc9: {  	[sflag:s20] =	ssyncset.done $0x0  }
0xca: {  	s11 =	sadd.s32 $0x880, s10;
	[sflag:s20] =	ssyncadd.s32 $0xFFFFE000  }
0xcb: {  	[tilespmem:s15], [sflag:$0x2] =	stream.indirect.gather [hbm4b:s2+s13], $0x40, s11, s13, $0xb8;
	[tilespmem:$0x1EE00] =	vst v63  }
0xcc: {  	_ =	swait.ge [sflag:s24], $0x2000  }
0xcd: {  	[sflag:s24] =	ssyncset.done $0x0  }
0xce: {  	s11 =	sadd.s32 $0x2D80, s10;
	[sflag:s24] =	ssyncadd.s32 $0xFFFFE000  }
0xcf: {  	[spmem:s3] =	stream.indirect.scatter.add.f32 [tilespmem:s19], [sflag:$0xC], $0x40, s11, s13, $0xb8;
	[tilespmem:$0x1EE00] =	vst v63  }
0xd0: {  	_ =	swait.ge [sflag:s31], $0x2000  }
0xd1: {  	[sflag:s31] =	ssyncset.done $0x0  }
0xd2: {  	s11 =	sadd.s32 $0x900, s10;
	[sflag:s31] =	ssyncadd.s32 $0xFFFFE000  }
0xd3: {  	[tilespmem:s17], [sflag:$0x3] =	stream.indirect.gather [hbm4b:s2+s13], $0x40, s11, s13, $0xb8;
	[tilespmem:$0x1EE00] =	vst v63  }
0xd4: {  	_ =	swait.ge [sflag:s18], $0x2000  }
0xd5: {  	[sflag:s18] =	ssyncset.done $0x0  }
0xd6: {  	s11 =	sadd.s32 $0x2E00, s10;
	[sflag:s18] =	ssyncadd.s32 $0xFFFFE000  }
0xd7: {  	[spmem:s3] =	stream.indirect.scatter.add.f32 [tilespmem:s21], [sflag:$0xD], $0x40, s11, s13, $0xb8;
	[tilespmem:$0x1EE00] =	vst v63  }
0xd8: {  	_ =	swait.ge [sflag:s28], $0x2000  }
0xd9: {  	[sflag:s28] =	ssyncset.done $0x0  }
0xda: {  	s11 =	sadd.s32 $0x980, s10;
	[sflag:s28] =	ssyncadd.s32 $0xFFFFE000  }
0xdb: {  	[tilespmem:s19], [sflag:$0x4] =	stream.indirect.gather [hbm4b:s2+s13], $0x40, s11, s13, $0xb8;
	[tilespmem:$0x1EE00] =	vst v63  }
0xdc: {  	_ =	swait.ge [sflag:s22], $0x2000  }
0xdd: {  	[sflag:s22] =	ssyncset.done $0x0  }
0xde: {  	s11 =	sadd.s32 $0x2E80, s10;
	[sflag:s22] =	ssyncadd.s32 $0xFFFFE000  }
0xdf: {  	[spmem:s3] =	stream.indirect.scatter.add.f32 [tilespmem:s23], [sflag:$0xE], $0x40, s11, s13, $0xb8;
	[tilespmem:$0x1EE00] =	vst v63  }
0xe0: {  	_ =	swait.ge [sflag:s0], $0x2000  }
0xe1: {  	[sflag:s0] =	ssyncset.done $0x0  }
0xe2: {  	s11 =	sadd.s32 $0xA00, s10;
	[sflag:s0] =	ssyncadd.s32 $0xFFFFE000  }
0xe3: {  	[tilespmem:s21], [sflag:$0x5] =	stream.indirect.gather [hbm4b:s2+s13], $0x40, s11, s13, $0xb8;
	[tilespmem:$0x1EE00] =	vst v63  }
0xe4: {  	_ =	swait.ge [sflag:s5], $0x2000  }
0xe5: {  	[sflag:s5] =	ssyncset.done $0x0  }
0xe6: {  	s11 =	sadd.s32 $0x2F00, s10;
	[sflag:s5] =	ssyncadd.s32 $0xFFFFE000  }
0xe7: {  	[spmem:s3] =	stream.indirect.scatter.add.f32 [tilespmem:s25], [sflag:$0xF], $0x40, s11, s13, $0xb8;
	[tilespmem:$0x1EE00] =	vst v63  }
0xe8: {  	_ =	swait.ge [sflag:s6], $0x2000  }
0xe9: {  	[sflag:s6] =	ssyncset.done $0x0  }
0xea: {  	s11 =	sadd.s32 $0xA80, s10;
	[sflag:s6] =	ssyncadd.s32 $0xFFFFE000  }
0xeb: {  	[tilespmem:s23], [sflag:$0x6] =	stream.indirect.gather [hbm4b:s2+s13], $0x40, s11, s13, $0xb8;
	[tilespmem:$0x1EE00] =	vst v63  }
0xec: {  	_ =	swait.ge [sflag:s7], $0x2000  }
0xed: {  	[sflag:s7] =	ssyncset.done $0x0  }
0xee: {  	s11 =	sadd.s32 $0x2F80, s10;
	[sflag:s7] =	ssyncadd.s32 $0xFFFFE000  }
0xef: {  	[spmem:s3] =	stream.indirect.scatter.add.f32 [tilespmem:s29], [sflag:$0x10], $0x40, s11, s13, $0xb8;
	[tilespmem:$0x1EE00] =	vst v63  }
.Ltmp3:
0xf0: {  	_ = 	snop;
	(pc) =	sbr.rel .LBB2_2-.Ltmp3, $4  }
0xf1: {  	_ =	swait.ge [sflag:s12], $0x2000  }
0xf2: {  	[sflag:s12] =	ssyncset.done $0x0  }
0xf3: {  	s4 =	sadd.s32 $0x1000, s4;
	s11 =	sadd.s32 $0xB00, s10;
	[sflag:s12] =	ssyncadd.s32 $0xFFFFE000  }
0xf4: {  	[tilespmem:s25], [sflag:$0x7] =	stream.indirect.gather [hbm4b:s2+s13], $0x40, s11, s13, $0xb8;
	[tilespmem:$0x1EE00] =	vst v63  }
.LBB2_5:
0xf5: {  	_ =	sfence.sel $0x180000  }
0xf6: {  	[bflag:$0x0] =	sbarrier.arrive $0xFFFF  }
0xf7: {  	_ =	strace $0x90000047  }
0xf8: {  	s0 =	stileid.u32;
	[bflag:$0x2] =	sbarrier.arrive $0xFFFF  }
0xf9: {  	p0 =	sne.s32 s0, $0x0;
	s0 =	rddreg [dreg:$0x3]  }
0xfa: {  	s0 =	sadd.s32 @!p0 $0x100000, s0  }
0xfb: {  	[sflag:s0] =	ssyncadd.tile.s32 @!p0 $0x1;
	_ =	shalt  }
.Lfunc_end2:
_tile_overlayer_lowered:
.L_overlay_start_2:
0xfc: {  	(tag) =	ssettag $0x2  }
0xfd: {  	s0 =	rddreg [dreg:$0x0];
	s2 =	stileid.u32  }
0xfe: {  	s1 =	rddreg [dreg:$0x1];
	p0 =	sne.s32 s2, $0x0  }
0xff: {  	s3 =	rddreg [dreg:$0x2];
	[bflag:$0x3] =	sbarrier.arrive $0xFFFF;
	s2 =	simm.s32 @!p0 $0x1C11  }
0x100: {  	[timem:s3], [sflag:s2] =	dma.local @!p0 [hbm:s0], s1  }
0x101: {  	s0 =	simm.s32 @!p0 $0x11  }
0x102: {  	_ =	swait.ge @!p0 [sflag:s0], s1  }
0x103: {  	s1 =	ssub.s32 @!p0 $0x0, s1;
	[sflag:s0] =	ssyncset.done @!p0 $0x0  }
0x104: {  	[sflag:s0] =	ssyncadd.s32 @!p0 s1  }
0x105: {  	[bflag:$0x3] =	sbarrier.arrive $0xFFFF  }
0x106: {  	_ =	shalt  }

</sc_bundles>
